<compile_context>
chip_gen: v7x
topology: tpu7x:2x2x1
jax: 0.10.2.dev20260603
libtpu: 0.0.44.dev20260713+nightly
codegen_flags: <defaults>
</compile_context>

<pallas_src>
import functools

import jax
import jax.numpy as jnp
from jax import lax
from jax.experimental import pallas as pl
from jax.experimental.pallas import tpu as pltpu
from jax.experimental.pallas import tpu_sc as plsc

_ROUTER_DIM = 80
_GATE_DIM = 16
_QUERY_DIM = _ROUTER_DIM + _GATE_DIM
_TOP_K = 4
_N_EXPERTS = 48
_TB = 4096

_DN = (((0,), (1,)), ((), ()))

_NC, _NS, _L = 2, 16, 16
_NW = _NC * _NS


def _logits_body(q_ref, wr_ref, wg_ref, b_ref, r_ref, gb_ref):
    q = q_ref[...]
    router = lax.dot_general(wr_ref[...], q[:, :_ROUTER_DIM], _DN,
                             preferred_element_type=jnp.float32)
    r_ref[...] = router + b_ref[:, 0:1]
    gb = lax.dot_general(wg_ref[...], q[:, _ROUTER_DIM:], _DN,
                         preferred_element_type=jnp.float32)
    gb_ref[...] = gb + b_ref[:, 1:2]


def _tc_logits(query, wr, wg, biases):
    n_tokens = query.shape[0]
    grid = (n_tokens // _TB,)
    out_shapes = (
        jax.ShapeDtypeStruct((_N_EXPERTS, n_tokens), jnp.float32),
        jax.ShapeDtypeStruct((_N_EXPERTS, n_tokens), jnp.float32),
    )
    return pl.pallas_call(
        _logits_body,
        grid=grid,
        in_specs=[
            pl.BlockSpec((_TB, _QUERY_DIM), lambda i: (i, 0)),
            pl.BlockSpec((_ROUTER_DIM, _N_EXPERTS), lambda i: (0, 0)),
            pl.BlockSpec((_GATE_DIM, _N_EXPERTS), lambda i: (0, 0)),
            pl.BlockSpec((_N_EXPERTS, 2), lambda i: (0, 0)),
        ],
        out_specs=(
            pl.BlockSpec((_N_EXPERTS, _TB), lambda i: (0, i)),
            pl.BlockSpec((_N_EXPERTS, _TB), lambda i: (0, i)),
        ),
        out_shape=out_shapes,
    )(query, wr, wg, biases)


def _make_sc_topk(n_tokens):
    tpw = n_tokens // _NW
    mesh = plsc.VectorSubcoreMesh(core_axis_name="c", subcore_axis_name="s")

    @functools.partial(
        pl.kernel,
        mesh=mesh,
        compiler_params=pltpu.CompilerParams(needs_layout_passes=False),
        out_type=(
            jax.ShapeDtypeStruct((_TOP_K, n_tokens), jnp.float32),
            jax.ShapeDtypeStruct((_TOP_K, n_tokens), jnp.float32),
            jax.ShapeDtypeStruct((_TOP_K, n_tokens), jnp.int32),
        ),
        scratch_types=[
            pltpu.VMEM((_N_EXPERTS, tpw), jnp.float32),
            pltpu.VMEM((_N_EXPERTS * tpw,), jnp.float32),
            pltpu.VMEM((_TOP_K, tpw), jnp.float32),
            pltpu.VMEM((_TOP_K, tpw), jnp.float32),
            pltpu.VMEM((_TOP_K, tpw), jnp.int32),
            pltpu.SemaphoreType.DMA,
        ],
    )
    def sc_topk(r_hbm, gb_hbm, rs_hbm, gs_hbm, idx_hbm,
                r_v, gb_v, rs_v, gs_v, idx_v, sem):
        wid = lax.axis_index("s") * _NC + lax.axis_index("c")
        base = wid * tpw
        copies = [
            pltpu.async_copy(gb_hbm.at[e, pl.ds(base, tpw)],
                             gb_v.at[pl.ds(e * tpw, tpw)], sem)
            for e in range(_N_EXPERTS)
        ]
        pltpu.sync_copy(r_hbm.at[:, pl.ds(base, tpw)], r_v)
        for c in copies:
            c.wait()

        neg_inf = jnp.float32(-jnp.inf)
        iota = lax.iota(jnp.int32, _L)

        @plsc.parallel_loop(0, tpw // _L, step=1)
        def t_body(t):
            off = t * _L
            m1 = jnp.full((_L,), neg_inf, jnp.float32)
            m2, m3, m4 = m1, m1, m1
            i1 = jnp.zeros((_L,), jnp.int32)
            i2, i3, i4 = i1, i1, i1
            for e in range(_N_EXPERTS):
                v = r_v[e, pl.ds(off, _L)]
                ev = jnp.full((_L,), e, jnp.int32)
                c1 = v > m1
                c2 = v > m2
                c3 = v > m3
                c4 = v > m4
                m4 = jnp.where(c3, m3, jnp.where(c4, v, m4))
                i4 = jnp.where(c3, i3, jnp.where(c4, ev, i4))
                m3 = jnp.where(c2, m2, jnp.where(c3, v, m3))
                i3 = jnp.where(c2, i2, jnp.where(c3, ev, i3))
                m2 = jnp.where(c1, m1, jnp.where(c2, v, m2))
                i2 = jnp.where(c1, i1, jnp.where(c2, ev, i2))
                m1 = jnp.where(c1, v, m1)
                i1 = jnp.where(c1, ev, i1)
            tix = off + iota
            for k, (m, i) in enumerate(
                    ((m1, i1), (m2, i2), (m3, i3), (m4, i4))):
                g = plsc.load_gather(gb_v, [i * tpw + tix])
                rs_v[k, pl.ds(off, _L)] = 1.0 / (1.0 + jnp.exp(-m))
                gs_v[k, pl.ds(off, _L)] = 1.0 / (1.0 + jnp.exp(-(m + g)))
                idx_v[k, pl.ds(off, _L)] = i

        pltpu.sync_copy(rs_v, rs_hbm.at[:, pl.ds(base, tpw)])
        pltpu.sync_copy(gs_v, gs_hbm.at[:, pl.ds(base, tpw)])
        pltpu.sync_copy(idx_v, idx_hbm.at[:, pl.ds(base, tpw)])

    return sc_topk


@jax.jit
def kernel(query, key_pool):
    kp = key_pool[0]
    wr = kp[:_ROUTER_DIM, :]
    wg = kp[_ROUTER_DIM:_QUERY_DIM, :]
    biases = jnp.stack([kp[-4, :], kp[-3, :]], axis=1)
    n_tokens = query.shape[0]
    router, gb = _tc_logits(query, wr, wg, biases)
    rs, gs, idx = _make_sc_topk(n_tokens)(router, gb)
    return rs.T, gs.T, idx.T

# --- scband reference (transcript-rebuilt; emitter-appended) ---
"""Pipeline reference for scband-layer-63556926046533 (READ-ONLY COPY).

The authoritative reference and input builder live on the scoring server;
editing this copy changes nothing except your own understanding.
"""

import jax, jax.numpy as jnp
import numpy as np

# Config defaults (ffn routing path):
MOE_LAYER_ID = 0
ROUTER_DIM = 80      # ffn_router_dim
GATE_DIM = 16        # gate_dim
QUERY_DIM = ROUTER_DIM + GATE_DIM  # 96
TOP_K = 4            # ffn_top_k_num
N_TOKENS = 8192      # seq_len = 8*1024, batch 1
N_EXPERTS = 48       # ffn_expert_num = 8 layers * (1536/256)
N_MOE_LAYERS = 8
KEY_POOL_ROWS = QUERY_DIM + 4  # extra rows: -4 router_bias, -3 gate_inner_bias, -2/-1 reserved (gate_gain/outer bias)


def setup_inputs(seed: int = 0) -> dict:
    key = jax.random.key(seed)
    k1, k2 = jax.random.split(key)
    query = jax.random.normal(k1, (N_TOKENS, QUERY_DIM), dtype=jnp.float32)
    key_pool = jax.random.normal(k2, (N_MOE_LAYERS, KEY_POOL_ROWS, N_EXPERTS), dtype=jnp.float32) * 0.02
    return {"query": query, "key_pool": key_pool}


def reference(query, key_pool):
    # Router.forward(query, key_pool, type='ffn') — faithful translation
    kp = key_pool[MOE_LAYER_ID]  # [KEY_POOL_ROWS, N_EXPERTS]
    # router logits over expert pool
    router = jnp.matmul(query[:, :ROUTER_DIM], kp[:ROUTER_DIM, :])  # [T, E]
    # router_bias (config.router_bias=True)
    router = router + kp[-4, :][None, :]
    # top-k (ffn_top_k_num=4); torch uses sorted=False, order irrelevant downstream
    router_score, router_index = jax.lax.top_k(router, TOP_K)  # [T, K]
    gate_score = router_score
    router_score = jax.nn.sigmoid(router_score)
    # gate (config.gate_dim != 0)
    gate = jnp.matmul(query[:, ROUTER_DIM:], kp[ROUTER_DIM:QUERY_DIM, :])  # [T, E]
    grid = jnp.arange(router_index.shape[0])[:, None]  # top_k != 1 -> unsqueeze
    gate_score = gate_score + gate[grid, router_index]  # gather selected experts
    # gate_inner_bias (config.gate_inner_bias=True)
    gate_score = gate_score + kp[-3, :][router_index]
    gate_score = jax.nn.sigmoid(gate_score)
    return router_score, gate_score, router_index

if __name__ == "__main__":
    import jax
    _d = setup_inputs()
    print(jax.jit(kernel)(*tuple(_d.values())))

</pallas_src>

<mosaic_0001>
#map = affine_map<(d0, d1) -> (0, 0)>
module attributes {stable_mosaic.version = 14 : i64} {
  func.func @sc_topk(%arg0: i32, %arg1: i32, %arg2: memref<48x8192xf32, #tpu.memory_space<hbm>>, %arg3: memref<48x8192xf32, #tpu.memory_space<hbm>>, %arg4: memref<4x8192xf32, #tpu.memory_space<hbm>>, %arg5: memref<4x8192xf32, #tpu.memory_space<hbm>>, %arg6: memref<4x8192xi32, #tpu.memory_space<hbm>>, %arg7: memref<48x256xf32, #tpu.memory_space<vmem>>, %arg8: memref<12288xf32, #tpu.memory_space<vmem>>, %arg9: memref<4x256xf32, #tpu.memory_space<vmem>>, %arg10: memref<4x256xf32, #tpu.memory_space<vmem>>, %arg11: memref<4x256xi32, #tpu.memory_space<vmem>>, %arg12: memref<!tpu.dma_semaphore, #tpu.memory_space<semaphore_mem>>) attributes {dimension_semantics = [#tpu.dimension_semantics<core_parallel>, #tpu.dimension_semantics<subcore_parallel>], iteration_bounds = array<i64: 2, 16>, scalar_prefetch = 0 : i64, scratch_operands = 6 : i64, tpu.core_type = #tpu.core_type<sc_vector_subcore>, window_params = [{transform_indices = #map}, {transform_indices = #map}, {transform_indices = #map}, {transform_indices = #map}, {transform_indices = #map}]} {
    %mul3A = arith.constant 2 : i32
    %mul3A_0 = arith.muli %arg1, %mul3A : i32
    %add3A = arith.addi %mul3A_0, %arg0 : i32
    %mul3A_1 = arith.constant 256 : i32
    %mul3A_2 = arith.muli %add3A, %mul3A_1 : i32
    %dma_start3A = arith.constant 0 : i32
    %dma_start3A_3 = arith.constant 0 : i32
    %dma_start3A_4 = tpu.memref_slice %arg8[%dma_start3A_3] : memref<12288xf32, #tpu.memory_space<vmem>> -> memref<256xf32, #tpu.memory_space<vmem>>
    %dma_start3A_5 = tpu.memref_slice %arg3[%dma_start3A, %mul3A_2] : memref<48x8192xf32, #tpu.memory_space<hbm>> -> memref<1x256xf32, #tpu.memory_space<hbm>>
    %dma_start3A_6 = tpu.memref_squeeze %dma_start3A_5 : memref<1x256xf32, #tpu.memory_space<hbm>> -> memref<256xf32, #tpu.memory_space<hbm>>
    %dma_start3A_7 = arith.constant 0 : i32
    %dma_start3A_8 = tpu.memref_slice %arg8[%dma_start3A_7] : memref<12288xf32, #tpu.memory_space<vmem>> -> memref<256xf32, #tpu.memory_space<vmem>>
    %dma_start3A_9 = tpu.memref_slice %arg3[%dma_start3A, %mul3A_2] : memref<48x8192xf32, #tpu.memory_space<hbm>> -> memref<1x256xf32, #tpu.memory_space<hbm>>
    %dma_start3A_10 = tpu.memref_squeeze %dma_start3A_9 : memref<1x256xf32, #tpu.memory_space<hbm>> -> memref<256xf32, #tpu.memory_space<hbm>>
    tpu.enqueue_dma source(%dma_start3A_10 : memref<256xf32, #tpu.memory_space<hbm>>) target(%dma_start3A_8 : memref<256xf32, #tpu.memory_space<vmem>>) target_semaphore(%arg12 : memref<!tpu.dma_semaphore, #tpu.memory_space<semaphore_mem>>)
    %dma_start3A_11 = arith.constant 1 : i32
    %dma_start3A_12 = arith.constant 256 : i32
    %dma_start3A_13 = tpu.memref_slice %arg8[%dma_start3A_12] : memref<12288xf32, #tpu.memory_space<vmem>> -> memref<256xf32, #tpu.memory_space<vmem>>
    %dma_start3A_14 = tpu.memref_slice %arg3[%dma_start3A_11, %mul3A_2] : memref<48x8192xf32, #tpu.memory_space<hbm>> -> memref<1x256xf32, #tpu.memory_space<hbm>>
    %dma_start3A_15 = tpu.memref_squeeze %dma_start3A_14 : memref<1x256xf32, #tpu.memory_space<hbm>> -> memref<256xf32, #tpu.memory_space<hbm>>
    %dma_start3A_16 = arith.constant 256 : i32
    %dma_start3A_17 = tpu.memref_slice %arg8[%dma_start3A_16] : memref<12288xf32, #tpu.memory_space<vmem>> -> memref<256xf32, #tpu.memory_space<vmem>>
    %dma_start3A_18 = tpu.memref_slice %arg3[%dma_start3A_11, %mul3A_2] : memref<48x8192xf32, #tpu.memory_space<hbm>> -> memref<1x256xf32, #tpu.memory_space<hbm>>
    %dma_start3A_19 = tpu.memref_squeeze %dma_start3A_18 : memref<1x256xf32, #tpu.memory_space<hbm>> -> memref<256xf32, #tpu.memory_space<hbm>>
    tpu.enqueue_dma source(%dma_start3A_19 : memref<256xf32, #tpu.memory_space<hbm>>) target(%dma_start3A_17 : memref<256xf32, #tpu.memory_space<vmem>>) target_semaphore(%arg12 : memref<!tpu.dma_semaphore, #tpu.memory_space<semaphore_mem>>)
    %dma_start3A_20 = arith.constant 2 : i32
    %dma_start3A_21 = arith.constant 512 : i32
    %dma_start3A_22 = tpu.memref_slice %arg8[%dma_start3A_21] : memref<12288xf32, #tpu.memory_space<vmem>> -> memref<256xf32, #tpu.memory_space<vmem>>
    %dma_start3A_23 = tpu.memref_slice %arg3[%dma_start3A_20, %mul3A_2] : memref<48x8192xf32, #tpu.memory_space<hbm>> -> memref<1x256xf32, #tpu.memory_space<hbm>>
    %dma_start3A_24 = tpu.memref_squeeze %dma_start3A_23 : memref<1x256xf32, #tpu.memory_space<hbm>> -> memref<256xf32, #tpu.memory_space<hbm>>
    %dma_start3A_25 = arith.constant 512 : i32
    %dma_start3A_26 = tpu.memref_slice %arg8[%dma_start3A_25] : memref<12288xf32, #tpu.memory_space<vmem>> -> memref<256xf32, #tpu.memory_space<vmem>>
    %dma_start3A_27 = tpu.memref_slice %arg3[%dma_start3A_20, %mul3A_2] : memref<48x8192xf32, #tpu.memory_space<hbm>> -> memref<1x256xf32, #tpu.memory_space<hbm>>
    %dma_start3A_28 = tpu.memref_squeeze %dma_start3A_27 : memref<1x256xf32, #tpu.memory_space<hbm>> -> memref<256xf32, #tpu.memory_space<hbm>>
    tpu.enqueue_dma source(%dma_start3A_28 : memref<256xf32, #tpu.memory_space<hbm>>) target(%dma_start3A_26 : memref<256xf32, #tpu.memory_space<vmem>>) target_semaphore(%arg12 : memref<!tpu.dma_semaphore, #tpu.memory_space<semaphore_mem>>)
    %dma_start3A_29 = arith.constant 3 : i32
    %dma_start3A_30 = arith.constant 768 : i32
    %dma_start3A_31 = tpu.memref_slice %arg8[%dma_start3A_30] : memref<12288xf32, #tpu.memory_space<vmem>> -> memref<256xf32, #tpu.memory_space<vmem>>
    %dma_start3A_32 = tpu.memref_slice %arg3[%dma_start3A_29, %mul3A_2] : memref<48x8192xf32, #tpu.memory_space<hbm>> -> memref<1x256xf32, #tpu.memory_space<hbm>>
    %dma_start3A_33 = tpu.memref_squeeze %dma_start3A_32 : memref<1x256xf32, #tpu.memory_space<hbm>> -> memref<256xf32, #tpu.memory_space<hbm>>
    %dma_start3A_34 = arith.constant 768 : i32
    %dma_start3A_35 = tpu.memref_slice %arg8[%dma_start3A_34] : memref<12288xf32, #tpu.memory_space<vmem>> -> memref<256xf32, #tpu.memory_space<vmem>>
    %dma_start3A_36 = tpu.memref_slice %arg3[%dma_start3A_29, %mul3A_2] : memref<48x8192xf32, #tpu.memory_space<hbm>> -> memref<1x256xf32, #tpu.memory_space<hbm>>
    %dma_start3A_37 = tpu.memref_squeeze %dma_start3A_36 : memref<1x256xf32, #tpu.memory_space<hbm>> -> memref<256xf32, #tpu.memory_space<hbm>>
    tpu.enqueue_dma source(%dma_start3A_37 : memref<256xf32, #tpu.memory_space<hbm>>) target(%dma_start3A_35 : memref<256xf32, #tpu.memory_space<vmem>>) target_semaphore(%arg12 : memref<!tpu.dma_semaphore, #tpu.memory_space<semaphore_mem>>)
    %dma_start3A_38 = arith.constant 4 : i32
    %dma_start3A_39 = arith.constant 1024 : i32
    %dma_start3A_40 = tpu.memref_slice %arg8[%dma_start3A_39] : memref<12288xf32, #tpu.memory_space<vmem>> -> memref<256xf32, #tpu.memory_space<vmem>>
    %dma_start3A_41 = tpu.memref_slice %arg3[%dma_start3A_38, %mul3A_2] : memref<48x8192xf32, #tpu.memory_space<hbm>> -> memref<1x256xf32, #tpu.memory_space<hbm>>
    %dma_start3A_42 = tpu.memref_squeeze %dma_start3A_41 : memref<1x256xf32, #tpu.memory_space<hbm>> -> memref<256xf32, #tpu.memory_space<hbm>>
    %dma_start3A_43 = arith.constant 1024 : i32
    %dma_start3A_44 = tpu.memref_slice %arg8[%dma_start3A_43] : memref<12288xf32, #tpu.memory_space<vmem>> -> memref<256xf32, #tpu.memory_space<vmem>>
    %dma_start3A_45 = tpu.memref_slice %arg3[%dma_start3A_38, %mul3A_2] : memref<48x8192xf32, #tpu.memory_space<hbm>> -> memref<1x256xf32, #tpu.memory_space<hbm>>
    %dma_start3A_46 = tpu.memref_squeeze %dma_start3A_45 : memref<1x256xf32, #tpu.memory_space<hbm>> -> memref<256xf32, #tpu.memory_space<hbm>>
    tpu.enqueue_dma source(%dma_start3A_46 : memref<256xf32, #tpu.memory_space<hbm>>) target(%dma_start3A_44 : memref<256xf32, #tpu.memory_space<vmem>>) target_semaphore(%arg12 : memref<!tpu.dma_semaphore, #tpu.memory_space<semaphore_mem>>)
    %dma_start3A_47 = arith.constant 5 : i32
    %dma_start3A_48 = arith.constant 1280 : i32
    %dma_start3A_49 = tpu.memref_slice %arg8[%dma_start3A_48] : memref<12288xf32, #tpu.memory_space<vmem>> -> memref<256xf32, #tpu.memory_space<vmem>>
    %dma_start3A_50 = tpu.memref_slice %arg3[%dma_start3A_47, %mul3A_2] : memref<48x8192xf32, #tpu.memory_space<hbm>> -> memref<1x256xf32, #tpu.memory_space<hbm>>
    %dma_start3A_51 = tpu.memref_squeeze %dma_start3A_50 : memref<1x256xf32, #tpu.memory_space<hbm>> -> memref<256xf32, #tpu.memory_space<hbm>>
    %dma_start3A_52 = arith.constant 1280 : i32
    %dma_start3A_53 = tpu.memref_slice %arg8[%dma_start3A_52] : memref<12288xf32, #tpu.memory_space<vmem>> -> memref<256xf32, #tpu.memory_space<vmem>>
    %dma_start3A_54 = tpu.memref_slice %arg3[%dma_start3A_47, %mul3A_2] : memref<48x8192xf32, #tpu.memory_space<hbm>> -> memref<1x256xf32, #tpu.memory_space<hbm>>
    %dma_start3A_55 = tpu.memref_squeeze %dma_start3A_54 : memref<1x256xf32, #tpu.memory_space<hbm>> -> memref<256xf32, #tpu.memory_space<hbm>>
    tpu.enqueue_dma source(%dma_start3A_55 : memref<256xf32, #tpu.memory_space<hbm>>) target(%dma_start3A_53 : memref<256xf32, #tpu.memory_space<vmem>>) target_semaphore(%arg12 : memref<!tpu.dma_semaphore, #tpu.memory_space<semaphore_mem>>)
    %dma_start3A_56 = arith.constant 6 : i32
    %dma_start3A_57 = arith.constant 1536 : i32
    %dma_start3A_58 = tpu.memref_slice %arg8[%dma_start3A_57] : memref<12288xf32, #tpu.memory_space<vmem>> -> memref<256xf32, #tpu.memory_space<vmem>>
    %dma_start3A_59 = tpu.memref_slice %arg3[%dma_start3A_56, %mul3A_2] : memref<48x8192xf32, #tpu.memory_space<hbm>> -> memref<1x256xf32, #tpu.memory_space<hbm>>
    %dma_start3A_60 = tpu.memref_squeeze %dma_start3A_59 : memref<1x256xf32, #tpu.memory_space<hbm>> -> memref<256xf32, #tpu.memory_space<hbm>>
    %dma_start3A_61 = arith.constant 1536 : i32
    %dma_start3A_62 = tpu.memref_slice %arg8[%dma_start3A_61] : memref<12288xf32, #tpu.memory_space<vmem>> -> memref<256xf32, #tpu.memory_space<vmem>>
    %dma_start3A_63 = tpu.memref_slice %arg3[%dma_start3A_56, %mul3A_2] : memref<48x8192xf32, #tpu.memory_space<hbm>> -> memref<1x256xf32, #tpu.memory_space<hbm>>
    %dma_start3A_64 = tpu.memref_squeeze %dma_start3A_63 : memref<1x256xf32, #tpu.memory_space<hbm>> -> memref<256xf32, #tpu.memory_space<hbm>>
    tpu.enqueue_dma source(%dma_start3A_64 : memref<256xf32, #tpu.memory_space<hbm>>) target(%dma_start3A_62 : memref<256xf32, #tpu.memory_space<vmem>>) target_semaphore(%arg12 : memref<!tpu.dma_semaphore, #tpu.memory_space<semaphore_mem>>)
    %dma_start3A_65 = arith.constant 7 : i32
    %dma_start3A_66 = arith.constant 1792 : i32
    %dma_start3A_67 = tpu.memref_slice %arg8[%dma_start3A_66] : memref<12288xf32, #tpu.memory_space<vmem>> -> memref<256xf32, #tpu.memory_space<vmem>>
    %dma_start3A_68 = tpu.memref_slice %arg3[%dma_start3A_65, %mul3A_2] : memref<48x8192xf32, #tpu.memory_space<hbm>> -> memref<1x256xf32, #tpu.memory_space<hbm>>
    %dma_start3A_69 = tpu.memref_squeeze %dma_start3A_68 : memref<1x256xf32, #tpu.memory_space<hbm>> -> memref<256xf32, #tpu.memory_space<hbm>>
    %dma_start3A_70 = arith.constant 1792 : i32
    %dma_start3A_71 = tpu.memref_slice %arg8[%dma_start3A_70] : memref<12288xf32, #tpu.memory_space<vmem>> -> memref<256xf32, #tpu.memory_space<vmem>>
    %dma_start3A_72 = tpu.memref_slice %arg3[%dma_start3A_65, %mul3A_2] : memref<48x8192xf32, #tpu.memory_space<hbm>> -> memref<1x256xf32, #tpu.memory_space<hbm>>
    %dma_start3A_73 = tpu.memref_squeeze %dma_start3A_72 : memref<1x256xf32, #tpu.memory_space<hbm>> -> memref<256xf32, #tpu.memory_space<hbm>>
    tpu.enqueue_dma source(%dma_start3A_73 : memref<256xf32, #tpu.memory_space<hbm>>) target(%dma_start3A_71 : memref<256xf32, #tpu.memory_space<vmem>>) target_semaphore(%arg12 : memref<!tpu.dma_semaphore, #tpu.memory_space<semaphore_mem>>)
    %dma_start3A_74 = arith.constant 8 : i32
    %dma_start3A_75 = arith.constant 2048 : i32
    %dma_start3A_76 = tpu.memref_slice %arg8[%dma_start3A_75] : memref<12288xf32, #tpu.memory_space<vmem>> -> memref<256xf32, #tpu.memory_space<vmem>>
    %dma_start3A_77 = tpu.memref_slice %arg3[%dma_start3A_74, %mul3A_2] : memref<48x8192xf32, #tpu.memory_space<hbm>> -> memref<1x256xf32, #tpu.memory_space<hbm>>
    %dma_start3A_78 = tpu.memref_squeeze %dma_start3A_77 : memref<1x256xf32, #tpu.memory_space<hbm>> -> memref<256xf32, #tpu.memory_space<hbm>>
    %dma_start3A_79 = arith.constant 2048 : i32
    %dma_start3A_80 = tpu.memref_slice %arg8[%dma_start3A_79] : memref<12288xf32, #tpu.memory_space<vmem>> -> memref<256xf32, #tpu.memory_space<vmem>>
    %dma_start3A_81 = tpu.memref_slice %arg3[%dma_start3A_74, %mul3A_2] : memref<48x8192xf32, #tpu.memory_space<hbm>> -> memref<1x256xf32, #tpu.memory_space<hbm>>
    %dma_start3A_82 = tpu.memref_squeeze %dma_start3A_81 : memref<1x256xf32, #tpu.memory_space<hbm>> -> memref<256xf32, #tpu.memory_space<hbm>>
    tpu.enqueue_dma source(%dma_start3A_82 : memref<256xf32, #tpu.memory_space<hbm>>) target(%dma_start3A_80 : memref<256xf32, #tpu.memory_space<vmem>>) target_semaphore(%arg12 : memref<!tpu.dma_semaphore, #tpu.memory_space<semaphore_mem>>)
    %dma_start3A_83 = arith.constant 9 : i32
    %dma_start3A_84 = arith.constant 2304 : i32
    %dma_start3A_85 = tpu.memref_slice %arg8[%dma_start3A_84] : memref<12288xf32, #tpu.memory_space<vmem>> -> memref<256xf32, #tpu.memory_space<vmem>>
    %dma_start3A_86 = tpu.memref_slice %arg3[%dma_start3A_83, %mul3A_2] : memref<48x8192xf32, #tpu.memory_space<hbm>> -> memref<1x256xf32, #tpu.memory_space<hbm>>
    %dma_start3A_87 = tpu.memref_squeeze %dma_start3A_86 : memref<1x256xf32, #tpu.memory_space<hbm>> -> memref<256xf32, #tpu.memory_space<hbm>>
    %dma_start3A_88 = arith.constant 2304 : i32
    %dma_start3A_89 = tpu.memref_slice %arg8[%dma_start3A_88] : memref<12288xf32, #tpu.memory_space<vmem>> -> memref<256xf32, #tpu.memory_space<vmem>>
    %dma_start3A_90 = tpu.memref_slice %arg3[%dma_start3A_83, %mul3A_2] : memref<48x8192xf32, #tpu.memory_space<hbm>> -> memref<1x256xf32, #tpu.memory_space<hbm>>
    %dma_start3A_91 = tpu.memref_squeeze %dma_start3A_90 : memref<1x256xf32, #tpu.memory_space<hbm>> -> memref<256xf32, #tpu.memory_space<hbm>>
    tpu.enqueue_dma source(%dma_start3A_91 : memref<256xf32, #tpu.memory_space<hbm>>) target(%dma_start3A_89 : memref<256xf32, #tpu.memory_space<vmem>>) target_semaphore(%arg12 : memref<!tpu.dma_semaphore, #tpu.memory_space<semaphore_mem>>)
    %dma_start3A_92 = arith.constant 10 : i32
    %dma_start3A_93 = arith.constant 2560 : i32
    %dma_start3A_94 = tpu.memref_slice %arg8[%dma_start3A_93] : memref<12288xf32, #tpu.memory_space<vmem>> -> memref<256xf32, #tpu.memory_space<vmem>>
    %dma_start3A_95 = tpu.memref_slice %arg3[%dma_start3A_92, %mul3A_2] : memref<48x8192xf32, #tpu.memory_space<hbm>> -> memref<1x256xf32, #tpu.memory_space<hbm>>
    %dma_start3A_96 = tpu.memref_squeeze %dma_start3A_95 : memref<1x256xf32, #tpu.memory_space<hbm>> -> memref<256xf32, #tpu.memory_space<hbm>>
    %dma_start3A_97 = arith.constant 2560 : i32
    %dma_start3A_98 = tpu.memref_slice %arg8[%dma_start3A_97] : memref<12288xf32, #tpu.memory_space<vmem>> -> memref<256xf32, #tpu.memory_space<vmem>>
    %dma_start3A_99 = tpu.memref_slice %arg3[%dma_start3A_92, %mul3A_2] : memref<48x8192xf32, #tpu.memory_space<hbm>> -> memref<1x256xf32, #tpu.memory_space<hbm>>
    %dma_start3A_100 = tpu.memref_squeeze %dma_start3A_99 : memref<1x256xf32, #tpu.memory_space<hbm>> -> memref<256xf32, #tpu.memory_space<hbm>>
    tpu.enqueue_dma source(%dma_start3A_100 : memref<256xf32, #tpu.memory_space<hbm>>) target(%dma_start3A_98 : memref<256xf32, #tpu.memory_space<vmem>>) target_semaphore(%arg12 : memref<!tpu.dma_semaphore, #tpu.memory_space<semaphore_mem>>)
    %dma_start3A_101 = arith.constant 11 : i32
    %dma_start3A_102 = arith.constant 2816 : i32
    %dma_start3A_103 = tpu.memref_slice %arg8[%dma_start3A_102] : memref<12288xf32, #tpu.memory_space<vmem>> -> memref<256xf32, #tpu.memory_space<vmem>>
    %dma_start3A_104 = tpu.memref_slice %arg3[%dma_start3A_101, %mul3A_2] : memref<48x8192xf32, #tpu.memory_space<hbm>> -> memref<1x256xf32, #tpu.memory_space<hbm>>
    %dma_start3A_105 = tpu.memref_squeeze %dma_start3A_104 : memref<1x256xf32, #tpu.memory_space<hbm>> -> memref<256xf32, #tpu.memory_space<hbm>>
    %dma_start3A_106 = arith.constant 2816 : i32
    %dma_start3A_107 = tpu.memref_slice %arg8[%dma_start3A_106] : memref<12288xf32, #tpu.memory_space<vmem>> -> memref<256xf32, #tpu.memory_space<vmem>>
    %dma_start3A_108 = tpu.memref_slice %arg3[%dma_start3A_101, %mul3A_2] : memref<48x8192xf32, #tpu.memory_space<hbm>> -> memref<1x256xf32, #tpu.memory_space<hbm>>
    %dma_start3A_109 = tpu.memref_squeeze %dma_start3A_108 : memref<1x256xf32, #tpu.memory_space<hbm>> -> memref<256xf32, #tpu.memory_space<hbm>>
    tpu.enqueue_dma source(%dma_start3A_109 : memref<256xf32, #tpu.memory_space<hbm>>) target(%dma_start3A_107 : memref<256xf32, #tpu.memory_space<vmem>>) target_semaphore(%arg12 : memref<!tpu.dma_semaphore, #tpu.memory_space<semaphore_mem>>)
    %dma_start3A_110 = arith.constant 12 : i32
    %dma_start3A_111 = arith.constant 3072 : i32
    %dma_start3A_112 = tpu.memref_slice %arg8[%dma_start3A_111] : memref<12288xf32, #tpu.memory_space<vmem>> -> memref<256xf32, #tpu.memory_space<vmem>>
    %dma_start3A_113 = tpu.memref_slice %arg3[%dma_start3A_110, %mul3A_2] : memref<48x8192xf32, #tpu.memory_space<hbm>> -> memref<1x256xf32, #tpu.memory_space<hbm>>
    %dma_start3A_114 = tpu.memref_squeeze %dma_start3A_113 : memref<1x256xf32, #tpu.memory_space<hbm>> -> memref<256xf32, #tpu.memory_space<hbm>>
    %dma_start3A_115 = arith.constant 3072 : i32
    %dma_start3A_116 = tpu.memref_slice %arg8[%dma_start3A_115] : memref<12288xf32, #tpu.memory_space<vmem>> -> memref<256xf32, #tpu.memory_space<vmem>>
    %dma_start3A_117 = tpu.memref_slice %arg3[%dma_start3A_110, %mul3A_2] : memref<48x8192xf32, #tpu.memory_space<hbm>> -> memref<1x256xf32, #tpu.memory_space<hbm>>
    %dma_start3A_118 = tpu.memref_squeeze %dma_start3A_117 : memref<1x256xf32, #tpu.memory_space<hbm>> -> memref<256xf32, #tpu.memory_space<hbm>>
    tpu.enqueue_dma source(%dma_start3A_118 : memref<256xf32, #tpu.memory_space<hbm>>) target(%dma_start3A_116 : memref<256xf32, #tpu.memory_space<vmem>>) target_semaphore(%arg12 : memref<!tpu.dma_semaphore, #tpu.memory_space<semaphore_mem>>)
    %dma_start3A_119 = arith.constant 13 : i32
    %dma_start3A_120 = arith.constant 3328 : i32
    %dma_start3A_121 = tpu.memref_slice %arg8[%dma_start3A_120] : memref<12288xf32, #tpu.memory_space<vmem>> -> memref<256xf32, #tpu.memory_space<vmem>>
    %dma_start3A_122 = tpu.memref_slice %arg3[%dma_start3A_119, %mul3A_2] : memref<48x8192xf32, #tpu.memory_space<hbm>> -> memref<1x256xf32, #tpu.memory_space<hbm>>
    %dma_start3A_123 = tpu.memref_squeeze %dma_start3A_122 : memref<1x256xf32, #tpu.memory_space<hbm>> -> memref<256xf32, #tpu.memory_space<hbm>>
    %dma_start3A_124 = arith.constant 3328 : i32
    %dma_start3A_125 = tpu.memref_slice %arg8[%dma_start3A_124] : memref<12288xf32, #tpu.memory_space<vmem>> -> memref<256xf32, #tpu.memory_space<vmem>>
    %dma_start3A_126 = tpu.memref_slice %arg3[%dma_start3A_119, %mul3A_2] : memref<48x8192xf32, #tpu.memory_space<hbm>> -> memref<1x256xf32, #tpu.memory_space<hbm>>
    %dma_start3A_127 = tpu.memref_squeeze %dma_start3A_126 : memref<1x256xf32, #tpu.memory_space<hbm>> -> memref<256xf32, #tpu.memory_space<hbm>>
    tpu.enqueue_dma source(%dma_start3A_127 : memref<256xf32, #tpu.memory_space<hbm>>) target(%dma_start3A_125 : memref<256xf32, #tpu.memory_space<vmem>>) target_semaphore(%arg12 : memref<!tpu.dma_semaphore, #tpu.memory_space<semaphore_mem>>)
    %dma_start3A_128 = arith.constant 14 : i32
    %dma_start3A_129 = arith.constant 3584 : i32
    %dma_start3A_130 = tpu.memref_slice %arg8[%dma_start3A_129] : memref<12288xf32, #tpu.memory_space<vmem>> -> memref<256xf32, #tpu.memory_space<vmem>>
    %dma_start3A_131 = tpu.memref_slice %arg3[%dma_start3A_128, %mul3A_2] : memref<48x8192xf32, #tpu.memory_space<hbm>> -> memref<1x256xf32, #tpu.memory_space<hbm>>
    %dma_start3A_132 = tpu.memref_squeeze %dma_start3A_131 : memref<1x256xf32, #tpu.memory_space<hbm>> -> memref<256xf32, #tpu.memory_space<hbm>>
    %dma_start3A_133 = arith.constant 3584 : i32
    %dma_start3A_134 = tpu.memref_slice %arg8[%dma_start3A_133] : memref<12288xf32, #tpu.memory_space<vmem>> -> memref<256xf32, #tpu.memory_space<vmem>>
    %dma_start3A_135 = tpu.memref_slice %arg3[%dma_start3A_128, %mul3A_2] : memref<48x8192xf32, #tpu.memory_space<hbm>> -> memref<1x256xf32, #tpu.memory_space<hbm>>
    %dma_start3A_136 = tpu.memref_squeeze %dma_start3A_135 : memref<1x256xf32, #tpu.memory_space<hbm>> -> memref<256xf32, #tpu.memory_space<hbm>>
    tpu.enqueue_dma source(%dma_start3A_136 : memref<256xf32, #tpu.memory_space<hbm>>) target(%dma_start3A_134 : memref<256xf32, #tpu.memory_space<vmem>>) target_semaphore(%arg12 : memref<!tpu.dma_semaphore, #tpu.memory_space<semaphore_mem>>)
    %dma_start3A_137 = arith.constant 15 : i32
    %dma_start3A_138 = arith.constant 3840 : i32
    %dma_start3A_139 = tpu.memref_slice %arg8[%dma_start3A_138] : memref<12288xf32, #tpu.memory_space<vmem>> -> memref<256xf32, #tpu.memory_space<vmem>>
    %dma_start3A_140 = tpu.memref_slice %arg3[%dma_start3A_137, %mul3A_2] : memref<48x8192xf32, #tpu.memory_space<hbm>> -> memref<1x256xf32, #tpu.memory_space<hbm>>
    %dma_start3A_141 = tpu.memref_squeeze %dma_start3A_140 : memref<1x256xf32, #tpu.memory_space<hbm>> -> memref<256xf32, #tpu.memory_space<hbm>>
    %dma_start3A_142 = arith.constant 3840 : i32
    %dma_start3A_143 = tpu.memref_slice %arg8[%dma_start3A_142] : memref<12288xf32, #tpu.memory_space<vmem>> -> memref<256xf32, #tpu.memory_space<vmem>>
    %dma_start3A_144 = tpu.memref_slice %arg3[%dma_start3A_137, %mul3A_2] : memref<48x8192xf32, #tpu.memory_space<hbm>> -> memref<1x256xf32, #tpu.memory_space<hbm>>
    %dma_start3A_145 = tpu.memref_squeeze %dma_start3A_144 : memref<1x256xf32, #tpu.memory_space<hbm>> -> memref<256xf32, #tpu.memory_space<hbm>>
    tpu.enqueue_dma source(%dma_start3A_145 : memref<256xf32, #tpu.memory_space<hbm>>) target(%dma_start3A_143 : memref<256xf32, #tpu.memory_space<vmem>>) target_semaphore(%arg12 : memref<!tpu.dma_semaphore, #tpu.memory_space<semaphore_mem>>)
    %dma_start3A_146 = arith.constant 16 : i32
    %dma_start3A_147 = arith.constant 4096 : i32
    %dma_start3A_148 = tpu.memref_slice %arg8[%dma_start3A_147] : memref<12288xf32, #tpu.memory_space<vmem>> -> memref<256xf32, #tpu.memory_space<vmem>>
    %dma_start3A_149 = tpu.memref_slice %arg3[%dma_start3A_146, %mul3A_2] : memref<48x8192xf32, #tpu.memory_space<hbm>> -> memref<1x256xf32, #tpu.memory_space<hbm>>
    %dma_start3A_150 = tpu.memref_squeeze %dma_start3A_149 : memref<1x256xf32, #tpu.memory_space<hbm>> -> memref<256xf32, #tpu.memory_space<hbm>>
    %dma_start3A_151 = arith.constant 4096 : i32
    %dma_start3A_152 = tpu.memref_slice %arg8[%dma_start3A_151] : memref<12288xf32, #tpu.memory_space<vmem>> -> memref<256xf32, #tpu.memory_space<vmem>>
    %dma_start3A_153 = tpu.memref_slice %arg3[%dma_start3A_146, %mul3A_2] : memref<48x8192xf32, #tpu.memory_space<hbm>> -> memref<1x256xf32, #tpu.memory_space<hbm>>
    %dma_start3A_154 = tpu.memref_squeeze %dma_start3A_153 : memref<1x256xf32, #tpu.memory_space<hbm>> -> memref<256xf32, #tpu.memory_space<hbm>>
    tpu.enqueue_dma source(%dma_start3A_154 : memref<256xf32, #tpu.memory_space<hbm>>) target(%dma_start3A_152 : memref<256xf32, #tpu.memory_space<vmem>>) target_semaphore(%arg12 : memref<!tpu.dma_semaphore, #tpu.memory_space<semaphore_mem>>)
    %dma_start3A_155 = arith.constant 17 : i32
    %dma_start3A_156 = arith.constant 4352 : i32
    %dma_start3A_157 = tpu.memref_slice %arg8[%dma_start3A_156] : memref<12288xf32, #tpu.memory_space<vmem>> -> memref<256xf32, #tpu.memory_space<vmem>>
    %dma_start3A_158 = tpu.memref_slice %arg3[%dma_start3A_155, %mul3A_2] : memref<48x8192xf32, #tpu.memory_space<hbm>> -> memref<1x256xf32, #tpu.memory_space<hbm>>
    %dma_start3A_159 = tpu.memref_squeeze %dma_start3A_158 : memref<1x256xf32, #tpu.memory_space<hbm>> -> memref<256xf32, #tpu.memory_space<hbm>>
    %dma_start3A_160 = arith.constant 4352 : i32
    %dma_start3A_161 = tpu.memref_slice %arg8[%dma_start3A_160] : memref<12288xf32, #tpu.memory_space<vmem>> -> memref<256xf32, #tpu.memory_space<vmem>>
    %dma_start3A_162 = tpu.memref_slice %arg3[%dma_start3A_155, %mul3A_2] : memref<48x8192xf32, #tpu.memory_space<hbm>> -> memref<1x256xf32, #tpu.memory_space<hbm>>
    %dma_start3A_163 = tpu.memref_squeeze %dma_start3A_162 : memref<1x256xf32, #tpu.memory_space<hbm>> -> memref<256xf32, #tpu.memory_space<hbm>>
    tpu.enqueue_dma source(%dma_start3A_163 : memref<256xf32, #tpu.memory_space<hbm>>) target(%dma_start3A_161 : memref<256xf32, #tpu.memory_space<vmem>>) target_semaphore(%arg12 : memref<!tpu.dma_semaphore, #tpu.memory_space<semaphore_mem>>)
    %dma_start3A_164 = arith.constant 18 : i32
    %dma_start3A_165 = arith.constant 4608 : i32
    %dma_start3A_166 = tpu.memref_slice %arg8[%dma_start3A_165] : memref<12288xf32, #tpu.memory_space<vmem>> -> memref<256xf32, #tpu.memory_space<vmem>>
    %dma_start3A_167 = tpu.memref_slice %arg3[%dma_start3A_164, %mul3A_2] : memref<48x8192xf32, #tpu.memory_space<hbm>> -> memref<1x256xf32, #tpu.memory_space<hbm>>
    %dma_start3A_168 = tpu.memref_squeeze %dma_start3A_167 : memref<1x256xf32, #tpu.memory_space<hbm>> -> memref<256xf32, #tpu.memory_space<hbm>>
    %dma_start3A_169 = arith.constant 4608 : i32
    %dma_start3A_170 = tpu.memref_slice %arg8[%dma_start3A_169] : memref<12288xf32, #tpu.memory_space<vmem>> -> memref<256xf32, #tpu.memory_space<vmem>>
    %dma_start3A_171 = tpu.memref_slice %arg3[%dma_start3A_164, %mul3A_2] : memref<48x8192xf32, #tpu.memory_space<hbm>> -> memref<1x256xf32, #tpu.memory_space<hbm>>
    %dma_start3A_172 = tpu.memref_squeeze %dma_start3A_171 : memref<1x256xf32, #tpu.memory_space<hbm>> -> memref<256xf32, #tpu.memory_space<hbm>>
    tpu.enqueue_dma source(%dma_start3A_172 : memref<256xf32, #tpu.memory_space<hbm>>) target(%dma_start3A_170 : memref<256xf32, #tpu.memory_space<vmem>>) target_semaphore(%arg12 : memref<!tpu.dma_semaphore, #tpu.memory_space<semaphore_mem>>)
    %dma_start3A_173 = arith.constant 19 : i32
    %dma_start3A_174 = arith.constant 4864 : i32
    %dma_start3A_175 = tpu.memref_slice %arg8[%dma_start3A_174] : memref<12288xf32, #tpu.memory_space<vmem>> -> memref<256xf32, #tpu.memory_space<vmem>>
    %dma_start3A_176 = tpu.memref_slice %arg3[%dma_start3A_173, %mul3A_2] : memref<48x8192xf32, #tpu.memory_space<hbm>> -> memref<1x256xf32, #tpu.memory_space<hbm>>
    %dma_start3A_177 = tpu.memref_squeeze %dma_start3A_176 : memref<1x256xf32, #tpu.memory_space<hbm>> -> memref<256xf32, #tpu.memory_space<hbm>>
    %dma_start3A_178 = arith.constant 4864 : i32
    %dma_start3A_179 = tpu.memref_slice %arg8[%dma_start3A_178] : memref<12288xf32, #tpu.memory_space<vmem>> -> memref<256xf32, #tpu.memory_space<vmem>>
    %dma_start3A_180 = tpu.memref_slice %arg3[%dma_start3A_173, %mul3A_2] : memref<48x8192xf32, #tpu.memory_space<hbm>> -> memref<1x256xf32, #tpu.memory_space<hbm>>
    %dma_start3A_181 = tpu.memref_squeeze %dma_start3A_180 : memref<1x256xf32, #tpu.memory_space<hbm>> -> memref<256xf32, #tpu.memory_space<hbm>>
    tpu.enqueue_dma source(%dma_start3A_181 : memref<256xf32, #tpu.memory_space<hbm>>) target(%dma_start3A_179 : memref<256xf32, #tpu.memory_space<vmem>>) target_semaphore(%arg12 : memref<!tpu.dma_semaphore, #tpu.memory_space<semaphore_mem>>)
    %dma_start3A_182 = arith.constant 20 : i32
    %dma_start3A_183 = arith.constant 5120 : i32
    %dma_start3A_184 = tpu.memref_slice %arg8[%dma_start3A_183] : memref<12288xf32, #tpu.memory_space<vmem>> -> memref<256xf32, #tpu.memory_space<vmem>>
    %dma_start3A_185 = tpu.memref_slice %arg3[%dma_start3A_182, %mul3A_2] : memref<48x8192xf32, #tpu.memory_space<hbm>> -> memref<1x256xf32, #tpu.memory_space<hbm>>
    %dma_start3A_186 = tpu.memref_squeeze %dma_start3A_185 : memref<1x256xf32, #tpu.memory_space<hbm>> -> memref<256xf32, #tpu.memory_space<hbm>>
    %dma_start3A_187 = arith.constant 5120 : i32
    %dma_start3A_188 = tpu.memref_slice %arg8[%dma_start3A_187] : memref<12288xf32, #tpu.memory_space<vmem>> -> memref<256xf32, #tpu.memory_space<vmem>>
    %dma_start3A_189 = tpu.memref_slice %arg3[%dma_start3A_182, %mul3A_2] : memref<48x8192xf32, #tpu.memory_space<hbm>> -> memref<1x256xf32, #tpu.memory_space<hbm>>
    %dma_start3A_190 = tpu.memref_squeeze %dma_start3A_189 : memref<1x256xf32, #tpu.memory_space<hbm>> -> memref<256xf32, #tpu.memory_space<hbm>>
    tpu.enqueue_dma source(%dma_start3A_190 : memref<256xf32, #tpu.memory_space<hbm>>) target(%dma_start3A_188 : memref<256xf32, #tpu.memory_space<vmem>>) target_semaphore(%arg12 : memref<!tpu.dma_semaphore, #tpu.memory_space<semaphore_mem>>)
    %dma_start3A_191 = arith.constant 21 : i32
    %dma_start3A_192 = arith.constant 5376 : i32
    %dma_start3A_193 = tpu.memref_slice %arg8[%dma_start3A_192] : memref<12288xf32, #tpu.memory_space<vmem>> -> memref<256xf32, #tpu.memory_space<vmem>>
    %dma_start3A_194 = tpu.memref_slice %arg3[%dma_start3A_191, %mul3A_2] : memref<48x8192xf32, #tpu.memory_space<hbm>> -> memref<1x256xf32, #tpu.memory_space<hbm>>
    %dma_start3A_195 = tpu.memref_squeeze %dma_start3A_194 : memref<1x256xf32, #tpu.memory_space<hbm>> -> memref<256xf32, #tpu.memory_space<hbm>>
    %dma_start3A_196 = arith.constant 5376 : i32
    %dma_start3A_197 = tpu.memref_slice %arg8[%dma_start3A_196] : memref<12288xf32, #tpu.memory_space<vmem>> -> memref<256xf32, #tpu.memory_space<vmem>>
    %dma_start3A_198 = tpu.memref_slice %arg3[%dma_start3A_191, %mul3A_2] : memref<48x8192xf32, #tpu.memory_space<hbm>> -> memref<1x256xf32, #tpu.memory_space<hbm>>
    %dma_start3A_199 = tpu.memref_squeeze %dma_start3A_198 : memref<1x256xf32, #tpu.memory_space<hbm>> -> memref<256xf32, #tpu.memory_space<hbm>>
    tpu.enqueue_dma source(%dma_start3A_199 : memref<256xf32, #tpu.memory_space<hbm>>) target(%dma_start3A_197 : memref<256xf32, #tpu.memory_space<vmem>>) target_semaphore(%arg12 : memref<!tpu.dma_semaphore, #tpu.memory_space<semaphore_mem>>)
    %dma_start3A_200 = arith.constant 22 : i32
    %dma_start3A_201 = arith.constant 5632 : i32
    %dma_start3A_202 = tpu.memref_slice %arg8[%dma_start3A_201] : memref<12288xf32, #tpu.memory_space<vmem>> -> memref<256xf32, #tpu.memory_space<vmem>>
    %dma_start3A_203 = tpu.memref_slice %arg3[%dma_start3A_200, %mul3A_2] : memref<48x8192xf32, #tpu.memory_space<hbm>> -> memref<1x256xf32, #tpu.memory_space<hbm>>
    %dma_start3A_204 = tpu.memref_squeeze %dma_start3A_203 : memref<1x256xf32, #tpu.memory_space<hbm>> -> memref<256xf32, #tpu.memory_space<hbm>>
    %dma_start3A_205 = arith.constant 5632 : i32
    %dma_start3A_206 = tpu.memref_slice %arg8[%dma_start3A_205] : memref<12288xf32, #tpu.memory_space<vmem>> -> memref<256xf32, #tpu.memory_space<vmem>>
    %dma_start3A_207 = tpu.memref_slice %arg3[%dma_start3A_200, %mul3A_2] : memref<48x8192xf32, #tpu.memory_space<hbm>> -> memref<1x256xf32, #tpu.memory_space<hbm>>
    %dma_start3A_208 = tpu.memref_squeeze %dma_start3A_207 : memref<1x256xf32, #tpu.memory_space<hbm>> -> memref<256xf32, #tpu.memory_space<hbm>>
    tpu.enqueue_dma source(%dma_start3A_208 : memref<256xf32, #tpu.memory_space<hbm>>) target(%dma_start3A_206 : memref<256xf32, #tpu.memory_space<vmem>>) target_semaphore(%arg12 : memref<!tpu.dma_semaphore, #tpu.memory_space<semaphore_mem>>)
    %dma_start3A_209 = arith.constant 23 : i32
    %dma_start3A_210 = arith.constant 5888 : i32
    %dma_start3A_211 = tpu.memref_slice %arg8[%dma_start3A_210] : memref<12288xf32, #tpu.memory_space<vmem>> -> memref<256xf32, #tpu.memory_space<vmem>>
    %dma_start3A_212 = tpu.memref_slice %arg3[%dma_start3A_209, %mul3A_2] : memref<48x8192xf32, #tpu.memory_space<hbm>> -> memref<1x256xf32, #tpu.memory_space<hbm>>
    %dma_start3A_213 = tpu.memref_squeeze %dma_start3A_212 : memref<1x256xf32, #tpu.memory_space<hbm>> -> memref<256xf32, #tpu.memory_space<hbm>>
    %dma_start3A_214 = arith.constant 5888 : i32
    %dma_start3A_215 = tpu.memref_slice %arg8[%dma_start3A_214] : memref<12288xf32, #tpu.memory_space<vmem>> -> memref<256xf32, #tpu.memory_space<vmem>>
    %dma_start3A_216 = tpu.memref_slice %arg3[%dma_start3A_209, %mul3A_2] : memref<48x8192xf32, #tpu.memory_space<hbm>> -> memref<1x256xf32, #tpu.memory_space<hbm>>
    %dma_start3A_217 = tpu.memref_squeeze %dma_start3A_216 : memref<1x256xf32, #tpu.memory_space<hbm>> -> memref<256xf32, #tpu.memory_space<hbm>>
    tpu.enqueue_dma source(%dma_start3A_217 : memref<256xf32, #tpu.memory_space<hbm>>) target(%dma_start3A_215 : memref<256xf32, #tpu.memory_space<vmem>>) target_semaphore(%arg12 : memref<!tpu.dma_semaphore, #tpu.memory_space<semaphore_mem>>)
    %dma_start3A_218 = arith.constant 24 : i32
    %dma_start3A_219 = arith.constant 6144 : i32
    %dma_start3A_220 = tpu.memref_slice %arg8[%dma_start3A_219] : memref<12288xf32, #tpu.memory_space<vmem>> -> memref<256xf32, #tpu.memory_space<vmem>>
    %dma_start3A_221 = tpu.memref_slice %arg3[%dma_start3A_218, %mul3A_2] : memref<48x8192xf32, #tpu.memory_space<hbm>> -> memref<1x256xf32, #tpu.memory_space<hbm>>
    %dma_start3A_222 = tpu.memref_squeeze %dma_start3A_221 : memref<1x256xf32, #tpu.memory_space<hbm>> -> memref<256xf32, #tpu.memory_space<hbm>>
    %dma_start3A_223 = arith.constant 6144 : i32
    %dma_start3A_224 = tpu.memref_slice %arg8[%dma_start3A_223] : memref<12288xf32, #tpu.memory_space<vmem>> -> memref<256xf32, #tpu.memory_space<vmem>>
    %dma_start3A_225 = tpu.memref_slice %arg3[%dma_start3A_218, %mul3A_2] : memref<48x8192xf32, #tpu.memory_space<hbm>> -> memref<1x256xf32, #tpu.memory_space<hbm>>
    %dma_start3A_226 = tpu.memref_squeeze %dma_start3A_225 : memref<1x256xf32, #tpu.memory_space<hbm>> -> memref<256xf32, #tpu.memory_space<hbm>>
    tpu.enqueue_dma source(%dma_start3A_226 : memref<256xf32, #tpu.memory_space<hbm>>) target(%dma_start3A_224 : memref<256xf32, #tpu.memory_space<vmem>>) target_semaphore(%arg12 : memref<!tpu.dma_semaphore, #tpu.memory_space<semaphore_mem>>)
    %dma_start3A_227 = arith.constant 25 : i32
    %dma_start3A_228 = arith.constant 6400 : i32
    %dma_start3A_229 = tpu.memref_slice %arg8[%dma_start3A_228] : memref<12288xf32, #tpu.memory_space<vmem>> -> memref<256xf32, #tpu.memory_space<vmem>>
    %dma_start3A_230 = tpu.memref_slice %arg3[%dma_start3A_227, %mul3A_2] : memref<48x8192xf32, #tpu.memory_space<hbm>> -> memref<1x256xf32, #tpu.memory_space<hbm>>
    %dma_start3A_231 = tpu.memref_squeeze %dma_start3A_230 : memref<1x256xf32, #tpu.memory_space<hbm>> -> memref<256xf32, #tpu.memory_space<hbm>>
    %dma_start3A_232 = arith.constant 6400 : i32
    %dma_start3A_233 = tpu.memref_slice %arg8[%dma_start3A_232] : memref<12288xf32, #tpu.memory_space<vmem>> -> memref<256xf32, #tpu.memory_space<vmem>>
    %dma_start3A_234 = tpu.memref_slice %arg3[%dma_start3A_227, %mul3A_2] : memref<48x8192xf32, #tpu.memory_space<hbm>> -> memref<1x256xf32, #tpu.memory_space<hbm>>
    %dma_start3A_235 = tpu.memref_squeeze %dma_start3A_234 : memref<1x256xf32, #tpu.memory_space<hbm>> -> memref<256xf32, #tpu.memory_space<hbm>>
    tpu.enqueue_dma source(%dma_start3A_235 : memref<256xf32, #tpu.memory_space<hbm>>) target(%dma_start3A_233 : memref<256xf32, #tpu.memory_space<vmem>>) target_semaphore(%arg12 : memref<!tpu.dma_semaphore, #tpu.memory_space<semaphore_mem>>)
    %dma_start3A_236 = arith.constant 26 : i32
    %dma_start3A_237 = arith.constant 6656 : i32
    %dma_start3A_238 = tpu.memref_slice %arg8[%dma_start3A_237] : memref<12288xf32, #tpu.memory_space<vmem>> -> memref<256xf32, #tpu.memory_space<vmem>>
    %dma_start3A_239 = tpu.memref_slice %arg3[%dma_start3A_236, %mul3A_2] : memref<48x8192xf32, #tpu.memory_space<hbm>> -> memref<1x256xf32, #tpu.memory_space<hbm>>
    %dma_start3A_240 = tpu.memref_squeeze %dma_start3A_239 : memref<1x256xf32, #tpu.memory_space<hbm>> -> memref<256xf32, #tpu.memory_space<hbm>>
    %dma_start3A_241 = arith.constant 6656 : i32
    %dma_start3A_242 = tpu.memref_slice %arg8[%dma_start3A_241] : memref<12288xf32, #tpu.memory_space<vmem>> -> memref<256xf32, #tpu.memory_space<vmem>>
    %dma_start3A_243 = tpu.memref_slice %arg3[%dma_start3A_236, %mul3A_2] : memref<48x8192xf32, #tpu.memory_space<hbm>> -> memref<1x256xf32, #tpu.memory_space<hbm>>
    %dma_start3A_244 = tpu.memref_squeeze %dma_start3A_243 : memref<1x256xf32, #tpu.memory_space<hbm>> -> memref<256xf32, #tpu.memory_space<hbm>>
    tpu.enqueue_dma source(%dma_start3A_244 : memref<256xf32, #tpu.memory_space<hbm>>) target(%dma_start3A_242 : memref<256xf32, #tpu.memory_space<vmem>>) target_semaphore(%arg12 : memref<!tpu.dma_semaphore, #tpu.memory_space<semaphore_mem>>)
    %dma_start3A_245 = arith.constant 27 : i32
    %dma_start3A_246 = arith.constant 6912 : i32
    %dma_start3A_247 = tpu.memref_slice %arg8[%dma_start3A_246] : memref<12288xf32, #tpu.memory_space<vmem>> -> memref<256xf32, #tpu.memory_space<vmem>>
    %dma_start3A_248 = tpu.memref_slice %arg3[%dma_start3A_245, %mul3A_2] : memref<48x8192xf32, #tpu.memory_space<hbm>> -> memref<1x256xf32, #tpu.memory_space<hbm>>
    %dma_start3A_249 = tpu.memref_squeeze %dma_start3A_248 : memref<1x256xf32, #tpu.memory_space<hbm>> -> memref<256xf32, #tpu.memory_space<hbm>>
    %dma_start3A_250 = arith.constant 6912 : i32
    %dma_start3A_251 = tpu.memref_slice %arg8[%dma_start3A_250] : memref<12288xf32, #tpu.memory_space<vmem>> -> memref<256xf32, #tpu.memory_space<vmem>>
    %dma_start3A_252 = tpu.memref_slice %arg3[%dma_start3A_245, %mul3A_2] : memref<48x8192xf32, #tpu.memory_space<hbm>> -> memref<1x256xf32, #tpu.memory_space<hbm>>
    %dma_start3A_253 = tpu.memref_squeeze %dma_start3A_252 : memref<1x256xf32, #tpu.memory_space<hbm>> -> memref<256xf32, #tpu.memory_space<hbm>>
    tpu.enqueue_dma source(%dma_start3A_253 : memref<256xf32, #tpu.memory_space<hbm>>) target(%dma_start3A_251 : memref<256xf32, #tpu.memory_space<vmem>>) target_semaphore(%arg12 : memref<!tpu.dma_semaphore, #tpu.memory_space<semaphore_mem>>)
    %dma_start3A_254 = arith.constant 28 : i32
    %dma_start3A_255 = arith.constant 7168 : i32
    %dma_start3A_256 = tpu.memref_slice %arg8[%dma_start3A_255] : memref<12288xf32, #tpu.memory_space<vmem>> -> memref<256xf32, #tpu.memory_space<vmem>>
    %dma_start3A_257 = tpu.memref_slice %arg3[%dma_start3A_254, %mul3A_2] : memref<48x8192xf32, #tpu.memory_space<hbm>> -> memref<1x256xf32, #tpu.memory_space<hbm>>
    %dma_start3A_258 = tpu.memref_squeeze %dma_start3A_257 : memref<1x256xf32, #tpu.memory_space<hbm>> -> memref<256xf32, #tpu.memory_space<hbm>>
    %dma_start3A_259 = arith.constant 7168 : i32
    %dma_start3A_260 = tpu.memref_slice %arg8[%dma_start3A_259] : memref<12288xf32, #tpu.memory_space<vmem>> -> memref<256xf32, #tpu.memory_space<vmem>>
    %dma_start3A_261 = tpu.memref_slice %arg3[%dma_start3A_254, %mul3A_2] : memref<48x8192xf32, #tpu.memory_space<hbm>> -> memref<1x256xf32, #tpu.memory_space<hbm>>
    %dma_start3A_262 = tpu.memref_squeeze %dma_start3A_261 : memref<1x256xf32, #tpu.memory_space<hbm>> -> memref<256xf32, #tpu.memory_space<hbm>>
    tpu.enqueue_dma source(%dma_start3A_262 : memref<256xf32, #tpu.memory_space<hbm>>) target(%dma_start3A_260 : memref<256xf32, #tpu.memory_space<vmem>>) target_semaphore(%arg12 : memref<!tpu.dma_semaphore, #tpu.memory_space<semaphore_mem>>)
    %dma_start3A_263 = arith.constant 29 : i32
    %dma_start3A_264 = arith.constant 7424 : i32
    %dma_start3A_265 = tpu.memref_slice %arg8[%dma_start3A_264] : memref<12288xf32, #tpu.memory_space<vmem>> -> memref<256xf32, #tpu.memory_space<vmem>>
    %dma_start3A_266 = tpu.memref_slice %arg3[%dma_start3A_263, %mul3A_2] : memref<48x8192xf32, #tpu.memory_space<hbm>> -> memref<1x256xf32, #tpu.memory_space<hbm>>
    %dma_start3A_267 = tpu.memref_squeeze %dma_start3A_266 : memref<1x256xf32, #tpu.memory_space<hbm>> -> memref<256xf32, #tpu.memory_space<hbm>>
    %dma_start3A_268 = arith.constant 7424 : i32
    %dma_start3A_269 = tpu.memref_slice %arg8[%dma_start3A_268] : memref<12288xf32, #tpu.memory_space<vmem>> -> memref<256xf32, #tpu.memory_space<vmem>>
    %dma_start3A_270 = tpu.memref_slice %arg3[%dma_start3A_263, %mul3A_2] : memref<48x8192xf32, #tpu.memory_space<hbm>> -> memref<1x256xf32, #tpu.memory_space<hbm>>
    %dma_start3A_271 = tpu.memref_squeeze %dma_start3A_270 : memref<1x256xf32, #tpu.memory_space<hbm>> -> memref<256xf32, #tpu.memory_space<hbm>>
    tpu.enqueue_dma source(%dma_start3A_271 : memref<256xf32, #tpu.memory_space<hbm>>) target(%dma_start3A_269 : memref<256xf32, #tpu.memory_space<vmem>>) target_semaphore(%arg12 : memref<!tpu.dma_semaphore, #tpu.memory_space<semaphore_mem>>)
    %dma_start3A_272 = arith.constant 30 : i32
    %dma_start3A_273 = arith.constant 7680 : i32
    %dma_start3A_274 = tpu.memref_slice %arg8[%dma_start3A_273] : memref<12288xf32, #tpu.memory_space<vmem>> -> memref<256xf32, #tpu.memory_space<vmem>>
    %dma_start3A_275 = tpu.memref_slice %arg3[%dma_start3A_272, %mul3A_2] : memref<48x8192xf32, #tpu.memory_space<hbm>> -> memref<1x256xf32, #tpu.memory_space<hbm>>
    %dma_start3A_276 = tpu.memref_squeeze %dma_start3A_275 : memref<1x256xf32, #tpu.memory_space<hbm>> -> memref<256xf32, #tpu.memory_space<hbm>>
    %dma_start3A_277 = arith.constant 7680 : i32
    %dma_start3A_278 = tpu.memref_slice %arg8[%dma_start3A_277] : memref<12288xf32, #tpu.memory_space<vmem>> -> memref<256xf32, #tpu.memory_space<vmem>>
    %dma_start3A_279 = tpu.memref_slice %arg3[%dma_start3A_272, %mul3A_2] : memref<48x8192xf32, #tpu.memory_space<hbm>> -> memref<1x256xf32, #tpu.memory_space<hbm>>
    %dma_start3A_280 = tpu.memref_squeeze %dma_start3A_279 : memref<1x256xf32, #tpu.memory_space<hbm>> -> memref<256xf32, #tpu.memory_space<hbm>>
    tpu.enqueue_dma source(%dma_start3A_280 : memref<256xf32, #tpu.memory_space<hbm>>) target(%dma_start3A_278 : memref<256xf32, #tpu.memory_space<vmem>>) target_semaphore(%arg12 : memref<!tpu.dma_semaphore, #tpu.memory_space<semaphore_mem>>)
    %dma_start3A_281 = arith.constant 31 : i32
    %dma_start3A_282 = arith.constant 7936 : i32
    %dma_start3A_283 = tpu.memref_slice %arg8[%dma_start3A_282] : memref<12288xf32, #tpu.memory_space<vmem>> -> memref<256xf32, #tpu.memory_space<vmem>>
    %dma_start3A_284 = tpu.memref_slice %arg3[%dma_start3A_281, %mul3A_2] : memref<48x8192xf32, #tpu.memory_space<hbm>> -> memref<1x256xf32, #tpu.memory_space<hbm>>
    %dma_start3A_285 = tpu.memref_squeeze %dma_start3A_284 : memref<1x256xf32, #tpu.memory_space<hbm>> -> memref<256xf32, #tpu.memory_space<hbm>>
    %dma_start3A_286 = arith.constant 7936 : i32
    %dma_start3A_287 = tpu.memref_slice %arg8[%dma_start3A_286] : memref<12288xf32, #tpu.memory_space<vmem>> -> memref<256xf32, #tpu.memory_space<vmem>>
    %dma_start3A_288 = tpu.memref_slice %arg3[%dma_start3A_281, %mul3A_2] : memref<48x8192xf32, #tpu.memory_space<hbm>> -> memref<1x256xf32, #tpu.memory_space<hbm>>
    %dma_start3A_289 = tpu.memref_squeeze %dma_start3A_288 : memref<1x256xf32, #tpu.memory_space<hbm>> -> memref<256xf32, #tpu.memory_space<hbm>>
    tpu.enqueue_dma source(%dma_start3A_289 : memref<256xf32, #tpu.memory_space<hbm>>) target(%dma_start3A_287 : memref<256xf32, #tpu.memory_space<vmem>>) target_semaphore(%arg12 : memref<!tpu.dma_semaphore, #tpu.memory_space<semaphore_mem>>)
    %dma_start3A_290 = arith.constant 32 : i32
    %dma_start3A_291 = arith.constant 8192 : i32
    %dma_start3A_292 = tpu.memref_slice %arg8[%dma_start3A_291] : memref<12288xf32, #tpu.memory_space<vmem>> -> memref<256xf32, #tpu.memory_space<vmem>>
    %dma_start3A_293 = tpu.memref_slice %arg3[%dma_start3A_290, %mul3A_2] : memref<48x8192xf32, #tpu.memory_space<hbm>> -> memref<1x256xf32, #tpu.memory_space<hbm>>
    %dma_start3A_294 = tpu.memref_squeeze %dma_start3A_293 : memref<1x256xf32, #tpu.memory_space<hbm>> -> memref<256xf32, #tpu.memory_space<hbm>>
    %dma_start3A_295 = arith.constant 8192 : i32
    %dma_start3A_296 = tpu.memref_slice %arg8[%dma_start3A_295] : memref<12288xf32, #tpu.memory_space<vmem>> -> memref<256xf32, #tpu.memory_space<vmem>>
    %dma_start3A_297 = tpu.memref_slice %arg3[%dma_start3A_290, %mul3A_2] : memref<48x8192xf32, #tpu.memory_space<hbm>> -> memref<1x256xf32, #tpu.memory_space<hbm>>
    %dma_start3A_298 = tpu.memref_squeeze %dma_start3A_297 : memref<1x256xf32, #tpu.memory_space<hbm>> -> memref<256xf32, #tpu.memory_space<hbm>>
    tpu.enqueue_dma source(%dma_start3A_298 : memref<256xf32, #tpu.memory_space<hbm>>) target(%dma_start3A_296 : memref<256xf32, #tpu.memory_space<vmem>>) target_semaphore(%arg12 : memref<!tpu.dma_semaphore, #tpu.memory_space<semaphore_mem>>)
    %dma_start3A_299 = arith.constant 33 : i32
    %dma_start3A_300 = arith.constant 8448 : i32
    %dma_start3A_301 = tpu.memref_slice %arg8[%dma_start3A_300] : memref<12288xf32, #tpu.memory_space<vmem>> -> memref<256xf32, #tpu.memory_space<vmem>>
    %dma_start3A_302 = tpu.memref_slice %arg3[%dma_start3A_299, %mul3A_2] : memref<48x8192xf32, #tpu.memory_space<hbm>> -> memref<1x256xf32, #tpu.memory_space<hbm>>
    %dma_start3A_303 = tpu.memref_squeeze %dma_start3A_302 : memref<1x256xf32, #tpu.memory_space<hbm>> -> memref<256xf32, #tpu.memory_space<hbm>>
    %dma_start3A_304 = arith.constant 8448 : i32
    %dma_start3A_305 = tpu.memref_slice %arg8[%dma_start3A_304] : memref<12288xf32, #tpu.memory_space<vmem>> -> memref<256xf32, #tpu.memory_space<vmem>>
    %dma_start3A_306 = tpu.memref_slice %arg3[%dma_start3A_299, %mul3A_2] : memref<48x8192xf32, #tpu.memory_space<hbm>> -> memref<1x256xf32, #tpu.memory_space<hbm>>
    %dma_start3A_307 = tpu.memref_squeeze %dma_start3A_306 : memref<1x256xf32, #tpu.memory_space<hbm>> -> memref<256xf32, #tpu.memory_space<hbm>>
    tpu.enqueue_dma source(%dma_start3A_307 : memref<256xf32, #tpu.memory_space<hbm>>) target(%dma_start3A_305 : memref<256xf32, #tpu.memory_space<vmem>>) target_semaphore(%arg12 : memref<!tpu.dma_semaphore, #tpu.memory_space<semaphore_mem>>)
    %dma_start3A_308 = arith.constant 34 : i32
    %dma_start3A_309 = arith.constant 8704 : i32
    %dma_start3A_310 = tpu.memref_slice %arg8[%dma_start3A_309] : memref<12288xf32, #tpu.memory_space<vmem>> -> memref<256xf32, #tpu.memory_space<vmem>>
    %dma_start3A_311 = tpu.memref_slice %arg3[%dma_start3A_308, %mul3A_2] : memref<48x8192xf32, #tpu.memory_space<hbm>> -> memref<1x256xf32, #tpu.memory_space<hbm>>
    %dma_start3A_312 = tpu.memref_squeeze %dma_start3A_311 : memref<1x256xf32, #tpu.memory_space<hbm>> -> memref<256xf32, #tpu.memory_space<hbm>>
    %dma_start3A_313 = arith.constant 8704 : i32
    %dma_start3A_314 = tpu.memref_slice %arg8[%dma_start3A_313] : memref<12288xf32, #tpu.memory_space<vmem>> -> memref<256xf32, #tpu.memory_space<vmem>>
    %dma_start3A_315 = tpu.memref_slice %arg3[%dma_start3A_308, %mul3A_2] : memref<48x8192xf32, #tpu.memory_space<hbm>> -> memref<1x256xf32, #tpu.memory_space<hbm>>
    %dma_start3A_316 = tpu.memref_squeeze %dma_start3A_315 : memref<1x256xf32, #tpu.memory_space<hbm>> -> memref<256xf32, #tpu.memory_space<hbm>>
    tpu.enqueue_dma source(%dma_start3A_316 : memref<256xf32, #tpu.memory_space<hbm>>) target(%dma_start3A_314 : memref<256xf32, #tpu.memory_space<vmem>>) target_semaphore(%arg12 : memref<!tpu.dma_semaphore, #tpu.memory_space<semaphore_mem>>)
    %dma_start3A_317 = arith.constant 35 : i32
    %dma_start3A_318 = arith.constant 8960 : i32
    %dma_start3A_319 = tpu.memref_slice %arg8[%dma_start3A_318] : memref<12288xf32, #tpu.memory_space<vmem>> -> memref<256xf32, #tpu.memory_space<vmem>>
    %dma_start3A_320 = tpu.memref_slice %arg3[%dma_start3A_317, %mul3A_2] : memref<48x8192xf32, #tpu.memory_space<hbm>> -> memref<1x256xf32, #tpu.memory_space<hbm>>
    %dma_start3A_321 = tpu.memref_squeeze %dma_start3A_320 : memref<1x256xf32, #tpu.memory_space<hbm>> -> memref<256xf32, #tpu.memory_space<hbm>>
    %dma_start3A_322 = arith.constant 8960 : i32
    %dma_start3A_323 = tpu.memref_slice %arg8[%dma_start3A_322] : memref<12288xf32, #tpu.memory_space<vmem>> -> memref<256xf32, #tpu.memory_space<vmem>>
    %dma_start3A_324 = tpu.memref_slice %arg3[%dma_start3A_317, %mul3A_2] : memref<48x8192xf32, #tpu.memory_space<hbm>> -> memref<1x256xf32, #tpu.memory_space<hbm>>
    %dma_start3A_325 = tpu.memref_squeeze %dma_start3A_324 : memref<1x256xf32, #tpu.memory_space<hbm>> -> memref<256xf32, #tpu.memory_space<hbm>>
    tpu.enqueue_dma source(%dma_start3A_325 : memref<256xf32, #tpu.memory_space<hbm>>) target(%dma_start3A_323 : memref<256xf32, #tpu.memory_space<vmem>>) target_semaphore(%arg12 : memref<!tpu.dma_semaphore, #tpu.memory_space<semaphore_mem>>)
    %dma_start3A_326 = arith.constant 36 : i32
    %dma_start3A_327 = arith.constant 9216 : i32
    %dma_start3A_328 = tpu.memref_slice %arg8[%dma_start3A_327] : memref<12288xf32, #tpu.memory_space<vmem>> -> memref<256xf32, #tpu.memory_space<vmem>>
    %dma_start3A_329 = tpu.memref_slice %arg3[%dma_start3A_326, %mul3A_2] : memref<48x8192xf32, #tpu.memory_space<hbm>> -> memref<1x256xf32, #tpu.memory_space<hbm>>
    %dma_start3A_330 = tpu.memref_squeeze %dma_start3A_329 : memref<1x256xf32, #tpu.memory_space<hbm>> -> memref<256xf32, #tpu.memory_space<hbm>>
    %dma_start3A_331 = arith.constant 9216 : i32
    %dma_start3A_332 = tpu.memref_slice %arg8[%dma_start3A_331] : memref<12288xf32, #tpu.memory_space<vmem>> -> memref<256xf32, #tpu.memory_space<vmem>>
    %dma_start3A_333 = tpu.memref_slice %arg3[%dma_start3A_326, %mul3A_2] : memref<48x8192xf32, #tpu.memory_space<hbm>> -> memref<1x256xf32, #tpu.memory_space<hbm>>
    %dma_start3A_334 = tpu.memref_squeeze %dma_start3A_333 : memref<1x256xf32, #tpu.memory_space<hbm>> -> memref<256xf32, #tpu.memory_space<hbm>>
    tpu.enqueue_dma source(%dma_start3A_334 : memref<256xf32, #tpu.memory_space<hbm>>) target(%dma_start3A_332 : memref<256xf32, #tpu.memory_space<vmem>>) target_semaphore(%arg12 : memref<!tpu.dma_semaphore, #tpu.memory_space<semaphore_mem>>)
    %dma_start3A_335 = arith.constant 37 : i32
    %dma_start3A_336 = arith.constant 9472 : i32
    %dma_start3A_337 = tpu.memref_slice %arg8[%dma_start3A_336] : memref<12288xf32, #tpu.memory_space<vmem>> -> memref<256xf32, #tpu.memory_space<vmem>>
    %dma_start3A_338 = tpu.memref_slice %arg3[%dma_start3A_335, %mul3A_2] : memref<48x8192xf32, #tpu.memory_space<hbm>> -> memref<1x256xf32, #tpu.memory_space<hbm>>
    %dma_start3A_339 = tpu.memref_squeeze %dma_start3A_338 : memref<1x256xf32, #tpu.memory_space<hbm>> -> memref<256xf32, #tpu.memory_space<hbm>>
    %dma_start3A_340 = arith.constant 9472 : i32
    %dma_start3A_341 = tpu.memref_slice %arg8[%dma_start3A_340] : memref<12288xf32, #tpu.memory_space<vmem>> -> memref<256xf32, #tpu.memory_space<vmem>>
    %dma_start3A_342 = tpu.memref_slice %arg3[%dma_start3A_335, %mul3A_2] : memref<48x8192xf32, #tpu.memory_space<hbm>> -> memref<1x256xf32, #tpu.memory_space<hbm>>
    %dma_start3A_343 = tpu.memref_squeeze %dma_start3A_342 : memref<1x256xf32, #tpu.memory_space<hbm>> -> memref<256xf32, #tpu.memory_space<hbm>>
    tpu.enqueue_dma source(%dma_start3A_343 : memref<256xf32, #tpu.memory_space<hbm>>) target(%dma_start3A_341 : memref<256xf32, #tpu.memory_space<vmem>>) target_semaphore(%arg12 : memref<!tpu.dma_semaphore, #tpu.memory_space<semaphore_mem>>)
    %dma_start3A_344 = arith.constant 38 : i32
    %dma_start3A_345 = arith.constant 9728 : i32
    %dma_start3A_346 = tpu.memref_slice %arg8[%dma_start3A_345] : memref<12288xf32, #tpu.memory_space<vmem>> -> memref<256xf32, #tpu.memory_space<vmem>>
    %dma_start3A_347 = tpu.memref_slice %arg3[%dma_start3A_344, %mul3A_2] : memref<48x8192xf32, #tpu.memory_space<hbm>> -> memref<1x256xf32, #tpu.memory_space<hbm>>
    %dma_start3A_348 = tpu.memref_squeeze %dma_start3A_347 : memref<1x256xf32, #tpu.memory_space<hbm>> -> memref<256xf32, #tpu.memory_space<hbm>>
    %dma_start3A_349 = arith.constant 9728 : i32
    %dma_start3A_350 = tpu.memref_slice %arg8[%dma_start3A_349] : memref<12288xf32, #tpu.memory_space<vmem>> -> memref<256xf32, #tpu.memory_space<vmem>>
    %dma_start3A_351 = tpu.memref_slice %arg3[%dma_start3A_344, %mul3A_2] : memref<48x8192xf32, #tpu.memory_space<hbm>> -> memref<1x256xf32, #tpu.memory_space<hbm>>
    %dma_start3A_352 = tpu.memref_squeeze %dma_start3A_351 : memref<1x256xf32, #tpu.memory_space<hbm>> -> memref<256xf32, #tpu.memory_space<hbm>>
    tpu.enqueue_dma source(%dma_start3A_352 : memref<256xf32, #tpu.memory_space<hbm>>) target(%dma_start3A_350 : memref<256xf32, #tpu.memory_space<vmem>>) target_semaphore(%arg12 : memref<!tpu.dma_semaphore, #tpu.memory_space<semaphore_mem>>)
    %dma_start3A_353 = arith.constant 39 : i32
    %dma_start3A_354 = arith.constant 9984 : i32
    %dma_start3A_355 = tpu.memref_slice %arg8[%dma_start3A_354] : memref<12288xf32, #tpu.memory_space<vmem>> -> memref<256xf32, #tpu.memory_space<vmem>>
    %dma_start3A_356 = tpu.memref_slice %arg3[%dma_start3A_353, %mul3A_2] : memref<48x8192xf32, #tpu.memory_space<hbm>> -> memref<1x256xf32, #tpu.memory_space<hbm>>
    %dma_start3A_357 = tpu.memref_squeeze %dma_start3A_356 : memref<1x256xf32, #tpu.memory_space<hbm>> -> memref<256xf32, #tpu.memory_space<hbm>>
    %dma_start3A_358 = arith.constant 9984 : i32
    %dma_start3A_359 = tpu.memref_slice %arg8[%dma_start3A_358] : memref<12288xf32, #tpu.memory_space<vmem>> -> memref<256xf32, #tpu.memory_space<vmem>>
    %dma_start3A_360 = tpu.memref_slice %arg3[%dma_start3A_353, %mul3A_2] : memref<48x8192xf32, #tpu.memory_space<hbm>> -> memref<1x256xf32, #tpu.memory_space<hbm>>
    %dma_start3A_361 = tpu.memref_squeeze %dma_start3A_360 : memref<1x256xf32, #tpu.memory_space<hbm>> -> memref<256xf32, #tpu.memory_space<hbm>>
    tpu.enqueue_dma source(%dma_start3A_361 : memref<256xf32, #tpu.memory_space<hbm>>) target(%dma_start3A_359 : memref<256xf32, #tpu.memory_space<vmem>>) target_semaphore(%arg12 : memref<!tpu.dma_semaphore, #tpu.memory_space<semaphore_mem>>)
    %dma_start3A_362 = arith.constant 40 : i32
    %dma_start3A_363 = arith.constant 10240 : i32
    %dma_start3A_364 = tpu.memref_slice %arg8[%dma_start3A_363] : memref<12288xf32, #tpu.memory_space<vmem>> -> memref<256xf32, #tpu.memory_space<vmem>>
    %dma_start3A_365 = tpu.memref_slice %arg3[%dma_start3A_362, %mul3A_2] : memref<48x8192xf32, #tpu.memory_space<hbm>> -> memref<1x256xf32, #tpu.memory_space<hbm>>
    %dma_start3A_366 = tpu.memref_squeeze %dma_start3A_365 : memref<1x256xf32, #tpu.memory_space<hbm>> -> memref<256xf32, #tpu.memory_space<hbm>>
    %dma_start3A_367 = arith.constant 10240 : i32
    %dma_start3A_368 = tpu.memref_slice %arg8[%dma_start3A_367] : memref<12288xf32, #tpu.memory_space<vmem>> -> memref<256xf32, #tpu.memory_space<vmem>>
    %dma_start3A_369 = tpu.memref_slice %arg3[%dma_start3A_362, %mul3A_2] : memref<48x8192xf32, #tpu.memory_space<hbm>> -> memref<1x256xf32, #tpu.memory_space<hbm>>
    %dma_start3A_370 = tpu.memref_squeeze %dma_start3A_369 : memref<1x256xf32, #tpu.memory_space<hbm>> -> memref<256xf32, #tpu.memory_space<hbm>>
    tpu.enqueue_dma source(%dma_start3A_370 : memref<256xf32, #tpu.memory_space<hbm>>) target(%dma_start3A_368 : memref<256xf32, #tpu.memory_space<vmem>>) target_semaphore(%arg12 : memref<!tpu.dma_semaphore, #tpu.memory_space<semaphore_mem>>)
    %dma_start3A_371 = arith.constant 41 : i32
    %dma_start3A_372 = arith.constant 10496 : i32
    %dma_start3A_373 = tpu.memref_slice %arg8[%dma_start3A_372] : memref<12288xf32, #tpu.memory_space<vmem>> -> memref<256xf32, #tpu.memory_space<vmem>>
    %dma_start3A_374 = tpu.memref_slice %arg3[%dma_start3A_371, %mul3A_2] : memref<48x8192xf32, #tpu.memory_space<hbm>> -> memref<1x256xf32, #tpu.memory_space<hbm>>
    %dma_start3A_375 = tpu.memref_squeeze %dma_start3A_374 : memref<1x256xf32, #tpu.memory_space<hbm>> -> memref<256xf32, #tpu.memory_space<hbm>>
    %dma_start3A_376 = arith.constant 10496 : i32
    %dma_start3A_377 = tpu.memref_slice %arg8[%dma_start3A_376] : memref<12288xf32, #tpu.memory_space<vmem>> -> memref<256xf32, #tpu.memory_space<vmem>>
    %dma_start3A_378 = tpu.memref_slice %arg3[%dma_start3A_371, %mul3A_2] : memref<48x8192xf32, #tpu.memory_space<hbm>> -> memref<1x256xf32, #tpu.memory_space<hbm>>
    %dma_start3A_379 = tpu.memref_squeeze %dma_start3A_378 : memref<1x256xf32, #tpu.memory_space<hbm>> -> memref<256xf32, #tpu.memory_space<hbm>>
    tpu.enqueue_dma source(%dma_start3A_379 : memref<256xf32, #tpu.memory_space<hbm>>) target(%dma_start3A_377 : memref<256xf32, #tpu.memory_space<vmem>>) target_semaphore(%arg12 : memref<!tpu.dma_semaphore, #tpu.memory_space<semaphore_mem>>)
    %dma_start3A_380 = arith.constant 42 : i32
    %dma_start3A_381 = arith.constant 10752 : i32
    %dma_start3A_382 = tpu.memref_slice %arg8[%dma_start3A_381] : memref<12288xf32, #tpu.memory_space<vmem>> -> memref<256xf32, #tpu.memory_space<vmem>>
    %dma_start3A_383 = tpu.memref_slice %arg3[%dma_start3A_380, %mul3A_2] : memref<48x8192xf32, #tpu.memory_space<hbm>> -> memref<1x256xf32, #tpu.memory_space<hbm>>
    %dma_start3A_384 = tpu.memref_squeeze %dma_start3A_383 : memref<1x256xf32, #tpu.memory_space<hbm>> -> memref<256xf32, #tpu.memory_space<hbm>>
    %dma_start3A_385 = arith.constant 10752 : i32
    %dma_start3A_386 = tpu.memref_slice %arg8[%dma_start3A_385] : memref<12288xf32, #tpu.memory_space<vmem>> -> memref<256xf32, #tpu.memory_space<vmem>>
    %dma_start3A_387 = tpu.memref_slice %arg3[%dma_start3A_380, %mul3A_2] : memref<48x8192xf32, #tpu.memory_space<hbm>> -> memref<1x256xf32, #tpu.memory_space<hbm>>
    %dma_start3A_388 = tpu.memref_squeeze %dma_start3A_387 : memref<1x256xf32, #tpu.memory_space<hbm>> -> memref<256xf32, #tpu.memory_space<hbm>>
    tpu.enqueue_dma source(%dma_start3A_388 : memref<256xf32, #tpu.memory_space<hbm>>) target(%dma_start3A_386 : memref<256xf32, #tpu.memory_space<vmem>>) target_semaphore(%arg12 : memref<!tpu.dma_semaphore, #tpu.memory_space<semaphore_mem>>)
    %dma_start3A_389 = arith.constant 43 : i32
    %dma_start3A_390 = arith.constant 11008 : i32
    %dma_start3A_391 = tpu.memref_slice %arg8[%dma_start3A_390] : memref<12288xf32, #tpu.memory_space<vmem>> -> memref<256xf32, #tpu.memory_space<vmem>>
    %dma_start3A_392 = tpu.memref_slice %arg3[%dma_start3A_389, %mul3A_2] : memref<48x8192xf32, #tpu.memory_space<hbm>> -> memref<1x256xf32, #tpu.memory_space<hbm>>
    %dma_start3A_393 = tpu.memref_squeeze %dma_start3A_392 : memref<1x256xf32, #tpu.memory_space<hbm>> -> memref<256xf32, #tpu.memory_space<hbm>>
    %dma_start3A_394 = arith.constant 11008 : i32
    %dma_start3A_395 = tpu.memref_slice %arg8[%dma_start3A_394] : memref<12288xf32, #tpu.memory_space<vmem>> -> memref<256xf32, #tpu.memory_space<vmem>>
    %dma_start3A_396 = tpu.memref_slice %arg3[%dma_start3A_389, %mul3A_2] : memref<48x8192xf32, #tpu.memory_space<hbm>> -> memref<1x256xf32, #tpu.memory_space<hbm>>
    %dma_start3A_397 = tpu.memref_squeeze %dma_start3A_396 : memref<1x256xf32, #tpu.memory_space<hbm>> -> memref<256xf32, #tpu.memory_space<hbm>>
    tpu.enqueue_dma source(%dma_start3A_397 : memref<256xf32, #tpu.memory_space<hbm>>) target(%dma_start3A_395 : memref<256xf32, #tpu.memory_space<vmem>>) target_semaphore(%arg12 : memref<!tpu.dma_semaphore, #tpu.memory_space<semaphore_mem>>)
    %dma_start3A_398 = arith.constant 44 : i32
    %dma_start3A_399 = arith.constant 11264 : i32
    %dma_start3A_400 = tpu.memref_slice %arg8[%dma_start3A_399] : memref<12288xf32, #tpu.memory_space<vmem>> -> memref<256xf32, #tpu.memory_space<vmem>>
    %dma_start3A_401 = tpu.memref_slice %arg3[%dma_start3A_398, %mul3A_2] : memref<48x8192xf32, #tpu.memory_space<hbm>> -> memref<1x256xf32, #tpu.memory_space<hbm>>
    %dma_start3A_402 = tpu.memref_squeeze %dma_start3A_401 : memref<1x256xf32, #tpu.memory_space<hbm>> -> memref<256xf32, #tpu.memory_space<hbm>>
    %dma_start3A_403 = arith.constant 11264 : i32
    %dma_start3A_404 = tpu.memref_slice %arg8[%dma_start3A_403] : memref<12288xf32, #tpu.memory_space<vmem>> -> memref<256xf32, #tpu.memory_space<vmem>>
    %dma_start3A_405 = tpu.memref_slice %arg3[%dma_start3A_398, %mul3A_2] : memref<48x8192xf32, #tpu.memory_space<hbm>> -> memref<1x256xf32, #tpu.memory_space<hbm>>
    %dma_start3A_406 = tpu.memref_squeeze %dma_start3A_405 : memref<1x256xf32, #tpu.memory_space<hbm>> -> memref<256xf32, #tpu.memory_space<hbm>>
    tpu.enqueue_dma source(%dma_start3A_406 : memref<256xf32, #tpu.memory_space<hbm>>) target(%dma_start3A_404 : memref<256xf32, #tpu.memory_space<vmem>>) target_semaphore(%arg12 : memref<!tpu.dma_semaphore, #tpu.memory_space<semaphore_mem>>)
    %dma_start3A_407 = arith.constant 45 : i32
    %dma_start3A_408 = arith.constant 11520 : i32
    %dma_start3A_409 = tpu.memref_slice %arg8[%dma_start3A_408] : memref<12288xf32, #tpu.memory_space<vmem>> -> memref<256xf32, #tpu.memory_space<vmem>>
    %dma_start3A_410 = tpu.memref_slice %arg3[%dma_start3A_407, %mul3A_2] : memref<48x8192xf32, #tpu.memory_space<hbm>> -> memref<1x256xf32, #tpu.memory_space<hbm>>
    %dma_start3A_411 = tpu.memref_squeeze %dma_start3A_410 : memref<1x256xf32, #tpu.memory_space<hbm>> -> memref<256xf32, #tpu.memory_space<hbm>>
    %dma_start3A_412 = arith.constant 11520 : i32
    %dma_start3A_413 = tpu.memref_slice %arg8[%dma_start3A_412] : memref<12288xf32, #tpu.memory_space<vmem>> -> memref<256xf32, #tpu.memory_space<vmem>>
    %dma_start3A_414 = tpu.memref_slice %arg3[%dma_start3A_407, %mul3A_2] : memref<48x8192xf32, #tpu.memory_space<hbm>> -> memref<1x256xf32, #tpu.memory_space<hbm>>
    %dma_start3A_415 = tpu.memref_squeeze %dma_start3A_414 : memref<1x256xf32, #tpu.memory_space<hbm>> -> memref<256xf32, #tpu.memory_space<hbm>>
    tpu.enqueue_dma source(%dma_start3A_415 : memref<256xf32, #tpu.memory_space<hbm>>) target(%dma_start3A_413 : memref<256xf32, #tpu.memory_space<vmem>>) target_semaphore(%arg12 : memref<!tpu.dma_semaphore, #tpu.memory_space<semaphore_mem>>)
    %dma_start3A_416 = arith.constant 46 : i32
    %dma_start3A_417 = arith.constant 11776 : i32
    %dma_start3A_418 = tpu.memref_slice %arg8[%dma_start3A_417] : memref<12288xf32, #tpu.memory_space<vmem>> -> memref<256xf32, #tpu.memory_space<vmem>>
    %dma_start3A_419 = tpu.memref_slice %arg3[%dma_start3A_416, %mul3A_2] : memref<48x8192xf32, #tpu.memory_space<hbm>> -> memref<1x256xf32, #tpu.memory_space<hbm>>
    %dma_start3A_420 = tpu.memref_squeeze %dma_start3A_419 : memref<1x256xf32, #tpu.memory_space<hbm>> -> memref<256xf32, #tpu.memory_space<hbm>>
    %dma_start3A_421 = arith.constant 11776 : i32
    %dma_start3A_422 = tpu.memref_slice %arg8[%dma_start3A_421] : memref<12288xf32, #tpu.memory_space<vmem>> -> memref<256xf32, #tpu.memory_space<vmem>>
    %dma_start3A_423 = tpu.memref_slice %arg3[%dma_start3A_416, %mul3A_2] : memref<48x8192xf32, #tpu.memory_space<hbm>> -> memref<1x256xf32, #tpu.memory_space<hbm>>
    %dma_start3A_424 = tpu.memref_squeeze %dma_start3A_423 : memref<1x256xf32, #tpu.memory_space<hbm>> -> memref<256xf32, #tpu.memory_space<hbm>>
    tpu.enqueue_dma source(%dma_start3A_424 : memref<256xf32, #tpu.memory_space<hbm>>) target(%dma_start3A_422 : memref<256xf32, #tpu.memory_space<vmem>>) target_semaphore(%arg12 : memref<!tpu.dma_semaphore, #tpu.memory_space<semaphore_mem>>)
    %dma_start3A_425 = arith.constant 47 : i32
    %dma_start3A_426 = arith.constant 12032 : i32
    %dma_start3A_427 = tpu.memref_slice %arg8[%dma_start3A_426] : memref<12288xf32, #tpu.memory_space<vmem>> -> memref<256xf32, #tpu.memory_space<vmem>>
    %dma_start3A_428 = tpu.memref_slice %arg3[%dma_start3A_425, %mul3A_2] : memref<48x8192xf32, #tpu.memory_space<hbm>> -> memref<1x256xf32, #tpu.memory_space<hbm>>
    %dma_start3A_429 = tpu.memref_squeeze %dma_start3A_428 : memref<1x256xf32, #tpu.memory_space<hbm>> -> memref<256xf32, #tpu.memory_space<hbm>>
    %dma_start3A_430 = arith.constant 12032 : i32
    %dma_start3A_431 = tpu.memref_slice %arg8[%dma_start3A_430] : memref<12288xf32, #tpu.memory_space<vmem>> -> memref<256xf32, #tpu.memory_space<vmem>>
    %dma_start3A_432 = tpu.memref_slice %arg3[%dma_start3A_425, %mul3A_2] : memref<48x8192xf32, #tpu.memory_space<hbm>> -> memref<1x256xf32, #tpu.memory_space<hbm>>
    %dma_start3A_433 = tpu.memref_squeeze %dma_start3A_432 : memref<1x256xf32, #tpu.memory_space<hbm>> -> memref<256xf32, #tpu.memory_space<hbm>>
    tpu.enqueue_dma source(%dma_start3A_433 : memref<256xf32, #tpu.memory_space<hbm>>) target(%dma_start3A_431 : memref<256xf32, #tpu.memory_space<vmem>>) target_semaphore(%arg12 : memref<!tpu.dma_semaphore, #tpu.memory_space<semaphore_mem>>)
    "tpu.region"() ({
      %run_scoped3A = tpu.sem_alloc : memref<!tpu.dma_semaphore, #tpu.memory_space<semaphore_mem>>
      %dma_start3A_868 = arith.constant 0 : i32
      %dma_start3A_869 = tpu.memref_slice %arg2[%dma_start3A_868, %mul3A_2] : memref<48x8192xf32, #tpu.memory_space<hbm>> -> memref<48x256xf32, #tpu.memory_space<hbm>>
      %dma_start3A_870 = arith.constant 0 : i32
      %dma_start3A_871 = tpu.memref_slice %arg2[%dma_start3A_870, %mul3A_2] : memref<48x8192xf32, #tpu.memory_space<hbm>> -> memref<48x256xf32, #tpu.memory_space<hbm>>
      tpu.enqueue_dma source(%dma_start3A_871 : memref<48x256xf32, #tpu.memory_space<hbm>>) target(%arg7 : memref<48x256xf32, #tpu.memory_space<vmem>>) target_semaphore(%run_scoped3A : memref<!tpu.dma_semaphore, #tpu.memory_space<semaphore_mem>>)
      %dma_wait3A_872 = arith.constant 0 : i32
      %dma_wait3A_873 = tpu.memref_slice %arg2[%dma_wait3A_872, %mul3A_2] : memref<48x8192xf32, #tpu.memory_space<hbm>> -> memref<48x256xf32, #tpu.memory_space<hbm>>
      %dma_wait3A_874 = arith.constant 0 : i32
      %dma_wait3A_875 = tpu.memref_slice %arg2[%dma_wait3A_874, %mul3A_2] : memref<48x8192xf32, #tpu.memory_space<hbm>> -> memref<48x256xf32, #tpu.memory_space<hbm>>
      tpu.wait_dma2 semaphore(%run_scoped3A : memref<!tpu.dma_semaphore, #tpu.memory_space<semaphore_mem>>) src(%dma_wait3A_875 : memref<48x256xf32, #tpu.memory_space<hbm>>) dst(%arg7 : memref<48x256xf32, #tpu.memory_space<vmem>>)
      tpu.yield
    }) : () -> ()
    %dma_wait3A = arith.constant 0 : i32
    %dma_wait3A_434 = arith.constant 0 : i32
    %dma_wait3A_435 = tpu.memref_slice %arg8[%dma_wait3A_434] : memref<12288xf32, #tpu.memory_space<vmem>> -> memref<256xf32, #tpu.memory_space<vmem>>
    %dma_wait3A_436 = tpu.memref_slice %arg3[%dma_wait3A, %mul3A_2] : memref<48x8192xf32, #tpu.memory_space<hbm>> -> memref<1x256xf32, #tpu.memory_space<hbm>>
    %dma_wait3A_437 = tpu.memref_squeeze %dma_wait3A_436 : memref<1x256xf32, #tpu.memory_space<hbm>> -> memref<256xf32, #tpu.memory_space<hbm>>
    %dma_wait3A_438 = arith.constant 0 : i32
    %dma_wait3A_439 = tpu.memref_slice %arg8[%dma_wait3A_438] : memref<12288xf32, #tpu.memory_space<vmem>> -> memref<256xf32, #tpu.memory_space<vmem>>
    %dma_wait3A_440 = tpu.memref_slice %arg3[%dma_wait3A, %mul3A_2] : memref<48x8192xf32, #tpu.memory_space<hbm>> -> memref<1x256xf32, #tpu.memory_space<hbm>>
    %dma_wait3A_441 = tpu.memref_squeeze %dma_wait3A_440 : memref<1x256xf32, #tpu.memory_space<hbm>> -> memref<256xf32, #tpu.memory_space<hbm>>
    tpu.wait_dma2 semaphore(%arg12 : memref<!tpu.dma_semaphore, #tpu.memory_space<semaphore_mem>>) src(%dma_wait3A_441 : memref<256xf32, #tpu.memory_space<hbm>>) dst(%dma_wait3A_439 : memref<256xf32, #tpu.memory_space<vmem>>)
    %dma_wait3A_442 = arith.constant 1 : i32
    %dma_wait3A_443 = arith.constant 256 : i32
    %dma_wait3A_444 = tpu.memref_slice %arg8[%dma_wait3A_443] : memref<12288xf32, #tpu.memory_space<vmem>> -> memref<256xf32, #tpu.memory_space<vmem>>
    %dma_wait3A_445 = tpu.memref_slice %arg3[%dma_wait3A_442, %mul3A_2] : memref<48x8192xf32, #tpu.memory_space<hbm>> -> memref<1x256xf32, #tpu.memory_space<hbm>>
    %dma_wait3A_446 = tpu.memref_squeeze %dma_wait3A_445 : memref<1x256xf32, #tpu.memory_space<hbm>> -> memref<256xf32, #tpu.memory_space<hbm>>
    %dma_wait3A_447 = arith.constant 256 : i32
    %dma_wait3A_448 = tpu.memref_slice %arg8[%dma_wait3A_447] : memref<12288xf32, #tpu.memory_space<vmem>> -> memref<256xf32, #tpu.memory_space<vmem>>
    %dma_wait3A_449 = tpu.memref_slice %arg3[%dma_wait3A_442, %mul3A_2] : memref<48x8192xf32, #tpu.memory_space<hbm>> -> memref<1x256xf32, #tpu.memory_space<hbm>>
    %dma_wait3A_450 = tpu.memref_squeeze %dma_wait3A_449 : memref<1x256xf32, #tpu.memory_space<hbm>> -> memref<256xf32, #tpu.memory_space<hbm>>
    tpu.wait_dma2 semaphore(%arg12 : memref<!tpu.dma_semaphore, #tpu.memory_space<semaphore_mem>>) src(%dma_wait3A_450 : memref<256xf32, #tpu.memory_space<hbm>>) dst(%dma_wait3A_448 : memref<256xf32, #tpu.memory_space<vmem>>)
    %dma_wait3A_451 = arith.constant 2 : i32
    %dma_wait3A_452 = arith.constant 512 : i32
    %dma_wait3A_453 = tpu.memref_slice %arg8[%dma_wait3A_452] : memref<12288xf32, #tpu.memory_space<vmem>> -> memref<256xf32, #tpu.memory_space<vmem>>
    %dma_wait3A_454 = tpu.memref_slice %arg3[%dma_wait3A_451, %mul3A_2] : memref<48x8192xf32, #tpu.memory_space<hbm>> -> memref<1x256xf32, #tpu.memory_space<hbm>>
    %dma_wait3A_455 = tpu.memref_squeeze %dma_wait3A_454 : memref<1x256xf32, #tpu.memory_space<hbm>> -> memref<256xf32, #tpu.memory_space<hbm>>
    %dma_wait3A_456 = arith.constant 512 : i32
    %dma_wait3A_457 = tpu.memref_slice %arg8[%dma_wait3A_456] : memref<12288xf32, #tpu.memory_space<vmem>> -> memref<256xf32, #tpu.memory_space<vmem>>
    %dma_wait3A_458 = tpu.memref_slice %arg3[%dma_wait3A_451, %mul3A_2] : memref<48x8192xf32, #tpu.memory_space<hbm>> -> memref<1x256xf32, #tpu.memory_space<hbm>>
    %dma_wait3A_459 = tpu.memref_squeeze %dma_wait3A_458 : memref<1x256xf32, #tpu.memory_space<hbm>> -> memref<256xf32, #tpu.memory_space<hbm>>
    tpu.wait_dma2 semaphore(%arg12 : memref<!tpu.dma_semaphore, #tpu.memory_space<semaphore_mem>>) src(%dma_wait3A_459 : memref<256xf32, #tpu.memory_space<hbm>>) dst(%dma_wait3A_457 : memref<256xf32, #tpu.memory_space<vmem>>)
    %dma_wait3A_460 = arith.constant 3 : i32
    %dma_wait3A_461 = arith.constant 768 : i32
    %dma_wait3A_462 = tpu.memref_slice %arg8[%dma_wait3A_461] : memref<12288xf32, #tpu.memory_space<vmem>> -> memref<256xf32, #tpu.memory_space<vmem>>
    %dma_wait3A_463 = tpu.memref_slice %arg3[%dma_wait3A_460, %mul3A_2] : memref<48x8192xf32, #tpu.memory_space<hbm>> -> memref<1x256xf32, #tpu.memory_space<hbm>>
    %dma_wait3A_464 = tpu.memref_squeeze %dma_wait3A_463 : memref<1x256xf32, #tpu.memory_space<hbm>> -> memref<256xf32, #tpu.memory_space<hbm>>
    %dma_wait3A_465 = arith.constant 768 : i32
    %dma_wait3A_466 = tpu.memref_slice %arg8[%dma_wait3A_465] : memref<12288xf32, #tpu.memory_space<vmem>> -> memref<256xf32, #tpu.memory_space<vmem>>
    %dma_wait3A_467 = tpu.memref_slice %arg3[%dma_wait3A_460, %mul3A_2] : memref<48x8192xf32, #tpu.memory_space<hbm>> -> memref<1x256xf32, #tpu.memory_space<hbm>>
    %dma_wait3A_468 = tpu.memref_squeeze %dma_wait3A_467 : memref<1x256xf32, #tpu.memory_space<hbm>> -> memref<256xf32, #tpu.memory_space<hbm>>
    tpu.wait_dma2 semaphore(%arg12 : memref<!tpu.dma_semaphore, #tpu.memory_space<semaphore_mem>>) src(%dma_wait3A_468 : memref<256xf32, #tpu.memory_space<hbm>>) dst(%dma_wait3A_466 : memref<256xf32, #tpu.memory_space<vmem>>)
    %dma_wait3A_469 = arith.constant 4 : i32
    %dma_wait3A_470 = arith.constant 1024 : i32
    %dma_wait3A_471 = tpu.memref_slice %arg8[%dma_wait3A_470] : memref<12288xf32, #tpu.memory_space<vmem>> -> memref<256xf32, #tpu.memory_space<vmem>>
    %dma_wait3A_472 = tpu.memref_slice %arg3[%dma_wait3A_469, %mul3A_2] : memref<48x8192xf32, #tpu.memory_space<hbm>> -> memref<1x256xf32, #tpu.memory_space<hbm>>
    %dma_wait3A_473 = tpu.memref_squeeze %dma_wait3A_472 : memref<1x256xf32, #tpu.memory_space<hbm>> -> memref<256xf32, #tpu.memory_space<hbm>>
    %dma_wait3A_474 = arith.constant 1024 : i32
    %dma_wait3A_475 = tpu.memref_slice %arg8[%dma_wait3A_474] : memref<12288xf32, #tpu.memory_space<vmem>> -> memref<256xf32, #tpu.memory_space<vmem>>
    %dma_wait3A_476 = tpu.memref_slice %arg3[%dma_wait3A_469, %mul3A_2] : memref<48x8192xf32, #tpu.memory_space<hbm>> -> memref<1x256xf32, #tpu.memory_space<hbm>>
    %dma_wait3A_477 = tpu.memref_squeeze %dma_wait3A_476 : memref<1x256xf32, #tpu.memory_space<hbm>> -> memref<256xf32, #tpu.memory_space<hbm>>
    tpu.wait_dma2 semaphore(%arg12 : memref<!tpu.dma_semaphore, #tpu.memory_space<semaphore_mem>>) src(%dma_wait3A_477 : memref<256xf32, #tpu.memory_space<hbm>>) dst(%dma_wait3A_475 : memref<256xf32, #tpu.memory_space<vmem>>)
    %dma_wait3A_478 = arith.constant 5 : i32
    %dma_wait3A_479 = arith.constant 1280 : i32
    %dma_wait3A_480 = tpu.memref_slice %arg8[%dma_wait3A_479] : memref<12288xf32, #tpu.memory_space<vmem>> -> memref<256xf32, #tpu.memory_space<vmem>>
    %dma_wait3A_481 = tpu.memref_slice %arg3[%dma_wait3A_478, %mul3A_2] : memref<48x8192xf32, #tpu.memory_space<hbm>> -> memref<1x256xf32, #tpu.memory_space<hbm>>
    %dma_wait3A_482 = tpu.memref_squeeze %dma_wait3A_481 : memref<1x256xf32, #tpu.memory_space<hbm>> -> memref<256xf32, #tpu.memory_space<hbm>>
    %dma_wait3A_483 = arith.constant 1280 : i32
    %dma_wait3A_484 = tpu.memref_slice %arg8[%dma_wait3A_483] : memref<12288xf32, #tpu.memory_space<vmem>> -> memref<256xf32, #tpu.memory_space<vmem>>
    %dma_wait3A_485 = tpu.memref_slice %arg3[%dma_wait3A_478, %mul3A_2] : memref<48x8192xf32, #tpu.memory_space<hbm>> -> memref<1x256xf32, #tpu.memory_space<hbm>>
    %dma_wait3A_486 = tpu.memref_squeeze %dma_wait3A_485 : memref<1x256xf32, #tpu.memory_space<hbm>> -> memref<256xf32, #tpu.memory_space<hbm>>
    tpu.wait_dma2 semaphore(%arg12 : memref<!tpu.dma_semaphore, #tpu.memory_space<semaphore_mem>>) src(%dma_wait3A_486 : memref<256xf32, #tpu.memory_space<hbm>>) dst(%dma_wait3A_484 : memref<256xf32, #tpu.memory_space<vmem>>)
    %dma_wait3A_487 = arith.constant 6 : i32
    %dma_wait3A_488 = arith.constant 1536 : i32
    %dma_wait3A_489 = tpu.memref_slice %arg8[%dma_wait3A_488] : memref<12288xf32, #tpu.memory_space<vmem>> -> memref<256xf32, #tpu.memory_space<vmem>>
    %dma_wait3A_490 = tpu.memref_slice %arg3[%dma_wait3A_487, %mul3A_2] : memref<48x8192xf32, #tpu.memory_space<hbm>> -> memref<1x256xf32, #tpu.memory_space<hbm>>
    %dma_wait3A_491 = tpu.memref_squeeze %dma_wait3A_490 : memref<1x256xf32, #tpu.memory_space<hbm>> -> memref<256xf32, #tpu.memory_space<hbm>>
    %dma_wait3A_492 = arith.constant 1536 : i32
    %dma_wait3A_493 = tpu.memref_slice %arg8[%dma_wait3A_492] : memref<12288xf32, #tpu.memory_space<vmem>> -> memref<256xf32, #tpu.memory_space<vmem>>
    %dma_wait3A_494 = tpu.memref_slice %arg3[%dma_wait3A_487, %mul3A_2] : memref<48x8192xf32, #tpu.memory_space<hbm>> -> memref<1x256xf32, #tpu.memory_space<hbm>>
    %dma_wait3A_495 = tpu.memref_squeeze %dma_wait3A_494 : memref<1x256xf32, #tpu.memory_space<hbm>> -> memref<256xf32, #tpu.memory_space<hbm>>
    tpu.wait_dma2 semaphore(%arg12 : memref<!tpu.dma_semaphore, #tpu.memory_space<semaphore_mem>>) src(%dma_wait3A_495 : memref<256xf32, #tpu.memory_space<hbm>>) dst(%dma_wait3A_493 : memref<256xf32, #tpu.memory_space<vmem>>)
    %dma_wait3A_496 = arith.constant 7 : i32
    %dma_wait3A_497 = arith.constant 1792 : i32
    %dma_wait3A_498 = tpu.memref_slice %arg8[%dma_wait3A_497] : memref<12288xf32, #tpu.memory_space<vmem>> -> memref<256xf32, #tpu.memory_space<vmem>>
    %dma_wait3A_499 = tpu.memref_slice %arg3[%dma_wait3A_496, %mul3A_2] : memref<48x8192xf32, #tpu.memory_space<hbm>> -> memref<1x256xf32, #tpu.memory_space<hbm>>
    %dma_wait3A_500 = tpu.memref_squeeze %dma_wait3A_499 : memref<1x256xf32, #tpu.memory_space<hbm>> -> memref<256xf32, #tpu.memory_space<hbm>>
    %dma_wait3A_501 = arith.constant 1792 : i32
    %dma_wait3A_502 = tpu.memref_slice %arg8[%dma_wait3A_501] : memref<12288xf32, #tpu.memory_space<vmem>> -> memref<256xf32, #tpu.memory_space<vmem>>
    %dma_wait3A_503 = tpu.memref_slice %arg3[%dma_wait3A_496, %mul3A_2] : memref<48x8192xf32, #tpu.memory_space<hbm>> -> memref<1x256xf32, #tpu.memory_space<hbm>>
    %dma_wait3A_504 = tpu.memref_squeeze %dma_wait3A_503 : memref<1x256xf32, #tpu.memory_space<hbm>> -> memref<256xf32, #tpu.memory_space<hbm>>
    tpu.wait_dma2 semaphore(%arg12 : memref<!tpu.dma_semaphore, #tpu.memory_space<semaphore_mem>>) src(%dma_wait3A_504 : memref<256xf32, #tpu.memory_space<hbm>>) dst(%dma_wait3A_502 : memref<256xf32, #tpu.memory_space<vmem>>)
    %dma_wait3A_505 = arith.constant 8 : i32
    %dma_wait3A_506 = arith.constant 2048 : i32
    %dma_wait3A_507 = tpu.memref_slice %arg8[%dma_wait3A_506] : memref<12288xf32, #tpu.memory_space<vmem>> -> memref<256xf32, #tpu.memory_space<vmem>>
    %dma_wait3A_508 = tpu.memref_slice %arg3[%dma_wait3A_505, %mul3A_2] : memref<48x8192xf32, #tpu.memory_space<hbm>> -> memref<1x256xf32, #tpu.memory_space<hbm>>
    %dma_wait3A_509 = tpu.memref_squeeze %dma_wait3A_508 : memref<1x256xf32, #tpu.memory_space<hbm>> -> memref<256xf32, #tpu.memory_space<hbm>>
    %dma_wait3A_510 = arith.constant 2048 : i32
    %dma_wait3A_511 = tpu.memref_slice %arg8[%dma_wait3A_510] : memref<12288xf32, #tpu.memory_space<vmem>> -> memref<256xf32, #tpu.memory_space<vmem>>
    %dma_wait3A_512 = tpu.memref_slice %arg3[%dma_wait3A_505, %mul3A_2] : memref<48x8192xf32, #tpu.memory_space<hbm>> -> memref<1x256xf32, #tpu.memory_space<hbm>>
    %dma_wait3A_513 = tpu.memref_squeeze %dma_wait3A_512 : memref<1x256xf32, #tpu.memory_space<hbm>> -> memref<256xf32, #tpu.memory_space<hbm>>
    tpu.wait_dma2 semaphore(%arg12 : memref<!tpu.dma_semaphore, #tpu.memory_space<semaphore_mem>>) src(%dma_wait3A_513 : memref<256xf32, #tpu.memory_space<hbm>>) dst(%dma_wait3A_511 : memref<256xf32, #tpu.memory_space<vmem>>)
    %dma_wait3A_514 = arith.constant 9 : i32
    %dma_wait3A_515 = arith.constant 2304 : i32
    %dma_wait3A_516 = tpu.memref_slice %arg8[%dma_wait3A_515] : memref<12288xf32, #tpu.memory_space<vmem>> -> memref<256xf32, #tpu.memory_space<vmem>>
    %dma_wait3A_517 = tpu.memref_slice %arg3[%dma_wait3A_514, %mul3A_2] : memref<48x8192xf32, #tpu.memory_space<hbm>> -> memref<1x256xf32, #tpu.memory_space<hbm>>
    %dma_wait3A_518 = tpu.memref_squeeze %dma_wait3A_517 : memref<1x256xf32, #tpu.memory_space<hbm>> -> memref<256xf32, #tpu.memory_space<hbm>>
    %dma_wait3A_519 = arith.constant 2304 : i32
    %dma_wait3A_520 = tpu.memref_slice %arg8[%dma_wait3A_519] : memref<12288xf32, #tpu.memory_space<vmem>> -> memref<256xf32, #tpu.memory_space<vmem>>
    %dma_wait3A_521 = tpu.memref_slice %arg3[%dma_wait3A_514, %mul3A_2] : memref<48x8192xf32, #tpu.memory_space<hbm>> -> memref<1x256xf32, #tpu.memory_space<hbm>>
    %dma_wait3A_522 = tpu.memref_squeeze %dma_wait3A_521 : memref<1x256xf32, #tpu.memory_space<hbm>> -> memref<256xf32, #tpu.memory_space<hbm>>
    tpu.wait_dma2 semaphore(%arg12 : memref<!tpu.dma_semaphore, #tpu.memory_space<semaphore_mem>>) src(%dma_wait3A_522 : memref<256xf32, #tpu.memory_space<hbm>>) dst(%dma_wait3A_520 : memref<256xf32, #tpu.memory_space<vmem>>)
    %dma_wait3A_523 = arith.constant 10 : i32
    %dma_wait3A_524 = arith.constant 2560 : i32
    %dma_wait3A_525 = tpu.memref_slice %arg8[%dma_wait3A_524] : memref<12288xf32, #tpu.memory_space<vmem>> -> memref<256xf32, #tpu.memory_space<vmem>>
    %dma_wait3A_526 = tpu.memref_slice %arg3[%dma_wait3A_523, %mul3A_2] : memref<48x8192xf32, #tpu.memory_space<hbm>> -> memref<1x256xf32, #tpu.memory_space<hbm>>
    %dma_wait3A_527 = tpu.memref_squeeze %dma_wait3A_526 : memref<1x256xf32, #tpu.memory_space<hbm>> -> memref<256xf32, #tpu.memory_space<hbm>>
    %dma_wait3A_528 = arith.constant 2560 : i32
    %dma_wait3A_529 = tpu.memref_slice %arg8[%dma_wait3A_528] : memref<12288xf32, #tpu.memory_space<vmem>> -> memref<256xf32, #tpu.memory_space<vmem>>
    %dma_wait3A_530 = tpu.memref_slice %arg3[%dma_wait3A_523, %mul3A_2] : memref<48x8192xf32, #tpu.memory_space<hbm>> -> memref<1x256xf32, #tpu.memory_space<hbm>>
    %dma_wait3A_531 = tpu.memref_squeeze %dma_wait3A_530 : memref<1x256xf32, #tpu.memory_space<hbm>> -> memref<256xf32, #tpu.memory_space<hbm>>
    tpu.wait_dma2 semaphore(%arg12 : memref<!tpu.dma_semaphore, #tpu.memory_space<semaphore_mem>>) src(%dma_wait3A_531 : memref<256xf32, #tpu.memory_space<hbm>>) dst(%dma_wait3A_529 : memref<256xf32, #tpu.memory_space<vmem>>)
    %dma_wait3A_532 = arith.constant 11 : i32
    %dma_wait3A_533 = arith.constant 2816 : i32
    %dma_wait3A_534 = tpu.memref_slice %arg8[%dma_wait3A_533] : memref<12288xf32, #tpu.memory_space<vmem>> -> memref<256xf32, #tpu.memory_space<vmem>>
    %dma_wait3A_535 = tpu.memref_slice %arg3[%dma_wait3A_532, %mul3A_2] : memref<48x8192xf32, #tpu.memory_space<hbm>> -> memref<1x256xf32, #tpu.memory_space<hbm>>
    %dma_wait3A_536 = tpu.memref_squeeze %dma_wait3A_535 : memref<1x256xf32, #tpu.memory_space<hbm>> -> memref<256xf32, #tpu.memory_space<hbm>>
    %dma_wait3A_537 = arith.constant 2816 : i32
    %dma_wait3A_538 = tpu.memref_slice %arg8[%dma_wait3A_537] : memref<12288xf32, #tpu.memory_space<vmem>> -> memref<256xf32, #tpu.memory_space<vmem>>
    %dma_wait3A_539 = tpu.memref_slice %arg3[%dma_wait3A_532, %mul3A_2] : memref<48x8192xf32, #tpu.memory_space<hbm>> -> memref<1x256xf32, #tpu.memory_space<hbm>>
    %dma_wait3A_540 = tpu.memref_squeeze %dma_wait3A_539 : memref<1x256xf32, #tpu.memory_space<hbm>> -> memref<256xf32, #tpu.memory_space<hbm>>
    tpu.wait_dma2 semaphore(%arg12 : memref<!tpu.dma_semaphore, #tpu.memory_space<semaphore_mem>>) src(%dma_wait3A_540 : memref<256xf32, #tpu.memory_space<hbm>>) dst(%dma_wait3A_538 : memref<256xf32, #tpu.memory_space<vmem>>)
    %dma_wait3A_541 = arith.constant 12 : i32
    %dma_wait3A_542 = arith.constant 3072 : i32
    %dma_wait3A_543 = tpu.memref_slice %arg8[%dma_wait3A_542] : memref<12288xf32, #tpu.memory_space<vmem>> -> memref<256xf32, #tpu.memory_space<vmem>>
    %dma_wait3A_544 = tpu.memref_slice %arg3[%dma_wait3A_541, %mul3A_2] : memref<48x8192xf32, #tpu.memory_space<hbm>> -> memref<1x256xf32, #tpu.memory_space<hbm>>
    %dma_wait3A_545 = tpu.memref_squeeze %dma_wait3A_544 : memref<1x256xf32, #tpu.memory_space<hbm>> -> memref<256xf32, #tpu.memory_space<hbm>>
    %dma_wait3A_546 = arith.constant 3072 : i32
    %dma_wait3A_547 = tpu.memref_slice %arg8[%dma_wait3A_546] : memref<12288xf32, #tpu.memory_space<vmem>> -> memref<256xf32, #tpu.memory_space<vmem>>
    %dma_wait3A_548 = tpu.memref_slice %arg3[%dma_wait3A_541, %mul3A_2] : memref<48x8192xf32, #tpu.memory_space<hbm>> -> memref<1x256xf32, #tpu.memory_space<hbm>>
    %dma_wait3A_549 = tpu.memref_squeeze %dma_wait3A_548 : memref<1x256xf32, #tpu.memory_space<hbm>> -> memref<256xf32, #tpu.memory_space<hbm>>
    tpu.wait_dma2 semaphore(%arg12 : memref<!tpu.dma_semaphore, #tpu.memory_space<semaphore_mem>>) src(%dma_wait3A_549 : memref<256xf32, #tpu.memory_space<hbm>>) dst(%dma_wait3A_547 : memref<256xf32, #tpu.memory_space<vmem>>)
    %dma_wait3A_550 = arith.constant 13 : i32
    %dma_wait3A_551 = arith.constant 3328 : i32
    %dma_wait3A_552 = tpu.memref_slice %arg8[%dma_wait3A_551] : memref<12288xf32, #tpu.memory_space<vmem>> -> memref<256xf32, #tpu.memory_space<vmem>>
    %dma_wait3A_553 = tpu.memref_slice %arg3[%dma_wait3A_550, %mul3A_2] : memref<48x8192xf32, #tpu.memory_space<hbm>> -> memref<1x256xf32, #tpu.memory_space<hbm>>
    %dma_wait3A_554 = tpu.memref_squeeze %dma_wait3A_553 : memref<1x256xf32, #tpu.memory_space<hbm>> -> memref<256xf32, #tpu.memory_space<hbm>>
    %dma_wait3A_555 = arith.constant 3328 : i32
    %dma_wait3A_556 = tpu.memref_slice %arg8[%dma_wait3A_555] : memref<12288xf32, #tpu.memory_space<vmem>> -> memref<256xf32, #tpu.memory_space<vmem>>
    %dma_wait3A_557 = tpu.memref_slice %arg3[%dma_wait3A_550, %mul3A_2] : memref<48x8192xf32, #tpu.memory_space<hbm>> -> memref<1x256xf32, #tpu.memory_space<hbm>>
    %dma_wait3A_558 = tpu.memref_squeeze %dma_wait3A_557 : memref<1x256xf32, #tpu.memory_space<hbm>> -> memref<256xf32, #tpu.memory_space<hbm>>
    tpu.wait_dma2 semaphore(%arg12 : memref<!tpu.dma_semaphore, #tpu.memory_space<semaphore_mem>>) src(%dma_wait3A_558 : memref<256xf32, #tpu.memory_space<hbm>>) dst(%dma_wait3A_556 : memref<256xf32, #tpu.memory_space<vmem>>)
    %dma_wait3A_559 = arith.constant 14 : i32
    %dma_wait3A_560 = arith.constant 3584 : i32
    %dma_wait3A_561 = tpu.memref_slice %arg8[%dma_wait3A_560] : memref<12288xf32, #tpu.memory_space<vmem>> -> memref<256xf32, #tpu.memory_space<vmem>>
    %dma_wait3A_562 = tpu.memref_slice %arg3[%dma_wait3A_559, %mul3A_2] : memref<48x8192xf32, #tpu.memory_space<hbm>> -> memref<1x256xf32, #tpu.memory_space<hbm>>
    %dma_wait3A_563 = tpu.memref_squeeze %dma_wait3A_562 : memref<1x256xf32, #tpu.memory_space<hbm>> -> memref<256xf32, #tpu.memory_space<hbm>>
    %dma_wait3A_564 = arith.constant 3584 : i32
    %dma_wait3A_565 = tpu.memref_slice %arg8[%dma_wait3A_564] : memref<12288xf32, #tpu.memory_space<vmem>> -> memref<256xf32, #tpu.memory_space<vmem>>
    %dma_wait3A_566 = tpu.memref_slice %arg3[%dma_wait3A_559, %mul3A_2] : memref<48x8192xf32, #tpu.memory_space<hbm>> -> memref<1x256xf32, #tpu.memory_space<hbm>>
    %dma_wait3A_567 = tpu.memref_squeeze %dma_wait3A_566 : memref<1x256xf32, #tpu.memory_space<hbm>> -> memref<256xf32, #tpu.memory_space<hbm>>
    tpu.wait_dma2 semaphore(%arg12 : memref<!tpu.dma_semaphore, #tpu.memory_space<semaphore_mem>>) src(%dma_wait3A_567 : memref<256xf32, #tpu.memory_space<hbm>>) dst(%dma_wait3A_565 : memref<256xf32, #tpu.memory_space<vmem>>)
    %dma_wait3A_568 = arith.constant 15 : i32
    %dma_wait3A_569 = arith.constant 3840 : i32
    %dma_wait3A_570 = tpu.memref_slice %arg8[%dma_wait3A_569] : memref<12288xf32, #tpu.memory_space<vmem>> -> memref<256xf32, #tpu.memory_space<vmem>>
    %dma_wait3A_571 = tpu.memref_slice %arg3[%dma_wait3A_568, %mul3A_2] : memref<48x8192xf32, #tpu.memory_space<hbm>> -> memref<1x256xf32, #tpu.memory_space<hbm>>
    %dma_wait3A_572 = tpu.memref_squeeze %dma_wait3A_571 : memref<1x256xf32, #tpu.memory_space<hbm>> -> memref<256xf32, #tpu.memory_space<hbm>>
    %dma_wait3A_573 = arith.constant 3840 : i32
    %dma_wait3A_574 = tpu.memref_slice %arg8[%dma_wait3A_573] : memref<12288xf32, #tpu.memory_space<vmem>> -> memref<256xf32, #tpu.memory_space<vmem>>
    %dma_wait3A_575 = tpu.memref_slice %arg3[%dma_wait3A_568, %mul3A_2] : memref<48x8192xf32, #tpu.memory_space<hbm>> -> memref<1x256xf32, #tpu.memory_space<hbm>>
    %dma_wait3A_576 = tpu.memref_squeeze %dma_wait3A_575 : memref<1x256xf32, #tpu.memory_space<hbm>> -> memref<256xf32, #tpu.memory_space<hbm>>
    tpu.wait_dma2 semaphore(%arg12 : memref<!tpu.dma_semaphore, #tpu.memory_space<semaphore_mem>>) src(%dma_wait3A_576 : memref<256xf32, #tpu.memory_space<hbm>>) dst(%dma_wait3A_574 : memref<256xf32, #tpu.memory_space<vmem>>)
    %dma_wait3A_577 = arith.constant 16 : i32
    %dma_wait3A_578 = arith.constant 4096 : i32
    %dma_wait3A_579 = tpu.memref_slice %arg8[%dma_wait3A_578] : memref<12288xf32, #tpu.memory_space<vmem>> -> memref<256xf32, #tpu.memory_space<vmem>>
    %dma_wait3A_580 = tpu.memref_slice %arg3[%dma_wait3A_577, %mul3A_2] : memref<48x8192xf32, #tpu.memory_space<hbm>> -> memref<1x256xf32, #tpu.memory_space<hbm>>
    %dma_wait3A_581 = tpu.memref_squeeze %dma_wait3A_580 : memref<1x256xf32, #tpu.memory_space<hbm>> -> memref<256xf32, #tpu.memory_space<hbm>>
    %dma_wait3A_582 = arith.constant 4096 : i32
    %dma_wait3A_583 = tpu.memref_slice %arg8[%dma_wait3A_582] : memref<12288xf32, #tpu.memory_space<vmem>> -> memref<256xf32, #tpu.memory_space<vmem>>
    %dma_wait3A_584 = tpu.memref_slice %arg3[%dma_wait3A_577, %mul3A_2] : memref<48x8192xf32, #tpu.memory_space<hbm>> -> memref<1x256xf32, #tpu.memory_space<hbm>>
    %dma_wait3A_585 = tpu.memref_squeeze %dma_wait3A_584 : memref<1x256xf32, #tpu.memory_space<hbm>> -> memref<256xf32, #tpu.memory_space<hbm>>
    tpu.wait_dma2 semaphore(%arg12 : memref<!tpu.dma_semaphore, #tpu.memory_space<semaphore_mem>>) src(%dma_wait3A_585 : memref<256xf32, #tpu.memory_space<hbm>>) dst(%dma_wait3A_583 : memref<256xf32, #tpu.memory_space<vmem>>)
    %dma_wait3A_586 = arith.constant 17 : i32
    %dma_wait3A_587 = arith.constant 4352 : i32
    %dma_wait3A_588 = tpu.memref_slice %arg8[%dma_wait3A_587] : memref<12288xf32, #tpu.memory_space<vmem>> -> memref<256xf32, #tpu.memory_space<vmem>>
    %dma_wait3A_589 = tpu.memref_slice %arg3[%dma_wait3A_586, %mul3A_2] : memref<48x8192xf32, #tpu.memory_space<hbm>> -> memref<1x256xf32, #tpu.memory_space<hbm>>
    %dma_wait3A_590 = tpu.memref_squeeze %dma_wait3A_589 : memref<1x256xf32, #tpu.memory_space<hbm>> -> memref<256xf32, #tpu.memory_space<hbm>>
    %dma_wait3A_591 = arith.constant 4352 : i32
    %dma_wait3A_592 = tpu.memref_slice %arg8[%dma_wait3A_591] : memref<12288xf32, #tpu.memory_space<vmem>> -> memref<256xf32, #tpu.memory_space<vmem>>
    %dma_wait3A_593 = tpu.memref_slice %arg3[%dma_wait3A_586, %mul3A_2] : memref<48x8192xf32, #tpu.memory_space<hbm>> -> memref<1x256xf32, #tpu.memory_space<hbm>>
    %dma_wait3A_594 = tpu.memref_squeeze %dma_wait3A_593 : memref<1x256xf32, #tpu.memory_space<hbm>> -> memref<256xf32, #tpu.memory_space<hbm>>
    tpu.wait_dma2 semaphore(%arg12 : memref<!tpu.dma_semaphore, #tpu.memory_space<semaphore_mem>>) src(%dma_wait3A_594 : memref<256xf32, #tpu.memory_space<hbm>>) dst(%dma_wait3A_592 : memref<256xf32, #tpu.memory_space<vmem>>)
    %dma_wait3A_595 = arith.constant 18 : i32
    %dma_wait3A_596 = arith.constant 4608 : i32
    %dma_wait3A_597 = tpu.memref_slice %arg8[%dma_wait3A_596] : memref<12288xf32, #tpu.memory_space<vmem>> -> memref<256xf32, #tpu.memory_space<vmem>>
    %dma_wait3A_598 = tpu.memref_slice %arg3[%dma_wait3A_595, %mul3A_2] : memref<48x8192xf32, #tpu.memory_space<hbm>> -> memref<1x256xf32, #tpu.memory_space<hbm>>
    %dma_wait3A_599 = tpu.memref_squeeze %dma_wait3A_598 : memref<1x256xf32, #tpu.memory_space<hbm>> -> memref<256xf32, #tpu.memory_space<hbm>>
    %dma_wait3A_600 = arith.constant 4608 : i32
    %dma_wait3A_601 = tpu.memref_slice %arg8[%dma_wait3A_600] : memref<12288xf32, #tpu.memory_space<vmem>> -> memref<256xf32, #tpu.memory_space<vmem>>
    %dma_wait3A_602 = tpu.memref_slice %arg3[%dma_wait3A_595, %mul3A_2] : memref<48x8192xf32, #tpu.memory_space<hbm>> -> memref<1x256xf32, #tpu.memory_space<hbm>>
    %dma_wait3A_603 = tpu.memref_squeeze %dma_wait3A_602 : memref<1x256xf32, #tpu.memory_space<hbm>> -> memref<256xf32, #tpu.memory_space<hbm>>
    tpu.wait_dma2 semaphore(%arg12 : memref<!tpu.dma_semaphore, #tpu.memory_space<semaphore_mem>>) src(%dma_wait3A_603 : memref<256xf32, #tpu.memory_space<hbm>>) dst(%dma_wait3A_601 : memref<256xf32, #tpu.memory_space<vmem>>)
    %dma_wait3A_604 = arith.constant 19 : i32
    %dma_wait3A_605 = arith.constant 4864 : i32
    %dma_wait3A_606 = tpu.memref_slice %arg8[%dma_wait3A_605] : memref<12288xf32, #tpu.memory_space<vmem>> -> memref<256xf32, #tpu.memory_space<vmem>>
    %dma_wait3A_607 = tpu.memref_slice %arg3[%dma_wait3A_604, %mul3A_2] : memref<48x8192xf32, #tpu.memory_space<hbm>> -> memref<1x256xf32, #tpu.memory_space<hbm>>
    %dma_wait3A_608 = tpu.memref_squeeze %dma_wait3A_607 : memref<1x256xf32, #tpu.memory_space<hbm>> -> memref<256xf32, #tpu.memory_space<hbm>>
    %dma_wait3A_609 = arith.constant 4864 : i32
    %dma_wait3A_610 = tpu.memref_slice %arg8[%dma_wait3A_609] : memref<12288xf32, #tpu.memory_space<vmem>> -> memref<256xf32, #tpu.memory_space<vmem>>
    %dma_wait3A_611 = tpu.memref_slice %arg3[%dma_wait3A_604, %mul3A_2] : memref<48x8192xf32, #tpu.memory_space<hbm>> -> memref<1x256xf32, #tpu.memory_space<hbm>>
    %dma_wait3A_612 = tpu.memref_squeeze %dma_wait3A_611 : memref<1x256xf32, #tpu.memory_space<hbm>> -> memref<256xf32, #tpu.memory_space<hbm>>
    tpu.wait_dma2 semaphore(%arg12 : memref<!tpu.dma_semaphore, #tpu.memory_space<semaphore_mem>>) src(%dma_wait3A_612 : memref<256xf32, #tpu.memory_space<hbm>>) dst(%dma_wait3A_610 : memref<256xf32, #tpu.memory_space<vmem>>)
    %dma_wait3A_613 = arith.constant 20 : i32
    %dma_wait3A_614 = arith.constant 5120 : i32
    %dma_wait3A_615 = tpu.memref_slice %arg8[%dma_wait3A_614] : memref<12288xf32, #tpu.memory_space<vmem>> -> memref<256xf32, #tpu.memory_space<vmem>>
    %dma_wait3A_616 = tpu.memref_slice %arg3[%dma_wait3A_613, %mul3A_2] : memref<48x8192xf32, #tpu.memory_space<hbm>> -> memref<1x256xf32, #tpu.memory_space<hbm>>
    %dma_wait3A_617 = tpu.memref_squeeze %dma_wait3A_616 : memref<1x256xf32, #tpu.memory_space<hbm>> -> memref<256xf32, #tpu.memory_space<hbm>>
    %dma_wait3A_618 = arith.constant 5120 : i32
    %dma_wait3A_619 = tpu.memref_slice %arg8[%dma_wait3A_618] : memref<12288xf32, #tpu.memory_space<vmem>> -> memref<256xf32, #tpu.memory_space<vmem>>
    %dma_wait3A_620 = tpu.memref_slice %arg3[%dma_wait3A_613, %mul3A_2] : memref<48x8192xf32, #tpu.memory_space<hbm>> -> memref<1x256xf32, #tpu.memory_space<hbm>>
    %dma_wait3A_621 = tpu.memref_squeeze %dma_wait3A_620 : memref<1x256xf32, #tpu.memory_space<hbm>> -> memref<256xf32, #tpu.memory_space<hbm>>
    tpu.wait_dma2 semaphore(%arg12 : memref<!tpu.dma_semaphore, #tpu.memory_space<semaphore_mem>>) src(%dma_wait3A_621 : memref<256xf32, #tpu.memory_space<hbm>>) dst(%dma_wait3A_619 : memref<256xf32, #tpu.memory_space<vmem>>)
    %dma_wait3A_622 = arith.constant 21 : i32
    %dma_wait3A_623 = arith.constant 5376 : i32
    %dma_wait3A_624 = tpu.memref_slice %arg8[%dma_wait3A_623] : memref<12288xf32, #tpu.memory_space<vmem>> -> memref<256xf32, #tpu.memory_space<vmem>>
    %dma_wait3A_625 = tpu.memref_slice %arg3[%dma_wait3A_622, %mul3A_2] : memref<48x8192xf32, #tpu.memory_space<hbm>> -> memref<1x256xf32, #tpu.memory_space<hbm>>
    %dma_wait3A_626 = tpu.memref_squeeze %dma_wait3A_625 : memref<1x256xf32, #tpu.memory_space<hbm>> -> memref<256xf32, #tpu.memory_space<hbm>>
    %dma_wait3A_627 = arith.constant 5376 : i32
    %dma_wait3A_628 = tpu.memref_slice %arg8[%dma_wait3A_627] : memref<12288xf32, #tpu.memory_space<vmem>> -> memref<256xf32, #tpu.memory_space<vmem>>
    %dma_wait3A_629 = tpu.memref_slice %arg3[%dma_wait3A_622, %mul3A_2] : memref<48x8192xf32, #tpu.memory_space<hbm>> -> memref<1x256xf32, #tpu.memory_space<hbm>>
    %dma_wait3A_630 = tpu.memref_squeeze %dma_wait3A_629 : memref<1x256xf32, #tpu.memory_space<hbm>> -> memref<256xf32, #tpu.memory_space<hbm>>
    tpu.wait_dma2 semaphore(%arg12 : memref<!tpu.dma_semaphore, #tpu.memory_space<semaphore_mem>>) src(%dma_wait3A_630 : memref<256xf32, #tpu.memory_space<hbm>>) dst(%dma_wait3A_628 : memref<256xf32, #tpu.memory_space<vmem>>)
    %dma_wait3A_631 = arith.constant 22 : i32
    %dma_wait3A_632 = arith.constant 5632 : i32
    %dma_wait3A_633 = tpu.memref_slice %arg8[%dma_wait3A_632] : memref<12288xf32, #tpu.memory_space<vmem>> -> memref<256xf32, #tpu.memory_space<vmem>>
    %dma_wait3A_634 = tpu.memref_slice %arg3[%dma_wait3A_631, %mul3A_2] : memref<48x8192xf32, #tpu.memory_space<hbm>> -> memref<1x256xf32, #tpu.memory_space<hbm>>
    %dma_wait3A_635 = tpu.memref_squeeze %dma_wait3A_634 : memref<1x256xf32, #tpu.memory_space<hbm>> -> memref<256xf32, #tpu.memory_space<hbm>>
    %dma_wait3A_636 = arith.constant 5632 : i32
    %dma_wait3A_637 = tpu.memref_slice %arg8[%dma_wait3A_636] : memref<12288xf32, #tpu.memory_space<vmem>> -> memref<256xf32, #tpu.memory_space<vmem>>
    %dma_wait3A_638 = tpu.memref_slice %arg3[%dma_wait3A_631, %mul3A_2] : memref<48x8192xf32, #tpu.memory_space<hbm>> -> memref<1x256xf32, #tpu.memory_space<hbm>>
    %dma_wait3A_639 = tpu.memref_squeeze %dma_wait3A_638 : memref<1x256xf32, #tpu.memory_space<hbm>> -> memref<256xf32, #tpu.memory_space<hbm>>
    tpu.wait_dma2 semaphore(%arg12 : memref<!tpu.dma_semaphore, #tpu.memory_space<semaphore_mem>>) src(%dma_wait3A_639 : memref<256xf32, #tpu.memory_space<hbm>>) dst(%dma_wait3A_637 : memref<256xf32, #tpu.memory_space<vmem>>)
    %dma_wait3A_640 = arith.constant 23 : i32
    %dma_wait3A_641 = arith.constant 5888 : i32
    %dma_wait3A_642 = tpu.memref_slice %arg8[%dma_wait3A_641] : memref<12288xf32, #tpu.memory_space<vmem>> -> memref<256xf32, #tpu.memory_space<vmem>>
    %dma_wait3A_643 = tpu.memref_slice %arg3[%dma_wait3A_640, %mul3A_2] : memref<48x8192xf32, #tpu.memory_space<hbm>> -> memref<1x256xf32, #tpu.memory_space<hbm>>
    %dma_wait3A_644 = tpu.memref_squeeze %dma_wait3A_643 : memref<1x256xf32, #tpu.memory_space<hbm>> -> memref<256xf32, #tpu.memory_space<hbm>>
    %dma_wait3A_645 = arith.constant 5888 : i32
    %dma_wait3A_646 = tpu.memref_slice %arg8[%dma_wait3A_645] : memref<12288xf32, #tpu.memory_space<vmem>> -> memref<256xf32, #tpu.memory_space<vmem>>
    %dma_wait3A_647 = tpu.memref_slice %arg3[%dma_wait3A_640, %mul3A_2] : memref<48x8192xf32, #tpu.memory_space<hbm>> -> memref<1x256xf32, #tpu.memory_space<hbm>>
    %dma_wait3A_648 = tpu.memref_squeeze %dma_wait3A_647 : memref<1x256xf32, #tpu.memory_space<hbm>> -> memref<256xf32, #tpu.memory_space<hbm>>
    tpu.wait_dma2 semaphore(%arg12 : memref<!tpu.dma_semaphore, #tpu.memory_space<semaphore_mem>>) src(%dma_wait3A_648 : memref<256xf32, #tpu.memory_space<hbm>>) dst(%dma_wait3A_646 : memref<256xf32, #tpu.memory_space<vmem>>)
    %dma_wait3A_649 = arith.constant 24 : i32
    %dma_wait3A_650 = arith.constant 6144 : i32
    %dma_wait3A_651 = tpu.memref_slice %arg8[%dma_wait3A_650] : memref<12288xf32, #tpu.memory_space<vmem>> -> memref<256xf32, #tpu.memory_space<vmem>>
    %dma_wait3A_652 = tpu.memref_slice %arg3[%dma_wait3A_649, %mul3A_2] : memref<48x8192xf32, #tpu.memory_space<hbm>> -> memref<1x256xf32, #tpu.memory_space<hbm>>
    %dma_wait3A_653 = tpu.memref_squeeze %dma_wait3A_652 : memref<1x256xf32, #tpu.memory_space<hbm>> -> memref<256xf32, #tpu.memory_space<hbm>>
    %dma_wait3A_654 = arith.constant 6144 : i32
    %dma_wait3A_655 = tpu.memref_slice %arg8[%dma_wait3A_654] : memref<12288xf32, #tpu.memory_space<vmem>> -> memref<256xf32, #tpu.memory_space<vmem>>
    %dma_wait3A_656 = tpu.memref_slice %arg3[%dma_wait3A_649, %mul3A_2] : memref<48x8192xf32, #tpu.memory_space<hbm>> -> memref<1x256xf32, #tpu.memory_space<hbm>>
    %dma_wait3A_657 = tpu.memref_squeeze %dma_wait3A_656 : memref<1x256xf32, #tpu.memory_space<hbm>> -> memref<256xf32, #tpu.memory_space<hbm>>
    tpu.wait_dma2 semaphore(%arg12 : memref<!tpu.dma_semaphore, #tpu.memory_space<semaphore_mem>>) src(%dma_wait3A_657 : memref<256xf32, #tpu.memory_space<hbm>>) dst(%dma_wait3A_655 : memref<256xf32, #tpu.memory_space<vmem>>)
    %dma_wait3A_658 = arith.constant 25 : i32
    %dma_wait3A_659 = arith.constant 6400 : i32
    %dma_wait3A_660 = tpu.memref_slice %arg8[%dma_wait3A_659] : memref<12288xf32, #tpu.memory_space<vmem>> -> memref<256xf32, #tpu.memory_space<vmem>>
    %dma_wait3A_661 = tpu.memref_slice %arg3[%dma_wait3A_658, %mul3A_2] : memref<48x8192xf32, #tpu.memory_space<hbm>> -> memref<1x256xf32, #tpu.memory_space<hbm>>
    %dma_wait3A_662 = tpu.memref_squeeze %dma_wait3A_661 : memref<1x256xf32, #tpu.memory_space<hbm>> -> memref<256xf32, #tpu.memory_space<hbm>>
    %dma_wait3A_663 = arith.constant 6400 : i32
    %dma_wait3A_664 = tpu.memref_slice %arg8[%dma_wait3A_663] : memref<12288xf32, #tpu.memory_space<vmem>> -> memref<256xf32, #tpu.memory_space<vmem>>
    %dma_wait3A_665 = tpu.memref_slice %arg3[%dma_wait3A_658, %mul3A_2] : memref<48x8192xf32, #tpu.memory_space<hbm>> -> memref<1x256xf32, #tpu.memory_space<hbm>>
    %dma_wait3A_666 = tpu.memref_squeeze %dma_wait3A_665 : memref<1x256xf32, #tpu.memory_space<hbm>> -> memref<256xf32, #tpu.memory_space<hbm>>
    tpu.wait_dma2 semaphore(%arg12 : memref<!tpu.dma_semaphore, #tpu.memory_space<semaphore_mem>>) src(%dma_wait3A_666 : memref<256xf32, #tpu.memory_space<hbm>>) dst(%dma_wait3A_664 : memref<256xf32, #tpu.memory_space<vmem>>)
    %dma_wait3A_667 = arith.constant 26 : i32
    %dma_wait3A_668 = arith.constant 6656 : i32
    %dma_wait3A_669 = tpu.memref_slice %arg8[%dma_wait3A_668] : memref<12288xf32, #tpu.memory_space<vmem>> -> memref<256xf32, #tpu.memory_space<vmem>>
    %dma_wait3A_670 = tpu.memref_slice %arg3[%dma_wait3A_667, %mul3A_2] : memref<48x8192xf32, #tpu.memory_space<hbm>> -> memref<1x256xf32, #tpu.memory_space<hbm>>
    %dma_wait3A_671 = tpu.memref_squeeze %dma_wait3A_670 : memref<1x256xf32, #tpu.memory_space<hbm>> -> memref<256xf32, #tpu.memory_space<hbm>>
    %dma_wait3A_672 = arith.constant 6656 : i32
    %dma_wait3A_673 = tpu.memref_slice %arg8[%dma_wait3A_672] : memref<12288xf32, #tpu.memory_space<vmem>> -> memref<256xf32, #tpu.memory_space<vmem>>
    %dma_wait3A_674 = tpu.memref_slice %arg3[%dma_wait3A_667, %mul3A_2] : memref<48x8192xf32, #tpu.memory_space<hbm>> -> memref<1x256xf32, #tpu.memory_space<hbm>>
    %dma_wait3A_675 = tpu.memref_squeeze %dma_wait3A_674 : memref<1x256xf32, #tpu.memory_space<hbm>> -> memref<256xf32, #tpu.memory_space<hbm>>
    tpu.wait_dma2 semaphore(%arg12 : memref<!tpu.dma_semaphore, #tpu.memory_space<semaphore_mem>>) src(%dma_wait3A_675 : memref<256xf32, #tpu.memory_space<hbm>>) dst(%dma_wait3A_673 : memref<256xf32, #tpu.memory_space<vmem>>)
    %dma_wait3A_676 = arith.constant 27 : i32
    %dma_wait3A_677 = arith.constant 6912 : i32
    %dma_wait3A_678 = tpu.memref_slice %arg8[%dma_wait3A_677] : memref<12288xf32, #tpu.memory_space<vmem>> -> memref<256xf32, #tpu.memory_space<vmem>>
    %dma_wait3A_679 = tpu.memref_slice %arg3[%dma_wait3A_676, %mul3A_2] : memref<48x8192xf32, #tpu.memory_space<hbm>> -> memref<1x256xf32, #tpu.memory_space<hbm>>
    %dma_wait3A_680 = tpu.memref_squeeze %dma_wait3A_679 : memref<1x256xf32, #tpu.memory_space<hbm>> -> memref<256xf32, #tpu.memory_space<hbm>>
    %dma_wait3A_681 = arith.constant 6912 : i32
    %dma_wait3A_682 = tpu.memref_slice %arg8[%dma_wait3A_681] : memref<12288xf32, #tpu.memory_space<vmem>> -> memref<256xf32, #tpu.memory_space<vmem>>
    %dma_wait3A_683 = tpu.memref_slice %arg3[%dma_wait3A_676, %mul3A_2] : memref<48x8192xf32, #tpu.memory_space<hbm>> -> memref<1x256xf32, #tpu.memory_space<hbm>>
    %dma_wait3A_684 = tpu.memref_squeeze %dma_wait3A_683 : memref<1x256xf32, #tpu.memory_space<hbm>> -> memref<256xf32, #tpu.memory_space<hbm>>
    tpu.wait_dma2 semaphore(%arg12 : memref<!tpu.dma_semaphore, #tpu.memory_space<semaphore_mem>>) src(%dma_wait3A_684 : memref<256xf32, #tpu.memory_space<hbm>>) dst(%dma_wait3A_682 : memref<256xf32, #tpu.memory_space<vmem>>)
    %dma_wait3A_685 = arith.constant 28 : i32
    %dma_wait3A_686 = arith.constant 7168 : i32
    %dma_wait3A_687 = tpu.memref_slice %arg8[%dma_wait3A_686] : memref<12288xf32, #tpu.memory_space<vmem>> -> memref<256xf32, #tpu.memory_space<vmem>>
    %dma_wait3A_688 = tpu.memref_slice %arg3[%dma_wait3A_685, %mul3A_2] : memref<48x8192xf32, #tpu.memory_space<hbm>> -> memref<1x256xf32, #tpu.memory_space<hbm>>
    %dma_wait3A_689 = tpu.memref_squeeze %dma_wait3A_688 : memref<1x256xf32, #tpu.memory_space<hbm>> -> memref<256xf32, #tpu.memory_space<hbm>>
    %dma_wait3A_690 = arith.constant 7168 : i32
    %dma_wait3A_691 = tpu.memref_slice %arg8[%dma_wait3A_690] : memref<12288xf32, #tpu.memory_space<vmem>> -> memref<256xf32, #tpu.memory_space<vmem>>
    %dma_wait3A_692 = tpu.memref_slice %arg3[%dma_wait3A_685, %mul3A_2] : memref<48x8192xf32, #tpu.memory_space<hbm>> -> memref<1x256xf32, #tpu.memory_space<hbm>>
    %dma_wait3A_693 = tpu.memref_squeeze %dma_wait3A_692 : memref<1x256xf32, #tpu.memory_space<hbm>> -> memref<256xf32, #tpu.memory_space<hbm>>
    tpu.wait_dma2 semaphore(%arg12 : memref<!tpu.dma_semaphore, #tpu.memory_space<semaphore_mem>>) src(%dma_wait3A_693 : memref<256xf32, #tpu.memory_space<hbm>>) dst(%dma_wait3A_691 : memref<256xf32, #tpu.memory_space<vmem>>)
    %dma_wait3A_694 = arith.constant 29 : i32
    %dma_wait3A_695 = arith.constant 7424 : i32
    %dma_wait3A_696 = tpu.memref_slice %arg8[%dma_wait3A_695] : memref<12288xf32, #tpu.memory_space<vmem>> -> memref<256xf32, #tpu.memory_space<vmem>>
    %dma_wait3A_697 = tpu.memref_slice %arg3[%dma_wait3A_694, %mul3A_2] : memref<48x8192xf32, #tpu.memory_space<hbm>> -> memref<1x256xf32, #tpu.memory_space<hbm>>
    %dma_wait3A_698 = tpu.memref_squeeze %dma_wait3A_697 : memref<1x256xf32, #tpu.memory_space<hbm>> -> memref<256xf32, #tpu.memory_space<hbm>>
    %dma_wait3A_699 = arith.constant 7424 : i32
    %dma_wait3A_700 = tpu.memref_slice %arg8[%dma_wait3A_699] : memref<12288xf32, #tpu.memory_space<vmem>> -> memref<256xf32, #tpu.memory_space<vmem>>
    %dma_wait3A_701 = tpu.memref_slice %arg3[%dma_wait3A_694, %mul3A_2] : memref<48x8192xf32, #tpu.memory_space<hbm>> -> memref<1x256xf32, #tpu.memory_space<hbm>>
    %dma_wait3A_702 = tpu.memref_squeeze %dma_wait3A_701 : memref<1x256xf32, #tpu.memory_space<hbm>> -> memref<256xf32, #tpu.memory_space<hbm>>
    tpu.wait_dma2 semaphore(%arg12 : memref<!tpu.dma_semaphore, #tpu.memory_space<semaphore_mem>>) src(%dma_wait3A_702 : memref<256xf32, #tpu.memory_space<hbm>>) dst(%dma_wait3A_700 : memref<256xf32, #tpu.memory_space<vmem>>)
    %dma_wait3A_703 = arith.constant 30 : i32
    %dma_wait3A_704 = arith.constant 7680 : i32
    %dma_wait3A_705 = tpu.memref_slice %arg8[%dma_wait3A_704] : memref<12288xf32, #tpu.memory_space<vmem>> -> memref<256xf32, #tpu.memory_space<vmem>>
    %dma_wait3A_706 = tpu.memref_slice %arg3[%dma_wait3A_703, %mul3A_2] : memref<48x8192xf32, #tpu.memory_space<hbm>> -> memref<1x256xf32, #tpu.memory_space<hbm>>
    %dma_wait3A_707 = tpu.memref_squeeze %dma_wait3A_706 : memref<1x256xf32, #tpu.memory_space<hbm>> -> memref<256xf32, #tpu.memory_space<hbm>>
    %dma_wait3A_708 = arith.constant 7680 : i32
    %dma_wait3A_709 = tpu.memref_slice %arg8[%dma_wait3A_708] : memref<12288xf32, #tpu.memory_space<vmem>> -> memref<256xf32, #tpu.memory_space<vmem>>
    %dma_wait3A_710 = tpu.memref_slice %arg3[%dma_wait3A_703, %mul3A_2] : memref<48x8192xf32, #tpu.memory_space<hbm>> -> memref<1x256xf32, #tpu.memory_space<hbm>>
    %dma_wait3A_711 = tpu.memref_squeeze %dma_wait3A_710 : memref<1x256xf32, #tpu.memory_space<hbm>> -> memref<256xf32, #tpu.memory_space<hbm>>
    tpu.wait_dma2 semaphore(%arg12 : memref<!tpu.dma_semaphore, #tpu.memory_space<semaphore_mem>>) src(%dma_wait3A_711 : memref<256xf32, #tpu.memory_space<hbm>>) dst(%dma_wait3A_709 : memref<256xf32, #tpu.memory_space<vmem>>)
    %dma_wait3A_712 = arith.constant 31 : i32
    %dma_wait3A_713 = arith.constant 7936 : i32
    %dma_wait3A_714 = tpu.memref_slice %arg8[%dma_wait3A_713] : memref<12288xf32, #tpu.memory_space<vmem>> -> memref<256xf32, #tpu.memory_space<vmem>>
    %dma_wait3A_715 = tpu.memref_slice %arg3[%dma_wait3A_712, %mul3A_2] : memref<48x8192xf32, #tpu.memory_space<hbm>> -> memref<1x256xf32, #tpu.memory_space<hbm>>
    %dma_wait3A_716 = tpu.memref_squeeze %dma_wait3A_715 : memref<1x256xf32, #tpu.memory_space<hbm>> -> memref<256xf32, #tpu.memory_space<hbm>>
    %dma_wait3A_717 = arith.constant 7936 : i32
    %dma_wait3A_718 = tpu.memref_slice %arg8[%dma_wait3A_717] : memref<12288xf32, #tpu.memory_space<vmem>> -> memref<256xf32, #tpu.memory_space<vmem>>
    %dma_wait3A_719 = tpu.memref_slice %arg3[%dma_wait3A_712, %mul3A_2] : memref<48x8192xf32, #tpu.memory_space<hbm>> -> memref<1x256xf32, #tpu.memory_space<hbm>>
    %dma_wait3A_720 = tpu.memref_squeeze %dma_wait3A_719 : memref<1x256xf32, #tpu.memory_space<hbm>> -> memref<256xf32, #tpu.memory_space<hbm>>
    tpu.wait_dma2 semaphore(%arg12 : memref<!tpu.dma_semaphore, #tpu.memory_space<semaphore_mem>>) src(%dma_wait3A_720 : memref<256xf32, #tpu.memory_space<hbm>>) dst(%dma_wait3A_718 : memref<256xf32, #tpu.memory_space<vmem>>)
    %dma_wait3A_721 = arith.constant 32 : i32
    %dma_wait3A_722 = arith.constant 8192 : i32
    %dma_wait3A_723 = tpu.memref_slice %arg8[%dma_wait3A_722] : memref<12288xf32, #tpu.memory_space<vmem>> -> memref<256xf32, #tpu.memory_space<vmem>>
    %dma_wait3A_724 = tpu.memref_slice %arg3[%dma_wait3A_721, %mul3A_2] : memref<48x8192xf32, #tpu.memory_space<hbm>> -> memref<1x256xf32, #tpu.memory_space<hbm>>
    %dma_wait3A_725 = tpu.memref_squeeze %dma_wait3A_724 : memref<1x256xf32, #tpu.memory_space<hbm>> -> memref<256xf32, #tpu.memory_space<hbm>>
    %dma_wait3A_726 = arith.constant 8192 : i32
    %dma_wait3A_727 = tpu.memref_slice %arg8[%dma_wait3A_726] : memref<12288xf32, #tpu.memory_space<vmem>> -> memref<256xf32, #tpu.memory_space<vmem>>
    %dma_wait3A_728 = tpu.memref_slice %arg3[%dma_wait3A_721, %mul3A_2] : memref<48x8192xf32, #tpu.memory_space<hbm>> -> memref<1x256xf32, #tpu.memory_space<hbm>>
    %dma_wait3A_729 = tpu.memref_squeeze %dma_wait3A_728 : memref<1x256xf32, #tpu.memory_space<hbm>> -> memref<256xf32, #tpu.memory_space<hbm>>
    tpu.wait_dma2 semaphore(%arg12 : memref<!tpu.dma_semaphore, #tpu.memory_space<semaphore_mem>>) src(%dma_wait3A_729 : memref<256xf32, #tpu.memory_space<hbm>>) dst(%dma_wait3A_727 : memref<256xf32, #tpu.memory_space<vmem>>)
    %dma_wait3A_730 = arith.constant 33 : i32
    %dma_wait3A_731 = arith.constant 8448 : i32
    %dma_wait3A_732 = tpu.memref_slice %arg8[%dma_wait3A_731] : memref<12288xf32, #tpu.memory_space<vmem>> -> memref<256xf32, #tpu.memory_space<vmem>>
    %dma_wait3A_733 = tpu.memref_slice %arg3[%dma_wait3A_730, %mul3A_2] : memref<48x8192xf32, #tpu.memory_space<hbm>> -> memref<1x256xf32, #tpu.memory_space<hbm>>
    %dma_wait3A_734 = tpu.memref_squeeze %dma_wait3A_733 : memref<1x256xf32, #tpu.memory_space<hbm>> -> memref<256xf32, #tpu.memory_space<hbm>>
    %dma_wait3A_735 = arith.constant 8448 : i32
    %dma_wait3A_736 = tpu.memref_slice %arg8[%dma_wait3A_735] : memref<12288xf32, #tpu.memory_space<vmem>> -> memref<256xf32, #tpu.memory_space<vmem>>
    %dma_wait3A_737 = tpu.memref_slice %arg3[%dma_wait3A_730, %mul3A_2] : memref<48x8192xf32, #tpu.memory_space<hbm>> -> memref<1x256xf32, #tpu.memory_space<hbm>>
    %dma_wait3A_738 = tpu.memref_squeeze %dma_wait3A_737 : memref<1x256xf32, #tpu.memory_space<hbm>> -> memref<256xf32, #tpu.memory_space<hbm>>
    tpu.wait_dma2 semaphore(%arg12 : memref<!tpu.dma_semaphore, #tpu.memory_space<semaphore_mem>>) src(%dma_wait3A_738 : memref<256xf32, #tpu.memory_space<hbm>>) dst(%dma_wait3A_736 : memref<256xf32, #tpu.memory_space<vmem>>)
    %dma_wait3A_739 = arith.constant 34 : i32
    %dma_wait3A_740 = arith.constant 8704 : i32
    %dma_wait3A_741 = tpu.memref_slice %arg8[%dma_wait3A_740] : memref<12288xf32, #tpu.memory_space<vmem>> -> memref<256xf32, #tpu.memory_space<vmem>>
    %dma_wait3A_742 = tpu.memref_slice %arg3[%dma_wait3A_739, %mul3A_2] : memref<48x8192xf32, #tpu.memory_space<hbm>> -> memref<1x256xf32, #tpu.memory_space<hbm>>
    %dma_wait3A_743 = tpu.memref_squeeze %dma_wait3A_742 : memref<1x256xf32, #tpu.memory_space<hbm>> -> memref<256xf32, #tpu.memory_space<hbm>>
    %dma_wait3A_744 = arith.constant 8704 : i32
    %dma_wait3A_745 = tpu.memref_slice %arg8[%dma_wait3A_744] : memref<12288xf32, #tpu.memory_space<vmem>> -> memref<256xf32, #tpu.memory_space<vmem>>
    %dma_wait3A_746 = tpu.memref_slice %arg3[%dma_wait3A_739, %mul3A_2] : memref<48x8192xf32, #tpu.memory_space<hbm>> -> memref<1x256xf32, #tpu.memory_space<hbm>>
    %dma_wait3A_747 = tpu.memref_squeeze %dma_wait3A_746 : memref<1x256xf32, #tpu.memory_space<hbm>> -> memref<256xf32, #tpu.memory_space<hbm>>
    tpu.wait_dma2 semaphore(%arg12 : memref<!tpu.dma_semaphore, #tpu.memory_space<semaphore_mem>>) src(%dma_wait3A_747 : memref<256xf32, #tpu.memory_space<hbm>>) dst(%dma_wait3A_745 : memref<256xf32, #tpu.memory_space<vmem>>)
    %dma_wait3A_748 = arith.constant 35 : i32
    %dma_wait3A_749 = arith.constant 8960 : i32
    %dma_wait3A_750 = tpu.memref_slice %arg8[%dma_wait3A_749] : memref<12288xf32, #tpu.memory_space<vmem>> -> memref<256xf32, #tpu.memory_space<vmem>>
    %dma_wait3A_751 = tpu.memref_slice %arg3[%dma_wait3A_748, %mul3A_2] : memref<48x8192xf32, #tpu.memory_space<hbm>> -> memref<1x256xf32, #tpu.memory_space<hbm>>
    %dma_wait3A_752 = tpu.memref_squeeze %dma_wait3A_751 : memref<1x256xf32, #tpu.memory_space<hbm>> -> memref<256xf32, #tpu.memory_space<hbm>>
    %dma_wait3A_753 = arith.constant 8960 : i32
    %dma_wait3A_754 = tpu.memref_slice %arg8[%dma_wait3A_753] : memref<12288xf32, #tpu.memory_space<vmem>> -> memref<256xf32, #tpu.memory_space<vmem>>
    %dma_wait3A_755 = tpu.memref_slice %arg3[%dma_wait3A_748, %mul3A_2] : memref<48x8192xf32, #tpu.memory_space<hbm>> -> memref<1x256xf32, #tpu.memory_space<hbm>>
    %dma_wait3A_756 = tpu.memref_squeeze %dma_wait3A_755 : memref<1x256xf32, #tpu.memory_space<hbm>> -> memref<256xf32, #tpu.memory_space<hbm>>
    tpu.wait_dma2 semaphore(%arg12 : memref<!tpu.dma_semaphore, #tpu.memory_space<semaphore_mem>>) src(%dma_wait3A_756 : memref<256xf32, #tpu.memory_space<hbm>>) dst(%dma_wait3A_754 : memref<256xf32, #tpu.memory_space<vmem>>)
    %dma_wait3A_757 = arith.constant 36 : i32
    %dma_wait3A_758 = arith.constant 9216 : i32
    %dma_wait3A_759 = tpu.memref_slice %arg8[%dma_wait3A_758] : memref<12288xf32, #tpu.memory_space<vmem>> -> memref<256xf32, #tpu.memory_space<vmem>>
    %dma_wait3A_760 = tpu.memref_slice %arg3[%dma_wait3A_757, %mul3A_2] : memref<48x8192xf32, #tpu.memory_space<hbm>> -> memref<1x256xf32, #tpu.memory_space<hbm>>
    %dma_wait3A_761 = tpu.memref_squeeze %dma_wait3A_760 : memref<1x256xf32, #tpu.memory_space<hbm>> -> memref<256xf32, #tpu.memory_space<hbm>>
    %dma_wait3A_762 = arith.constant 9216 : i32
    %dma_wait3A_763 = tpu.memref_slice %arg8[%dma_wait3A_762] : memref<12288xf32, #tpu.memory_space<vmem>> -> memref<256xf32, #tpu.memory_space<vmem>>
    %dma_wait3A_764 = tpu.memref_slice %arg3[%dma_wait3A_757, %mul3A_2] : memref<48x8192xf32, #tpu.memory_space<hbm>> -> memref<1x256xf32, #tpu.memory_space<hbm>>
    %dma_wait3A_765 = tpu.memref_squeeze %dma_wait3A_764 : memref<1x256xf32, #tpu.memory_space<hbm>> -> memref<256xf32, #tpu.memory_space<hbm>>
    tpu.wait_dma2 semaphore(%arg12 : memref<!tpu.dma_semaphore, #tpu.memory_space<semaphore_mem>>) src(%dma_wait3A_765 : memref<256xf32, #tpu.memory_space<hbm>>) dst(%dma_wait3A_763 : memref<256xf32, #tpu.memory_space<vmem>>)
    %dma_wait3A_766 = arith.constant 37 : i32
    %dma_wait3A_767 = arith.constant 9472 : i32
    %dma_wait3A_768 = tpu.memref_slice %arg8[%dma_wait3A_767] : memref<12288xf32, #tpu.memory_space<vmem>> -> memref<256xf32, #tpu.memory_space<vmem>>
    %dma_wait3A_769 = tpu.memref_slice %arg3[%dma_wait3A_766, %mul3A_2] : memref<48x8192xf32, #tpu.memory_space<hbm>> -> memref<1x256xf32, #tpu.memory_space<hbm>>
    %dma_wait3A_770 = tpu.memref_squeeze %dma_wait3A_769 : memref<1x256xf32, #tpu.memory_space<hbm>> -> memref<256xf32, #tpu.memory_space<hbm>>
    %dma_wait3A_771 = arith.constant 9472 : i32
    %dma_wait3A_772 = tpu.memref_slice %arg8[%dma_wait3A_771] : memref<12288xf32, #tpu.memory_space<vmem>> -> memref<256xf32, #tpu.memory_space<vmem>>
    %dma_wait3A_773 = tpu.memref_slice %arg3[%dma_wait3A_766, %mul3A_2] : memref<48x8192xf32, #tpu.memory_space<hbm>> -> memref<1x256xf32, #tpu.memory_space<hbm>>
    %dma_wait3A_774 = tpu.memref_squeeze %dma_wait3A_773 : memref<1x256xf32, #tpu.memory_space<hbm>> -> memref<256xf32, #tpu.memory_space<hbm>>
    tpu.wait_dma2 semaphore(%arg12 : memref<!tpu.dma_semaphore, #tpu.memory_space<semaphore_mem>>) src(%dma_wait3A_774 : memref<256xf32, #tpu.memory_space<hbm>>) dst(%dma_wait3A_772 : memref<256xf32, #tpu.memory_space<vmem>>)
    %dma_wait3A_775 = arith.constant 38 : i32
    %dma_wait3A_776 = arith.constant 9728 : i32
    %dma_wait3A_777 = tpu.memref_slice %arg8[%dma_wait3A_776] : memref<12288xf32, #tpu.memory_space<vmem>> -> memref<256xf32, #tpu.memory_space<vmem>>
    %dma_wait3A_778 = tpu.memref_slice %arg3[%dma_wait3A_775, %mul3A_2] : memref<48x8192xf32, #tpu.memory_space<hbm>> -> memref<1x256xf32, #tpu.memory_space<hbm>>
    %dma_wait3A_779 = tpu.memref_squeeze %dma_wait3A_778 : memref<1x256xf32, #tpu.memory_space<hbm>> -> memref<256xf32, #tpu.memory_space<hbm>>
    %dma_wait3A_780 = arith.constant 9728 : i32
    %dma_wait3A_781 = tpu.memref_slice %arg8[%dma_wait3A_780] : memref<12288xf32, #tpu.memory_space<vmem>> -> memref<256xf32, #tpu.memory_space<vmem>>
    %dma_wait3A_782 = tpu.memref_slice %arg3[%dma_wait3A_775, %mul3A_2] : memref<48x8192xf32, #tpu.memory_space<hbm>> -> memref<1x256xf32, #tpu.memory_space<hbm>>
    %dma_wait3A_783 = tpu.memref_squeeze %dma_wait3A_782 : memref<1x256xf32, #tpu.memory_space<hbm>> -> memref<256xf32, #tpu.memory_space<hbm>>
    tpu.wait_dma2 semaphore(%arg12 : memref<!tpu.dma_semaphore, #tpu.memory_space<semaphore_mem>>) src(%dma_wait3A_783 : memref<256xf32, #tpu.memory_space<hbm>>) dst(%dma_wait3A_781 : memref<256xf32, #tpu.memory_space<vmem>>)
    %dma_wait3A_784 = arith.constant 39 : i32
    %dma_wait3A_785 = arith.constant 9984 : i32
    %dma_wait3A_786 = tpu.memref_slice %arg8[%dma_wait3A_785] : memref<12288xf32, #tpu.memory_space<vmem>> -> memref<256xf32, #tpu.memory_space<vmem>>
    %dma_wait3A_787 = tpu.memref_slice %arg3[%dma_wait3A_784, %mul3A_2] : memref<48x8192xf32, #tpu.memory_space<hbm>> -> memref<1x256xf32, #tpu.memory_space<hbm>>
    %dma_wait3A_788 = tpu.memref_squeeze %dma_wait3A_787 : memref<1x256xf32, #tpu.memory_space<hbm>> -> memref<256xf32, #tpu.memory_space<hbm>>
    %dma_wait3A_789 = arith.constant 9984 : i32
    %dma_wait3A_790 = tpu.memref_slice %arg8[%dma_wait3A_789] : memref<12288xf32, #tpu.memory_space<vmem>> -> memref<256xf32, #tpu.memory_space<vmem>>
    %dma_wait3A_791 = tpu.memref_slice %arg3[%dma_wait3A_784, %mul3A_2] : memref<48x8192xf32, #tpu.memory_space<hbm>> -> memref<1x256xf32, #tpu.memory_space<hbm>>
    %dma_wait3A_792 = tpu.memref_squeeze %dma_wait3A_791 : memref<1x256xf32, #tpu.memory_space<hbm>> -> memref<256xf32, #tpu.memory_space<hbm>>
    tpu.wait_dma2 semaphore(%arg12 : memref<!tpu.dma_semaphore, #tpu.memory_space<semaphore_mem>>) src(%dma_wait3A_792 : memref<256xf32, #tpu.memory_space<hbm>>) dst(%dma_wait3A_790 : memref<256xf32, #tpu.memory_space<vmem>>)
    %dma_wait3A_793 = arith.constant 40 : i32
    %dma_wait3A_794 = arith.constant 10240 : i32
    %dma_wait3A_795 = tpu.memref_slice %arg8[%dma_wait3A_794] : memref<12288xf32, #tpu.memory_space<vmem>> -> memref<256xf32, #tpu.memory_space<vmem>>
    %dma_wait3A_796 = tpu.memref_slice %arg3[%dma_wait3A_793, %mul3A_2] : memref<48x8192xf32, #tpu.memory_space<hbm>> -> memref<1x256xf32, #tpu.memory_space<hbm>>
    %dma_wait3A_797 = tpu.memref_squeeze %dma_wait3A_796 : memref<1x256xf32, #tpu.memory_space<hbm>> -> memref<256xf32, #tpu.memory_space<hbm>>
    %dma_wait3A_798 = arith.constant 10240 : i32
    %dma_wait3A_799 = tpu.memref_slice %arg8[%dma_wait3A_798] : memref<12288xf32, #tpu.memory_space<vmem>> -> memref<256xf32, #tpu.memory_space<vmem>>
    %dma_wait3A_800 = tpu.memref_slice %arg3[%dma_wait3A_793, %mul3A_2] : memref<48x8192xf32, #tpu.memory_space<hbm>> -> memref<1x256xf32, #tpu.memory_space<hbm>>
    %dma_wait3A_801 = tpu.memref_squeeze %dma_wait3A_800 : memref<1x256xf32, #tpu.memory_space<hbm>> -> memref<256xf32, #tpu.memory_space<hbm>>
    tpu.wait_dma2 semaphore(%arg12 : memref<!tpu.dma_semaphore, #tpu.memory_space<semaphore_mem>>) src(%dma_wait3A_801 : memref<256xf32, #tpu.memory_space<hbm>>) dst(%dma_wait3A_799 : memref<256xf32, #tpu.memory_space<vmem>>)
    %dma_wait3A_802 = arith.constant 41 : i32
    %dma_wait3A_803 = arith.constant 10496 : i32
    %dma_wait3A_804 = tpu.memref_slice %arg8[%dma_wait3A_803] : memref<12288xf32, #tpu.memory_space<vmem>> -> memref<256xf32, #tpu.memory_space<vmem>>
    %dma_wait3A_805 = tpu.memref_slice %arg3[%dma_wait3A_802, %mul3A_2] : memref<48x8192xf32, #tpu.memory_space<hbm>> -> memref<1x256xf32, #tpu.memory_space<hbm>>
    %dma_wait3A_806 = tpu.memref_squeeze %dma_wait3A_805 : memref<1x256xf32, #tpu.memory_space<hbm>> -> memref<256xf32, #tpu.memory_space<hbm>>
    %dma_wait3A_807 = arith.constant 10496 : i32
    %dma_wait3A_808 = tpu.memref_slice %arg8[%dma_wait3A_807] : memref<12288xf32, #tpu.memory_space<vmem>> -> memref<256xf32, #tpu.memory_space<vmem>>
    %dma_wait3A_809 = tpu.memref_slice %arg3[%dma_wait3A_802, %mul3A_2] : memref<48x8192xf32, #tpu.memory_space<hbm>> -> memref<1x256xf32, #tpu.memory_space<hbm>>
    %dma_wait3A_810 = tpu.memref_squeeze %dma_wait3A_809 : memref<1x256xf32, #tpu.memory_space<hbm>> -> memref<256xf32, #tpu.memory_space<hbm>>
    tpu.wait_dma2 semaphore(%arg12 : memref<!tpu.dma_semaphore, #tpu.memory_space<semaphore_mem>>) src(%dma_wait3A_810 : memref<256xf32, #tpu.memory_space<hbm>>) dst(%dma_wait3A_808 : memref<256xf32, #tpu.memory_space<vmem>>)
    %dma_wait3A_811 = arith.constant 42 : i32
    %dma_wait3A_812 = arith.constant 10752 : i32
    %dma_wait3A_813 = tpu.memref_slice %arg8[%dma_wait3A_812] : memref<12288xf32, #tpu.memory_space<vmem>> -> memref<256xf32, #tpu.memory_space<vmem>>
    %dma_wait3A_814 = tpu.memref_slice %arg3[%dma_wait3A_811, %mul3A_2] : memref<48x8192xf32, #tpu.memory_space<hbm>> -> memref<1x256xf32, #tpu.memory_space<hbm>>
    %dma_wait3A_815 = tpu.memref_squeeze %dma_wait3A_814 : memref<1x256xf32, #tpu.memory_space<hbm>> -> memref<256xf32, #tpu.memory_space<hbm>>
    %dma_wait3A_816 = arith.constant 10752 : i32
    %dma_wait3A_817 = tpu.memref_slice %arg8[%dma_wait3A_816] : memref<12288xf32, #tpu.memory_space<vmem>> -> memref<256xf32, #tpu.memory_space<vmem>>
    %dma_wait3A_818 = tpu.memref_slice %arg3[%dma_wait3A_811, %mul3A_2] : memref<48x8192xf32, #tpu.memory_space<hbm>> -> memref<1x256xf32, #tpu.memory_space<hbm>>
    %dma_wait3A_819 = tpu.memref_squeeze %dma_wait3A_818 : memref<1x256xf32, #tpu.memory_space<hbm>> -> memref<256xf32, #tpu.memory_space<hbm>>
    tpu.wait_dma2 semaphore(%arg12 : memref<!tpu.dma_semaphore, #tpu.memory_space<semaphore_mem>>) src(%dma_wait3A_819 : memref<256xf32, #tpu.memory_space<hbm>>) dst(%dma_wait3A_817 : memref<256xf32, #tpu.memory_space<vmem>>)
    %dma_wait3A_820 = arith.constant 43 : i32
    %dma_wait3A_821 = arith.constant 11008 : i32
    %dma_wait3A_822 = tpu.memref_slice %arg8[%dma_wait3A_821] : memref<12288xf32, #tpu.memory_space<vmem>> -> memref<256xf32, #tpu.memory_space<vmem>>
    %dma_wait3A_823 = tpu.memref_slice %arg3[%dma_wait3A_820, %mul3A_2] : memref<48x8192xf32, #tpu.memory_space<hbm>> -> memref<1x256xf32, #tpu.memory_space<hbm>>
    %dma_wait3A_824 = tpu.memref_squeeze %dma_wait3A_823 : memref<1x256xf32, #tpu.memory_space<hbm>> -> memref<256xf32, #tpu.memory_space<hbm>>
    %dma_wait3A_825 = arith.constant 11008 : i32
    %dma_wait3A_826 = tpu.memref_slice %arg8[%dma_wait3A_825] : memref<12288xf32, #tpu.memory_space<vmem>> -> memref<256xf32, #tpu.memory_space<vmem>>
    %dma_wait3A_827 = tpu.memref_slice %arg3[%dma_wait3A_820, %mul3A_2] : memref<48x8192xf32, #tpu.memory_space<hbm>> -> memref<1x256xf32, #tpu.memory_space<hbm>>
    %dma_wait3A_828 = tpu.memref_squeeze %dma_wait3A_827 : memref<1x256xf32, #tpu.memory_space<hbm>> -> memref<256xf32, #tpu.memory_space<hbm>>
    tpu.wait_dma2 semaphore(%arg12 : memref<!tpu.dma_semaphore, #tpu.memory_space<semaphore_mem>>) src(%dma_wait3A_828 : memref<256xf32, #tpu.memory_space<hbm>>) dst(%dma_wait3A_826 : memref<256xf32, #tpu.memory_space<vmem>>)
    %dma_wait3A_829 = arith.constant 44 : i32
    %dma_wait3A_830 = arith.constant 11264 : i32
    %dma_wait3A_831 = tpu.memref_slice %arg8[%dma_wait3A_830] : memref<12288xf32, #tpu.memory_space<vmem>> -> memref<256xf32, #tpu.memory_space<vmem>>
    %dma_wait3A_832 = tpu.memref_slice %arg3[%dma_wait3A_829, %mul3A_2] : memref<48x8192xf32, #tpu.memory_space<hbm>> -> memref<1x256xf32, #tpu.memory_space<hbm>>
    %dma_wait3A_833 = tpu.memref_squeeze %dma_wait3A_832 : memref<1x256xf32, #tpu.memory_space<hbm>> -> memref<256xf32, #tpu.memory_space<hbm>>
    %dma_wait3A_834 = arith.constant 11264 : i32
    %dma_wait3A_835 = tpu.memref_slice %arg8[%dma_wait3A_834] : memref<12288xf32, #tpu.memory_space<vmem>> -> memref<256xf32, #tpu.memory_space<vmem>>
    %dma_wait3A_836 = tpu.memref_slice %arg3[%dma_wait3A_829, %mul3A_2] : memref<48x8192xf32, #tpu.memory_space<hbm>> -> memref<1x256xf32, #tpu.memory_space<hbm>>
    %dma_wait3A_837 = tpu.memref_squeeze %dma_wait3A_836 : memref<1x256xf32, #tpu.memory_space<hbm>> -> memref<256xf32, #tpu.memory_space<hbm>>
    tpu.wait_dma2 semaphore(%arg12 : memref<!tpu.dma_semaphore, #tpu.memory_space<semaphore_mem>>) src(%dma_wait3A_837 : memref<256xf32, #tpu.memory_space<hbm>>) dst(%dma_wait3A_835 : memref<256xf32, #tpu.memory_space<vmem>>)
    %dma_wait3A_838 = arith.constant 45 : i32
    %dma_wait3A_839 = arith.constant 11520 : i32
    %dma_wait3A_840 = tpu.memref_slice %arg8[%dma_wait3A_839] : memref<12288xf32, #tpu.memory_space<vmem>> -> memref<256xf32, #tpu.memory_space<vmem>>
    %dma_wait3A_841 = tpu.memref_slice %arg3[%dma_wait3A_838, %mul3A_2] : memref<48x8192xf32, #tpu.memory_space<hbm>> -> memref<1x256xf32, #tpu.memory_space<hbm>>
    %dma_wait3A_842 = tpu.memref_squeeze %dma_wait3A_841 : memref<1x256xf32, #tpu.memory_space<hbm>> -> memref<256xf32, #tpu.memory_space<hbm>>
    %dma_wait3A_843 = arith.constant 11520 : i32
    %dma_wait3A_844 = tpu.memref_slice %arg8[%dma_wait3A_843] : memref<12288xf32, #tpu.memory_space<vmem>> -> memref<256xf32, #tpu.memory_space<vmem>>
    %dma_wait3A_845 = tpu.memref_slice %arg3[%dma_wait3A_838, %mul3A_2] : memref<48x8192xf32, #tpu.memory_space<hbm>> -> memref<1x256xf32, #tpu.memory_space<hbm>>
    %dma_wait3A_846 = tpu.memref_squeeze %dma_wait3A_845 : memref<1x256xf32, #tpu.memory_space<hbm>> -> memref<256xf32, #tpu.memory_space<hbm>>
    tpu.wait_dma2 semaphore(%arg12 : memref<!tpu.dma_semaphore, #tpu.memory_space<semaphore_mem>>) src(%dma_wait3A_846 : memref<256xf32, #tpu.memory_space<hbm>>) dst(%dma_wait3A_844 : memref<256xf32, #tpu.memory_space<vmem>>)
    %dma_wait3A_847 = arith.constant 46 : i32
    %dma_wait3A_848 = arith.constant 11776 : i32
    %dma_wait3A_849 = tpu.memref_slice %arg8[%dma_wait3A_848] : memref<12288xf32, #tpu.memory_space<vmem>> -> memref<256xf32, #tpu.memory_space<vmem>>
    %dma_wait3A_850 = tpu.memref_slice %arg3[%dma_wait3A_847, %mul3A_2] : memref<48x8192xf32, #tpu.memory_space<hbm>> -> memref<1x256xf32, #tpu.memory_space<hbm>>
    %dma_wait3A_851 = tpu.memref_squeeze %dma_wait3A_850 : memref<1x256xf32, #tpu.memory_space<hbm>> -> memref<256xf32, #tpu.memory_space<hbm>>
    %dma_wait3A_852 = arith.constant 11776 : i32
    %dma_wait3A_853 = tpu.memref_slice %arg8[%dma_wait3A_852] : memref<12288xf32, #tpu.memory_space<vmem>> -> memref<256xf32, #tpu.memory_space<vmem>>
    %dma_wait3A_854 = tpu.memref_slice %arg3[%dma_wait3A_847, %mul3A_2] : memref<48x8192xf32, #tpu.memory_space<hbm>> -> memref<1x256xf32, #tpu.memory_space<hbm>>
    %dma_wait3A_855 = tpu.memref_squeeze %dma_wait3A_854 : memref<1x256xf32, #tpu.memory_space<hbm>> -> memref<256xf32, #tpu.memory_space<hbm>>
    tpu.wait_dma2 semaphore(%arg12 : memref<!tpu.dma_semaphore, #tpu.memory_space<semaphore_mem>>) src(%dma_wait3A_855 : memref<256xf32, #tpu.memory_space<hbm>>) dst(%dma_wait3A_853 : memref<256xf32, #tpu.memory_space<vmem>>)
    %dma_wait3A_856 = arith.constant 47 : i32
    %dma_wait3A_857 = arith.constant 12032 : i32
    %dma_wait3A_858 = tpu.memref_slice %arg8[%dma_wait3A_857] : memref<12288xf32, #tpu.memory_space<vmem>> -> memref<256xf32, #tpu.memory_space<vmem>>
    %dma_wait3A_859 = tpu.memref_slice %arg3[%dma_wait3A_856, %mul3A_2] : memref<48x8192xf32, #tpu.memory_space<hbm>> -> memref<1x256xf32, #tpu.memory_space<hbm>>
    %dma_wait3A_860 = tpu.memref_squeeze %dma_wait3A_859 : memref<1x256xf32, #tpu.memory_space<hbm>> -> memref<256xf32, #tpu.memory_space<hbm>>
    %dma_wait3A_861 = arith.constant 12032 : i32
    %dma_wait3A_862 = tpu.memref_slice %arg8[%dma_wait3A_861] : memref<12288xf32, #tpu.memory_space<vmem>> -> memref<256xf32, #tpu.memory_space<vmem>>
    %dma_wait3A_863 = tpu.memref_slice %arg3[%dma_wait3A_856, %mul3A_2] : memref<48x8192xf32, #tpu.memory_space<hbm>> -> memref<1x256xf32, #tpu.memory_space<hbm>>
    %dma_wait3A_864 = tpu.memref_squeeze %dma_wait3A_863 : memref<1x256xf32, #tpu.memory_space<hbm>> -> memref<256xf32, #tpu.memory_space<hbm>>
    tpu.wait_dma2 semaphore(%arg12 : memref<!tpu.dma_semaphore, #tpu.memory_space<semaphore_mem>>) src(%dma_wait3A_864 : memref<256xf32, #tpu.memory_space<hbm>>) dst(%dma_wait3A_862 : memref<256xf32, #tpu.memory_space<vmem>>)
    %iota3A = tpu.iota {dimensions = array<i32: 0>} : vector<16xi32>
    %parallel_loop3A = arith.constant 0 : i32
    %parallel_loop3A_865 = arith.constant 16 : i32
    %parallel_loop3A_866 = arith.constant 1 : i32
    %parallel_loop3A_867 = arith.constant 0xFF800000 : f32
    scf.for %parallel_loop3A_868 = %parallel_loop3A to %parallel_loop3A_865 step %parallel_loop3A_866  : i32 {
      %parallel_loop3A_869 = arith.constant 16 : i32
      %parallel_loop3A_870 = arith.muli %parallel_loop3A_868, %parallel_loop3A_869 : i32
      %parallel_loop3A_871 = vector.broadcast %parallel_loop3A_867 : f32 to vector<16xf32>
      %parallel_loop3A_872 = arith.constant 0 : i32
      %parallel_loop3A_873 = vector.broadcast %parallel_loop3A_872 : i32 to vector<16xi32>
      %parallel_loop3A_874 = arith.constant 0 : i32
      %parallel_loop3A_875 = arith.index_cast %parallel_loop3A_874 : i32 to index
      %parallel_loop3A_876 = arith.index_cast %parallel_loop3A_870 : i32 to index
      %parallel_loop3A_877 = tpu.vector_load %arg7[%parallel_loop3A_875, %parallel_loop3A_876] {strides = array<i32>} : memref<48x256xf32, #tpu.memory_space<vmem>>, vector<16xf32>,
      %parallel_loop3A_878 = arith.constant 0 : i32
      %parallel_loop3A_879 = vector.broadcast %parallel_loop3A_878 : i32 to vector<16xi32>
      %parallel_loop3A_880 = arith.cmpf ogt, %parallel_loop3A_877, %parallel_loop3A_871 : vector<16xf32>
      %parallel_loop3A_881 = arith.cmpf ogt, %parallel_loop3A_877, %parallel_loop3A_871 : vector<16xf32>
      %parallel_loop3A_882 = arith.cmpf ogt, %parallel_loop3A_877, %parallel_loop3A_871 : vector<16xf32>
      %parallel_loop3A_883 = arith.cmpf ogt, %parallel_loop3A_877, %parallel_loop3A_871 : vector<16xf32>
      %parallel_loop3A_884 = arith.select %parallel_loop3A_883, %parallel_loop3A_877, %parallel_loop3A_871 : vector<16xi1>, vector<16xf32>
      %parallel_loop3A_885 = arith.select %parallel_loop3A_882, %parallel_loop3A_871, %parallel_loop3A_884 : vector<16xi1>, vector<16xf32>
      %parallel_loop3A_886 = arith.select %parallel_loop3A_883, %parallel_loop3A_879, %parallel_loop3A_873 : vector<16xi1>, vector<16xi32>
      %parallel_loop3A_887 = arith.select %parallel_loop3A_882, %parallel_loop3A_873, %parallel_loop3A_886 : vector<16xi1>, vector<16xi32>
      %parallel_loop3A_888 = arith.select %parallel_loop3A_882, %parallel_loop3A_877, %parallel_loop3A_871 : vector<16xi1>, vector<16xf32>
      %parallel_loop3A_889 = arith.select %parallel_loop3A_881, %parallel_loop3A_871, %parallel_loop3A_888 : vector<16xi1>, vector<16xf32>
      %parallel_loop3A_890 = arith.select %parallel_loop3A_882, %parallel_loop3A_879, %parallel_loop3A_873 : vector<16xi1>, vector<16xi32>
      %parallel_loop3A_891 = arith.select %parallel_loop3A_881, %parallel_loop3A_873, %parallel_loop3A_890 : vector<16xi1>, vector<16xi32>
      %parallel_loop3A_892 = arith.select %parallel_loop3A_881, %parallel_loop3A_877, %parallel_loop3A_871 : vector<16xi1>, vector<16xf32>
      %parallel_loop3A_893 = arith.select %parallel_loop3A_880, %parallel_loop3A_871, %parallel_loop3A_892 : vector<16xi1>, vector<16xf32>
      %parallel_loop3A_894 = arith.select %parallel_loop3A_881, %parallel_loop3A_879, %parallel_loop3A_873 : vector<16xi1>, vector<16xi32>
      %parallel_loop3A_895 = arith.select %parallel_loop3A_880, %parallel_loop3A_873, %parallel_loop3A_894 : vector<16xi1>, vector<16xi32>
      %parallel_loop3A_896 = arith.select %parallel_loop3A_880, %parallel_loop3A_877, %parallel_loop3A_871 : vector<16xi1>, vector<16xf32>
      %parallel_loop3A_897 = arith.select %parallel_loop3A_880, %parallel_loop3A_879, %parallel_loop3A_873 : vector<16xi1>, vector<16xi32>
      %parallel_loop3A_898 = arith.constant 1 : i32
      %parallel_loop3A_899 = arith.index_cast %parallel_loop3A_898 : i32 to index
      %parallel_loop3A_900 = arith.index_cast %parallel_loop3A_870 : i32 to index
      %parallel_loop3A_901 = tpu.vector_load %arg7[%parallel_loop3A_899, %parallel_loop3A_900] {strides = array<i32>} : memref<48x256xf32, #tpu.memory_space<vmem>>, vector<16xf32>,
      %parallel_loop3A_902 = arith.constant 1 : i32
      %parallel_loop3A_903 = vector.broadcast %parallel_loop3A_902 : i32 to vector<16xi32>
      %parallel_loop3A_904 = arith.cmpf ogt, %parallel_loop3A_901, %parallel_loop3A_896 : vector<16xf32>
      %parallel_loop3A_905 = arith.cmpf ogt, %parallel_loop3A_901, %parallel_loop3A_893 : vector<16xf32>
      %parallel_loop3A_906 = arith.cmpf ogt, %parallel_loop3A_901, %parallel_loop3A_889 : vector<16xf32>
      %parallel_loop3A_907 = arith.cmpf ogt, %parallel_loop3A_901, %parallel_loop3A_885 : vector<16xf32>
      %parallel_loop3A_908 = arith.select %parallel_loop3A_907, %parallel_loop3A_901, %parallel_loop3A_885 : vector<16xi1>, vector<16xf32>
      %parallel_loop3A_909 = arith.select %parallel_loop3A_906, %parallel_loop3A_889, %parallel_loop3A_908 : vector<16xi1>, vector<16xf32>
      %parallel_loop3A_910 = arith.select %parallel_loop3A_907, %parallel_loop3A_903, %parallel_loop3A_887 : vector<16xi1>, vector<16xi32>
      %parallel_loop3A_911 = arith.select %parallel_loop3A_906, %parallel_loop3A_891, %parallel_loop3A_910 : vector<16xi1>, vector<16xi32>
      %parallel_loop3A_912 = arith.select %parallel_loop3A_906, %parallel_loop3A_901, %parallel_loop3A_889 : vector<16xi1>, vector<16xf32>
      %parallel_loop3A_913 = arith.select %parallel_loop3A_905, %parallel_loop3A_893, %parallel_loop3A_912 : vector<16xi1>, vector<16xf32>
      %parallel_loop3A_914 = arith.select %parallel_loop3A_906, %parallel_loop3A_903, %parallel_loop3A_891 : vector<16xi1>, vector<16xi32>
      %parallel_loop3A_915 = arith.select %parallel_loop3A_905, %parallel_loop3A_895, %parallel_loop3A_914 : vector<16xi1>, vector<16xi32>
      %parallel_loop3A_916 = arith.select %parallel_loop3A_905, %parallel_loop3A_901, %parallel_loop3A_893 : vector<16xi1>, vector<16xf32>
      %parallel_loop3A_917 = arith.select %parallel_loop3A_904, %parallel_loop3A_896, %parallel_loop3A_916 : vector<16xi1>, vector<16xf32>
      %parallel_loop3A_918 = arith.select %parallel_loop3A_905, %parallel_loop3A_903, %parallel_loop3A_895 : vector<16xi1>, vector<16xi32>
      %parallel_loop3A_919 = arith.select %parallel_loop3A_904, %parallel_loop3A_897, %parallel_loop3A_918 : vector<16xi1>, vector<16xi32>
      %parallel_loop3A_920 = arith.select %parallel_loop3A_904, %parallel_loop3A_901, %parallel_loop3A_896 : vector<16xi1>, vector<16xf32>
      %parallel_loop3A_921 = arith.select %parallel_loop3A_904, %parallel_loop3A_903, %parallel_loop3A_897 : vector<16xi1>, vector<16xi32>
      %parallel_loop3A_922 = arith.constant 2 : i32
      %parallel_loop3A_923 = arith.index_cast %parallel_loop3A_922 : i32 to index
      %parallel_loop3A_924 = arith.index_cast %parallel_loop3A_870 : i32 to index
      %parallel_loop3A_925 = tpu.vector_load %arg7[%parallel_loop3A_923, %parallel_loop3A_924] {strides = array<i32>} : memref<48x256xf32, #tpu.memory_space<vmem>>, vector<16xf32>,
      %parallel_loop3A_926 = arith.constant 2 : i32
      %parallel_loop3A_927 = vector.broadcast %parallel_loop3A_926 : i32 to vector<16xi32>
      %parallel_loop3A_928 = arith.cmpf ogt, %parallel_loop3A_925, %parallel_loop3A_920 : vector<16xf32>
      %parallel_loop3A_929 = arith.cmpf ogt, %parallel_loop3A_925, %parallel_loop3A_917 : vector<16xf32>
      %parallel_loop3A_930 = arith.cmpf ogt, %parallel_loop3A_925, %parallel_loop3A_913 : vector<16xf32>
      %parallel_loop3A_931 = arith.cmpf ogt, %parallel_loop3A_925, %parallel_loop3A_909 : vector<16xf32>
      %parallel_loop3A_932 = arith.select %parallel_loop3A_931, %parallel_loop3A_925, %parallel_loop3A_909 : vector<16xi1>, vector<16xf32>
      %parallel_loop3A_933 = arith.select %parallel_loop3A_930, %parallel_loop3A_913, %parallel_loop3A_932 : vector<16xi1>, vector<16xf32>
      %parallel_loop3A_934 = arith.select %parallel_loop3A_931, %parallel_loop3A_927, %parallel_loop3A_911 : vector<16xi1>, vector<16xi32>
      %parallel_loop3A_935 = arith.select %parallel_loop3A_930, %parallel_loop3A_915, %parallel_loop3A_934 : vector<16xi1>, vector<16xi32>
      %parallel_loop3A_936 = arith.select %parallel_loop3A_930, %parallel_loop3A_925, %parallel_loop3A_913 : vector<16xi1>, vector<16xf32>
      %parallel_loop3A_937 = arith.select %parallel_loop3A_929, %parallel_loop3A_917, %parallel_loop3A_936 : vector<16xi1>, vector<16xf32>
      %parallel_loop3A_938 = arith.select %parallel_loop3A_930, %parallel_loop3A_927, %parallel_loop3A_915 : vector<16xi1>, vector<16xi32>
      %parallel_loop3A_939 = arith.select %parallel_loop3A_929, %parallel_loop3A_919, %parallel_loop3A_938 : vector<16xi1>, vector<16xi32>
      %parallel_loop3A_940 = arith.select %parallel_loop3A_929, %parallel_loop3A_925, %parallel_loop3A_917 : vector<16xi1>, vector<16xf32>
      %parallel_loop3A_941 = arith.select %parallel_loop3A_928, %parallel_loop3A_920, %parallel_loop3A_940 : vector<16xi1>, vector<16xf32>
      %parallel_loop3A_942 = arith.select %parallel_loop3A_929, %parallel_loop3A_927, %parallel_loop3A_919 : vector<16xi1>, vector<16xi32>
      %parallel_loop3A_943 = arith.select %parallel_loop3A_928, %parallel_loop3A_921, %parallel_loop3A_942 : vector<16xi1>, vector<16xi32>
      %parallel_loop3A_944 = arith.select %parallel_loop3A_928, %parallel_loop3A_925, %parallel_loop3A_920 : vector<16xi1>, vector<16xf32>
      %parallel_loop3A_945 = arith.select %parallel_loop3A_928, %parallel_loop3A_927, %parallel_loop3A_921 : vector<16xi1>, vector<16xi32>
      %parallel_loop3A_946 = arith.constant 3 : i32
      %parallel_loop3A_947 = arith.index_cast %parallel_loop3A_946 : i32 to index
      %parallel_loop3A_948 = arith.index_cast %parallel_loop3A_870 : i32 to index
      %parallel_loop3A_949 = tpu.vector_load %arg7[%parallel_loop3A_947, %parallel_loop3A_948] {strides = array<i32>} : memref<48x256xf32, #tpu.memory_space<vmem>>, vector<16xf32>,
      %parallel_loop3A_950 = arith.constant 3 : i32
      %parallel_loop3A_951 = vector.broadcast %parallel_loop3A_950 : i32 to vector<16xi32>
      %parallel_loop3A_952 = arith.cmpf ogt, %parallel_loop3A_949, %parallel_loop3A_944 : vector<16xf32>
      %parallel_loop3A_953 = arith.cmpf ogt, %parallel_loop3A_949, %parallel_loop3A_941 : vector<16xf32>
      %parallel_loop3A_954 = arith.cmpf ogt, %parallel_loop3A_949, %parallel_loop3A_937 : vector<16xf32>
      %parallel_loop3A_955 = arith.cmpf ogt, %parallel_loop3A_949, %parallel_loop3A_933 : vector<16xf32>
      %parallel_loop3A_956 = arith.select %parallel_loop3A_955, %parallel_loop3A_949, %parallel_loop3A_933 : vector<16xi1>, vector<16xf32>
      %parallel_loop3A_957 = arith.select %parallel_loop3A_954, %parallel_loop3A_937, %parallel_loop3A_956 : vector<16xi1>, vector<16xf32>
      %parallel_loop3A_958 = arith.select %parallel_loop3A_955, %parallel_loop3A_951, %parallel_loop3A_935 : vector<16xi1>, vector<16xi32>
      %parallel_loop3A_959 = arith.select %parallel_loop3A_954, %parallel_loop3A_939, %parallel_loop3A_958 : vector<16xi1>, vector<16xi32>
      %parallel_loop3A_960 = arith.select %parallel_loop3A_954, %parallel_loop3A_949, %parallel_loop3A_937 : vector<16xi1>, vector<16xf32>
      %parallel_loop3A_961 = arith.select %parallel_loop3A_953, %parallel_loop3A_941, %parallel_loop3A_960 : vector<16xi1>, vector<16xf32>
      %parallel_loop3A_962 = arith.select %parallel_loop3A_954, %parallel_loop3A_951, %parallel_loop3A_939 : vector<16xi1>, vector<16xi32>
      %parallel_loop3A_963 = arith.select %parallel_loop3A_953, %parallel_loop3A_943, %parallel_loop3A_962 : vector<16xi1>, vector<16xi32>
      %parallel_loop3A_964 = arith.select %parallel_loop3A_953, %parallel_loop3A_949, %parallel_loop3A_941 : vector<16xi1>, vector<16xf32>
      %parallel_loop3A_965 = arith.select %parallel_loop3A_952, %parallel_loop3A_944, %parallel_loop3A_964 : vector<16xi1>, vector<16xf32>
      %parallel_loop3A_966 = arith.select %parallel_loop3A_953, %parallel_loop3A_951, %parallel_loop3A_943 : vector<16xi1>, vector<16xi32>
      %parallel_loop3A_967 = arith.select %parallel_loop3A_952, %parallel_loop3A_945, %parallel_loop3A_966 : vector<16xi1>, vector<16xi32>
      %parallel_loop3A_968 = arith.select %parallel_loop3A_952, %parallel_loop3A_949, %parallel_loop3A_944 : vector<16xi1>, vector<16xf32>
      %parallel_loop3A_969 = arith.select %parallel_loop3A_952, %parallel_loop3A_951, %parallel_loop3A_945 : vector<16xi1>, vector<16xi32>
      %parallel_loop3A_970 = arith.constant 4 : i32
      %parallel_loop3A_971 = arith.index_cast %parallel_loop3A_970 : i32 to index
      %parallel_loop3A_972 = arith.index_cast %parallel_loop3A_870 : i32 to index
      %parallel_loop3A_973 = tpu.vector_load %arg7[%parallel_loop3A_971, %parallel_loop3A_972] {strides = array<i32>} : memref<48x256xf32, #tpu.memory_space<vmem>>, vector<16xf32>,
      %parallel_loop3A_974 = arith.constant 4 : i32
      %parallel_loop3A_975 = vector.broadcast %parallel_loop3A_974 : i32 to vector<16xi32>
      %parallel_loop3A_976 = arith.cmpf ogt, %parallel_loop3A_973, %parallel_loop3A_968 : vector<16xf32>
      %parallel_loop3A_977 = arith.cmpf ogt, %parallel_loop3A_973, %parallel_loop3A_965 : vector<16xf32>
      %parallel_loop3A_978 = arith.cmpf ogt, %parallel_loop3A_973, %parallel_loop3A_961 : vector<16xf32>
      %parallel_loop3A_979 = arith.cmpf ogt, %parallel_loop3A_973, %parallel_loop3A_957 : vector<16xf32>
      %parallel_loop3A_980 = arith.select %parallel_loop3A_979, %parallel_loop3A_973, %parallel_loop3A_957 : vector<16xi1>, vector<16xf32>
      %parallel_loop3A_981 = arith.select %parallel_loop3A_978, %parallel_loop3A_961, %parallel_loop3A_980 : vector<16xi1>, vector<16xf32>
      %parallel_loop3A_982 = arith.select %parallel_loop3A_979, %parallel_loop3A_975, %parallel_loop3A_959 : vector<16xi1>, vector<16xi32>
      %parallel_loop3A_983 = arith.select %parallel_loop3A_978, %parallel_loop3A_963, %parallel_loop3A_982 : vector<16xi1>, vector<16xi32>
      %parallel_loop3A_984 = arith.select %parallel_loop3A_978, %parallel_loop3A_973, %parallel_loop3A_961 : vector<16xi1>, vector<16xf32>
      %parallel_loop3A_985 = arith.select %parallel_loop3A_977, %parallel_loop3A_965, %parallel_loop3A_984 : vector<16xi1>, vector<16xf32>
      %parallel_loop3A_986 = arith.select %parallel_loop3A_978, %parallel_loop3A_975, %parallel_loop3A_963 : vector<16xi1>, vector<16xi32>
      %parallel_loop3A_987 = arith.select %parallel_loop3A_977, %parallel_loop3A_967, %parallel_loop3A_986 : vector<16xi1>, vector<16xi32>
      %parallel_loop3A_988 = arith.select %parallel_loop3A_977, %parallel_loop3A_973, %parallel_loop3A_965 : vector<16xi1>, vector<16xf32>
      %parallel_loop3A_989 = arith.select %parallel_loop3A_976, %parallel_loop3A_968, %parallel_loop3A_988 : vector<16xi1>, vector<16xf32>
      %parallel_loop3A_990 = arith.select %parallel_loop3A_977, %parallel_loop3A_975, %parallel_loop3A_967 : vector<16xi1>, vector<16xi32>
      %parallel_loop3A_991 = arith.select %parallel_loop3A_976, %parallel_loop3A_969, %parallel_loop3A_990 : vector<16xi1>, vector<16xi32>
      %parallel_loop3A_992 = arith.select %parallel_loop3A_976, %parallel_loop3A_973, %parallel_loop3A_968 : vector<16xi1>, vector<16xf32>
      %parallel_loop3A_993 = arith.select %parallel_loop3A_976, %parallel_loop3A_975, %parallel_loop3A_969 : vector<16xi1>, vector<16xi32>
      %parallel_loop3A_994 = arith.constant 5 : i32
      %parallel_loop3A_995 = arith.index_cast %parallel_loop3A_994 : i32 to index
      %parallel_loop3A_996 = arith.index_cast %parallel_loop3A_870 : i32 to index
      %parallel_loop3A_997 = tpu.vector_load %arg7[%parallel_loop3A_995, %parallel_loop3A_996] {strides = array<i32>} : memref<48x256xf32, #tpu.memory_space<vmem>>, vector<16xf32>,
      %parallel_loop3A_998 = arith.constant 5 : i32
      %parallel_loop3A_999 = vector.broadcast %parallel_loop3A_998 : i32 to vector<16xi32>
      %parallel_loop3A_1000 = arith.cmpf ogt, %parallel_loop3A_997, %parallel_loop3A_992 : vector<16xf32>
      %parallel_loop3A_1001 = arith.cmpf ogt, %parallel_loop3A_997, %parallel_loop3A_989 : vector<16xf32>
      %parallel_loop3A_1002 = arith.cmpf ogt, %parallel_loop3A_997, %parallel_loop3A_985 : vector<16xf32>
      %parallel_loop3A_1003 = arith.cmpf ogt, %parallel_loop3A_997, %parallel_loop3A_981 : vector<16xf32>
      %parallel_loop3A_1004 = arith.select %parallel_loop3A_1003, %parallel_loop3A_997, %parallel_loop3A_981 : vector<16xi1>, vector<16xf32>
      %parallel_loop3A_1005 = arith.select %parallel_loop3A_1002, %parallel_loop3A_985, %parallel_loop3A_1004 : vector<16xi1>, vector<16xf32>
      %parallel_loop3A_1006 = arith.select %parallel_loop3A_1003, %parallel_loop3A_999, %parallel_loop3A_983 : vector<16xi1>, vector<16xi32>
      %parallel_loop3A_1007 = arith.select %parallel_loop3A_1002, %parallel_loop3A_987, %parallel_loop3A_1006 : vector<16xi1>, vector<16xi32>
      %parallel_loop3A_1008 = arith.select %parallel_loop3A_1002, %parallel_loop3A_997, %parallel_loop3A_985 : vector<16xi1>, vector<16xf32>
      %parallel_loop3A_1009 = arith.select %parallel_loop3A_1001, %parallel_loop3A_989, %parallel_loop3A_1008 : vector<16xi1>, vector<16xf32>
      %parallel_loop3A_1010 = arith.select %parallel_loop3A_1002, %parallel_loop3A_999, %parallel_loop3A_987 : vector<16xi1>, vector<16xi32>
      %parallel_loop3A_1011 = arith.select %parallel_loop3A_1001, %parallel_loop3A_991, %parallel_loop3A_1010 : vector<16xi1>, vector<16xi32>
      %parallel_loop3A_1012 = arith.select %parallel_loop3A_1001, %parallel_loop3A_997, %parallel_loop3A_989 : vector<16xi1>, vector<16xf32>
      %parallel_loop3A_1013 = arith.select %parallel_loop3A_1000, %parallel_loop3A_992, %parallel_loop3A_1012 : vector<16xi1>, vector<16xf32>
      %parallel_loop3A_1014 = arith.select %parallel_loop3A_1001, %parallel_loop3A_999, %parallel_loop3A_991 : vector<16xi1>, vector<16xi32>
      %parallel_loop3A_1015 = arith.select %parallel_loop3A_1000, %parallel_loop3A_993, %parallel_loop3A_1014 : vector<16xi1>, vector<16xi32>
      %parallel_loop3A_1016 = arith.select %parallel_loop3A_1000, %parallel_loop3A_997, %parallel_loop3A_992 : vector<16xi1>, vector<16xf32>
      %parallel_loop3A_1017 = arith.select %parallel_loop3A_1000, %parallel_loop3A_999, %parallel_loop3A_993 : vector<16xi1>, vector<16xi32>
      %parallel_loop3A_1018 = arith.constant 6 : i32
      %parallel_loop3A_1019 = arith.index_cast %parallel_loop3A_1018 : i32 to index
      %parallel_loop3A_1020 = arith.index_cast %parallel_loop3A_870 : i32 to index
      %parallel_loop3A_1021 = tpu.vector_load %arg7[%parallel_loop3A_1019, %parallel_loop3A_1020] {strides = array<i32>} : memref<48x256xf32, #tpu.memory_space<vmem>>, vector<16xf32>,
      %parallel_loop3A_1022 = arith.constant 6 : i32
      %parallel_loop3A_1023 = vector.broadcast %parallel_loop3A_1022 : i32 to vector<16xi32>
      %parallel_loop3A_1024 = arith.cmpf ogt, %parallel_loop3A_1021, %parallel_loop3A_1016 : vector<16xf32>
      %parallel_loop3A_1025 = arith.cmpf ogt, %parallel_loop3A_1021, %parallel_loop3A_1013 : vector<16xf32>
      %parallel_loop3A_1026 = arith.cmpf ogt, %parallel_loop3A_1021, %parallel_loop3A_1009 : vector<16xf32>
      %parallel_loop3A_1027 = arith.cmpf ogt, %parallel_loop3A_1021, %parallel_loop3A_1005 : vector<16xf32>
      %parallel_loop3A_1028 = arith.select %parallel_loop3A_1027, %parallel_loop3A_1021, %parallel_loop3A_1005 : vector<16xi1>, vector<16xf32>
      %parallel_loop3A_1029 = arith.select %parallel_loop3A_1026, %parallel_loop3A_1009, %parallel_loop3A_1028 : vector<16xi1>, vector<16xf32>
      %parallel_loop3A_1030 = arith.select %parallel_loop3A_1027, %parallel_loop3A_1023, %parallel_loop3A_1007 : vector<16xi1>, vector<16xi32>
      %parallel_loop3A_1031 = arith.select %parallel_loop3A_1026, %parallel_loop3A_1011, %parallel_loop3A_1030 : vector<16xi1>, vector<16xi32>
      %parallel_loop3A_1032 = arith.select %parallel_loop3A_1026, %parallel_loop3A_1021, %parallel_loop3A_1009 : vector<16xi1>, vector<16xf32>
      %parallel_loop3A_1033 = arith.select %parallel_loop3A_1025, %parallel_loop3A_1013, %parallel_loop3A_1032 : vector<16xi1>, vector<16xf32>
      %parallel_loop3A_1034 = arith.select %parallel_loop3A_1026, %parallel_loop3A_1023, %parallel_loop3A_1011 : vector<16xi1>, vector<16xi32>
      %parallel_loop3A_1035 = arith.select %parallel_loop3A_1025, %parallel_loop3A_1015, %parallel_loop3A_1034 : vector<16xi1>, vector<16xi32>
      %parallel_loop3A_1036 = arith.select %parallel_loop3A_1025, %parallel_loop3A_1021, %parallel_loop3A_1013 : vector<16xi1>, vector<16xf32>
      %parallel_loop3A_1037 = arith.select %parallel_loop3A_1024, %parallel_loop3A_1016, %parallel_loop3A_1036 : vector<16xi1>, vector<16xf32>
      %parallel_loop3A_1038 = arith.select %parallel_loop3A_1025, %parallel_loop3A_1023, %parallel_loop3A_1015 : vector<16xi1>, vector<16xi32>
      %parallel_loop3A_1039 = arith.select %parallel_loop3A_1024, %parallel_loop3A_1017, %parallel_loop3A_1038 : vector<16xi1>, vector<16xi32>
      %parallel_loop3A_1040 = arith.select %parallel_loop3A_1024, %parallel_loop3A_1021, %parallel_loop3A_1016 : vector<16xi1>, vector<16xf32>
      %parallel_loop3A_1041 = arith.select %parallel_loop3A_1024, %parallel_loop3A_1023, %parallel_loop3A_1017 : vector<16xi1>, vector<16xi32>
      %parallel_loop3A_1042 = arith.constant 7 : i32
      %parallel_loop3A_1043 = arith.index_cast %parallel_loop3A_1042 : i32 to index
      %parallel_loop3A_1044 = arith.index_cast %parallel_loop3A_870 : i32 to index
      %parallel_loop3A_1045 = tpu.vector_load %arg7[%parallel_loop3A_1043, %parallel_loop3A_1044] {strides = array<i32>} : memref<48x256xf32, #tpu.memory_space<vmem>>, vector<16xf32>,
      %parallel_loop3A_1046 = arith.constant 7 : i32
      %parallel_loop3A_1047 = vector.broadcast %parallel_loop3A_1046 : i32 to vector<16xi32>
      %parallel_loop3A_1048 = arith.cmpf ogt, %parallel_loop3A_1045, %parallel_loop3A_1040 : vector<16xf32>
      %parallel_loop3A_1049 = arith.cmpf ogt, %parallel_loop3A_1045, %parallel_loop3A_1037 : vector<16xf32>
      %parallel_loop3A_1050 = arith.cmpf ogt, %parallel_loop3A_1045, %parallel_loop3A_1033 : vector<16xf32>
      %parallel_loop3A_1051 = arith.cmpf ogt, %parallel_loop3A_1045, %parallel_loop3A_1029 : vector<16xf32>
      %parallel_loop3A_1052 = arith.select %parallel_loop3A_1051, %parallel_loop3A_1045, %parallel_loop3A_1029 : vector<16xi1>, vector<16xf32>
      %parallel_loop3A_1053 = arith.select %parallel_loop3A_1050, %parallel_loop3A_1033, %parallel_loop3A_1052 : vector<16xi1>, vector<16xf32>
      %parallel_loop3A_1054 = arith.select %parallel_loop3A_1051, %parallel_loop3A_1047, %parallel_loop3A_1031 : vector<16xi1>, vector<16xi32>
      %parallel_loop3A_1055 = arith.select %parallel_loop3A_1050, %parallel_loop3A_1035, %parallel_loop3A_1054 : vector<16xi1>, vector<16xi32>
      %parallel_loop3A_1056 = arith.select %parallel_loop3A_1050, %parallel_loop3A_1045, %parallel_loop3A_1033 : vector<16xi1>, vector<16xf32>
      %parallel_loop3A_1057 = arith.select %parallel_loop3A_1049, %parallel_loop3A_1037, %parallel_loop3A_1056 : vector<16xi1>, vector<16xf32>
      %parallel_loop3A_1058 = arith.select %parallel_loop3A_1050, %parallel_loop3A_1047, %parallel_loop3A_1035 : vector<16xi1>, vector<16xi32>
      %parallel_loop3A_1059 = arith.select %parallel_loop3A_1049, %parallel_loop3A_1039, %parallel_loop3A_1058 : vector<16xi1>, vector<16xi32>
      %parallel_loop3A_1060 = arith.select %parallel_loop3A_1049, %parallel_loop3A_1045, %parallel_loop3A_1037 : vector<16xi1>, vector<16xf32>
      %parallel_loop3A_1061 = arith.select %parallel_loop3A_1048, %parallel_loop3A_1040, %parallel_loop3A_1060 : vector<16xi1>, vector<16xf32>
      %parallel_loop3A_1062 = arith.select %parallel_loop3A_1049, %parallel_loop3A_1047, %parallel_loop3A_1039 : vector<16xi1>, vector<16xi32>
      %parallel_loop3A_1063 = arith.select %parallel_loop3A_1048, %parallel_loop3A_1041, %parallel_loop3A_1062 : vector<16xi1>, vector<16xi32>
      %parallel_loop3A_1064 = arith.select %parallel_loop3A_1048, %parallel_loop3A_1045, %parallel_loop3A_1040 : vector<16xi1>, vector<16xf32>
      %parallel_loop3A_1065 = arith.select %parallel_loop3A_1048, %parallel_loop3A_1047, %parallel_loop3A_1041 : vector<16xi1>, vector<16xi32>
      %parallel_loop3A_1066 = arith.constant 8 : i32
      %parallel_loop3A_1067 = arith.index_cast %parallel_loop3A_1066 : i32 to index
      %parallel_loop3A_1068 = arith.index_cast %parallel_loop3A_870 : i32 to index
      %parallel_loop3A_1069 = tpu.vector_load %arg7[%parallel_loop3A_1067, %parallel_loop3A_1068] {strides = array<i32>} : memref<48x256xf32, #tpu.memory_space<vmem>>, vector<16xf32>,
      %parallel_loop3A_1070 = arith.constant 8 : i32
      %parallel_loop3A_1071 = vector.broadcast %parallel_loop3A_1070 : i32 to vector<16xi32>
      %parallel_loop3A_1072 = arith.cmpf ogt, %parallel_loop3A_1069, %parallel_loop3A_1064 : vector<16xf32>
      %parallel_loop3A_1073 = arith.cmpf ogt, %parallel_loop3A_1069, %parallel_loop3A_1061 : vector<16xf32>
      %parallel_loop3A_1074 = arith.cmpf ogt, %parallel_loop3A_1069, %parallel_loop3A_1057 : vector<16xf32>
      %parallel_loop3A_1075 = arith.cmpf ogt, %parallel_loop3A_1069, %parallel_loop3A_1053 : vector<16xf32>
      %parallel_loop3A_1076 = arith.select %parallel_loop3A_1075, %parallel_loop3A_1069, %parallel_loop3A_1053 : vector<16xi1>, vector<16xf32>
      %parallel_loop3A_1077 = arith.select %parallel_loop3A_1074, %parallel_loop3A_1057, %parallel_loop3A_1076 : vector<16xi1>, vector<16xf32>
      %parallel_loop3A_1078 = arith.select %parallel_loop3A_1075, %parallel_loop3A_1071, %parallel_loop3A_1055 : vector<16xi1>, vector<16xi32>
      %parallel_loop3A_1079 = arith.select %parallel_loop3A_1074, %parallel_loop3A_1059, %parallel_loop3A_1078 : vector<16xi1>, vector<16xi32>
      %parallel_loop3A_1080 = arith.select %parallel_loop3A_1074, %parallel_loop3A_1069, %parallel_loop3A_1057 : vector<16xi1>, vector<16xf32>
      %parallel_loop3A_1081 = arith.select %parallel_loop3A_1073, %parallel_loop3A_1061, %parallel_loop3A_1080 : vector<16xi1>, vector<16xf32>
      %parallel_loop3A_1082 = arith.select %parallel_loop3A_1074, %parallel_loop3A_1071, %parallel_loop3A_1059 : vector<16xi1>, vector<16xi32>
      %parallel_loop3A_1083 = arith.select %parallel_loop3A_1073, %parallel_loop3A_1063, %parallel_loop3A_1082 : vector<16xi1>, vector<16xi32>
      %parallel_loop3A_1084 = arith.select %parallel_loop3A_1073, %parallel_loop3A_1069, %parallel_loop3A_1061 : vector<16xi1>, vector<16xf32>
      %parallel_loop3A_1085 = arith.select %parallel_loop3A_1072, %parallel_loop3A_1064, %parallel_loop3A_1084 : vector<16xi1>, vector<16xf32>
      %parallel_loop3A_1086 = arith.select %parallel_loop3A_1073, %parallel_loop3A_1071, %parallel_loop3A_1063 : vector<16xi1>, vector<16xi32>
      %parallel_loop3A_1087 = arith.select %parallel_loop3A_1072, %parallel_loop3A_1065, %parallel_loop3A_1086 : vector<16xi1>, vector<16xi32>
      %parallel_loop3A_1088 = arith.select %parallel_loop3A_1072, %parallel_loop3A_1069, %parallel_loop3A_1064 : vector<16xi1>, vector<16xf32>
      %parallel_loop3A_1089 = arith.select %parallel_loop3A_1072, %parallel_loop3A_1071, %parallel_loop3A_1065 : vector<16xi1>, vector<16xi32>
      %parallel_loop3A_1090 = arith.constant 9 : i32
      %parallel_loop3A_1091 = arith.index_cast %parallel_loop3A_1090 : i32 to index
      %parallel_loop3A_1092 = arith.index_cast %parallel_loop3A_870 : i32 to index
      %parallel_loop3A_1093 = tpu.vector_load %arg7[%parallel_loop3A_1091, %parallel_loop3A_1092] {strides = array<i32>} : memref<48x256xf32, #tpu.memory_space<vmem>>, vector<16xf32>,
      %parallel_loop3A_1094 = arith.constant 9 : i32
      %parallel_loop3A_1095 = vector.broadcast %parallel_loop3A_1094 : i32 to vector<16xi32>
      %parallel_loop3A_1096 = arith.cmpf ogt, %parallel_loop3A_1093, %parallel_loop3A_1088 : vector<16xf32>
      %parallel_loop3A_1097 = arith.cmpf ogt, %parallel_loop3A_1093, %parallel_loop3A_1085 : vector<16xf32>
      %parallel_loop3A_1098 = arith.cmpf ogt, %parallel_loop3A_1093, %parallel_loop3A_1081 : vector<16xf32>
      %parallel_loop3A_1099 = arith.cmpf ogt, %parallel_loop3A_1093, %parallel_loop3A_1077 : vector<16xf32>
      %parallel_loop3A_1100 = arith.select %parallel_loop3A_1099, %parallel_loop3A_1093, %parallel_loop3A_1077 : vector<16xi1>, vector<16xf32>
      %parallel_loop3A_1101 = arith.select %parallel_loop3A_1098, %parallel_loop3A_1081, %parallel_loop3A_1100 : vector<16xi1>, vector<16xf32>
      %parallel_loop3A_1102 = arith.select %parallel_loop3A_1099, %parallel_loop3A_1095, %parallel_loop3A_1079 : vector<16xi1>, vector<16xi32>
      %parallel_loop3A_1103 = arith.select %parallel_loop3A_1098, %parallel_loop3A_1083, %parallel_loop3A_1102 : vector<16xi1>, vector<16xi32>
      %parallel_loop3A_1104 = arith.select %parallel_loop3A_1098, %parallel_loop3A_1093, %parallel_loop3A_1081 : vector<16xi1>, vector<16xf32>
      %parallel_loop3A_1105 = arith.select %parallel_loop3A_1097, %parallel_loop3A_1085, %parallel_loop3A_1104 : vector<16xi1>, vector<16xf32>
      %parallel_loop3A_1106 = arith.select %parallel_loop3A_1098, %parallel_loop3A_1095, %parallel_loop3A_1083 : vector<16xi1>, vector<16xi32>
      %parallel_loop3A_1107 = arith.select %parallel_loop3A_1097, %parallel_loop3A_1087, %parallel_loop3A_1106 : vector<16xi1>, vector<16xi32>
      %parallel_loop3A_1108 = arith.select %parallel_loop3A_1097, %parallel_loop3A_1093, %parallel_loop3A_1085 : vector<16xi1>, vector<16xf32>
      %parallel_loop3A_1109 = arith.select %parallel_loop3A_1096, %parallel_loop3A_1088, %parallel_loop3A_1108 : vector<16xi1>, vector<16xf32>
      %parallel_loop3A_1110 = arith.select %parallel_loop3A_1097, %parallel_loop3A_1095, %parallel_loop3A_1087 : vector<16xi1>, vector<16xi32>
      %parallel_loop3A_1111 = arith.select %parallel_loop3A_1096, %parallel_loop3A_1089, %parallel_loop3A_1110 : vector<16xi1>, vector<16xi32>
      %parallel_loop3A_1112 = arith.select %parallel_loop3A_1096, %parallel_loop3A_1093, %parallel_loop3A_1088 : vector<16xi1>, vector<16xf32>
      %parallel_loop3A_1113 = arith.select %parallel_loop3A_1096, %parallel_loop3A_1095, %parallel_loop3A_1089 : vector<16xi1>, vector<16xi32>
      %parallel_loop3A_1114 = arith.constant 10 : i32
      %parallel_loop3A_1115 = arith.index_cast %parallel_loop3A_1114 : i32 to index
      %parallel_loop3A_1116 = arith.index_cast %parallel_loop3A_870 : i32 to index
      %parallel_loop3A_1117 = tpu.vector_load %arg7[%parallel_loop3A_1115, %parallel_loop3A_1116] {strides = array<i32>} : memref<48x256xf32, #tpu.memory_space<vmem>>, vector<16xf32>,
      %parallel_loop3A_1118 = arith.constant 10 : i32
      %parallel_loop3A_1119 = vector.broadcast %parallel_loop3A_1118 : i32 to vector<16xi32>
      %parallel_loop3A_1120 = arith.cmpf ogt, %parallel_loop3A_1117, %parallel_loop3A_1112 : vector<16xf32>
      %parallel_loop3A_1121 = arith.cmpf ogt, %parallel_loop3A_1117, %parallel_loop3A_1109 : vector<16xf32>
      %parallel_loop3A_1122 = arith.cmpf ogt, %parallel_loop3A_1117, %parallel_loop3A_1105 : vector<16xf32>
      %parallel_loop3A_1123 = arith.cmpf ogt, %parallel_loop3A_1117, %parallel_loop3A_1101 : vector<16xf32>
      %parallel_loop3A_1124 = arith.select %parallel_loop3A_1123, %parallel_loop3A_1117, %parallel_loop3A_1101 : vector<16xi1>, vector<16xf32>
      %parallel_loop3A_1125 = arith.select %parallel_loop3A_1122, %parallel_loop3A_1105, %parallel_loop3A_1124 : vector<16xi1>, vector<16xf32>
      %parallel_loop3A_1126 = arith.select %parallel_loop3A_1123, %parallel_loop3A_1119, %parallel_loop3A_1103 : vector<16xi1>, vector<16xi32>
      %parallel_loop3A_1127 = arith.select %parallel_loop3A_1122, %parallel_loop3A_1107, %parallel_loop3A_1126 : vector<16xi1>, vector<16xi32>
      %parallel_loop3A_1128 = arith.select %parallel_loop3A_1122, %parallel_loop3A_1117, %parallel_loop3A_1105 : vector<16xi1>, vector<16xf32>
      %parallel_loop3A_1129 = arith.select %parallel_loop3A_1121, %parallel_loop3A_1109, %parallel_loop3A_1128 : vector<16xi1>, vector<16xf32>
      %parallel_loop3A_1130 = arith.select %parallel_loop3A_1122, %parallel_loop3A_1119, %parallel_loop3A_1107 : vector<16xi1>, vector<16xi32>
      %parallel_loop3A_1131 = arith.select %parallel_loop3A_1121, %parallel_loop3A_1111, %parallel_loop3A_1130 : vector<16xi1>, vector<16xi32>
      %parallel_loop3A_1132 = arith.select %parallel_loop3A_1121, %parallel_loop3A_1117, %parallel_loop3A_1109 : vector<16xi1>, vector<16xf32>
      %parallel_loop3A_1133 = arith.select %parallel_loop3A_1120, %parallel_loop3A_1112, %parallel_loop3A_1132 : vector<16xi1>, vector<16xf32>
      %parallel_loop3A_1134 = arith.select %parallel_loop3A_1121, %parallel_loop3A_1119, %parallel_loop3A_1111 : vector<16xi1>, vector<16xi32>
      %parallel_loop3A_1135 = arith.select %parallel_loop3A_1120, %parallel_loop3A_1113, %parallel_loop3A_1134 : vector<16xi1>, vector<16xi32>
      %parallel_loop3A_1136 = arith.select %parallel_loop3A_1120, %parallel_loop3A_1117, %parallel_loop3A_1112 : vector<16xi1>, vector<16xf32>
      %parallel_loop3A_1137 = arith.select %parallel_loop3A_1120, %parallel_loop3A_1119, %parallel_loop3A_1113 : vector<16xi1>, vector<16xi32>
      %parallel_loop3A_1138 = arith.constant 11 : i32
      %parallel_loop3A_1139 = arith.index_cast %parallel_loop3A_1138 : i32 to index
      %parallel_loop3A_1140 = arith.index_cast %parallel_loop3A_870 : i32 to index
      %parallel_loop3A_1141 = tpu.vector_load %arg7[%parallel_loop3A_1139, %parallel_loop3A_1140] {strides = array<i32>} : memref<48x256xf32, #tpu.memory_space<vmem>>, vector<16xf32>,
      %parallel_loop3A_1142 = arith.constant 11 : i32
      %parallel_loop3A_1143 = vector.broadcast %parallel_loop3A_1142 : i32 to vector<16xi32>
      %parallel_loop3A_1144 = arith.cmpf ogt, %parallel_loop3A_1141, %parallel_loop3A_1136 : vector<16xf32>
      %parallel_loop3A_1145 = arith.cmpf ogt, %parallel_loop3A_1141, %parallel_loop3A_1133 : vector<16xf32>
      %parallel_loop3A_1146 = arith.cmpf ogt, %parallel_loop3A_1141, %parallel_loop3A_1129 : vector<16xf32>
      %parallel_loop3A_1147 = arith.cmpf ogt, %parallel_loop3A_1141, %parallel_loop3A_1125 : vector<16xf32>
      %parallel_loop3A_1148 = arith.select %parallel_loop3A_1147, %parallel_loop3A_1141, %parallel_loop3A_1125 : vector<16xi1>, vector<16xf32>
      %parallel_loop3A_1149 = arith.select %parallel_loop3A_1146, %parallel_loop3A_1129, %parallel_loop3A_1148 : vector<16xi1>, vector<16xf32>
      %parallel_loop3A_1150 = arith.select %parallel_loop3A_1147, %parallel_loop3A_1143, %parallel_loop3A_1127 : vector<16xi1>, vector<16xi32>
      %parallel_loop3A_1151 = arith.select %parallel_loop3A_1146, %parallel_loop3A_1131, %parallel_loop3A_1150 : vector<16xi1>, vector<16xi32>
      %parallel_loop3A_1152 = arith.select %parallel_loop3A_1146, %parallel_loop3A_1141, %parallel_loop3A_1129 : vector<16xi1>, vector<16xf32>
      %parallel_loop3A_1153 = arith.select %parallel_loop3A_1145, %parallel_loop3A_1133, %parallel_loop3A_1152 : vector<16xi1>, vector<16xf32>
      %parallel_loop3A_1154 = arith.select %parallel_loop3A_1146, %parallel_loop3A_1143, %parallel_loop3A_1131 : vector<16xi1>, vector<16xi32>
      %parallel_loop3A_1155 = arith.select %parallel_loop3A_1145, %parallel_loop3A_1135, %parallel_loop3A_1154 : vector<16xi1>, vector<16xi32>
      %parallel_loop3A_1156 = arith.select %parallel_loop3A_1145, %parallel_loop3A_1141, %parallel_loop3A_1133 : vector<16xi1>, vector<16xf32>
      %parallel_loop3A_1157 = arith.select %parallel_loop3A_1144, %parallel_loop3A_1136, %parallel_loop3A_1156 : vector<16xi1>, vector<16xf32>
      %parallel_loop3A_1158 = arith.select %parallel_loop3A_1145, %parallel_loop3A_1143, %parallel_loop3A_1135 : vector<16xi1>, vector<16xi32>
      %parallel_loop3A_1159 = arith.select %parallel_loop3A_1144, %parallel_loop3A_1137, %parallel_loop3A_1158 : vector<16xi1>, vector<16xi32>
      %parallel_loop3A_1160 = arith.select %parallel_loop3A_1144, %parallel_loop3A_1141, %parallel_loop3A_1136 : vector<16xi1>, vector<16xf32>
      %parallel_loop3A_1161 = arith.select %parallel_loop3A_1144, %parallel_loop3A_1143, %parallel_loop3A_1137 : vector<16xi1>, vector<16xi32>
      %parallel_loop3A_1162 = arith.constant 12 : i32
      %parallel_loop3A_1163 = arith.index_cast %parallel_loop3A_1162 : i32 to index
      %parallel_loop3A_1164 = arith.index_cast %parallel_loop3A_870 : i32 to index
      %parallel_loop3A_1165 = tpu.vector_load %arg7[%parallel_loop3A_1163, %parallel_loop3A_1164] {strides = array<i32>} : memref<48x256xf32, #tpu.memory_space<vmem>>, vector<16xf32>,
      %parallel_loop3A_1166 = arith.constant 12 : i32
      %parallel_loop3A_1167 = vector.broadcast %parallel_loop3A_1166 : i32 to vector<16xi32>
      %parallel_loop3A_1168 = arith.cmpf ogt, %parallel_loop3A_1165, %parallel_loop3A_1160 : vector<16xf32>
      %parallel_loop3A_1169 = arith.cmpf ogt, %parallel_loop3A_1165, %parallel_loop3A_1157 : vector<16xf32>
      %parallel_loop3A_1170 = arith.cmpf ogt, %parallel_loop3A_1165, %parallel_loop3A_1153 : vector<16xf32>
      %parallel_loop3A_1171 = arith.cmpf ogt, %parallel_loop3A_1165, %parallel_loop3A_1149 : vector<16xf32>
      %parallel_loop3A_1172 = arith.select %parallel_loop3A_1171, %parallel_loop3A_1165, %parallel_loop3A_1149 : vector<16xi1>, vector<16xf32>
      %parallel_loop3A_1173 = arith.select %parallel_loop3A_1170, %parallel_loop3A_1153, %parallel_loop3A_1172 : vector<16xi1>, vector<16xf32>
      %parallel_loop3A_1174 = arith.select %parallel_loop3A_1171, %parallel_loop3A_1167, %parallel_loop3A_1151 : vector<16xi1>, vector<16xi32>
      %parallel_loop3A_1175 = arith.select %parallel_loop3A_1170, %parallel_loop3A_1155, %parallel_loop3A_1174 : vector<16xi1>, vector<16xi32>
      %parallel_loop3A_1176 = arith.select %parallel_loop3A_1170, %parallel_loop3A_1165, %parallel_loop3A_1153 : vector<16xi1>, vector<16xf32>
      %parallel_loop3A_1177 = arith.select %parallel_loop3A_1169, %parallel_loop3A_1157, %parallel_loop3A_1176 : vector<16xi1>, vector<16xf32>
      %parallel_loop3A_1178 = arith.select %parallel_loop3A_1170, %parallel_loop3A_1167, %parallel_loop3A_1155 : vector<16xi1>, vector<16xi32>
      %parallel_loop3A_1179 = arith.select %parallel_loop3A_1169, %parallel_loop3A_1159, %parallel_loop3A_1178 : vector<16xi1>, vector<16xi32>
      %parallel_loop3A_1180 = arith.select %parallel_loop3A_1169, %parallel_loop3A_1165, %parallel_loop3A_1157 : vector<16xi1>, vector<16xf32>
      %parallel_loop3A_1181 = arith.select %parallel_loop3A_1168, %parallel_loop3A_1160, %parallel_loop3A_1180 : vector<16xi1>, vector<16xf32>
      %parallel_loop3A_1182 = arith.select %parallel_loop3A_1169, %parallel_loop3A_1167, %parallel_loop3A_1159 : vector<16xi1>, vector<16xi32>
      %parallel_loop3A_1183 = arith.select %parallel_loop3A_1168, %parallel_loop3A_1161, %parallel_loop3A_1182 : vector<16xi1>, vector<16xi32>
      %parallel_loop3A_1184 = arith.select %parallel_loop3A_1168, %parallel_loop3A_1165, %parallel_loop3A_1160 : vector<16xi1>, vector<16xf32>
      %parallel_loop3A_1185 = arith.select %parallel_loop3A_1168, %parallel_loop3A_1167, %parallel_loop3A_1161 : vector<16xi1>, vector<16xi32>
      %parallel_loop3A_1186 = arith.constant 13 : i32
      %parallel_loop3A_1187 = arith.index_cast %parallel_loop3A_1186 : i32 to index
      %parallel_loop3A_1188 = arith.index_cast %parallel_loop3A_870 : i32 to index
      %parallel_loop3A_1189 = tpu.vector_load %arg7[%parallel_loop3A_1187, %parallel_loop3A_1188] {strides = array<i32>} : memref<48x256xf32, #tpu.memory_space<vmem>>, vector<16xf32>,
      %parallel_loop3A_1190 = arith.constant 13 : i32
      %parallel_loop3A_1191 = vector.broadcast %parallel_loop3A_1190 : i32 to vector<16xi32>
      %parallel_loop3A_1192 = arith.cmpf ogt, %parallel_loop3A_1189, %parallel_loop3A_1184 : vector<16xf32>
      %parallel_loop3A_1193 = arith.cmpf ogt, %parallel_loop3A_1189, %parallel_loop3A_1181 : vector<16xf32>
      %parallel_loop3A_1194 = arith.cmpf ogt, %parallel_loop3A_1189, %parallel_loop3A_1177 : vector<16xf32>
      %parallel_loop3A_1195 = arith.cmpf ogt, %parallel_loop3A_1189, %parallel_loop3A_1173 : vector<16xf32>
      %parallel_loop3A_1196 = arith.select %parallel_loop3A_1195, %parallel_loop3A_1189, %parallel_loop3A_1173 : vector<16xi1>, vector<16xf32>
      %parallel_loop3A_1197 = arith.select %parallel_loop3A_1194, %parallel_loop3A_1177, %parallel_loop3A_1196 : vector<16xi1>, vector<16xf32>
      %parallel_loop3A_1198 = arith.select %parallel_loop3A_1195, %parallel_loop3A_1191, %parallel_loop3A_1175 : vector<16xi1>, vector<16xi32>
      %parallel_loop3A_1199 = arith.select %parallel_loop3A_1194, %parallel_loop3A_1179, %parallel_loop3A_1198 : vector<16xi1>, vector<16xi32>
      %parallel_loop3A_1200 = arith.select %parallel_loop3A_1194, %parallel_loop3A_1189, %parallel_loop3A_1177 : vector<16xi1>, vector<16xf32>
      %parallel_loop3A_1201 = arith.select %parallel_loop3A_1193, %parallel_loop3A_1181, %parallel_loop3A_1200 : vector<16xi1>, vector<16xf32>
      %parallel_loop3A_1202 = arith.select %parallel_loop3A_1194, %parallel_loop3A_1191, %parallel_loop3A_1179 : vector<16xi1>, vector<16xi32>
      %parallel_loop3A_1203 = arith.select %parallel_loop3A_1193, %parallel_loop3A_1183, %parallel_loop3A_1202 : vector<16xi1>, vector<16xi32>
      %parallel_loop3A_1204 = arith.select %parallel_loop3A_1193, %parallel_loop3A_1189, %parallel_loop3A_1181 : vector<16xi1>, vector<16xf32>
      %parallel_loop3A_1205 = arith.select %parallel_loop3A_1192, %parallel_loop3A_1184, %parallel_loop3A_1204 : vector<16xi1>, vector<16xf32>
      %parallel_loop3A_1206 = arith.select %parallel_loop3A_1193, %parallel_loop3A_1191, %parallel_loop3A_1183 : vector<16xi1>, vector<16xi32>
      %parallel_loop3A_1207 = arith.select %parallel_loop3A_1192, %parallel_loop3A_1185, %parallel_loop3A_1206 : vector<16xi1>, vector<16xi32>
      %parallel_loop3A_1208 = arith.select %parallel_loop3A_1192, %parallel_loop3A_1189, %parallel_loop3A_1184 : vector<16xi1>, vector<16xf32>
      %parallel_loop3A_1209 = arith.select %parallel_loop3A_1192, %parallel_loop3A_1191, %parallel_loop3A_1185 : vector<16xi1>, vector<16xi32>
      %parallel_loop3A_1210 = arith.constant 14 : i32
      %parallel_loop3A_1211 = arith.index_cast %parallel_loop3A_1210 : i32 to index
      %parallel_loop3A_1212 = arith.index_cast %parallel_loop3A_870 : i32 to index
      %parallel_loop3A_1213 = tpu.vector_load %arg7[%parallel_loop3A_1211, %parallel_loop3A_1212] {strides = array<i32>} : memref<48x256xf32, #tpu.memory_space<vmem>>, vector<16xf32>,
      %parallel_loop3A_1214 = arith.constant 14 : i32
      %parallel_loop3A_1215 = vector.broadcast %parallel_loop3A_1214 : i32 to vector<16xi32>
      %parallel_loop3A_1216 = arith.cmpf ogt, %parallel_loop3A_1213, %parallel_loop3A_1208 : vector<16xf32>
      %parallel_loop3A_1217 = arith.cmpf ogt, %parallel_loop3A_1213, %parallel_loop3A_1205 : vector<16xf32>
      %parallel_loop3A_1218 = arith.cmpf ogt, %parallel_loop3A_1213, %parallel_loop3A_1201 : vector<16xf32>
      %parallel_loop3A_1219 = arith.cmpf ogt, %parallel_loop3A_1213, %parallel_loop3A_1197 : vector<16xf32>
      %parallel_loop3A_1220 = arith.select %parallel_loop3A_1219, %parallel_loop3A_1213, %parallel_loop3A_1197 : vector<16xi1>, vector<16xf32>
      %parallel_loop3A_1221 = arith.select %parallel_loop3A_1218, %parallel_loop3A_1201, %parallel_loop3A_1220 : vector<16xi1>, vector<16xf32>
      %parallel_loop3A_1222 = arith.select %parallel_loop3A_1219, %parallel_loop3A_1215, %parallel_loop3A_1199 : vector<16xi1>, vector<16xi32>
      %parallel_loop3A_1223 = arith.select %parallel_loop3A_1218, %parallel_loop3A_1203, %parallel_loop3A_1222 : vector<16xi1>, vector<16xi32>
      %parallel_loop3A_1224 = arith.select %parallel_loop3A_1218, %parallel_loop3A_1213, %parallel_loop3A_1201 : vector<16xi1>, vector<16xf32>
      %parallel_loop3A_1225 = arith.select %parallel_loop3A_1217, %parallel_loop3A_1205, %parallel_loop3A_1224 : vector<16xi1>, vector<16xf32>
      %parallel_loop3A_1226 = arith.select %parallel_loop3A_1218, %parallel_loop3A_1215, %parallel_loop3A_1203 : vector<16xi1>, vector<16xi32>
      %parallel_loop3A_1227 = arith.select %parallel_loop3A_1217, %parallel_loop3A_1207, %parallel_loop3A_1226 : vector<16xi1>, vector<16xi32>
      %parallel_loop3A_1228 = arith.select %parallel_loop3A_1217, %parallel_loop3A_1213, %parallel_loop3A_1205 : vector<16xi1>, vector<16xf32>
      %parallel_loop3A_1229 = arith.select %parallel_loop3A_1216, %parallel_loop3A_1208, %parallel_loop3A_1228 : vector<16xi1>, vector<16xf32>
      %parallel_loop3A_1230 = arith.select %parallel_loop3A_1217, %parallel_loop3A_1215, %parallel_loop3A_1207 : vector<16xi1>, vector<16xi32>
      %parallel_loop3A_1231 = arith.select %parallel_loop3A_1216, %parallel_loop3A_1209, %parallel_loop3A_1230 : vector<16xi1>, vector<16xi32>
      %parallel_loop3A_1232 = arith.select %parallel_loop3A_1216, %parallel_loop3A_1213, %parallel_loop3A_1208 : vector<16xi1>, vector<16xf32>
      %parallel_loop3A_1233 = arith.select %parallel_loop3A_1216, %parallel_loop3A_1215, %parallel_loop3A_1209 : vector<16xi1>, vector<16xi32>
      %parallel_loop3A_1234 = arith.constant 15 : i32
      %parallel_loop3A_1235 = arith.index_cast %parallel_loop3A_1234 : i32 to index
      %parallel_loop3A_1236 = arith.index_cast %parallel_loop3A_870 : i32 to index
      %parallel_loop3A_1237 = tpu.vector_load %arg7[%parallel_loop3A_1235, %parallel_loop3A_1236] {strides = array<i32>} : memref<48x256xf32, #tpu.memory_space<vmem>>, vector<16xf32>,
      %parallel_loop3A_1238 = arith.constant 15 : i32
      %parallel_loop3A_1239 = vector.broadcast %parallel_loop3A_1238 : i32 to vector<16xi32>
      %parallel_loop3A_1240 = arith.cmpf ogt, %parallel_loop3A_1237, %parallel_loop3A_1232 : vector<16xf32>
      %parallel_loop3A_1241 = arith.cmpf ogt, %parallel_loop3A_1237, %parallel_loop3A_1229 : vector<16xf32>
      %parallel_loop3A_1242 = arith.cmpf ogt, %parallel_loop3A_1237, %parallel_loop3A_1225 : vector<16xf32>
      %parallel_loop3A_1243 = arith.cmpf ogt, %parallel_loop3A_1237, %parallel_loop3A_1221 : vector<16xf32>
      %parallel_loop3A_1244 = arith.select %parallel_loop3A_1243, %parallel_loop3A_1237, %parallel_loop3A_1221 : vector<16xi1>, vector<16xf32>
      %parallel_loop3A_1245 = arith.select %parallel_loop3A_1242, %parallel_loop3A_1225, %parallel_loop3A_1244 : vector<16xi1>, vector<16xf32>
      %parallel_loop3A_1246 = arith.select %parallel_loop3A_1243, %parallel_loop3A_1239, %parallel_loop3A_1223 : vector<16xi1>, vector<16xi32>
      %parallel_loop3A_1247 = arith.select %parallel_loop3A_1242, %parallel_loop3A_1227, %parallel_loop3A_1246 : vector<16xi1>, vector<16xi32>
      %parallel_loop3A_1248 = arith.select %parallel_loop3A_1242, %parallel_loop3A_1237, %parallel_loop3A_1225 : vector<16xi1>, vector<16xf32>
      %parallel_loop3A_1249 = arith.select %parallel_loop3A_1241, %parallel_loop3A_1229, %parallel_loop3A_1248 : vector<16xi1>, vector<16xf32>
      %parallel_loop3A_1250 = arith.select %parallel_loop3A_1242, %parallel_loop3A_1239, %parallel_loop3A_1227 : vector<16xi1>, vector<16xi32>
      %parallel_loop3A_1251 = arith.select %parallel_loop3A_1241, %parallel_loop3A_1231, %parallel_loop3A_1250 : vector<16xi1>, vector<16xi32>
      %parallel_loop3A_1252 = arith.select %parallel_loop3A_1241, %parallel_loop3A_1237, %parallel_loop3A_1229 : vector<16xi1>, vector<16xf32>
      %parallel_loop3A_1253 = arith.select %parallel_loop3A_1240, %parallel_loop3A_1232, %parallel_loop3A_1252 : vector<16xi1>, vector<16xf32>
      %parallel_loop3A_1254 = arith.select %parallel_loop3A_1241, %parallel_loop3A_1239, %parallel_loop3A_1231 : vector<16xi1>, vector<16xi32>
      %parallel_loop3A_1255 = arith.select %parallel_loop3A_1240, %parallel_loop3A_1233, %parallel_loop3A_1254 : vector<16xi1>, vector<16xi32>
      %parallel_loop3A_1256 = arith.select %parallel_loop3A_1240, %parallel_loop3A_1237, %parallel_loop3A_1232 : vector<16xi1>, vector<16xf32>
      %parallel_loop3A_1257 = arith.select %parallel_loop3A_1240, %parallel_loop3A_1239, %parallel_loop3A_1233 : vector<16xi1>, vector<16xi32>
      %parallel_loop3A_1258 = arith.constant 16 : i32
      %parallel_loop3A_1259 = arith.index_cast %parallel_loop3A_1258 : i32 to index
      %parallel_loop3A_1260 = arith.index_cast %parallel_loop3A_870 : i32 to index
      %parallel_loop3A_1261 = tpu.vector_load %arg7[%parallel_loop3A_1259, %parallel_loop3A_1260] {strides = array<i32>} : memref<48x256xf32, #tpu.memory_space<vmem>>, vector<16xf32>,
      %parallel_loop3A_1262 = arith.constant 16 : i32
      %parallel_loop3A_1263 = vector.broadcast %parallel_loop3A_1262 : i32 to vector<16xi32>
      %parallel_loop3A_1264 = arith.cmpf ogt, %parallel_loop3A_1261, %parallel_loop3A_1256 : vector<16xf32>
      %parallel_loop3A_1265 = arith.cmpf ogt, %parallel_loop3A_1261, %parallel_loop3A_1253 : vector<16xf32>
      %parallel_loop3A_1266 = arith.cmpf ogt, %parallel_loop3A_1261, %parallel_loop3A_1249 : vector<16xf32>
      %parallel_loop3A_1267 = arith.cmpf ogt, %parallel_loop3A_1261, %parallel_loop3A_1245 : vector<16xf32>
      %parallel_loop3A_1268 = arith.select %parallel_loop3A_1267, %parallel_loop3A_1261, %parallel_loop3A_1245 : vector<16xi1>, vector<16xf32>
      %parallel_loop3A_1269 = arith.select %parallel_loop3A_1266, %parallel_loop3A_1249, %parallel_loop3A_1268 : vector<16xi1>, vector<16xf32>
      %parallel_loop3A_1270 = arith.select %parallel_loop3A_1267, %parallel_loop3A_1263, %parallel_loop3A_1247 : vector<16xi1>, vector<16xi32>
      %parallel_loop3A_1271 = arith.select %parallel_loop3A_1266, %parallel_loop3A_1251, %parallel_loop3A_1270 : vector<16xi1>, vector<16xi32>
      %parallel_loop3A_1272 = arith.select %parallel_loop3A_1266, %parallel_loop3A_1261, %parallel_loop3A_1249 : vector<16xi1>, vector<16xf32>
      %parallel_loop3A_1273 = arith.select %parallel_loop3A_1265, %parallel_loop3A_1253, %parallel_loop3A_1272 : vector<16xi1>, vector<16xf32>
      %parallel_loop3A_1274 = arith.select %parallel_loop3A_1266, %parallel_loop3A_1263, %parallel_loop3A_1251 : vector<16xi1>, vector<16xi32>
      %parallel_loop3A_1275 = arith.select %parallel_loop3A_1265, %parallel_loop3A_1255, %parallel_loop3A_1274 : vector<16xi1>, vector<16xi32>
      %parallel_loop3A_1276 = arith.select %parallel_loop3A_1265, %parallel_loop3A_1261, %parallel_loop3A_1253 : vector<16xi1>, vector<16xf32>
      %parallel_loop3A_1277 = arith.select %parallel_loop3A_1264, %parallel_loop3A_1256, %parallel_loop3A_1276 : vector<16xi1>, vector<16xf32>
      %parallel_loop3A_1278 = arith.select %parallel_loop3A_1265, %parallel_loop3A_1263, %parallel_loop3A_1255 : vector<16xi1>, vector<16xi32>
      %parallel_loop3A_1279 = arith.select %parallel_loop3A_1264, %parallel_loop3A_1257, %parallel_loop3A_1278 : vector<16xi1>, vector<16xi32>
      %parallel_loop3A_1280 = arith.select %parallel_loop3A_1264, %parallel_loop3A_1261, %parallel_loop3A_1256 : vector<16xi1>, vector<16xf32>
      %parallel_loop3A_1281 = arith.select %parallel_loop3A_1264, %parallel_loop3A_1263, %parallel_loop3A_1257 : vector<16xi1>, vector<16xi32>
      %parallel_loop3A_1282 = arith.constant 17 : i32
      %parallel_loop3A_1283 = arith.index_cast %parallel_loop3A_1282 : i32 to index
      %parallel_loop3A_1284 = arith.index_cast %parallel_loop3A_870 : i32 to index
      %parallel_loop3A_1285 = tpu.vector_load %arg7[%parallel_loop3A_1283, %parallel_loop3A_1284] {strides = array<i32>} : memref<48x256xf32, #tpu.memory_space<vmem>>, vector<16xf32>,
      %parallel_loop3A_1286 = arith.constant 17 : i32
      %parallel_loop3A_1287 = vector.broadcast %parallel_loop3A_1286 : i32 to vector<16xi32>
      %parallel_loop3A_1288 = arith.cmpf ogt, %parallel_loop3A_1285, %parallel_loop3A_1280 : vector<16xf32>
      %parallel_loop3A_1289 = arith.cmpf ogt, %parallel_loop3A_1285, %parallel_loop3A_1277 : vector<16xf32>
      %parallel_loop3A_1290 = arith.cmpf ogt, %parallel_loop3A_1285, %parallel_loop3A_1273 : vector<16xf32>
      %parallel_loop3A_1291 = arith.cmpf ogt, %parallel_loop3A_1285, %parallel_loop3A_1269 : vector<16xf32>
      %parallel_loop3A_1292 = arith.select %parallel_loop3A_1291, %parallel_loop3A_1285, %parallel_loop3A_1269 : vector<16xi1>, vector<16xf32>
      %parallel_loop3A_1293 = arith.select %parallel_loop3A_1290, %parallel_loop3A_1273, %parallel_loop3A_1292 : vector<16xi1>, vector<16xf32>
      %parallel_loop3A_1294 = arith.select %parallel_loop3A_1291, %parallel_loop3A_1287, %parallel_loop3A_1271 : vector<16xi1>, vector<16xi32>
      %parallel_loop3A_1295 = arith.select %parallel_loop3A_1290, %parallel_loop3A_1275, %parallel_loop3A_1294 : vector<16xi1>, vector<16xi32>
      %parallel_loop3A_1296 = arith.select %parallel_loop3A_1290, %parallel_loop3A_1285, %parallel_loop3A_1273 : vector<16xi1>, vector<16xf32>
      %parallel_loop3A_1297 = arith.select %parallel_loop3A_1289, %parallel_loop3A_1277, %parallel_loop3A_1296 : vector<16xi1>, vector<16xf32>
      %parallel_loop3A_1298 = arith.select %parallel_loop3A_1290, %parallel_loop3A_1287, %parallel_loop3A_1275 : vector<16xi1>, vector<16xi32>
      %parallel_loop3A_1299 = arith.select %parallel_loop3A_1289, %parallel_loop3A_1279, %parallel_loop3A_1298 : vector<16xi1>, vector<16xi32>
      %parallel_loop3A_1300 = arith.select %parallel_loop3A_1289, %parallel_loop3A_1285, %parallel_loop3A_1277 : vector<16xi1>, vector<16xf32>
      %parallel_loop3A_1301 = arith.select %parallel_loop3A_1288, %parallel_loop3A_1280, %parallel_loop3A_1300 : vector<16xi1>, vector<16xf32>
      %parallel_loop3A_1302 = arith.select %parallel_loop3A_1289, %parallel_loop3A_1287, %parallel_loop3A_1279 : vector<16xi1>, vector<16xi32>
      %parallel_loop3A_1303 = arith.select %parallel_loop3A_1288, %parallel_loop3A_1281, %parallel_loop3A_1302 : vector<16xi1>, vector<16xi32>
      %parallel_loop3A_1304 = arith.select %parallel_loop3A_1288, %parallel_loop3A_1285, %parallel_loop3A_1280 : vector<16xi1>, vector<16xf32>
      %parallel_loop3A_1305 = arith.select %parallel_loop3A_1288, %parallel_loop3A_1287, %parallel_loop3A_1281 : vector<16xi1>, vector<16xi32>
      %parallel_loop3A_1306 = arith.constant 18 : i32
      %parallel_loop3A_1307 = arith.index_cast %parallel_loop3A_1306 : i32 to index
      %parallel_loop3A_1308 = arith.index_cast %parallel_loop3A_870 : i32 to index
      %parallel_loop3A_1309 = tpu.vector_load %arg7[%parallel_loop3A_1307, %parallel_loop3A_1308] {strides = array<i32>} : memref<48x256xf32, #tpu.memory_space<vmem>>, vector<16xf32>,
      %parallel_loop3A_1310 = arith.constant 18 : i32
      %parallel_loop3A_1311 = vector.broadcast %parallel_loop3A_1310 : i32 to vector<16xi32>
      %parallel_loop3A_1312 = arith.cmpf ogt, %parallel_loop3A_1309, %parallel_loop3A_1304 : vector<16xf32>
      %parallel_loop3A_1313 = arith.cmpf ogt, %parallel_loop3A_1309, %parallel_loop3A_1301 : vector<16xf32>
      %parallel_loop3A_1314 = arith.cmpf ogt, %parallel_loop3A_1309, %parallel_loop3A_1297 : vector<16xf32>
      %parallel_loop3A_1315 = arith.cmpf ogt, %parallel_loop3A_1309, %parallel_loop3A_1293 : vector<16xf32>
      %parallel_loop3A_1316 = arith.select %parallel_loop3A_1315, %parallel_loop3A_1309, %parallel_loop3A_1293 : vector<16xi1>, vector<16xf32>
      %parallel_loop3A_1317 = arith.select %parallel_loop3A_1314, %parallel_loop3A_1297, %parallel_loop3A_1316 : vector<16xi1>, vector<16xf32>
      %parallel_loop3A_1318 = arith.select %parallel_loop3A_1315, %parallel_loop3A_1311, %parallel_loop3A_1295 : vector<16xi1>, vector<16xi32>
      %parallel_loop3A_1319 = arith.select %parallel_loop3A_1314, %parallel_loop3A_1299, %parallel_loop3A_1318 : vector<16xi1>, vector<16xi32>
      %parallel_loop3A_1320 = arith.select %parallel_loop3A_1314, %parallel_loop3A_1309, %parallel_loop3A_1297 : vector<16xi1>, vector<16xf32>
      %parallel_loop3A_1321 = arith.select %parallel_loop3A_1313, %parallel_loop3A_1301, %parallel_loop3A_1320 : vector<16xi1>, vector<16xf32>
      %parallel_loop3A_1322 = arith.select %parallel_loop3A_1314, %parallel_loop3A_1311, %parallel_loop3A_1299 : vector<16xi1>, vector<16xi32>
      %parallel_loop3A_1323 = arith.select %parallel_loop3A_1313, %parallel_loop3A_1303, %parallel_loop3A_1322 : vector<16xi1>, vector<16xi32>
      %parallel_loop3A_1324 = arith.select %parallel_loop3A_1313, %parallel_loop3A_1309, %parallel_loop3A_1301 : vector<16xi1>, vector<16xf32>
      %parallel_loop3A_1325 = arith.select %parallel_loop3A_1312, %parallel_loop3A_1304, %parallel_loop3A_1324 : vector<16xi1>, vector<16xf32>
      %parallel_loop3A_1326 = arith.select %parallel_loop3A_1313, %parallel_loop3A_1311, %parallel_loop3A_1303 : vector<16xi1>, vector<16xi32>
      %parallel_loop3A_1327 = arith.select %parallel_loop3A_1312, %parallel_loop3A_1305, %parallel_loop3A_1326 : vector<16xi1>, vector<16xi32>
      %parallel_loop3A_1328 = arith.select %parallel_loop3A_1312, %parallel_loop3A_1309, %parallel_loop3A_1304 : vector<16xi1>, vector<16xf32>
      %parallel_loop3A_1329 = arith.select %parallel_loop3A_1312, %parallel_loop3A_1311, %parallel_loop3A_1305 : vector<16xi1>, vector<16xi32>
      %parallel_loop3A_1330 = arith.constant 19 : i32
      %parallel_loop3A_1331 = arith.index_cast %parallel_loop3A_1330 : i32 to index
      %parallel_loop3A_1332 = arith.index_cast %parallel_loop3A_870 : i32 to index
      %parallel_loop3A_1333 = tpu.vector_load %arg7[%parallel_loop3A_1331, %parallel_loop3A_1332] {strides = array<i32>} : memref<48x256xf32, #tpu.memory_space<vmem>>, vector<16xf32>,
      %parallel_loop3A_1334 = arith.constant 19 : i32
      %parallel_loop3A_1335 = vector.broadcast %parallel_loop3A_1334 : i32 to vector<16xi32>
      %parallel_loop3A_1336 = arith.cmpf ogt, %parallel_loop3A_1333, %parallel_loop3A_1328 : vector<16xf32>
      %parallel_loop3A_1337 = arith.cmpf ogt, %parallel_loop3A_1333, %parallel_loop3A_1325 : vector<16xf32>
      %parallel_loop3A_1338 = arith.cmpf ogt, %parallel_loop3A_1333, %parallel_loop3A_1321 : vector<16xf32>
      %parallel_loop3A_1339 = arith.cmpf ogt, %parallel_loop3A_1333, %parallel_loop3A_1317 : vector<16xf32>
      %parallel_loop3A_1340 = arith.select %parallel_loop3A_1339, %parallel_loop3A_1333, %parallel_loop3A_1317 : vector<16xi1>, vector<16xf32>
      %parallel_loop3A_1341 = arith.select %parallel_loop3A_1338, %parallel_loop3A_1321, %parallel_loop3A_1340 : vector<16xi1>, vector<16xf32>
      %parallel_loop3A_1342 = arith.select %parallel_loop3A_1339, %parallel_loop3A_1335, %parallel_loop3A_1319 : vector<16xi1>, vector<16xi32>
      %parallel_loop3A_1343 = arith.select %parallel_loop3A_1338, %parallel_loop3A_1323, %parallel_loop3A_1342 : vector<16xi1>, vector<16xi32>
      %parallel_loop3A_1344 = arith.select %parallel_loop3A_1338, %parallel_loop3A_1333, %parallel_loop3A_1321 : vector<16xi1>, vector<16xf32>
      %parallel_loop3A_1345 = arith.select %parallel_loop3A_1337, %parallel_loop3A_1325, %parallel_loop3A_1344 : vector<16xi1>, vector<16xf32>
      %parallel_loop3A_1346 = arith.select %parallel_loop3A_1338, %parallel_loop3A_1335, %parallel_loop3A_1323 : vector<16xi1>, vector<16xi32>
      %parallel_loop3A_1347 = arith.select %parallel_loop3A_1337, %parallel_loop3A_1327, %parallel_loop3A_1346 : vector<16xi1>, vector<16xi32>
      %parallel_loop3A_1348 = arith.select %parallel_loop3A_1337, %parallel_loop3A_1333, %parallel_loop3A_1325 : vector<16xi1>, vector<16xf32>
      %parallel_loop3A_1349 = arith.select %parallel_loop3A_1336, %parallel_loop3A_1328, %parallel_loop3A_1348 : vector<16xi1>, vector<16xf32>
      %parallel_loop3A_1350 = arith.select %parallel_loop3A_1337, %parallel_loop3A_1335, %parallel_loop3A_1327 : vector<16xi1>, vector<16xi32>
      %parallel_loop3A_1351 = arith.select %parallel_loop3A_1336, %parallel_loop3A_1329, %parallel_loop3A_1350 : vector<16xi1>, vector<16xi32>
      %parallel_loop3A_1352 = arith.select %parallel_loop3A_1336, %parallel_loop3A_1333, %parallel_loop3A_1328 : vector<16xi1>, vector<16xf32>
      %parallel_loop3A_1353 = arith.select %parallel_loop3A_1336, %parallel_loop3A_1335, %parallel_loop3A_1329 : vector<16xi1>, vector<16xi32>
      %parallel_loop3A_1354 = arith.constant 20 : i32
      %parallel_loop3A_1355 = arith.index_cast %parallel_loop3A_1354 : i32 to index
      %parallel_loop3A_1356 = arith.index_cast %parallel_loop3A_870 : i32 to index
      %parallel_loop3A_1357 = tpu.vector_load %arg7[%parallel_loop3A_1355, %parallel_loop3A_1356] {strides = array<i32>} : memref<48x256xf32, #tpu.memory_space<vmem>>, vector<16xf32>,
      %parallel_loop3A_1358 = arith.constant 20 : i32
      %parallel_loop3A_1359 = vector.broadcast %parallel_loop3A_1358 : i32 to vector<16xi32>
      %parallel_loop3A_1360 = arith.cmpf ogt, %parallel_loop3A_1357, %parallel_loop3A_1352 : vector<16xf32>
      %parallel_loop3A_1361 = arith.cmpf ogt, %parallel_loop3A_1357, %parallel_loop3A_1349 : vector<16xf32>
      %parallel_loop3A_1362 = arith.cmpf ogt, %parallel_loop3A_1357, %parallel_loop3A_1345 : vector<16xf32>
      %parallel_loop3A_1363 = arith.cmpf ogt, %parallel_loop3A_1357, %parallel_loop3A_1341 : vector<16xf32>
      %parallel_loop3A_1364 = arith.select %parallel_loop3A_1363, %parallel_loop3A_1357, %parallel_loop3A_1341 : vector<16xi1>, vector<16xf32>
      %parallel_loop3A_1365 = arith.select %parallel_loop3A_1362, %parallel_loop3A_1345, %parallel_loop3A_1364 : vector<16xi1>, vector<16xf32>
      %parallel_loop3A_1366 = arith.select %parallel_loop3A_1363, %parallel_loop3A_1359, %parallel_loop3A_1343 : vector<16xi1>, vector<16xi32>
      %parallel_loop3A_1367 = arith.select %parallel_loop3A_1362, %parallel_loop3A_1347, %parallel_loop3A_1366 : vector<16xi1>, vector<16xi32>
      %parallel_loop3A_1368 = arith.select %parallel_loop3A_1362, %parallel_loop3A_1357, %parallel_loop3A_1345 : vector<16xi1>, vector<16xf32>
      %parallel_loop3A_1369 = arith.select %parallel_loop3A_1361, %parallel_loop3A_1349, %parallel_loop3A_1368 : vector<16xi1>, vector<16xf32>
      %parallel_loop3A_1370 = arith.select %parallel_loop3A_1362, %parallel_loop3A_1359, %parallel_loop3A_1347 : vector<16xi1>, vector<16xi32>
      %parallel_loop3A_1371 = arith.select %parallel_loop3A_1361, %parallel_loop3A_1351, %parallel_loop3A_1370 : vector<16xi1>, vector<16xi32>
      %parallel_loop3A_1372 = arith.select %parallel_loop3A_1361, %parallel_loop3A_1357, %parallel_loop3A_1349 : vector<16xi1>, vector<16xf32>
      %parallel_loop3A_1373 = arith.select %parallel_loop3A_1360, %parallel_loop3A_1352, %parallel_loop3A_1372 : vector<16xi1>, vector<16xf32>
      %parallel_loop3A_1374 = arith.select %parallel_loop3A_1361, %parallel_loop3A_1359, %parallel_loop3A_1351 : vector<16xi1>, vector<16xi32>
      %parallel_loop3A_1375 = arith.select %parallel_loop3A_1360, %parallel_loop3A_1353, %parallel_loop3A_1374 : vector<16xi1>, vector<16xi32>
      %parallel_loop3A_1376 = arith.select %parallel_loop3A_1360, %parallel_loop3A_1357, %parallel_loop3A_1352 : vector<16xi1>, vector<16xf32>
      %parallel_loop3A_1377 = arith.select %parallel_loop3A_1360, %parallel_loop3A_1359, %parallel_loop3A_1353 : vector<16xi1>, vector<16xi32>
      %parallel_loop3A_1378 = arith.constant 21 : i32
      %parallel_loop3A_1379 = arith.index_cast %parallel_loop3A_1378 : i32 to index
      %parallel_loop3A_1380 = arith.index_cast %parallel_loop3A_870 : i32 to index
      %parallel_loop3A_1381 = tpu.vector_load %arg7[%parallel_loop3A_1379, %parallel_loop3A_1380] {strides = array<i32>} : memref<48x256xf32, #tpu.memory_space<vmem>>, vector<16xf32>,
      %parallel_loop3A_1382 = arith.constant 21 : i32
      %parallel_loop3A_1383 = vector.broadcast %parallel_loop3A_1382 : i32 to vector<16xi32>
      %parallel_loop3A_1384 = arith.cmpf ogt, %parallel_loop3A_1381, %parallel_loop3A_1376 : vector<16xf32>
      %parallel_loop3A_1385 = arith.cmpf ogt, %parallel_loop3A_1381, %parallel_loop3A_1373 : vector<16xf32>
      %parallel_loop3A_1386 = arith.cmpf ogt, %parallel_loop3A_1381, %parallel_loop3A_1369 : vector<16xf32>
      %parallel_loop3A_1387 = arith.cmpf ogt, %parallel_loop3A_1381, %parallel_loop3A_1365 : vector<16xf32>
      %parallel_loop3A_1388 = arith.select %parallel_loop3A_1387, %parallel_loop3A_1381, %parallel_loop3A_1365 : vector<16xi1>, vector<16xf32>
      %parallel_loop3A_1389 = arith.select %parallel_loop3A_1386, %parallel_loop3A_1369, %parallel_loop3A_1388 : vector<16xi1>, vector<16xf32>
      %parallel_loop3A_1390 = arith.select %parallel_loop3A_1387, %parallel_loop3A_1383, %parallel_loop3A_1367 : vector<16xi1>, vector<16xi32>
      %parallel_loop3A_1391 = arith.select %parallel_loop3A_1386, %parallel_loop3A_1371, %parallel_loop3A_1390 : vector<16xi1>, vector<16xi32>
      %parallel_loop3A_1392 = arith.select %parallel_loop3A_1386, %parallel_loop3A_1381, %parallel_loop3A_1369 : vector<16xi1>, vector<16xf32>
      %parallel_loop3A_1393 = arith.select %parallel_loop3A_1385, %parallel_loop3A_1373, %parallel_loop3A_1392 : vector<16xi1>, vector<16xf32>
      %parallel_loop3A_1394 = arith.select %parallel_loop3A_1386, %parallel_loop3A_1383, %parallel_loop3A_1371 : vector<16xi1>, vector<16xi32>
      %parallel_loop3A_1395 = arith.select %parallel_loop3A_1385, %parallel_loop3A_1375, %parallel_loop3A_1394 : vector<16xi1>, vector<16xi32>
      %parallel_loop3A_1396 = arith.select %parallel_loop3A_1385, %parallel_loop3A_1381, %parallel_loop3A_1373 : vector<16xi1>, vector<16xf32>
      %parallel_loop3A_1397 = arith.select %parallel_loop3A_1384, %parallel_loop3A_1376, %parallel_loop3A_1396 : vector<16xi1>, vector<16xf32>
      %parallel_loop3A_1398 = arith.select %parallel_loop3A_1385, %parallel_loop3A_1383, %parallel_loop3A_1375 : vector<16xi1>, vector<16xi32>
      %parallel_loop3A_1399 = arith.select %parallel_loop3A_1384, %parallel_loop3A_1377, %parallel_loop3A_1398 : vector<16xi1>, vector<16xi32>
      %parallel_loop3A_1400 = arith.select %parallel_loop3A_1384, %parallel_loop3A_1381, %parallel_loop3A_1376 : vector<16xi1>, vector<16xf32>
      %parallel_loop3A_1401 = arith.select %parallel_loop3A_1384, %parallel_loop3A_1383, %parallel_loop3A_1377 : vector<16xi1>, vector<16xi32>
      %parallel_loop3A_1402 = arith.constant 22 : i32
      %parallel_loop3A_1403 = arith.index_cast %parallel_loop3A_1402 : i32 to index
      %parallel_loop3A_1404 = arith.index_cast %parallel_loop3A_870 : i32 to index
      %parallel_loop3A_1405 = tpu.vector_load %arg7[%parallel_loop3A_1403, %parallel_loop3A_1404] {strides = array<i32>} : memref<48x256xf32, #tpu.memory_space<vmem>>, vector<16xf32>,
      %parallel_loop3A_1406 = arith.constant 22 : i32
      %parallel_loop3A_1407 = vector.broadcast %parallel_loop3A_1406 : i32 to vector<16xi32>
      %parallel_loop3A_1408 = arith.cmpf ogt, %parallel_loop3A_1405, %parallel_loop3A_1400 : vector<16xf32>
      %parallel_loop3A_1409 = arith.cmpf ogt, %parallel_loop3A_1405, %parallel_loop3A_1397 : vector<16xf32>
      %parallel_loop3A_1410 = arith.cmpf ogt, %parallel_loop3A_1405, %parallel_loop3A_1393 : vector<16xf32>
      %parallel_loop3A_1411 = arith.cmpf ogt, %parallel_loop3A_1405, %parallel_loop3A_1389 : vector<16xf32>
      %parallel_loop3A_1412 = arith.select %parallel_loop3A_1411, %parallel_loop3A_1405, %parallel_loop3A_1389 : vector<16xi1>, vector<16xf32>
      %parallel_loop3A_1413 = arith.select %parallel_loop3A_1410, %parallel_loop3A_1393, %parallel_loop3A_1412 : vector<16xi1>, vector<16xf32>
      %parallel_loop3A_1414 = arith.select %parallel_loop3A_1411, %parallel_loop3A_1407, %parallel_loop3A_1391 : vector<16xi1>, vector<16xi32>
      %parallel_loop3A_1415 = arith.select %parallel_loop3A_1410, %parallel_loop3A_1395, %parallel_loop3A_1414 : vector<16xi1>, vector<16xi32>
      %parallel_loop3A_1416 = arith.select %parallel_loop3A_1410, %parallel_loop3A_1405, %parallel_loop3A_1393 : vector<16xi1>, vector<16xf32>
      %parallel_loop3A_1417 = arith.select %parallel_loop3A_1409, %parallel_loop3A_1397, %parallel_loop3A_1416 : vector<16xi1>, vector<16xf32>
      %parallel_loop3A_1418 = arith.select %parallel_loop3A_1410, %parallel_loop3A_1407, %parallel_loop3A_1395 : vector<16xi1>, vector<16xi32>
      %parallel_loop3A_1419 = arith.select %parallel_loop3A_1409, %parallel_loop3A_1399, %parallel_loop3A_1418 : vector<16xi1>, vector<16xi32>
      %parallel_loop3A_1420 = arith.select %parallel_loop3A_1409, %parallel_loop3A_1405, %parallel_loop3A_1397 : vector<16xi1>, vector<16xf32>
      %parallel_loop3A_1421 = arith.select %parallel_loop3A_1408, %parallel_loop3A_1400, %parallel_loop3A_1420 : vector<16xi1>, vector<16xf32>
      %parallel_loop3A_1422 = arith.select %parallel_loop3A_1409, %parallel_loop3A_1407, %parallel_loop3A_1399 : vector<16xi1>, vector<16xi32>
      %parallel_loop3A_1423 = arith.select %parallel_loop3A_1408, %parallel_loop3A_1401, %parallel_loop3A_1422 : vector<16xi1>, vector<16xi32>
      %parallel_loop3A_1424 = arith.select %parallel_loop3A_1408, %parallel_loop3A_1405, %parallel_loop3A_1400 : vector<16xi1>, vector<16xf32>
      %parallel_loop3A_1425 = arith.select %parallel_loop3A_1408, %parallel_loop3A_1407, %parallel_loop3A_1401 : vector<16xi1>, vector<16xi32>
      %parallel_loop3A_1426 = arith.constant 23 : i32
      %parallel_loop3A_1427 = arith.index_cast %parallel_loop3A_1426 : i32 to index
      %parallel_loop3A_1428 = arith.index_cast %parallel_loop3A_870 : i32 to index
      %parallel_loop3A_1429 = tpu.vector_load %arg7[%parallel_loop3A_1427, %parallel_loop3A_1428] {strides = array<i32>} : memref<48x256xf32, #tpu.memory_space<vmem>>, vector<16xf32>,
      %parallel_loop3A_1430 = arith.constant 23 : i32
      %parallel_loop3A_1431 = vector.broadcast %parallel_loop3A_1430 : i32 to vector<16xi32>
      %parallel_loop3A_1432 = arith.cmpf ogt, %parallel_loop3A_1429, %parallel_loop3A_1424 : vector<16xf32>
      %parallel_loop3A_1433 = arith.cmpf ogt, %parallel_loop3A_1429, %parallel_loop3A_1421 : vector<16xf32>
      %parallel_loop3A_1434 = arith.cmpf ogt, %parallel_loop3A_1429, %parallel_loop3A_1417 : vector<16xf32>
      %parallel_loop3A_1435 = arith.cmpf ogt, %parallel_loop3A_1429, %parallel_loop3A_1413 : vector<16xf32>
      %parallel_loop3A_1436 = arith.select %parallel_loop3A_1435, %parallel_loop3A_1429, %parallel_loop3A_1413 : vector<16xi1>, vector<16xf32>
      %parallel_loop3A_1437 = arith.select %parallel_loop3A_1434, %parallel_loop3A_1417, %parallel_loop3A_1436 : vector<16xi1>, vector<16xf32>
      %parallel_loop3A_1438 = arith.select %parallel_loop3A_1435, %parallel_loop3A_1431, %parallel_loop3A_1415 : vector<16xi1>, vector<16xi32>
      %parallel_loop3A_1439 = arith.select %parallel_loop3A_1434, %parallel_loop3A_1419, %parallel_loop3A_1438 : vector<16xi1>, vector<16xi32>
      %parallel_loop3A_1440 = arith.select %parallel_loop3A_1434, %parallel_loop3A_1429, %parallel_loop3A_1417 : vector<16xi1>, vector<16xf32>
      %parallel_loop3A_1441 = arith.select %parallel_loop3A_1433, %parallel_loop3A_1421, %parallel_loop3A_1440 : vector<16xi1>, vector<16xf32>
      %parallel_loop3A_1442 = arith.select %parallel_loop3A_1434, %parallel_loop3A_1431, %parallel_loop3A_1419 : vector<16xi1>, vector<16xi32>
      %parallel_loop3A_1443 = arith.select %parallel_loop3A_1433, %parallel_loop3A_1423, %parallel_loop3A_1442 : vector<16xi1>, vector<16xi32>
      %parallel_loop3A_1444 = arith.select %parallel_loop3A_1433, %parallel_loop3A_1429, %parallel_loop3A_1421 : vector<16xi1>, vector<16xf32>
      %parallel_loop3A_1445 = arith.select %parallel_loop3A_1432, %parallel_loop3A_1424, %parallel_loop3A_1444 : vector<16xi1>, vector<16xf32>
      %parallel_loop3A_1446 = arith.select %parallel_loop3A_1433, %parallel_loop3A_1431, %parallel_loop3A_1423 : vector<16xi1>, vector<16xi32>
      %parallel_loop3A_1447 = arith.select %parallel_loop3A_1432, %parallel_loop3A_1425, %parallel_loop3A_1446 : vector<16xi1>, vector<16xi32>
      %parallel_loop3A_1448 = arith.select %parallel_loop3A_1432, %parallel_loop3A_1429, %parallel_loop3A_1424 : vector<16xi1>, vector<16xf32>
      %parallel_loop3A_1449 = arith.select %parallel_loop3A_1432, %parallel_loop3A_1431, %parallel_loop3A_1425 : vector<16xi1>, vector<16xi32>
      %parallel_loop3A_1450 = arith.constant 24 : i32
      %parallel_loop3A_1451 = arith.index_cast %parallel_loop3A_1450 : i32 to index
      %parallel_loop3A_1452 = arith.index_cast %parallel_loop3A_870 : i32 to index
      %parallel_loop3A_1453 = tpu.vector_load %arg7[%parallel_loop3A_1451, %parallel_loop3A_1452] {strides = array<i32>} : memref<48x256xf32, #tpu.memory_space<vmem>>, vector<16xf32>,
      %parallel_loop3A_1454 = arith.constant 24 : i32
      %parallel_loop3A_1455 = vector.broadcast %parallel_loop3A_1454 : i32 to vector<16xi32>
      %parallel_loop3A_1456 = arith.cmpf ogt, %parallel_loop3A_1453, %parallel_loop3A_1448 : vector<16xf32>
      %parallel_loop3A_1457 = arith.cmpf ogt, %parallel_loop3A_1453, %parallel_loop3A_1445 : vector<16xf32>
      %parallel_loop3A_1458 = arith.cmpf ogt, %parallel_loop3A_1453, %parallel_loop3A_1441 : vector<16xf32>
      %parallel_loop3A_1459 = arith.cmpf ogt, %parallel_loop3A_1453, %parallel_loop3A_1437 : vector<16xf32>
      %parallel_loop3A_1460 = arith.select %parallel_loop3A_1459, %parallel_loop3A_1453, %parallel_loop3A_1437 : vector<16xi1>, vector<16xf32>
      %parallel_loop3A_1461 = arith.select %parallel_loop3A_1458, %parallel_loop3A_1441, %parallel_loop3A_1460 : vector<16xi1>, vector<16xf32>
      %parallel_loop3A_1462 = arith.select %parallel_loop3A_1459, %parallel_loop3A_1455, %parallel_loop3A_1439 : vector<16xi1>, vector<16xi32>
      %parallel_loop3A_1463 = arith.select %parallel_loop3A_1458, %parallel_loop3A_1443, %parallel_loop3A_1462 : vector<16xi1>, vector<16xi32>
      %parallel_loop3A_1464 = arith.select %parallel_loop3A_1458, %parallel_loop3A_1453, %parallel_loop3A_1441 : vector<16xi1>, vector<16xf32>
      %parallel_loop3A_1465 = arith.select %parallel_loop3A_1457, %parallel_loop3A_1445, %parallel_loop3A_1464 : vector<16xi1>, vector<16xf32>
      %parallel_loop3A_1466 = arith.select %parallel_loop3A_1458, %parallel_loop3A_1455, %parallel_loop3A_1443 : vector<16xi1>, vector<16xi32>
      %parallel_loop3A_1467 = arith.select %parallel_loop3A_1457, %parallel_loop3A_1447, %parallel_loop3A_1466 : vector<16xi1>, vector<16xi32>
      %parallel_loop3A_1468 = arith.select %parallel_loop3A_1457, %parallel_loop3A_1453, %parallel_loop3A_1445 : vector<16xi1>, vector<16xf32>
      %parallel_loop3A_1469 = arith.select %parallel_loop3A_1456, %parallel_loop3A_1448, %parallel_loop3A_1468 : vector<16xi1>, vector<16xf32>
      %parallel_loop3A_1470 = arith.select %parallel_loop3A_1457, %parallel_loop3A_1455, %parallel_loop3A_1447 : vector<16xi1>, vector<16xi32>
      %parallel_loop3A_1471 = arith.select %parallel_loop3A_1456, %parallel_loop3A_1449, %parallel_loop3A_1470 : vector<16xi1>, vector<16xi32>
      %parallel_loop3A_1472 = arith.select %parallel_loop3A_1456, %parallel_loop3A_1453, %parallel_loop3A_1448 : vector<16xi1>, vector<16xf32>
      %parallel_loop3A_1473 = arith.select %parallel_loop3A_1456, %parallel_loop3A_1455, %parallel_loop3A_1449 : vector<16xi1>, vector<16xi32>
      %parallel_loop3A_1474 = arith.constant 25 : i32
      %parallel_loop3A_1475 = arith.index_cast %parallel_loop3A_1474 : i32 to index
      %parallel_loop3A_1476 = arith.index_cast %parallel_loop3A_870 : i32 to index
      %parallel_loop3A_1477 = tpu.vector_load %arg7[%parallel_loop3A_1475, %parallel_loop3A_1476] {strides = array<i32>} : memref<48x256xf32, #tpu.memory_space<vmem>>, vector<16xf32>,
      %parallel_loop3A_1478 = arith.constant 25 : i32
      %parallel_loop3A_1479 = vector.broadcast %parallel_loop3A_1478 : i32 to vector<16xi32>
      %parallel_loop3A_1480 = arith.cmpf ogt, %parallel_loop3A_1477, %parallel_loop3A_1472 : vector<16xf32>
      %parallel_loop3A_1481 = arith.cmpf ogt, %parallel_loop3A_1477, %parallel_loop3A_1469 : vector<16xf32>
      %parallel_loop3A_1482 = arith.cmpf ogt, %parallel_loop3A_1477, %parallel_loop3A_1465 : vector<16xf32>
      %parallel_loop3A_1483 = arith.cmpf ogt, %parallel_loop3A_1477, %parallel_loop3A_1461 : vector<16xf32>
      %parallel_loop3A_1484 = arith.select %parallel_loop3A_1483, %parallel_loop3A_1477, %parallel_loop3A_1461 : vector<16xi1>, vector<16xf32>
      %parallel_loop3A_1485 = arith.select %parallel_loop3A_1482, %parallel_loop3A_1465, %parallel_loop3A_1484 : vector<16xi1>, vector<16xf32>
      %parallel_loop3A_1486 = arith.select %parallel_loop3A_1483, %parallel_loop3A_1479, %parallel_loop3A_1463 : vector<16xi1>, vector<16xi32>
      %parallel_loop3A_1487 = arith.select %parallel_loop3A_1482, %parallel_loop3A_1467, %parallel_loop3A_1486 : vector<16xi1>, vector<16xi32>
      %parallel_loop3A_1488 = arith.select %parallel_loop3A_1482, %parallel_loop3A_1477, %parallel_loop3A_1465 : vector<16xi1>, vector<16xf32>
      %parallel_loop3A_1489 = arith.select %parallel_loop3A_1481, %parallel_loop3A_1469, %parallel_loop3A_1488 : vector<16xi1>, vector<16xf32>
      %parallel_loop3A_1490 = arith.select %parallel_loop3A_1482, %parallel_loop3A_1479, %parallel_loop3A_1467 : vector<16xi1>, vector<16xi32>
      %parallel_loop3A_1491 = arith.select %parallel_loop3A_1481, %parallel_loop3A_1471, %parallel_loop3A_1490 : vector<16xi1>, vector<16xi32>
      %parallel_loop3A_1492 = arith.select %parallel_loop3A_1481, %parallel_loop3A_1477, %parallel_loop3A_1469 : vector<16xi1>, vector<16xf32>
      %parallel_loop3A_1493 = arith.select %parallel_loop3A_1480, %parallel_loop3A_1472, %parallel_loop3A_1492 : vector<16xi1>, vector<16xf32>
      %parallel_loop3A_1494 = arith.select %parallel_loop3A_1481, %parallel_loop3A_1479, %parallel_loop3A_1471 : vector<16xi1>, vector<16xi32>
      %parallel_loop3A_1495 = arith.select %parallel_loop3A_1480, %parallel_loop3A_1473, %parallel_loop3A_1494 : vector<16xi1>, vector<16xi32>
      %parallel_loop3A_1496 = arith.select %parallel_loop3A_1480, %parallel_loop3A_1477, %parallel_loop3A_1472 : vector<16xi1>, vector<16xf32>
      %parallel_loop3A_1497 = arith.select %parallel_loop3A_1480, %parallel_loop3A_1479, %parallel_loop3A_1473 : vector<16xi1>, vector<16xi32>
      %parallel_loop3A_1498 = arith.constant 26 : i32
      %parallel_loop3A_1499 = arith.index_cast %parallel_loop3A_1498 : i32 to index
      %parallel_loop3A_1500 = arith.index_cast %parallel_loop3A_870 : i32 to index
      %parallel_loop3A_1501 = tpu.vector_load %arg7[%parallel_loop3A_1499, %parallel_loop3A_1500] {strides = array<i32>} : memref<48x256xf32, #tpu.memory_space<vmem>>, vector<16xf32>,
      %parallel_loop3A_1502 = arith.constant 26 : i32
      %parallel_loop3A_1503 = vector.broadcast %parallel_loop3A_1502 : i32 to vector<16xi32>
      %parallel_loop3A_1504 = arith.cmpf ogt, %parallel_loop3A_1501, %parallel_loop3A_1496 : vector<16xf32>
      %parallel_loop3A_1505 = arith.cmpf ogt, %parallel_loop3A_1501, %parallel_loop3A_1493 : vector<16xf32>
      %parallel_loop3A_1506 = arith.cmpf ogt, %parallel_loop3A_1501, %parallel_loop3A_1489 : vector<16xf32>
      %parallel_loop3A_1507 = arith.cmpf ogt, %parallel_loop3A_1501, %parallel_loop3A_1485 : vector<16xf32>
      %parallel_loop3A_1508 = arith.select %parallel_loop3A_1507, %parallel_loop3A_1501, %parallel_loop3A_1485 : vector<16xi1>, vector<16xf32>
      %parallel_loop3A_1509 = arith.select %parallel_loop3A_1506, %parallel_loop3A_1489, %parallel_loop3A_1508 : vector<16xi1>, vector<16xf32>
      %parallel_loop3A_1510 = arith.select %parallel_loop3A_1507, %parallel_loop3A_1503, %parallel_loop3A_1487 : vector<16xi1>, vector<16xi32>
      %parallel_loop3A_1511 = arith.select %parallel_loop3A_1506, %parallel_loop3A_1491, %parallel_loop3A_1510 : vector<16xi1>, vector<16xi32>
      %parallel_loop3A_1512 = arith.select %parallel_loop3A_1506, %parallel_loop3A_1501, %parallel_loop3A_1489 : vector<16xi1>, vector<16xf32>
      %parallel_loop3A_1513 = arith.select %parallel_loop3A_1505, %parallel_loop3A_1493, %parallel_loop3A_1512 : vector<16xi1>, vector<16xf32>
      %parallel_loop3A_1514 = arith.select %parallel_loop3A_1506, %parallel_loop3A_1503, %parallel_loop3A_1491 : vector<16xi1>, vector<16xi32>
      %parallel_loop3A_1515 = arith.select %parallel_loop3A_1505, %parallel_loop3A_1495, %parallel_loop3A_1514 : vector<16xi1>, vector<16xi32>
      %parallel_loop3A_1516 = arith.select %parallel_loop3A_1505, %parallel_loop3A_1501, %parallel_loop3A_1493 : vector<16xi1>, vector<16xf32>
      %parallel_loop3A_1517 = arith.select %parallel_loop3A_1504, %parallel_loop3A_1496, %parallel_loop3A_1516 : vector<16xi1>, vector<16xf32>
      %parallel_loop3A_1518 = arith.select %parallel_loop3A_1505, %parallel_loop3A_1503, %parallel_loop3A_1495 : vector<16xi1>, vector<16xi32>
      %parallel_loop3A_1519 = arith.select %parallel_loop3A_1504, %parallel_loop3A_1497, %parallel_loop3A_1518 : vector<16xi1>, vector<16xi32>
      %parallel_loop3A_1520 = arith.select %parallel_loop3A_1504, %parallel_loop3A_1501, %parallel_loop3A_1496 : vector<16xi1>, vector<16xf32>
      %parallel_loop3A_1521 = arith.select %parallel_loop3A_1504, %parallel_loop3A_1503, %parallel_loop3A_1497 : vector<16xi1>, vector<16xi32>
      %parallel_loop3A_1522 = arith.constant 27 : i32
      %parallel_loop3A_1523 = arith.index_cast %parallel_loop3A_1522 : i32 to index
      %parallel_loop3A_1524 = arith.index_cast %parallel_loop3A_870 : i32 to index
      %parallel_loop3A_1525 = tpu.vector_load %arg7[%parallel_loop3A_1523, %parallel_loop3A_1524] {strides = array<i32>} : memref<48x256xf32, #tpu.memory_space<vmem>>, vector<16xf32>,
      %parallel_loop3A_1526 = arith.constant 27 : i32
      %parallel_loop3A_1527 = vector.broadcast %parallel_loop3A_1526 : i32 to vector<16xi32>
      %parallel_loop3A_1528 = arith.cmpf ogt, %parallel_loop3A_1525, %parallel_loop3A_1520 : vector<16xf32>
      %parallel_loop3A_1529 = arith.cmpf ogt, %parallel_loop3A_1525, %parallel_loop3A_1517 : vector<16xf32>
      %parallel_loop3A_1530 = arith.cmpf ogt, %parallel_loop3A_1525, %parallel_loop3A_1513 : vector<16xf32>
      %parallel_loop3A_1531 = arith.cmpf ogt, %parallel_loop3A_1525, %parallel_loop3A_1509 : vector<16xf32>
      %parallel_loop3A_1532 = arith.select %parallel_loop3A_1531, %parallel_loop3A_1525, %parallel_loop3A_1509 : vector<16xi1>, vector<16xf32>
      %parallel_loop3A_1533 = arith.select %parallel_loop3A_1530, %parallel_loop3A_1513, %parallel_loop3A_1532 : vector<16xi1>, vector<16xf32>
      %parallel_loop3A_1534 = arith.select %parallel_loop3A_1531, %parallel_loop3A_1527, %parallel_loop3A_1511 : vector<16xi1>, vector<16xi32>
      %parallel_loop3A_1535 = arith.select %parallel_loop3A_1530, %parallel_loop3A_1515, %parallel_loop3A_1534 : vector<16xi1>, vector<16xi32>
      %parallel_loop3A_1536 = arith.select %parallel_loop3A_1530, %parallel_loop3A_1525, %parallel_loop3A_1513 : vector<16xi1>, vector<16xf32>
      %parallel_loop3A_1537 = arith.select %parallel_loop3A_1529, %parallel_loop3A_1517, %parallel_loop3A_1536 : vector<16xi1>, vector<16xf32>
      %parallel_loop3A_1538 = arith.select %parallel_loop3A_1530, %parallel_loop3A_1527, %parallel_loop3A_1515 : vector<16xi1>, vector<16xi32>
      %parallel_loop3A_1539 = arith.select %parallel_loop3A_1529, %parallel_loop3A_1519, %parallel_loop3A_1538 : vector<16xi1>, vector<16xi32>
      %parallel_loop3A_1540 = arith.select %parallel_loop3A_1529, %parallel_loop3A_1525, %parallel_loop3A_1517 : vector<16xi1>, vector<16xf32>
      %parallel_loop3A_1541 = arith.select %parallel_loop3A_1528, %parallel_loop3A_1520, %parallel_loop3A_1540 : vector<16xi1>, vector<16xf32>
      %parallel_loop3A_1542 = arith.select %parallel_loop3A_1529, %parallel_loop3A_1527, %parallel_loop3A_1519 : vector<16xi1>, vector<16xi32>
      %parallel_loop3A_1543 = arith.select %parallel_loop3A_1528, %parallel_loop3A_1521, %parallel_loop3A_1542 : vector<16xi1>, vector<16xi32>
      %parallel_loop3A_1544 = arith.select %parallel_loop3A_1528, %parallel_loop3A_1525, %parallel_loop3A_1520 : vector<16xi1>, vector<16xf32>
      %parallel_loop3A_1545 = arith.select %parallel_loop3A_1528, %parallel_loop3A_1527, %parallel_loop3A_1521 : vector<16xi1>, vector<16xi32>
      %parallel_loop3A_1546 = arith.constant 28 : i32
      %parallel_loop3A_1547 = arith.index_cast %parallel_loop3A_1546 : i32 to index
      %parallel_loop3A_1548 = arith.index_cast %parallel_loop3A_870 : i32 to index
      %parallel_loop3A_1549 = tpu.vector_load %arg7[%parallel_loop3A_1547, %parallel_loop3A_1548] {strides = array<i32>} : memref<48x256xf32, #tpu.memory_space<vmem>>, vector<16xf32>,
      %parallel_loop3A_1550 = arith.constant 28 : i32
      %parallel_loop3A_1551 = vector.broadcast %parallel_loop3A_1550 : i32 to vector<16xi32>
      %parallel_loop3A_1552 = arith.cmpf ogt, %parallel_loop3A_1549, %parallel_loop3A_1544 : vector<16xf32>
      %parallel_loop3A_1553 = arith.cmpf ogt, %parallel_loop3A_1549, %parallel_loop3A_1541 : vector<16xf32>
      %parallel_loop3A_1554 = arith.cmpf ogt, %parallel_loop3A_1549, %parallel_loop3A_1537 : vector<16xf32>
      %parallel_loop3A_1555 = arith.cmpf ogt, %parallel_loop3A_1549, %parallel_loop3A_1533 : vector<16xf32>
      %parallel_loop3A_1556 = arith.select %parallel_loop3A_1555, %parallel_loop3A_1549, %parallel_loop3A_1533 : vector<16xi1>, vector<16xf32>
      %parallel_loop3A_1557 = arith.select %parallel_loop3A_1554, %parallel_loop3A_1537, %parallel_loop3A_1556 : vector<16xi1>, vector<16xf32>
      %parallel_loop3A_1558 = arith.select %parallel_loop3A_1555, %parallel_loop3A_1551, %parallel_loop3A_1535 : vector<16xi1>, vector<16xi32>
      %parallel_loop3A_1559 = arith.select %parallel_loop3A_1554, %parallel_loop3A_1539, %parallel_loop3A_1558 : vector<16xi1>, vector<16xi32>
      %parallel_loop3A_1560 = arith.select %parallel_loop3A_1554, %parallel_loop3A_1549, %parallel_loop3A_1537 : vector<16xi1>, vector<16xf32>
      %parallel_loop3A_1561 = arith.select %parallel_loop3A_1553, %parallel_loop3A_1541, %parallel_loop3A_1560 : vector<16xi1>, vector<16xf32>
      %parallel_loop3A_1562 = arith.select %parallel_loop3A_1554, %parallel_loop3A_1551, %parallel_loop3A_1539 : vector<16xi1>, vector<16xi32>
      %parallel_loop3A_1563 = arith.select %parallel_loop3A_1553, %parallel_loop3A_1543, %parallel_loop3A_1562 : vector<16xi1>, vector<16xi32>
      %parallel_loop3A_1564 = arith.select %parallel_loop3A_1553, %parallel_loop3A_1549, %parallel_loop3A_1541 : vector<16xi1>, vector<16xf32>
      %parallel_loop3A_1565 = arith.select %parallel_loop3A_1552, %parallel_loop3A_1544, %parallel_loop3A_1564 : vector<16xi1>, vector<16xf32>
      %parallel_loop3A_1566 = arith.select %parallel_loop3A_1553, %parallel_loop3A_1551, %parallel_loop3A_1543 : vector<16xi1>, vector<16xi32>
      %parallel_loop3A_1567 = arith.select %parallel_loop3A_1552, %parallel_loop3A_1545, %parallel_loop3A_1566 : vector<16xi1>, vector<16xi32>
      %parallel_loop3A_1568 = arith.select %parallel_loop3A_1552, %parallel_loop3A_1549, %parallel_loop3A_1544 : vector<16xi1>, vector<16xf32>
      %parallel_loop3A_1569 = arith.select %parallel_loop3A_1552, %parallel_loop3A_1551, %parallel_loop3A_1545 : vector<16xi1>, vector<16xi32>
      %parallel_loop3A_1570 = arith.constant 29 : i32
      %parallel_loop3A_1571 = arith.index_cast %parallel_loop3A_1570 : i32 to index
      %parallel_loop3A_1572 = arith.index_cast %parallel_loop3A_870 : i32 to index
      %parallel_loop3A_1573 = tpu.vector_load %arg7[%parallel_loop3A_1571, %parallel_loop3A_1572] {strides = array<i32>} : memref<48x256xf32, #tpu.memory_space<vmem>>, vector<16xf32>,
      %parallel_loop3A_1574 = arith.constant 29 : i32
      %parallel_loop3A_1575 = vector.broadcast %parallel_loop3A_1574 : i32 to vector<16xi32>
      %parallel_loop3A_1576 = arith.cmpf ogt, %parallel_loop3A_1573, %parallel_loop3A_1568 : vector<16xf32>
      %parallel_loop3A_1577 = arith.cmpf ogt, %parallel_loop3A_1573, %parallel_loop3A_1565 : vector<16xf32>
      %parallel_loop3A_1578 = arith.cmpf ogt, %parallel_loop3A_1573, %parallel_loop3A_1561 : vector<16xf32>
      %parallel_loop3A_1579 = arith.cmpf ogt, %parallel_loop3A_1573, %parallel_loop3A_1557 : vector<16xf32>
      %parallel_loop3A_1580 = arith.select %parallel_loop3A_1579, %parallel_loop3A_1573, %parallel_loop3A_1557 : vector<16xi1>, vector<16xf32>
      %parallel_loop3A_1581 = arith.select %parallel_loop3A_1578, %parallel_loop3A_1561, %parallel_loop3A_1580 : vector<16xi1>, vector<16xf32>
      %parallel_loop3A_1582 = arith.select %parallel_loop3A_1579, %parallel_loop3A_1575, %parallel_loop3A_1559 : vector<16xi1>, vector<16xi32>
      %parallel_loop3A_1583 = arith.select %parallel_loop3A_1578, %parallel_loop3A_1563, %parallel_loop3A_1582 : vector<16xi1>, vector<16xi32>
      %parallel_loop3A_1584 = arith.select %parallel_loop3A_1578, %parallel_loop3A_1573, %parallel_loop3A_1561 : vector<16xi1>, vector<16xf32>
      %parallel_loop3A_1585 = arith.select %parallel_loop3A_1577, %parallel_loop3A_1565, %parallel_loop3A_1584 : vector<16xi1>, vector<16xf32>
      %parallel_loop3A_1586 = arith.select %parallel_loop3A_1578, %parallel_loop3A_1575, %parallel_loop3A_1563 : vector<16xi1>, vector<16xi32>
      %parallel_loop3A_1587 = arith.select %parallel_loop3A_1577, %parallel_loop3A_1567, %parallel_loop3A_1586 : vector<16xi1>, vector<16xi32>
      %parallel_loop3A_1588 = arith.select %parallel_loop3A_1577, %parallel_loop3A_1573, %parallel_loop3A_1565 : vector<16xi1>, vector<16xf32>
      %parallel_loop3A_1589 = arith.select %parallel_loop3A_1576, %parallel_loop3A_1568, %parallel_loop3A_1588 : vector<16xi1>, vector<16xf32>
      %parallel_loop3A_1590 = arith.select %parallel_loop3A_1577, %parallel_loop3A_1575, %parallel_loop3A_1567 : vector<16xi1>, vector<16xi32>
      %parallel_loop3A_1591 = arith.select %parallel_loop3A_1576, %parallel_loop3A_1569, %parallel_loop3A_1590 : vector<16xi1>, vector<16xi32>
      %parallel_loop3A_1592 = arith.select %parallel_loop3A_1576, %parallel_loop3A_1573, %parallel_loop3A_1568 : vector<16xi1>, vector<16xf32>
      %parallel_loop3A_1593 = arith.select %parallel_loop3A_1576, %parallel_loop3A_1575, %parallel_loop3A_1569 : vector<16xi1>, vector<16xi32>
      %parallel_loop3A_1594 = arith.constant 30 : i32
      %parallel_loop3A_1595 = arith.index_cast %parallel_loop3A_1594 : i32 to index
      %parallel_loop3A_1596 = arith.index_cast %parallel_loop3A_870 : i32 to index
      %parallel_loop3A_1597 = tpu.vector_load %arg7[%parallel_loop3A_1595, %parallel_loop3A_1596] {strides = array<i32>} : memref<48x256xf32, #tpu.memory_space<vmem>>, vector<16xf32>,
      %parallel_loop3A_1598 = arith.constant 30 : i32
      %parallel_loop3A_1599 = vector.broadcast %parallel_loop3A_1598 : i32 to vector<16xi32>
      %parallel_loop3A_1600 = arith.cmpf ogt, %parallel_loop3A_1597, %parallel_loop3A_1592 : vector<16xf32>
      %parallel_loop3A_1601 = arith.cmpf ogt, %parallel_loop3A_1597, %parallel_loop3A_1589 : vector<16xf32>
      %parallel_loop3A_1602 = arith.cmpf ogt, %parallel_loop3A_1597, %parallel_loop3A_1585 : vector<16xf32>
      %parallel_loop3A_1603 = arith.cmpf ogt, %parallel_loop3A_1597, %parallel_loop3A_1581 : vector<16xf32>
      %parallel_loop3A_1604 = arith.select %parallel_loop3A_1603, %parallel_loop3A_1597, %parallel_loop3A_1581 : vector<16xi1>, vector<16xf32>
      %parallel_loop3A_1605 = arith.select %parallel_loop3A_1602, %parallel_loop3A_1585, %parallel_loop3A_1604 : vector<16xi1>, vector<16xf32>
      %parallel_loop3A_1606 = arith.select %parallel_loop3A_1603, %parallel_loop3A_1599, %parallel_loop3A_1583 : vector<16xi1>, vector<16xi32>
      %parallel_loop3A_1607 = arith.select %parallel_loop3A_1602, %parallel_loop3A_1587, %parallel_loop3A_1606 : vector<16xi1>, vector<16xi32>
      %parallel_loop3A_1608 = arith.select %parallel_loop3A_1602, %parallel_loop3A_1597, %parallel_loop3A_1585 : vector<16xi1>, vector<16xf32>
      %parallel_loop3A_1609 = arith.select %parallel_loop3A_1601, %parallel_loop3A_1589, %parallel_loop3A_1608 : vector<16xi1>, vector<16xf32>
      %parallel_loop3A_1610 = arith.select %parallel_loop3A_1602, %parallel_loop3A_1599, %parallel_loop3A_1587 : vector<16xi1>, vector<16xi32>
      %parallel_loop3A_1611 = arith.select %parallel_loop3A_1601, %parallel_loop3A_1591, %parallel_loop3A_1610 : vector<16xi1>, vector<16xi32>
      %parallel_loop3A_1612 = arith.select %parallel_loop3A_1601, %parallel_loop3A_1597, %parallel_loop3A_1589 : vector<16xi1>, vector<16xf32>
      %parallel_loop3A_1613 = arith.select %parallel_loop3A_1600, %parallel_loop3A_1592, %parallel_loop3A_1612 : vector<16xi1>, vector<16xf32>
      %parallel_loop3A_1614 = arith.select %parallel_loop3A_1601, %parallel_loop3A_1599, %parallel_loop3A_1591 : vector<16xi1>, vector<16xi32>
      %parallel_loop3A_1615 = arith.select %parallel_loop3A_1600, %parallel_loop3A_1593, %parallel_loop3A_1614 : vector<16xi1>, vector<16xi32>
      %parallel_loop3A_1616 = arith.select %parallel_loop3A_1600, %parallel_loop3A_1597, %parallel_loop3A_1592 : vector<16xi1>, vector<16xf32>
      %parallel_loop3A_1617 = arith.select %parallel_loop3A_1600, %parallel_loop3A_1599, %parallel_loop3A_1593 : vector<16xi1>, vector<16xi32>
      %parallel_loop3A_1618 = arith.constant 31 : i32
      %parallel_loop3A_1619 = arith.index_cast %parallel_loop3A_1618 : i32 to index
      %parallel_loop3A_1620 = arith.index_cast %parallel_loop3A_870 : i32 to index
      %parallel_loop3A_1621 = tpu.vector_load %arg7[%parallel_loop3A_1619, %parallel_loop3A_1620] {strides = array<i32>} : memref<48x256xf32, #tpu.memory_space<vmem>>, vector<16xf32>,
      %parallel_loop3A_1622 = arith.constant 31 : i32
      %parallel_loop3A_1623 = vector.broadcast %parallel_loop3A_1622 : i32 to vector<16xi32>
      %parallel_loop3A_1624 = arith.cmpf ogt, %parallel_loop3A_1621, %parallel_loop3A_1616 : vector<16xf32>
      %parallel_loop3A_1625 = arith.cmpf ogt, %parallel_loop3A_1621, %parallel_loop3A_1613 : vector<16xf32>
      %parallel_loop3A_1626 = arith.cmpf ogt, %parallel_loop3A_1621, %parallel_loop3A_1609 : vector<16xf32>
      %parallel_loop3A_1627 = arith.cmpf ogt, %parallel_loop3A_1621, %parallel_loop3A_1605 : vector<16xf32>
      %parallel_loop3A_1628 = arith.select %parallel_loop3A_1627, %parallel_loop3A_1621, %parallel_loop3A_1605 : vector<16xi1>, vector<16xf32>
      %parallel_loop3A_1629 = arith.select %parallel_loop3A_1626, %parallel_loop3A_1609, %parallel_loop3A_1628 : vector<16xi1>, vector<16xf32>
      %parallel_loop3A_1630 = arith.select %parallel_loop3A_1627, %parallel_loop3A_1623, %parallel_loop3A_1607 : vector<16xi1>, vector<16xi32>
      %parallel_loop3A_1631 = arith.select %parallel_loop3A_1626, %parallel_loop3A_1611, %parallel_loop3A_1630 : vector<16xi1>, vector<16xi32>
      %parallel_loop3A_1632 = arith.select %parallel_loop3A_1626, %parallel_loop3A_1621, %parallel_loop3A_1609 : vector<16xi1>, vector<16xf32>
      %parallel_loop3A_1633 = arith.select %parallel_loop3A_1625, %parallel_loop3A_1613, %parallel_loop3A_1632 : vector<16xi1>, vector<16xf32>
      %parallel_loop3A_1634 = arith.select %parallel_loop3A_1626, %parallel_loop3A_1623, %parallel_loop3A_1611 : vector<16xi1>, vector<16xi32>
      %parallel_loop3A_1635 = arith.select %parallel_loop3A_1625, %parallel_loop3A_1615, %parallel_loop3A_1634 : vector<16xi1>, vector<16xi32>
      %parallel_loop3A_1636 = arith.select %parallel_loop3A_1625, %parallel_loop3A_1621, %parallel_loop3A_1613 : vector<16xi1>, vector<16xf32>
      %parallel_loop3A_1637 = arith.select %parallel_loop3A_1624, %parallel_loop3A_1616, %parallel_loop3A_1636 : vector<16xi1>, vector<16xf32>
      %parallel_loop3A_1638 = arith.select %parallel_loop3A_1625, %parallel_loop3A_1623, %parallel_loop3A_1615 : vector<16xi1>, vector<16xi32>
      %parallel_loop3A_1639 = arith.select %parallel_loop3A_1624, %parallel_loop3A_1617, %parallel_loop3A_1638 : vector<16xi1>, vector<16xi32>
      %parallel_loop3A_1640 = arith.select %parallel_loop3A_1624, %parallel_loop3A_1621, %parallel_loop3A_1616 : vector<16xi1>, vector<16xf32>
      %parallel_loop3A_1641 = arith.select %parallel_loop3A_1624, %parallel_loop3A_1623, %parallel_loop3A_1617 : vector<16xi1>, vector<16xi32>
      %parallel_loop3A_1642 = arith.constant 32 : i32
      %parallel_loop3A_1643 = arith.index_cast %parallel_loop3A_1642 : i32 to index
      %parallel_loop3A_1644 = arith.index_cast %parallel_loop3A_870 : i32 to index
      %parallel_loop3A_1645 = tpu.vector_load %arg7[%parallel_loop3A_1643, %parallel_loop3A_1644] {strides = array<i32>} : memref<48x256xf32, #tpu.memory_space<vmem>>, vector<16xf32>,
      %parallel_loop3A_1646 = arith.constant 32 : i32
      %parallel_loop3A_1647 = vector.broadcast %parallel_loop3A_1646 : i32 to vector<16xi32>
      %parallel_loop3A_1648 = arith.cmpf ogt, %parallel_loop3A_1645, %parallel_loop3A_1640 : vector<16xf32>
      %parallel_loop3A_1649 = arith.cmpf ogt, %parallel_loop3A_1645, %parallel_loop3A_1637 : vector<16xf32>
      %parallel_loop3A_1650 = arith.cmpf ogt, %parallel_loop3A_1645, %parallel_loop3A_1633 : vector<16xf32>
      %parallel_loop3A_1651 = arith.cmpf ogt, %parallel_loop3A_1645, %parallel_loop3A_1629 : vector<16xf32>
      %parallel_loop3A_1652 = arith.select %parallel_loop3A_1651, %parallel_loop3A_1645, %parallel_loop3A_1629 : vector<16xi1>, vector<16xf32>
      %parallel_loop3A_1653 = arith.select %parallel_loop3A_1650, %parallel_loop3A_1633, %parallel_loop3A_1652 : vector<16xi1>, vector<16xf32>
      %parallel_loop3A_1654 = arith.select %parallel_loop3A_1651, %parallel_loop3A_1647, %parallel_loop3A_1631 : vector<16xi1>, vector<16xi32>
      %parallel_loop3A_1655 = arith.select %parallel_loop3A_1650, %parallel_loop3A_1635, %parallel_loop3A_1654 : vector<16xi1>, vector<16xi32>
      %parallel_loop3A_1656 = arith.select %parallel_loop3A_1650, %parallel_loop3A_1645, %parallel_loop3A_1633 : vector<16xi1>, vector<16xf32>
      %parallel_loop3A_1657 = arith.select %parallel_loop3A_1649, %parallel_loop3A_1637, %parallel_loop3A_1656 : vector<16xi1>, vector<16xf32>
      %parallel_loop3A_1658 = arith.select %parallel_loop3A_1650, %parallel_loop3A_1647, %parallel_loop3A_1635 : vector<16xi1>, vector<16xi32>
      %parallel_loop3A_1659 = arith.select %parallel_loop3A_1649, %parallel_loop3A_1639, %parallel_loop3A_1658 : vector<16xi1>, vector<16xi32>
      %parallel_loop3A_1660 = arith.select %parallel_loop3A_1649, %parallel_loop3A_1645, %parallel_loop3A_1637 : vector<16xi1>, vector<16xf32>
      %parallel_loop3A_1661 = arith.select %parallel_loop3A_1648, %parallel_loop3A_1640, %parallel_loop3A_1660 : vector<16xi1>, vector<16xf32>
      %parallel_loop3A_1662 = arith.select %parallel_loop3A_1649, %parallel_loop3A_1647, %parallel_loop3A_1639 : vector<16xi1>, vector<16xi32>
      %parallel_loop3A_1663 = arith.select %parallel_loop3A_1648, %parallel_loop3A_1641, %parallel_loop3A_1662 : vector<16xi1>, vector<16xi32>
      %parallel_loop3A_1664 = arith.select %parallel_loop3A_1648, %parallel_loop3A_1645, %parallel_loop3A_1640 : vector<16xi1>, vector<16xf32>
      %parallel_loop3A_1665 = arith.select %parallel_loop3A_1648, %parallel_loop3A_1647, %parallel_loop3A_1641 : vector<16xi1>, vector<16xi32>
      %parallel_loop3A_1666 = arith.constant 33 : i32
      %parallel_loop3A_1667 = arith.index_cast %parallel_loop3A_1666 : i32 to index
      %parallel_loop3A_1668 = arith.index_cast %parallel_loop3A_870 : i32 to index
      %parallel_loop3A_1669 = tpu.vector_load %arg7[%parallel_loop3A_1667, %parallel_loop3A_1668] {strides = array<i32>} : memref<48x256xf32, #tpu.memory_space<vmem>>, vector<16xf32>,
      %parallel_loop3A_1670 = arith.constant 33 : i32
      %parallel_loop3A_1671 = vector.broadcast %parallel_loop3A_1670 : i32 to vector<16xi32>
      %parallel_loop3A_1672 = arith.cmpf ogt, %parallel_loop3A_1669, %parallel_loop3A_1664 : vector<16xf32>
      %parallel_loop3A_1673 = arith.cmpf ogt, %parallel_loop3A_1669, %parallel_loop3A_1661 : vector<16xf32>
      %parallel_loop3A_1674 = arith.cmpf ogt, %parallel_loop3A_1669, %parallel_loop3A_1657 : vector<16xf32>
      %parallel_loop3A_1675 = arith.cmpf ogt, %parallel_loop3A_1669, %parallel_loop3A_1653 : vector<16xf32>
      %parallel_loop3A_1676 = arith.select %parallel_loop3A_1675, %parallel_loop3A_1669, %parallel_loop3A_1653 : vector<16xi1>, vector<16xf32>
      %parallel_loop3A_1677 = arith.select %parallel_loop3A_1674, %parallel_loop3A_1657, %parallel_loop3A_1676 : vector<16xi1>, vector<16xf32>
      %parallel_loop3A_1678 = arith.select %parallel_loop3A_1675, %parallel_loop3A_1671, %parallel_loop3A_1655 : vector<16xi1>, vector<16xi32>
      %parallel_loop3A_1679 = arith.select %parallel_loop3A_1674, %parallel_loop3A_1659, %parallel_loop3A_1678 : vector<16xi1>, vector<16xi32>
      %parallel_loop3A_1680 = arith.select %parallel_loop3A_1674, %parallel_loop3A_1669, %parallel_loop3A_1657 : vector<16xi1>, vector<16xf32>
      %parallel_loop3A_1681 = arith.select %parallel_loop3A_1673, %parallel_loop3A_1661, %parallel_loop3A_1680 : vector<16xi1>, vector<16xf32>
      %parallel_loop3A_1682 = arith.select %parallel_loop3A_1674, %parallel_loop3A_1671, %parallel_loop3A_1659 : vector<16xi1>, vector<16xi32>
      %parallel_loop3A_1683 = arith.select %parallel_loop3A_1673, %parallel_loop3A_1663, %parallel_loop3A_1682 : vector<16xi1>, vector<16xi32>
      %parallel_loop3A_1684 = arith.select %parallel_loop3A_1673, %parallel_loop3A_1669, %parallel_loop3A_1661 : vector<16xi1>, vector<16xf32>
      %parallel_loop3A_1685 = arith.select %parallel_loop3A_1672, %parallel_loop3A_1664, %parallel_loop3A_1684 : vector<16xi1>, vector<16xf32>
      %parallel_loop3A_1686 = arith.select %parallel_loop3A_1673, %parallel_loop3A_1671, %parallel_loop3A_1663 : vector<16xi1>, vector<16xi32>
      %parallel_loop3A_1687 = arith.select %parallel_loop3A_1672, %parallel_loop3A_1665, %parallel_loop3A_1686 : vector<16xi1>, vector<16xi32>
      %parallel_loop3A_1688 = arith.select %parallel_loop3A_1672, %parallel_loop3A_1669, %parallel_loop3A_1664 : vector<16xi1>, vector<16xf32>
      %parallel_loop3A_1689 = arith.select %parallel_loop3A_1672, %parallel_loop3A_1671, %parallel_loop3A_1665 : vector<16xi1>, vector<16xi32>
      %parallel_loop3A_1690 = arith.constant 34 : i32
      %parallel_loop3A_1691 = arith.index_cast %parallel_loop3A_1690 : i32 to index
      %parallel_loop3A_1692 = arith.index_cast %parallel_loop3A_870 : i32 to index
      %parallel_loop3A_1693 = tpu.vector_load %arg7[%parallel_loop3A_1691, %parallel_loop3A_1692] {strides = array<i32>} : memref<48x256xf32, #tpu.memory_space<vmem>>, vector<16xf32>,
      %parallel_loop3A_1694 = arith.constant 34 : i32
      %parallel_loop3A_1695 = vector.broadcast %parallel_loop3A_1694 : i32 to vector<16xi32>
      %parallel_loop3A_1696 = arith.cmpf ogt, %parallel_loop3A_1693, %parallel_loop3A_1688 : vector<16xf32>
      %parallel_loop3A_1697 = arith.cmpf ogt, %parallel_loop3A_1693, %parallel_loop3A_1685 : vector<16xf32>
      %parallel_loop3A_1698 = arith.cmpf ogt, %parallel_loop3A_1693, %parallel_loop3A_1681 : vector<16xf32>
      %parallel_loop3A_1699 = arith.cmpf ogt, %parallel_loop3A_1693, %parallel_loop3A_1677 : vector<16xf32>
      %parallel_loop3A_1700 = arith.select %parallel_loop3A_1699, %parallel_loop3A_1693, %parallel_loop3A_1677 : vector<16xi1>, vector<16xf32>
      %parallel_loop3A_1701 = arith.select %parallel_loop3A_1698, %parallel_loop3A_1681, %parallel_loop3A_1700 : vector<16xi1>, vector<16xf32>
      %parallel_loop3A_1702 = arith.select %parallel_loop3A_1699, %parallel_loop3A_1695, %parallel_loop3A_1679 : vector<16xi1>, vector<16xi32>
      %parallel_loop3A_1703 = arith.select %parallel_loop3A_1698, %parallel_loop3A_1683, %parallel_loop3A_1702 : vector<16xi1>, vector<16xi32>
      %parallel_loop3A_1704 = arith.select %parallel_loop3A_1698, %parallel_loop3A_1693, %parallel_loop3A_1681 : vector<16xi1>, vector<16xf32>
      %parallel_loop3A_1705 = arith.select %parallel_loop3A_1697, %parallel_loop3A_1685, %parallel_loop3A_1704 : vector<16xi1>, vector<16xf32>
      %parallel_loop3A_1706 = arith.select %parallel_loop3A_1698, %parallel_loop3A_1695, %parallel_loop3A_1683 : vector<16xi1>, vector<16xi32>
      %parallel_loop3A_1707 = arith.select %parallel_loop3A_1697, %parallel_loop3A_1687, %parallel_loop3A_1706 : vector<16xi1>, vector<16xi32>
      %parallel_loop3A_1708 = arith.select %parallel_loop3A_1697, %parallel_loop3A_1693, %parallel_loop3A_1685 : vector<16xi1>, vector<16xf32>
      %parallel_loop3A_1709 = arith.select %parallel_loop3A_1696, %parallel_loop3A_1688, %parallel_loop3A_1708 : vector<16xi1>, vector<16xf32>
      %parallel_loop3A_1710 = arith.select %parallel_loop3A_1697, %parallel_loop3A_1695, %parallel_loop3A_1687 : vector<16xi1>, vector<16xi32>
      %parallel_loop3A_1711 = arith.select %parallel_loop3A_1696, %parallel_loop3A_1689, %parallel_loop3A_1710 : vector<16xi1>, vector<16xi32>
      %parallel_loop3A_1712 = arith.select %parallel_loop3A_1696, %parallel_loop3A_1693, %parallel_loop3A_1688 : vector<16xi1>, vector<16xf32>
      %parallel_loop3A_1713 = arith.select %parallel_loop3A_1696, %parallel_loop3A_1695, %parallel_loop3A_1689 : vector<16xi1>, vector<16xi32>
      %parallel_loop3A_1714 = arith.constant 35 : i32
      %parallel_loop3A_1715 = arith.index_cast %parallel_loop3A_1714 : i32 to index
      %parallel_loop3A_1716 = arith.index_cast %parallel_loop3A_870 : i32 to index
      %parallel_loop3A_1717 = tpu.vector_load %arg7[%parallel_loop3A_1715, %parallel_loop3A_1716] {strides = array<i32>} : memref<48x256xf32, #tpu.memory_space<vmem>>, vector<16xf32>,
      %parallel_loop3A_1718 = arith.constant 35 : i32
      %parallel_loop3A_1719 = vector.broadcast %parallel_loop3A_1718 : i32 to vector<16xi32>
      %parallel_loop3A_1720 = arith.cmpf ogt, %parallel_loop3A_1717, %parallel_loop3A_1712 : vector<16xf32>
      %parallel_loop3A_1721 = arith.cmpf ogt, %parallel_loop3A_1717, %parallel_loop3A_1709 : vector<16xf32>
      %parallel_loop3A_1722 = arith.cmpf ogt, %parallel_loop3A_1717, %parallel_loop3A_1705 : vector<16xf32>
      %parallel_loop3A_1723 = arith.cmpf ogt, %parallel_loop3A_1717, %parallel_loop3A_1701 : vector<16xf32>
      %parallel_loop3A_1724 = arith.select %parallel_loop3A_1723, %parallel_loop3A_1717, %parallel_loop3A_1701 : vector<16xi1>, vector<16xf32>
      %parallel_loop3A_1725 = arith.select %parallel_loop3A_1722, %parallel_loop3A_1705, %parallel_loop3A_1724 : vector<16xi1>, vector<16xf32>
      %parallel_loop3A_1726 = arith.select %parallel_loop3A_1723, %parallel_loop3A_1719, %parallel_loop3A_1703 : vector<16xi1>, vector<16xi32>
      %parallel_loop3A_1727 = arith.select %parallel_loop3A_1722, %parallel_loop3A_1707, %parallel_loop3A_1726 : vector<16xi1>, vector<16xi32>
      %parallel_loop3A_1728 = arith.select %parallel_loop3A_1722, %parallel_loop3A_1717, %parallel_loop3A_1705 : vector<16xi1>, vector<16xf32>
      %parallel_loop3A_1729 = arith.select %parallel_loop3A_1721, %parallel_loop3A_1709, %parallel_loop3A_1728 : vector<16xi1>, vector<16xf32>
      %parallel_loop3A_1730 = arith.select %parallel_loop3A_1722, %parallel_loop3A_1719, %parallel_loop3A_1707 : vector<16xi1>, vector<16xi32>
      %parallel_loop3A_1731 = arith.select %parallel_loop3A_1721, %parallel_loop3A_1711, %parallel_loop3A_1730 : vector<16xi1>, vector<16xi32>
      %parallel_loop3A_1732 = arith.select %parallel_loop3A_1721, %parallel_loop3A_1717, %parallel_loop3A_1709 : vector<16xi1>, vector<16xf32>
      %parallel_loop3A_1733 = arith.select %parallel_loop3A_1720, %parallel_loop3A_1712, %parallel_loop3A_1732 : vector<16xi1>, vector<16xf32>
      %parallel_loop3A_1734 = arith.select %parallel_loop3A_1721, %parallel_loop3A_1719, %parallel_loop3A_1711 : vector<16xi1>, vector<16xi32>
      %parallel_loop3A_1735 = arith.select %parallel_loop3A_1720, %parallel_loop3A_1713, %parallel_loop3A_1734 : vector<16xi1>, vector<16xi32>
      %parallel_loop3A_1736 = arith.select %parallel_loop3A_1720, %parallel_loop3A_1717, %parallel_loop3A_1712 : vector<16xi1>, vector<16xf32>
      %parallel_loop3A_1737 = arith.select %parallel_loop3A_1720, %parallel_loop3A_1719, %parallel_loop3A_1713 : vector<16xi1>, vector<16xi32>
      %parallel_loop3A_1738 = arith.constant 36 : i32
      %parallel_loop3A_1739 = arith.index_cast %parallel_loop3A_1738 : i32 to index
      %parallel_loop3A_1740 = arith.index_cast %parallel_loop3A_870 : i32 to index
      %parallel_loop3A_1741 = tpu.vector_load %arg7[%parallel_loop3A_1739, %parallel_loop3A_1740] {strides = array<i32>} : memref<48x256xf32, #tpu.memory_space<vmem>>, vector<16xf32>,
      %parallel_loop3A_1742 = arith.constant 36 : i32
      %parallel_loop3A_1743 = vector.broadcast %parallel_loop3A_1742 : i32 to vector<16xi32>
      %parallel_loop3A_1744 = arith.cmpf ogt, %parallel_loop3A_1741, %parallel_loop3A_1736 : vector<16xf32>
      %parallel_loop3A_1745 = arith.cmpf ogt, %parallel_loop3A_1741, %parallel_loop3A_1733 : vector<16xf32>
      %parallel_loop3A_1746 = arith.cmpf ogt, %parallel_loop3A_1741, %parallel_loop3A_1729 : vector<16xf32>
      %parallel_loop3A_1747 = arith.cmpf ogt, %parallel_loop3A_1741, %parallel_loop3A_1725 : vector<16xf32>
      %parallel_loop3A_1748 = arith.select %parallel_loop3A_1747, %parallel_loop3A_1741, %parallel_loop3A_1725 : vector<16xi1>, vector<16xf32>
      %parallel_loop3A_1749 = arith.select %parallel_loop3A_1746, %parallel_loop3A_1729, %parallel_loop3A_1748 : vector<16xi1>, vector<16xf32>
      %parallel_loop3A_1750 = arith.select %parallel_loop3A_1747, %parallel_loop3A_1743, %parallel_loop3A_1727 : vector<16xi1>, vector<16xi32>
      %parallel_loop3A_1751 = arith.select %parallel_loop3A_1746, %parallel_loop3A_1731, %parallel_loop3A_1750 : vector<16xi1>, vector<16xi32>
      %parallel_loop3A_1752 = arith.select %parallel_loop3A_1746, %parallel_loop3A_1741, %parallel_loop3A_1729 : vector<16xi1>, vector<16xf32>
      %parallel_loop3A_1753 = arith.select %parallel_loop3A_1745, %parallel_loop3A_1733, %parallel_loop3A_1752 : vector<16xi1>, vector<16xf32>
      %parallel_loop3A_1754 = arith.select %parallel_loop3A_1746, %parallel_loop3A_1743, %parallel_loop3A_1731 : vector<16xi1>, vector<16xi32>
      %parallel_loop3A_1755 = arith.select %parallel_loop3A_1745, %parallel_loop3A_1735, %parallel_loop3A_1754 : vector<16xi1>, vector<16xi32>
      %parallel_loop3A_1756 = arith.select %parallel_loop3A_1745, %parallel_loop3A_1741, %parallel_loop3A_1733 : vector<16xi1>, vector<16xf32>
      %parallel_loop3A_1757 = arith.select %parallel_loop3A_1744, %parallel_loop3A_1736, %parallel_loop3A_1756 : vector<16xi1>, vector<16xf32>
      %parallel_loop3A_1758 = arith.select %parallel_loop3A_1745, %parallel_loop3A_1743, %parallel_loop3A_1735 : vector<16xi1>, vector<16xi32>
      %parallel_loop3A_1759 = arith.select %parallel_loop3A_1744, %parallel_loop3A_1737, %parallel_loop3A_1758 : vector<16xi1>, vector<16xi32>
      %parallel_loop3A_1760 = arith.select %parallel_loop3A_1744, %parallel_loop3A_1741, %parallel_loop3A_1736 : vector<16xi1>, vector<16xf32>
      %parallel_loop3A_1761 = arith.select %parallel_loop3A_1744, %parallel_loop3A_1743, %parallel_loop3A_1737 : vector<16xi1>, vector<16xi32>
      %parallel_loop3A_1762 = arith.constant 37 : i32
      %parallel_loop3A_1763 = arith.index_cast %parallel_loop3A_1762 : i32 to index
      %parallel_loop3A_1764 = arith.index_cast %parallel_loop3A_870 : i32 to index
      %parallel_loop3A_1765 = tpu.vector_load %arg7[%parallel_loop3A_1763, %parallel_loop3A_1764] {strides = array<i32>} : memref<48x256xf32, #tpu.memory_space<vmem>>, vector<16xf32>,
      %parallel_loop3A_1766 = arith.constant 37 : i32
      %parallel_loop3A_1767 = vector.broadcast %parallel_loop3A_1766 : i32 to vector<16xi32>
      %parallel_loop3A_1768 = arith.cmpf ogt, %parallel_loop3A_1765, %parallel_loop3A_1760 : vector<16xf32>
      %parallel_loop3A_1769 = arith.cmpf ogt, %parallel_loop3A_1765, %parallel_loop3A_1757 : vector<16xf32>
      %parallel_loop3A_1770 = arith.cmpf ogt, %parallel_loop3A_1765, %parallel_loop3A_1753 : vector<16xf32>
      %parallel_loop3A_1771 = arith.cmpf ogt, %parallel_loop3A_1765, %parallel_loop3A_1749 : vector<16xf32>
      %parallel_loop3A_1772 = arith.select %parallel_loop3A_1771, %parallel_loop3A_1765, %parallel_loop3A_1749 : vector<16xi1>, vector<16xf32>
      %parallel_loop3A_1773 = arith.select %parallel_loop3A_1770, %parallel_loop3A_1753, %parallel_loop3A_1772 : vector<16xi1>, vector<16xf32>
      %parallel_loop3A_1774 = arith.select %parallel_loop3A_1771, %parallel_loop3A_1767, %parallel_loop3A_1751 : vector<16xi1>, vector<16xi32>
      %parallel_loop3A_1775 = arith.select %parallel_loop3A_1770, %parallel_loop3A_1755, %parallel_loop3A_1774 : vector<16xi1>, vector<16xi32>
      %parallel_loop3A_1776 = arith.select %parallel_loop3A_1770, %parallel_loop3A_1765, %parallel_loop3A_1753 : vector<16xi1>, vector<16xf32>
      %parallel_loop3A_1777 = arith.select %parallel_loop3A_1769, %parallel_loop3A_1757, %parallel_loop3A_1776 : vector<16xi1>, vector<16xf32>
      %parallel_loop3A_1778 = arith.select %parallel_loop3A_1770, %parallel_loop3A_1767, %parallel_loop3A_1755 : vector<16xi1>, vector<16xi32>
      %parallel_loop3A_1779 = arith.select %parallel_loop3A_1769, %parallel_loop3A_1759, %parallel_loop3A_1778 : vector<16xi1>, vector<16xi32>
      %parallel_loop3A_1780 = arith.select %parallel_loop3A_1769, %parallel_loop3A_1765, %parallel_loop3A_1757 : vector<16xi1>, vector<16xf32>
      %parallel_loop3A_1781 = arith.select %parallel_loop3A_1768, %parallel_loop3A_1760, %parallel_loop3A_1780 : vector<16xi1>, vector<16xf32>
      %parallel_loop3A_1782 = arith.select %parallel_loop3A_1769, %parallel_loop3A_1767, %parallel_loop3A_1759 : vector<16xi1>, vector<16xi32>
      %parallel_loop3A_1783 = arith.select %parallel_loop3A_1768, %parallel_loop3A_1761, %parallel_loop3A_1782 : vector<16xi1>, vector<16xi32>
      %parallel_loop3A_1784 = arith.select %parallel_loop3A_1768, %parallel_loop3A_1765, %parallel_loop3A_1760 : vector<16xi1>, vector<16xf32>
      %parallel_loop3A_1785 = arith.select %parallel_loop3A_1768, %parallel_loop3A_1767, %parallel_loop3A_1761 : vector<16xi1>, vector<16xi32>
      %parallel_loop3A_1786 = arith.constant 38 : i32
      %parallel_loop3A_1787 = arith.index_cast %parallel_loop3A_1786 : i32 to index
      %parallel_loop3A_1788 = arith.index_cast %parallel_loop3A_870 : i32 to index
      %parallel_loop3A_1789 = tpu.vector_load %arg7[%parallel_loop3A_1787, %parallel_loop3A_1788] {strides = array<i32>} : memref<48x256xf32, #tpu.memory_space<vmem>>, vector<16xf32>,
      %parallel_loop3A_1790 = arith.constant 38 : i32
      %parallel_loop3A_1791 = vector.broadcast %parallel_loop3A_1790 : i32 to vector<16xi32>
      %parallel_loop3A_1792 = arith.cmpf ogt, %parallel_loop3A_1789, %parallel_loop3A_1784 : vector<16xf32>
      %parallel_loop3A_1793 = arith.cmpf ogt, %parallel_loop3A_1789, %parallel_loop3A_1781 : vector<16xf32>
      %parallel_loop3A_1794 = arith.cmpf ogt, %parallel_loop3A_1789, %parallel_loop3A_1777 : vector<16xf32>
      %parallel_loop3A_1795 = arith.cmpf ogt, %parallel_loop3A_1789, %parallel_loop3A_1773 : vector<16xf32>
      %parallel_loop3A_1796 = arith.select %parallel_loop3A_1795, %parallel_loop3A_1789, %parallel_loop3A_1773 : vector<16xi1>, vector<16xf32>
      %parallel_loop3A_1797 = arith.select %parallel_loop3A_1794, %parallel_loop3A_1777, %parallel_loop3A_1796 : vector<16xi1>, vector<16xf32>
      %parallel_loop3A_1798 = arith.select %parallel_loop3A_1795, %parallel_loop3A_1791, %parallel_loop3A_1775 : vector<16xi1>, vector<16xi32>
      %parallel_loop3A_1799 = arith.select %parallel_loop3A_1794, %parallel_loop3A_1779, %parallel_loop3A_1798 : vector<16xi1>, vector<16xi32>
      %parallel_loop3A_1800 = arith.select %parallel_loop3A_1794, %parallel_loop3A_1789, %parallel_loop3A_1777 : vector<16xi1>, vector<16xf32>
      %parallel_loop3A_1801 = arith.select %parallel_loop3A_1793, %parallel_loop3A_1781, %parallel_loop3A_1800 : vector<16xi1>, vector<16xf32>
      %parallel_loop3A_1802 = arith.select %parallel_loop3A_1794, %parallel_loop3A_1791, %parallel_loop3A_1779 : vector<16xi1>, vector<16xi32>
      %parallel_loop3A_1803 = arith.select %parallel_loop3A_1793, %parallel_loop3A_1783, %parallel_loop3A_1802 : vector<16xi1>, vector<16xi32>
      %parallel_loop3A_1804 = arith.select %parallel_loop3A_1793, %parallel_loop3A_1789, %parallel_loop3A_1781 : vector<16xi1>, vector<16xf32>
      %parallel_loop3A_1805 = arith.select %parallel_loop3A_1792, %parallel_loop3A_1784, %parallel_loop3A_1804 : vector<16xi1>, vector<16xf32>
      %parallel_loop3A_1806 = arith.select %parallel_loop3A_1793, %parallel_loop3A_1791, %parallel_loop3A_1783 : vector<16xi1>, vector<16xi32>
      %parallel_loop3A_1807 = arith.select %parallel_loop3A_1792, %parallel_loop3A_1785, %parallel_loop3A_1806 : vector<16xi1>, vector<16xi32>
      %parallel_loop3A_1808 = arith.select %parallel_loop3A_1792, %parallel_loop3A_1789, %parallel_loop3A_1784 : vector<16xi1>, vector<16xf32>
      %parallel_loop3A_1809 = arith.select %parallel_loop3A_1792, %parallel_loop3A_1791, %parallel_loop3A_1785 : vector<16xi1>, vector<16xi32>
      %parallel_loop3A_1810 = arith.constant 39 : i32
      %parallel_loop3A_1811 = arith.index_cast %parallel_loop3A_1810 : i32 to index
      %parallel_loop3A_1812 = arith.index_cast %parallel_loop3A_870 : i32 to index
      %parallel_loop3A_1813 = tpu.vector_load %arg7[%parallel_loop3A_1811, %parallel_loop3A_1812] {strides = array<i32>} : memref<48x256xf32, #tpu.memory_space<vmem>>, vector<16xf32>,
      %parallel_loop3A_1814 = arith.constant 39 : i32
      %parallel_loop3A_1815 = vector.broadcast %parallel_loop3A_1814 : i32 to vector<16xi32>
      %parallel_loop3A_1816 = arith.cmpf ogt, %parallel_loop3A_1813, %parallel_loop3A_1808 : vector<16xf32>
      %parallel_loop3A_1817 = arith.cmpf ogt, %parallel_loop3A_1813, %parallel_loop3A_1805 : vector<16xf32>
      %parallel_loop3A_1818 = arith.cmpf ogt, %parallel_loop3A_1813, %parallel_loop3A_1801 : vector<16xf32>
      %parallel_loop3A_1819 = arith.cmpf ogt, %parallel_loop3A_1813, %parallel_loop3A_1797 : vector<16xf32>
      %parallel_loop3A_1820 = arith.select %parallel_loop3A_1819, %parallel_loop3A_1813, %parallel_loop3A_1797 : vector<16xi1>, vector<16xf32>
      %parallel_loop3A_1821 = arith.select %parallel_loop3A_1818, %parallel_loop3A_1801, %parallel_loop3A_1820 : vector<16xi1>, vector<16xf32>
      %parallel_loop3A_1822 = arith.select %parallel_loop3A_1819, %parallel_loop3A_1815, %parallel_loop3A_1799 : vector<16xi1>, vector<16xi32>
      %parallel_loop3A_1823 = arith.select %parallel_loop3A_1818, %parallel_loop3A_1803, %parallel_loop3A_1822 : vector<16xi1>, vector<16xi32>
      %parallel_loop3A_1824 = arith.select %parallel_loop3A_1818, %parallel_loop3A_1813, %parallel_loop3A_1801 : vector<16xi1>, vector<16xf32>
      %parallel_loop3A_1825 = arith.select %parallel_loop3A_1817, %parallel_loop3A_1805, %parallel_loop3A_1824 : vector<16xi1>, vector<16xf32>
      %parallel_loop3A_1826 = arith.select %parallel_loop3A_1818, %parallel_loop3A_1815, %parallel_loop3A_1803 : vector<16xi1>, vector<16xi32>
      %parallel_loop3A_1827 = arith.select %parallel_loop3A_1817, %parallel_loop3A_1807, %parallel_loop3A_1826 : vector<16xi1>, vector<16xi32>
      %parallel_loop3A_1828 = arith.select %parallel_loop3A_1817, %parallel_loop3A_1813, %parallel_loop3A_1805 : vector<16xi1>, vector<16xf32>
      %parallel_loop3A_1829 = arith.select %parallel_loop3A_1816, %parallel_loop3A_1808, %parallel_loop3A_1828 : vector<16xi1>, vector<16xf32>
      %parallel_loop3A_1830 = arith.select %parallel_loop3A_1817, %parallel_loop3A_1815, %parallel_loop3A_1807 : vector<16xi1>, vector<16xi32>
      %parallel_loop3A_1831 = arith.select %parallel_loop3A_1816, %parallel_loop3A_1809, %parallel_loop3A_1830 : vector<16xi1>, vector<16xi32>
      %parallel_loop3A_1832 = arith.select %parallel_loop3A_1816, %parallel_loop3A_1813, %parallel_loop3A_1808 : vector<16xi1>, vector<16xf32>
      %parallel_loop3A_1833 = arith.select %parallel_loop3A_1816, %parallel_loop3A_1815, %parallel_loop3A_1809 : vector<16xi1>, vector<16xi32>
      %parallel_loop3A_1834 = arith.constant 40 : i32
      %parallel_loop3A_1835 = arith.index_cast %parallel_loop3A_1834 : i32 to index
      %parallel_loop3A_1836 = arith.index_cast %parallel_loop3A_870 : i32 to index
      %parallel_loop3A_1837 = tpu.vector_load %arg7[%parallel_loop3A_1835, %parallel_loop3A_1836] {strides = array<i32>} : memref<48x256xf32, #tpu.memory_space<vmem>>, vector<16xf32>,
      %parallel_loop3A_1838 = arith.constant 40 : i32
      %parallel_loop3A_1839 = vector.broadcast %parallel_loop3A_1838 : i32 to vector<16xi32>
      %parallel_loop3A_1840 = arith.cmpf ogt, %parallel_loop3A_1837, %parallel_loop3A_1832 : vector<16xf32>
      %parallel_loop3A_1841 = arith.cmpf ogt, %parallel_loop3A_1837, %parallel_loop3A_1829 : vector<16xf32>
      %parallel_loop3A_1842 = arith.cmpf ogt, %parallel_loop3A_1837, %parallel_loop3A_1825 : vector<16xf32>
      %parallel_loop3A_1843 = arith.cmpf ogt, %parallel_loop3A_1837, %parallel_loop3A_1821 : vector<16xf32>
      %parallel_loop3A_1844 = arith.select %parallel_loop3A_1843, %parallel_loop3A_1837, %parallel_loop3A_1821 : vector<16xi1>, vector<16xf32>
      %parallel_loop3A_1845 = arith.select %parallel_loop3A_1842, %parallel_loop3A_1825, %parallel_loop3A_1844 : vector<16xi1>, vector<16xf32>
      %parallel_loop3A_1846 = arith.select %parallel_loop3A_1843, %parallel_loop3A_1839, %parallel_loop3A_1823 : vector<16xi1>, vector<16xi32>
      %parallel_loop3A_1847 = arith.select %parallel_loop3A_1842, %parallel_loop3A_1827, %parallel_loop3A_1846 : vector<16xi1>, vector<16xi32>
      %parallel_loop3A_1848 = arith.select %parallel_loop3A_1842, %parallel_loop3A_1837, %parallel_loop3A_1825 : vector<16xi1>, vector<16xf32>
      %parallel_loop3A_1849 = arith.select %parallel_loop3A_1841, %parallel_loop3A_1829, %parallel_loop3A_1848 : vector<16xi1>, vector<16xf32>
      %parallel_loop3A_1850 = arith.select %parallel_loop3A_1842, %parallel_loop3A_1839, %parallel_loop3A_1827 : vector<16xi1>, vector<16xi32>
      %parallel_loop3A_1851 = arith.select %parallel_loop3A_1841, %parallel_loop3A_1831, %parallel_loop3A_1850 : vector<16xi1>, vector<16xi32>
      %parallel_loop3A_1852 = arith.select %parallel_loop3A_1841, %parallel_loop3A_1837, %parallel_loop3A_1829 : vector<16xi1>, vector<16xf32>
      %parallel_loop3A_1853 = arith.select %parallel_loop3A_1840, %parallel_loop3A_1832, %parallel_loop3A_1852 : vector<16xi1>, vector<16xf32>
      %parallel_loop3A_1854 = arith.select %parallel_loop3A_1841, %parallel_loop3A_1839, %parallel_loop3A_1831 : vector<16xi1>, vector<16xi32>
      %parallel_loop3A_1855 = arith.select %parallel_loop3A_1840, %parallel_loop3A_1833, %parallel_loop3A_1854 : vector<16xi1>, vector<16xi32>
      %parallel_loop3A_1856 = arith.select %parallel_loop3A_1840, %parallel_loop3A_1837, %parallel_loop3A_1832 : vector<16xi1>, vector<16xf32>
      %parallel_loop3A_1857 = arith.select %parallel_loop3A_1840, %parallel_loop3A_1839, %parallel_loop3A_1833 : vector<16xi1>, vector<16xi32>
      %parallel_loop3A_1858 = arith.constant 41 : i32
      %parallel_loop3A_1859 = arith.index_cast %parallel_loop3A_1858 : i32 to index
      %parallel_loop3A_1860 = arith.index_cast %parallel_loop3A_870 : i32 to index
      %parallel_loop3A_1861 = tpu.vector_load %arg7[%parallel_loop3A_1859, %parallel_loop3A_1860] {strides = array<i32>} : memref<48x256xf32, #tpu.memory_space<vmem>>, vector<16xf32>,
      %parallel_loop3A_1862 = arith.constant 41 : i32
      %parallel_loop3A_1863 = vector.broadcast %parallel_loop3A_1862 : i32 to vector<16xi32>
      %parallel_loop3A_1864 = arith.cmpf ogt, %parallel_loop3A_1861, %parallel_loop3A_1856 : vector<16xf32>
      %parallel_loop3A_1865 = arith.cmpf ogt, %parallel_loop3A_1861, %parallel_loop3A_1853 : vector<16xf32>
      %parallel_loop3A_1866 = arith.cmpf ogt, %parallel_loop3A_1861, %parallel_loop3A_1849 : vector<16xf32>
      %parallel_loop3A_1867 = arith.cmpf ogt, %parallel_loop3A_1861, %parallel_loop3A_1845 : vector<16xf32>
      %parallel_loop3A_1868 = arith.select %parallel_loop3A_1867, %parallel_loop3A_1861, %parallel_loop3A_1845 : vector<16xi1>, vector<16xf32>
      %parallel_loop3A_1869 = arith.select %parallel_loop3A_1866, %parallel_loop3A_1849, %parallel_loop3A_1868 : vector<16xi1>, vector<16xf32>
      %parallel_loop3A_1870 = arith.select %parallel_loop3A_1867, %parallel_loop3A_1863, %parallel_loop3A_1847 : vector<16xi1>, vector<16xi32>
      %parallel_loop3A_1871 = arith.select %parallel_loop3A_1866, %parallel_loop3A_1851, %parallel_loop3A_1870 : vector<16xi1>, vector<16xi32>
      %parallel_loop3A_1872 = arith.select %parallel_loop3A_1866, %parallel_loop3A_1861, %parallel_loop3A_1849 : vector<16xi1>, vector<16xf32>
      %parallel_loop3A_1873 = arith.select %parallel_loop3A_1865, %parallel_loop3A_1853, %parallel_loop3A_1872 : vector<16xi1>, vector<16xf32>
      %parallel_loop3A_1874 = arith.select %parallel_loop3A_1866, %parallel_loop3A_1863, %parallel_loop3A_1851 : vector<16xi1>, vector<16xi32>
      %parallel_loop3A_1875 = arith.select %parallel_loop3A_1865, %parallel_loop3A_1855, %parallel_loop3A_1874 : vector<16xi1>, vector<16xi32>
      %parallel_loop3A_1876 = arith.select %parallel_loop3A_1865, %parallel_loop3A_1861, %parallel_loop3A_1853 : vector<16xi1>, vector<16xf32>
      %parallel_loop3A_1877 = arith.select %parallel_loop3A_1864, %parallel_loop3A_1856, %parallel_loop3A_1876 : vector<16xi1>, vector<16xf32>
      %parallel_loop3A_1878 = arith.select %parallel_loop3A_1865, %parallel_loop3A_1863, %parallel_loop3A_1855 : vector<16xi1>, vector<16xi32>
      %parallel_loop3A_1879 = arith.select %parallel_loop3A_1864, %parallel_loop3A_1857, %parallel_loop3A_1878 : vector<16xi1>, vector<16xi32>
      %parallel_loop3A_1880 = arith.select %parallel_loop3A_1864, %parallel_loop3A_1861, %parallel_loop3A_1856 : vector<16xi1>, vector<16xf32>
      %parallel_loop3A_1881 = arith.select %parallel_loop3A_1864, %parallel_loop3A_1863, %parallel_loop3A_1857 : vector<16xi1>, vector<16xi32>
      %parallel_loop3A_1882 = arith.constant 42 : i32
      %parallel_loop3A_1883 = arith.index_cast %parallel_loop3A_1882 : i32 to index
      %parallel_loop3A_1884 = arith.index_cast %parallel_loop3A_870 : i32 to index
      %parallel_loop3A_1885 = tpu.vector_load %arg7[%parallel_loop3A_1883, %parallel_loop3A_1884] {strides = array<i32>} : memref<48x256xf32, #tpu.memory_space<vmem>>, vector<16xf32>,
      %parallel_loop3A_1886 = arith.constant 42 : i32
      %parallel_loop3A_1887 = vector.broadcast %parallel_loop3A_1886 : i32 to vector<16xi32>
      %parallel_loop3A_1888 = arith.cmpf ogt, %parallel_loop3A_1885, %parallel_loop3A_1880 : vector<16xf32>
      %parallel_loop3A_1889 = arith.cmpf ogt, %parallel_loop3A_1885, %parallel_loop3A_1877 : vector<16xf32>
      %parallel_loop3A_1890 = arith.cmpf ogt, %parallel_loop3A_1885, %parallel_loop3A_1873 : vector<16xf32>
      %parallel_loop3A_1891 = arith.cmpf ogt, %parallel_loop3A_1885, %parallel_loop3A_1869 : vector<16xf32>
      %parallel_loop3A_1892 = arith.select %parallel_loop3A_1891, %parallel_loop3A_1885, %parallel_loop3A_1869 : vector<16xi1>, vector<16xf32>
      %parallel_loop3A_1893 = arith.select %parallel_loop3A_1890, %parallel_loop3A_1873, %parallel_loop3A_1892 : vector<16xi1>, vector<16xf32>
      %parallel_loop3A_1894 = arith.select %parallel_loop3A_1891, %parallel_loop3A_1887, %parallel_loop3A_1871 : vector<16xi1>, vector<16xi32>
      %parallel_loop3A_1895 = arith.select %parallel_loop3A_1890, %parallel_loop3A_1875, %parallel_loop3A_1894 : vector<16xi1>, vector<16xi32>
      %parallel_loop3A_1896 = arith.select %parallel_loop3A_1890, %parallel_loop3A_1885, %parallel_loop3A_1873 : vector<16xi1>, vector<16xf32>
      %parallel_loop3A_1897 = arith.select %parallel_loop3A_1889, %parallel_loop3A_1877, %parallel_loop3A_1896 : vector<16xi1>, vector<16xf32>
      %parallel_loop3A_1898 = arith.select %parallel_loop3A_1890, %parallel_loop3A_1887, %parallel_loop3A_1875 : vector<16xi1>, vector<16xi32>
      %parallel_loop3A_1899 = arith.select %parallel_loop3A_1889, %parallel_loop3A_1879, %parallel_loop3A_1898 : vector<16xi1>, vector<16xi32>
      %parallel_loop3A_1900 = arith.select %parallel_loop3A_1889, %parallel_loop3A_1885, %parallel_loop3A_1877 : vector<16xi1>, vector<16xf32>
      %parallel_loop3A_1901 = arith.select %parallel_loop3A_1888, %parallel_loop3A_1880, %parallel_loop3A_1900 : vector<16xi1>, vector<16xf32>
      %parallel_loop3A_1902 = arith.select %parallel_loop3A_1889, %parallel_loop3A_1887, %parallel_loop3A_1879 : vector<16xi1>, vector<16xi32>
      %parallel_loop3A_1903 = arith.select %parallel_loop3A_1888, %parallel_loop3A_1881, %parallel_loop3A_1902 : vector<16xi1>, vector<16xi32>
      %parallel_loop3A_1904 = arith.select %parallel_loop3A_1888, %parallel_loop3A_1885, %parallel_loop3A_1880 : vector<16xi1>, vector<16xf32>
      %parallel_loop3A_1905 = arith.select %parallel_loop3A_1888, %parallel_loop3A_1887, %parallel_loop3A_1881 : vector<16xi1>, vector<16xi32>
      %parallel_loop3A_1906 = arith.constant 43 : i32
      %parallel_loop3A_1907 = arith.index_cast %parallel_loop3A_1906 : i32 to index
      %parallel_loop3A_1908 = arith.index_cast %parallel_loop3A_870 : i32 to index
      %parallel_loop3A_1909 = tpu.vector_load %arg7[%parallel_loop3A_1907, %parallel_loop3A_1908] {strides = array<i32>} : memref<48x256xf32, #tpu.memory_space<vmem>>, vector<16xf32>,
      %parallel_loop3A_1910 = arith.constant 43 : i32
      %parallel_loop3A_1911 = vector.broadcast %parallel_loop3A_1910 : i32 to vector<16xi32>
      %parallel_loop3A_1912 = arith.cmpf ogt, %parallel_loop3A_1909, %parallel_loop3A_1904 : vector<16xf32>
      %parallel_loop3A_1913 = arith.cmpf ogt, %parallel_loop3A_1909, %parallel_loop3A_1901 : vector<16xf32>
      %parallel_loop3A_1914 = arith.cmpf ogt, %parallel_loop3A_1909, %parallel_loop3A_1897 : vector<16xf32>
      %parallel_loop3A_1915 = arith.cmpf ogt, %parallel_loop3A_1909, %parallel_loop3A_1893 : vector<16xf32>
      %parallel_loop3A_1916 = arith.select %parallel_loop3A_1915, %parallel_loop3A_1909, %parallel_loop3A_1893 : vector<16xi1>, vector<16xf32>
      %parallel_loop3A_1917 = arith.select %parallel_loop3A_1914, %parallel_loop3A_1897, %parallel_loop3A_1916 : vector<16xi1>, vector<16xf32>
      %parallel_loop3A_1918 = arith.select %parallel_loop3A_1915, %parallel_loop3A_1911, %parallel_loop3A_1895 : vector<16xi1>, vector<16xi32>
      %parallel_loop3A_1919 = arith.select %parallel_loop3A_1914, %parallel_loop3A_1899, %parallel_loop3A_1918 : vector<16xi1>, vector<16xi32>
      %parallel_loop3A_1920 = arith.select %parallel_loop3A_1914, %parallel_loop3A_1909, %parallel_loop3A_1897 : vector<16xi1>, vector<16xf32>
      %parallel_loop3A_1921 = arith.select %parallel_loop3A_1913, %parallel_loop3A_1901, %parallel_loop3A_1920 : vector<16xi1>, vector<16xf32>
      %parallel_loop3A_1922 = arith.select %parallel_loop3A_1914, %parallel_loop3A_1911, %parallel_loop3A_1899 : vector<16xi1>, vector<16xi32>
      %parallel_loop3A_1923 = arith.select %parallel_loop3A_1913, %parallel_loop3A_1903, %parallel_loop3A_1922 : vector<16xi1>, vector<16xi32>
      %parallel_loop3A_1924 = arith.select %parallel_loop3A_1913, %parallel_loop3A_1909, %parallel_loop3A_1901 : vector<16xi1>, vector<16xf32>
      %parallel_loop3A_1925 = arith.select %parallel_loop3A_1912, %parallel_loop3A_1904, %parallel_loop3A_1924 : vector<16xi1>, vector<16xf32>
      %parallel_loop3A_1926 = arith.select %parallel_loop3A_1913, %parallel_loop3A_1911, %parallel_loop3A_1903 : vector<16xi1>, vector<16xi32>
      %parallel_loop3A_1927 = arith.select %parallel_loop3A_1912, %parallel_loop3A_1905, %parallel_loop3A_1926 : vector<16xi1>, vector<16xi32>
      %parallel_loop3A_1928 = arith.select %parallel_loop3A_1912, %parallel_loop3A_1909, %parallel_loop3A_1904 : vector<16xi1>, vector<16xf32>
      %parallel_loop3A_1929 = arith.select %parallel_loop3A_1912, %parallel_loop3A_1911, %parallel_loop3A_1905 : vector<16xi1>, vector<16xi32>
      %parallel_loop3A_1930 = arith.constant 44 : i32
      %parallel_loop3A_1931 = arith.index_cast %parallel_loop3A_1930 : i32 to index
      %parallel_loop3A_1932 = arith.index_cast %parallel_loop3A_870 : i32 to index
      %parallel_loop3A_1933 = tpu.vector_load %arg7[%parallel_loop3A_1931, %parallel_loop3A_1932] {strides = array<i32>} : memref<48x256xf32, #tpu.memory_space<vmem>>, vector<16xf32>,
      %parallel_loop3A_1934 = arith.constant 44 : i32
      %parallel_loop3A_1935 = vector.broadcast %parallel_loop3A_1934 : i32 to vector<16xi32>
      %parallel_loop3A_1936 = arith.cmpf ogt, %parallel_loop3A_1933, %parallel_loop3A_1928 : vector<16xf32>
      %parallel_loop3A_1937 = arith.cmpf ogt, %parallel_loop3A_1933, %parallel_loop3A_1925 : vector<16xf32>
      %parallel_loop3A_1938 = arith.cmpf ogt, %parallel_loop3A_1933, %parallel_loop3A_1921 : vector<16xf32>
      %parallel_loop3A_1939 = arith.cmpf ogt, %parallel_loop3A_1933, %parallel_loop3A_1917 : vector<16xf32>
      %parallel_loop3A_1940 = arith.select %parallel_loop3A_1939, %parallel_loop3A_1933, %parallel_loop3A_1917 : vector<16xi1>, vector<16xf32>
      %parallel_loop3A_1941 = arith.select %parallel_loop3A_1938, %parallel_loop3A_1921, %parallel_loop3A_1940 : vector<16xi1>, vector<16xf32>
      %parallel_loop3A_1942 = arith.select %parallel_loop3A_1939, %parallel_loop3A_1935, %parallel_loop3A_1919 : vector<16xi1>, vector<16xi32>
      %parallel_loop3A_1943 = arith.select %parallel_loop3A_1938, %parallel_loop3A_1923, %parallel_loop3A_1942 : vector<16xi1>, vector<16xi32>
      %parallel_loop3A_1944 = arith.select %parallel_loop3A_1938, %parallel_loop3A_1933, %parallel_loop3A_1921 : vector<16xi1>, vector<16xf32>
      %parallel_loop3A_1945 = arith.select %parallel_loop3A_1937, %parallel_loop3A_1925, %parallel_loop3A_1944 : vector<16xi1>, vector<16xf32>
      %parallel_loop3A_1946 = arith.select %parallel_loop3A_1938, %parallel_loop3A_1935, %parallel_loop3A_1923 : vector<16xi1>, vector<16xi32>
      %parallel_loop3A_1947 = arith.select %parallel_loop3A_1937, %parallel_loop3A_1927, %parallel_loop3A_1946 : vector<16xi1>, vector<16xi32>
      %parallel_loop3A_1948 = arith.select %parallel_loop3A_1937, %parallel_loop3A_1933, %parallel_loop3A_1925 : vector<16xi1>, vector<16xf32>
      %parallel_loop3A_1949 = arith.select %parallel_loop3A_1936, %parallel_loop3A_1928, %parallel_loop3A_1948 : vector<16xi1>, vector<16xf32>
      %parallel_loop3A_1950 = arith.select %parallel_loop3A_1937, %parallel_loop3A_1935, %parallel_loop3A_1927 : vector<16xi1>, vector<16xi32>
      %parallel_loop3A_1951 = arith.select %parallel_loop3A_1936, %parallel_loop3A_1929, %parallel_loop3A_1950 : vector<16xi1>, vector<16xi32>
      %parallel_loop3A_1952 = arith.select %parallel_loop3A_1936, %parallel_loop3A_1933, %parallel_loop3A_1928 : vector<16xi1>, vector<16xf32>
      %parallel_loop3A_1953 = arith.select %parallel_loop3A_1936, %parallel_loop3A_1935, %parallel_loop3A_1929 : vector<16xi1>, vector<16xi32>
      %parallel_loop3A_1954 = arith.constant 45 : i32
      %parallel_loop3A_1955 = arith.index_cast %parallel_loop3A_1954 : i32 to index
      %parallel_loop3A_1956 = arith.index_cast %parallel_loop3A_870 : i32 to index
      %parallel_loop3A_1957 = tpu.vector_load %arg7[%parallel_loop3A_1955, %parallel_loop3A_1956] {strides = array<i32>} : memref<48x256xf32, #tpu.memory_space<vmem>>, vector<16xf32>,
      %parallel_loop3A_1958 = arith.constant 45 : i32
      %parallel_loop3A_1959 = vector.broadcast %parallel_loop3A_1958 : i32 to vector<16xi32>
      %parallel_loop3A_1960 = arith.cmpf ogt, %parallel_loop3A_1957, %parallel_loop3A_1952 : vector<16xf32>
      %parallel_loop3A_1961 = arith.cmpf ogt, %parallel_loop3A_1957, %parallel_loop3A_1949 : vector<16xf32>
      %parallel_loop3A_1962 = arith.cmpf ogt, %parallel_loop3A_1957, %parallel_loop3A_1945 : vector<16xf32>
      %parallel_loop3A_1963 = arith.cmpf ogt, %parallel_loop3A_1957, %parallel_loop3A_1941 : vector<16xf32>
      %parallel_loop3A_1964 = arith.select %parallel_loop3A_1963, %parallel_loop3A_1957, %parallel_loop3A_1941 : vector<16xi1>, vector<16xf32>
      %parallel_loop3A_1965 = arith.select %parallel_loop3A_1962, %parallel_loop3A_1945, %parallel_loop3A_1964 : vector<16xi1>, vector<16xf32>
      %parallel_loop3A_1966 = arith.select %parallel_loop3A_1963, %parallel_loop3A_1959, %parallel_loop3A_1943 : vector<16xi1>, vector<16xi32>
      %parallel_loop3A_1967 = arith.select %parallel_loop3A_1962, %parallel_loop3A_1947, %parallel_loop3A_1966 : vector<16xi1>, vector<16xi32>
      %parallel_loop3A_1968 = arith.select %parallel_loop3A_1962, %parallel_loop3A_1957, %parallel_loop3A_1945 : vector<16xi1>, vector<16xf32>
      %parallel_loop3A_1969 = arith.select %parallel_loop3A_1961, %parallel_loop3A_1949, %parallel_loop3A_1968 : vector<16xi1>, vector<16xf32>
      %parallel_loop3A_1970 = arith.select %parallel_loop3A_1962, %parallel_loop3A_1959, %parallel_loop3A_1947 : vector<16xi1>, vector<16xi32>
      %parallel_loop3A_1971 = arith.select %parallel_loop3A_1961, %parallel_loop3A_1951, %parallel_loop3A_1970 : vector<16xi1>, vector<16xi32>
      %parallel_loop3A_1972 = arith.select %parallel_loop3A_1961, %parallel_loop3A_1957, %parallel_loop3A_1949 : vector<16xi1>, vector<16xf32>
      %parallel_loop3A_1973 = arith.select %parallel_loop3A_1960, %parallel_loop3A_1952, %parallel_loop3A_1972 : vector<16xi1>, vector<16xf32>
      %parallel_loop3A_1974 = arith.select %parallel_loop3A_1961, %parallel_loop3A_1959, %parallel_loop3A_1951 : vector<16xi1>, vector<16xi32>
      %parallel_loop3A_1975 = arith.select %parallel_loop3A_1960, %parallel_loop3A_1953, %parallel_loop3A_1974 : vector<16xi1>, vector<16xi32>
      %parallel_loop3A_1976 = arith.select %parallel_loop3A_1960, %parallel_loop3A_1957, %parallel_loop3A_1952 : vector<16xi1>, vector<16xf32>
      %parallel_loop3A_1977 = arith.select %parallel_loop3A_1960, %parallel_loop3A_1959, %parallel_loop3A_1953 : vector<16xi1>, vector<16xi32>
      %parallel_loop3A_1978 = arith.constant 46 : i32
      %parallel_loop3A_1979 = arith.index_cast %parallel_loop3A_1978 : i32 to index
      %parallel_loop3A_1980 = arith.index_cast %parallel_loop3A_870 : i32 to index
      %parallel_loop3A_1981 = tpu.vector_load %arg7[%parallel_loop3A_1979, %parallel_loop3A_1980] {strides = array<i32>} : memref<48x256xf32, #tpu.memory_space<vmem>>, vector<16xf32>,
      %parallel_loop3A_1982 = arith.constant 46 : i32
      %parallel_loop3A_1983 = vector.broadcast %parallel_loop3A_1982 : i32 to vector<16xi32>
      %parallel_loop3A_1984 = arith.cmpf ogt, %parallel_loop3A_1981, %parallel_loop3A_1976 : vector<16xf32>
      %parallel_loop3A_1985 = arith.cmpf ogt, %parallel_loop3A_1981, %parallel_loop3A_1973 : vector<16xf32>
      %parallel_loop3A_1986 = arith.cmpf ogt, %parallel_loop3A_1981, %parallel_loop3A_1969 : vector<16xf32>
      %parallel_loop3A_1987 = arith.cmpf ogt, %parallel_loop3A_1981, %parallel_loop3A_1965 : vector<16xf32>
      %parallel_loop3A_1988 = arith.select %parallel_loop3A_1987, %parallel_loop3A_1981, %parallel_loop3A_1965 : vector<16xi1>, vector<16xf32>
      %parallel_loop3A_1989 = arith.select %parallel_loop3A_1986, %parallel_loop3A_1969, %parallel_loop3A_1988 : vector<16xi1>, vector<16xf32>
      %parallel_loop3A_1990 = arith.select %parallel_loop3A_1987, %parallel_loop3A_1983, %parallel_loop3A_1967 : vector<16xi1>, vector<16xi32>
      %parallel_loop3A_1991 = arith.select %parallel_loop3A_1986, %parallel_loop3A_1971, %parallel_loop3A_1990 : vector<16xi1>, vector<16xi32>
      %parallel_loop3A_1992 = arith.select %parallel_loop3A_1986, %parallel_loop3A_1981, %parallel_loop3A_1969 : vector<16xi1>, vector<16xf32>
      %parallel_loop3A_1993 = arith.select %parallel_loop3A_1985, %parallel_loop3A_1973, %parallel_loop3A_1992 : vector<16xi1>, vector<16xf32>
      %parallel_loop3A_1994 = arith.select %parallel_loop3A_1986, %parallel_loop3A_1983, %parallel_loop3A_1971 : vector<16xi1>, vector<16xi32>
      %parallel_loop3A_1995 = arith.select %parallel_loop3A_1985, %parallel_loop3A_1975, %parallel_loop3A_1994 : vector<16xi1>, vector<16xi32>
      %parallel_loop3A_1996 = arith.select %parallel_loop3A_1985, %parallel_loop3A_1981, %parallel_loop3A_1973 : vector<16xi1>, vector<16xf32>
      %parallel_loop3A_1997 = arith.select %parallel_loop3A_1984, %parallel_loop3A_1976, %parallel_loop3A_1996 : vector<16xi1>, vector<16xf32>
      %parallel_loop3A_1998 = arith.select %parallel_loop3A_1985, %parallel_loop3A_1983, %parallel_loop3A_1975 : vector<16xi1>, vector<16xi32>
      %parallel_loop3A_1999 = arith.select %parallel_loop3A_1984, %parallel_loop3A_1977, %parallel_loop3A_1998 : vector<16xi1>, vector<16xi32>
      %parallel_loop3A_2000 = arith.select %parallel_loop3A_1984, %parallel_loop3A_1981, %parallel_loop3A_1976 : vector<16xi1>, vector<16xf32>
      %parallel_loop3A_2001 = arith.select %parallel_loop3A_1984, %parallel_loop3A_1983, %parallel_loop3A_1977 : vector<16xi1>, vector<16xi32>
      %parallel_loop3A_2002 = arith.constant 47 : i32
      %parallel_loop3A_2003 = arith.index_cast %parallel_loop3A_2002 : i32 to index
      %parallel_loop3A_2004 = arith.index_cast %parallel_loop3A_870 : i32 to index
      %parallel_loop3A_2005 = tpu.vector_load %arg7[%parallel_loop3A_2003, %parallel_loop3A_2004] {strides = array<i32>} : memref<48x256xf32, #tpu.memory_space<vmem>>, vector<16xf32>,
      %parallel_loop3A_2006 = arith.constant 47 : i32
      %parallel_loop3A_2007 = vector.broadcast %parallel_loop3A_2006 : i32 to vector<16xi32>
      %parallel_loop3A_2008 = arith.cmpf ogt, %parallel_loop3A_2005, %parallel_loop3A_2000 : vector<16xf32>
      %parallel_loop3A_2009 = arith.cmpf ogt, %parallel_loop3A_2005, %parallel_loop3A_1997 : vector<16xf32>
      %parallel_loop3A_2010 = arith.cmpf ogt, %parallel_loop3A_2005, %parallel_loop3A_1993 : vector<16xf32>
      %parallel_loop3A_2011 = arith.cmpf ogt, %parallel_loop3A_2005, %parallel_loop3A_1989 : vector<16xf32>
      %parallel_loop3A_2012 = arith.select %parallel_loop3A_2011, %parallel_loop3A_2005, %parallel_loop3A_1989 : vector<16xi1>, vector<16xf32>
      %parallel_loop3A_2013 = arith.select %parallel_loop3A_2010, %parallel_loop3A_1993, %parallel_loop3A_2012 : vector<16xi1>, vector<16xf32>
      %parallel_loop3A_2014 = arith.select %parallel_loop3A_2011, %parallel_loop3A_2007, %parallel_loop3A_1991 : vector<16xi1>, vector<16xi32>
      %parallel_loop3A_2015 = arith.select %parallel_loop3A_2010, %parallel_loop3A_1995, %parallel_loop3A_2014 : vector<16xi1>, vector<16xi32>
      %parallel_loop3A_2016 = arith.select %parallel_loop3A_2010, %parallel_loop3A_2005, %parallel_loop3A_1993 : vector<16xi1>, vector<16xf32>
      %parallel_loop3A_2017 = arith.select %parallel_loop3A_2009, %parallel_loop3A_1997, %parallel_loop3A_2016 : vector<16xi1>, vector<16xf32>
      %parallel_loop3A_2018 = arith.select %parallel_loop3A_2010, %parallel_loop3A_2007, %parallel_loop3A_1995 : vector<16xi1>, vector<16xi32>
      %parallel_loop3A_2019 = arith.select %parallel_loop3A_2009, %parallel_loop3A_1999, %parallel_loop3A_2018 : vector<16xi1>, vector<16xi32>
      %parallel_loop3A_2020 = arith.select %parallel_loop3A_2009, %parallel_loop3A_2005, %parallel_loop3A_1997 : vector<16xi1>, vector<16xf32>
      %parallel_loop3A_2021 = arith.select %parallel_loop3A_2008, %parallel_loop3A_2000, %parallel_loop3A_2020 : vector<16xi1>, vector<16xf32>
      %parallel_loop3A_2022 = arith.select %parallel_loop3A_2009, %parallel_loop3A_2007, %parallel_loop3A_1999 : vector<16xi1>, vector<16xi32>
      %parallel_loop3A_2023 = arith.select %parallel_loop3A_2008, %parallel_loop3A_2001, %parallel_loop3A_2022 : vector<16xi1>, vector<16xi32>
      %parallel_loop3A_2024 = arith.select %parallel_loop3A_2008, %parallel_loop3A_2005, %parallel_loop3A_2000 : vector<16xi1>, vector<16xf32>
      %parallel_loop3A_2025 = arith.select %parallel_loop3A_2008, %parallel_loop3A_2007, %parallel_loop3A_2001 : vector<16xi1>, vector<16xi32>
      %parallel_loop3A_2026 = vector.broadcast %parallel_loop3A_870 : i32 to vector<16xi32>
      %parallel_loop3A_2027 = arith.addi %parallel_loop3A_2026, %iota3A : vector<16xi32>
      %parallel_loop3A_2028 = arith.constant 256 : i32
      %parallel_loop3A_2029 = vector.broadcast %parallel_loop3A_2028 : i32 to vector<16xi32>
      %parallel_loop3A_2030 = arith.muli %parallel_loop3A_2025, %parallel_loop3A_2029 : vector<16xi32>
      %parallel_loop3A_2031 = arith.addi %parallel_loop3A_2030, %parallel_loop3A_2027 : vector<16xi32>
      %parallel_loop3A_2032 = tpu.vector_load_idx %arg8[%parallel_loop3A_2031] : memref<12288xf32, #tpu.memory_space<vmem>>[vector<16xi32>], vector<16xf32>,
      %parallel_loop3A_2033 = arith.constant 0.000000e+00 : f32
      %parallel_loop3A_2034 = vector.broadcast %parallel_loop3A_2033 : f32 to vector<16xf32>
      %parallel_loop3A_2035 = arith.subf %parallel_loop3A_2034, %parallel_loop3A_2024 : vector<16xf32>
      %parallel_loop3A_2036 = math.exp %parallel_loop3A_2035 : vector<16xf32>
      %parallel_loop3A_2037 = arith.constant 1.000000e+00 : f32
      %parallel_loop3A_2038 = vector.broadcast %parallel_loop3A_2037 : f32 to vector<16xf32>
      %parallel_loop3A_2039 = arith.addf %parallel_loop3A_2038, %parallel_loop3A_2036 : vector<16xf32>
      %parallel_loop3A_2040 = arith.constant 1.000000e+00 : f32
      %parallel_loop3A_2041 = vector.broadcast %parallel_loop3A_2040 : f32 to vector<16xf32>
      %parallel_loop3A_2042 = arith.divf %parallel_loop3A_2041, %parallel_loop3A_2039 : vector<16xf32>
      %parallel_loop3A_2043 = arith.constant 0 : i32
      %parallel_loop3A_2044 = arith.index_cast %parallel_loop3A_2043 : i32 to index
      %parallel_loop3A_2045 = arith.index_cast %parallel_loop3A_870 : i32 to index
      %parallel_loop3A_2046 = tpu.vector_load %arg9[%parallel_loop3A_2044, %parallel_loop3A_2045] {strides = array<i32>} : memref<4x256xf32, #tpu.memory_space<vmem>>, vector<16xf32>,
      tpu.vector_store %arg9[%parallel_loop3A_2044, %parallel_loop3A_2045], %parallel_loop3A_2042 {strides = array<i32>} : memref<4x256xf32, #tpu.memory_space<vmem>>, vector<16xf32>,
      %parallel_loop3A_2047 = arith.addf %parallel_loop3A_2024, %parallel_loop3A_2032 : vector<16xf32>
      %parallel_loop3A_2048 = arith.constant 0.000000e+00 : f32
      %parallel_loop3A_2049 = vector.broadcast %parallel_loop3A_2048 : f32 to vector<16xf32>
      %parallel_loop3A_2050 = arith.subf %parallel_loop3A_2049, %parallel_loop3A_2047 : vector<16xf32>
      %parallel_loop3A_2051 = math.exp %parallel_loop3A_2050 : vector<16xf32>
      %parallel_loop3A_2052 = arith.constant 1.000000e+00 : f32
      %parallel_loop3A_2053 = vector.broadcast %parallel_loop3A_2052 : f32 to vector<16xf32>
      %parallel_loop3A_2054 = arith.addf %parallel_loop3A_2053, %parallel_loop3A_2051 : vector<16xf32>
      %parallel_loop3A_2055 = arith.constant 1.000000e+00 : f32
      %parallel_loop3A_2056 = vector.broadcast %parallel_loop3A_2055 : f32 to vector<16xf32>
      %parallel_loop3A_2057 = arith.divf %parallel_loop3A_2056, %parallel_loop3A_2054 : vector<16xf32>
      %parallel_loop3A_2058 = arith.constant 0 : i32
      %parallel_loop3A_2059 = arith.index_cast %parallel_loop3A_2058 : i32 to index
      %parallel_loop3A_2060 = arith.index_cast %parallel_loop3A_870 : i32 to index
      %parallel_loop3A_2061 = tpu.vector_load %arg10[%parallel_loop3A_2059, %parallel_loop3A_2060] {strides = array<i32>} : memref<4x256xf32, #tpu.memory_space<vmem>>, vector<16xf32>,
      tpu.vector_store %arg10[%parallel_loop3A_2059, %parallel_loop3A_2060], %parallel_loop3A_2057 {strides = array<i32>} : memref<4x256xf32, #tpu.memory_space<vmem>>, vector<16xf32>,
      %parallel_loop3A_2062 = arith.constant 0 : i32
      %parallel_loop3A_2063 = arith.index_cast %parallel_loop3A_2062 : i32 to index
      %parallel_loop3A_2064 = arith.index_cast %parallel_loop3A_870 : i32 to index
      %parallel_loop3A_2065 = tpu.vector_load %arg11[%parallel_loop3A_2063, %parallel_loop3A_2064] {strides = array<i32>} : memref<4x256xi32, #tpu.memory_space<vmem>>, vector<16xi32>,
      tpu.vector_store %arg11[%parallel_loop3A_2063, %parallel_loop3A_2064], %parallel_loop3A_2025 {strides = array<i32>} : memref<4x256xi32, #tpu.memory_space<vmem>>, vector<16xi32>,
      %parallel_loop3A_2066 = arith.constant 256 : i32
      %parallel_loop3A_2067 = vector.broadcast %parallel_loop3A_2066 : i32 to vector<16xi32>
      %parallel_loop3A_2068 = arith.muli %parallel_loop3A_2023, %parallel_loop3A_2067 : vector<16xi32>
      %parallel_loop3A_2069 = arith.addi %parallel_loop3A_2068, %parallel_loop3A_2027 : vector<16xi32>
      %parallel_loop3A_2070 = tpu.vector_load_idx %arg8[%parallel_loop3A_2069] : memref<12288xf32, #tpu.memory_space<vmem>>[vector<16xi32>], vector<16xf32>,
      %parallel_loop3A_2071 = arith.constant 0.000000e+00 : f32
      %parallel_loop3A_2072 = vector.broadcast %parallel_loop3A_2071 : f32 to vector<16xf32>
      %parallel_loop3A_2073 = arith.subf %parallel_loop3A_2072, %parallel_loop3A_2021 : vector<16xf32>
      %parallel_loop3A_2074 = math.exp %parallel_loop3A_2073 : vector<16xf32>
      %parallel_loop3A_2075 = arith.constant 1.000000e+00 : f32
      %parallel_loop3A_2076 = vector.broadcast %parallel_loop3A_2075 : f32 to vector<16xf32>
      %parallel_loop3A_2077 = arith.addf %parallel_loop3A_2076, %parallel_loop3A_2074 : vector<16xf32>
      %parallel_loop3A_2078 = arith.constant 1.000000e+00 : f32
      %parallel_loop3A_2079 = vector.broadcast %parallel_loop3A_2078 : f32 to vector<16xf32>
      %parallel_loop3A_2080 = arith.divf %parallel_loop3A_2079, %parallel_loop3A_2077 : vector<16xf32>
      %parallel_loop3A_2081 = arith.constant 1 : i32
      %parallel_loop3A_2082 = arith.index_cast %parallel_loop3A_2081 : i32 to index
      %parallel_loop3A_2083 = arith.index_cast %parallel_loop3A_870 : i32 to index
      %parallel_loop3A_2084 = tpu.vector_load %arg9[%parallel_loop3A_2082, %parallel_loop3A_2083] {strides = array<i32>} : memref<4x256xf32, #tpu.memory_space<vmem>>, vector<16xf32>,
      tpu.vector_store %arg9[%parallel_loop3A_2082, %parallel_loop3A_2083], %parallel_loop3A_2080 {strides = array<i32>} : memref<4x256xf32, #tpu.memory_space<vmem>>, vector<16xf32>,
      %parallel_loop3A_2085 = arith.addf %parallel_loop3A_2021, %parallel_loop3A_2070 : vector<16xf32>
      %parallel_loop3A_2086 = arith.constant 0.000000e+00 : f32
      %parallel_loop3A_2087 = vector.broadcast %parallel_loop3A_2086 : f32 to vector<16xf32>
      %parallel_loop3A_2088 = arith.subf %parallel_loop3A_2087, %parallel_loop3A_2085 : vector<16xf32>
      %parallel_loop3A_2089 = math.exp %parallel_loop3A_2088 : vector<16xf32>
      %parallel_loop3A_2090 = arith.constant 1.000000e+00 : f32
      %parallel_loop3A_2091 = vector.broadcast %parallel_loop3A_2090 : f32 to vector<16xf32>
      %parallel_loop3A_2092 = arith.addf %parallel_loop3A_2091, %parallel_loop3A_2089 : vector<16xf32>
      %parallel_loop3A_2093 = arith.constant 1.000000e+00 : f32
      %parallel_loop3A_2094 = vector.broadcast %parallel_loop3A_2093 : f32 to vector<16xf32>
      %parallel_loop3A_2095 = arith.divf %parallel_loop3A_2094, %parallel_loop3A_2092 : vector<16xf32>
      %parallel_loop3A_2096 = arith.constant 1 : i32
      %parallel_loop3A_2097 = arith.index_cast %parallel_loop3A_2096 : i32 to index
      %parallel_loop3A_2098 = arith.index_cast %parallel_loop3A_870 : i32 to index
      %parallel_loop3A_2099 = tpu.vector_load %arg10[%parallel_loop3A_2097, %parallel_loop3A_2098] {strides = array<i32>} : memref<4x256xf32, #tpu.memory_space<vmem>>, vector<16xf32>,
      tpu.vector_store %arg10[%parallel_loop3A_2097, %parallel_loop3A_2098], %parallel_loop3A_2095 {strides = array<i32>} : memref<4x256xf32, #tpu.memory_space<vmem>>, vector<16xf32>,
      %parallel_loop3A_2100 = arith.constant 1 : i32
      %parallel_loop3A_2101 = arith.index_cast %parallel_loop3A_2100 : i32 to index
      %parallel_loop3A_2102 = arith.index_cast %parallel_loop3A_870 : i32 to index
      %parallel_loop3A_2103 = tpu.vector_load %arg11[%parallel_loop3A_2101, %parallel_loop3A_2102] {strides = array<i32>} : memref<4x256xi32, #tpu.memory_space<vmem>>, vector<16xi32>,
      tpu.vector_store %arg11[%parallel_loop3A_2101, %parallel_loop3A_2102], %parallel_loop3A_2023 {strides = array<i32>} : memref<4x256xi32, #tpu.memory_space<vmem>>, vector<16xi32>,
      %parallel_loop3A_2104 = arith.constant 256 : i32
      %parallel_loop3A_2105 = vector.broadcast %parallel_loop3A_2104 : i32 to vector<16xi32>
      %parallel_loop3A_2106 = arith.muli %parallel_loop3A_2019, %parallel_loop3A_2105 : vector<16xi32>
      %parallel_loop3A_2107 = arith.addi %parallel_loop3A_2106, %parallel_loop3A_2027 : vector<16xi32>
      %parallel_loop3A_2108 = tpu.vector_load_idx %arg8[%parallel_loop3A_2107] : memref<12288xf32, #tpu.memory_space<vmem>>[vector<16xi32>], vector<16xf32>,
      %parallel_loop3A_2109 = arith.constant 0.000000e+00 : f32
      %parallel_loop3A_2110 = vector.broadcast %parallel_loop3A_2109 : f32 to vector<16xf32>
      %parallel_loop3A_2111 = arith.subf %parallel_loop3A_2110, %parallel_loop3A_2017 : vector<16xf32>
      %parallel_loop3A_2112 = math.exp %parallel_loop3A_2111 : vector<16xf32>
      %parallel_loop3A_2113 = arith.constant 1.000000e+00 : f32
      %parallel_loop3A_2114 = vector.broadcast %parallel_loop3A_2113 : f32 to vector<16xf32>
      %parallel_loop3A_2115 = arith.addf %parallel_loop3A_2114, %parallel_loop3A_2112 : vector<16xf32>
      %parallel_loop3A_2116 = arith.constant 1.000000e+00 : f32
      %parallel_loop3A_2117 = vector.broadcast %parallel_loop3A_2116 : f32 to vector<16xf32>
      %parallel_loop3A_2118 = arith.divf %parallel_loop3A_2117, %parallel_loop3A_2115 : vector<16xf32>
      %parallel_loop3A_2119 = arith.constant 2 : i32
      %parallel_loop3A_2120 = arith.index_cast %parallel_loop3A_2119 : i32 to index
      %parallel_loop3A_2121 = arith.index_cast %parallel_loop3A_870 : i32 to index
      %parallel_loop3A_2122 = tpu.vector_load %arg9[%parallel_loop3A_2120, %parallel_loop3A_2121] {strides = array<i32>} : memref<4x256xf32, #tpu.memory_space<vmem>>, vector<16xf32>,
      tpu.vector_store %arg9[%parallel_loop3A_2120, %parallel_loop3A_2121], %parallel_loop3A_2118 {strides = array<i32>} : memref<4x256xf32, #tpu.memory_space<vmem>>, vector<16xf32>,
      %parallel_loop3A_2123 = arith.addf %parallel_loop3A_2017, %parallel_loop3A_2108 : vector<16xf32>
      %parallel_loop3A_2124 = arith.constant 0.000000e+00 : f32
      %parallel_loop3A_2125 = vector.broadcast %parallel_loop3A_2124 : f32 to vector<16xf32>
      %parallel_loop3A_2126 = arith.subf %parallel_loop3A_2125, %parallel_loop3A_2123 : vector<16xf32>
      %parallel_loop3A_2127 = math.exp %parallel_loop3A_2126 : vector<16xf32>
      %parallel_loop3A_2128 = arith.constant 1.000000e+00 : f32
      %parallel_loop3A_2129 = vector.broadcast %parallel_loop3A_2128 : f32 to vector<16xf32>
      %parallel_loop3A_2130 = arith.addf %parallel_loop3A_2129, %parallel_loop3A_2127 : vector<16xf32>
      %parallel_loop3A_2131 = arith.constant 1.000000e+00 : f32
      %parallel_loop3A_2132 = vector.broadcast %parallel_loop3A_2131 : f32 to vector<16xf32>
      %parallel_loop3A_2133 = arith.divf %parallel_loop3A_2132, %parallel_loop3A_2130 : vector<16xf32>
      %parallel_loop3A_2134 = arith.constant 2 : i32
      %parallel_loop3A_2135 = arith.index_cast %parallel_loop3A_2134 : i32 to index
      %parallel_loop3A_2136 = arith.index_cast %parallel_loop3A_870 : i32 to index
      %parallel_loop3A_2137 = tpu.vector_load %arg10[%parallel_loop3A_2135, %parallel_loop3A_2136] {strides = array<i32>} : memref<4x256xf32, #tpu.memory_space<vmem>>, vector<16xf32>,
      tpu.vector_store %arg10[%parallel_loop3A_2135, %parallel_loop3A_2136], %parallel_loop3A_2133 {strides = array<i32>} : memref<4x256xf32, #tpu.memory_space<vmem>>, vector<16xf32>,
      %parallel_loop3A_2138 = arith.constant 2 : i32
      %parallel_loop3A_2139 = arith.index_cast %parallel_loop3A_2138 : i32 to index
      %parallel_loop3A_2140 = arith.index_cast %parallel_loop3A_870 : i32 to index
      %parallel_loop3A_2141 = tpu.vector_load %arg11[%parallel_loop3A_2139, %parallel_loop3A_2140] {strides = array<i32>} : memref<4x256xi32, #tpu.memory_space<vmem>>, vector<16xi32>,
      tpu.vector_store %arg11[%parallel_loop3A_2139, %parallel_loop3A_2140], %parallel_loop3A_2019 {strides = array<i32>} : memref<4x256xi32, #tpu.memory_space<vmem>>, vector<16xi32>,
      %parallel_loop3A_2142 = arith.constant 256 : i32
      %parallel_loop3A_2143 = vector.broadcast %parallel_loop3A_2142 : i32 to vector<16xi32>
      %parallel_loop3A_2144 = arith.muli %parallel_loop3A_2015, %parallel_loop3A_2143 : vector<16xi32>
      %parallel_loop3A_2145 = arith.addi %parallel_loop3A_2144, %parallel_loop3A_2027 : vector<16xi32>
      %parallel_loop3A_2146 = tpu.vector_load_idx %arg8[%parallel_loop3A_2145] : memref<12288xf32, #tpu.memory_space<vmem>>[vector<16xi32>], vector<16xf32>,
      %parallel_loop3A_2147 = arith.constant 0.000000e+00 : f32
      %parallel_loop3A_2148 = vector.broadcast %parallel_loop3A_2147 : f32 to vector<16xf32>
      %parallel_loop3A_2149 = arith.subf %parallel_loop3A_2148, %parallel_loop3A_2013 : vector<16xf32>
      %parallel_loop3A_2150 = math.exp %parallel_loop3A_2149 : vector<16xf32>
      %parallel_loop3A_2151 = arith.constant 1.000000e+00 : f32
      %parallel_loop3A_2152 = vector.broadcast %parallel_loop3A_2151 : f32 to vector<16xf32>
      %parallel_loop3A_2153 = arith.addf %parallel_loop3A_2152, %parallel_loop3A_2150 : vector<16xf32>
      %parallel_loop3A_2154 = arith.constant 1.000000e+00 : f32
      %parallel_loop3A_2155 = vector.broadcast %parallel_loop3A_2154 : f32 to vector<16xf32>
      %parallel_loop3A_2156 = arith.divf %parallel_loop3A_2155, %parallel_loop3A_2153 : vector<16xf32>
      %parallel_loop3A_2157 = arith.constant 3 : i32
      %parallel_loop3A_2158 = arith.index_cast %parallel_loop3A_2157 : i32 to index
      %parallel_loop3A_2159 = arith.index_cast %parallel_loop3A_870 : i32 to index
      %parallel_loop3A_2160 = tpu.vector_load %arg9[%parallel_loop3A_2158, %parallel_loop3A_2159] {strides = array<i32>} : memref<4x256xf32, #tpu.memory_space<vmem>>, vector<16xf32>,
      tpu.vector_store %arg9[%parallel_loop3A_2158, %parallel_loop3A_2159], %parallel_loop3A_2156 {strides = array<i32>} : memref<4x256xf32, #tpu.memory_space<vmem>>, vector<16xf32>,
      %parallel_loop3A_2161 = arith.addf %parallel_loop3A_2013, %parallel_loop3A_2146 : vector<16xf32>
      %parallel_loop3A_2162 = arith.constant 0.000000e+00 : f32
      %parallel_loop3A_2163 = vector.broadcast %parallel_loop3A_2162 : f32 to vector<16xf32>
      %parallel_loop3A_2164 = arith.subf %parallel_loop3A_2163, %parallel_loop3A_2161 : vector<16xf32>
      %parallel_loop3A_2165 = math.exp %parallel_loop3A_2164 : vector<16xf32>
      %parallel_loop3A_2166 = arith.constant 1.000000e+00 : f32
      %parallel_loop3A_2167 = vector.broadcast %parallel_loop3A_2166 : f32 to vector<16xf32>
      %parallel_loop3A_2168 = arith.addf %parallel_loop3A_2167, %parallel_loop3A_2165 : vector<16xf32>
      %parallel_loop3A_2169 = arith.constant 1.000000e+00 : f32
      %parallel_loop3A_2170 = vector.broadcast %parallel_loop3A_2169 : f32 to vector<16xf32>
      %parallel_loop3A_2171 = arith.divf %parallel_loop3A_2170, %parallel_loop3A_2168 : vector<16xf32>
      %parallel_loop3A_2172 = arith.constant 3 : i32
      %parallel_loop3A_2173 = arith.index_cast %parallel_loop3A_2172 : i32 to index
      %parallel_loop3A_2174 = arith.index_cast %parallel_loop3A_870 : i32 to index
      %parallel_loop3A_2175 = tpu.vector_load %arg10[%parallel_loop3A_2173, %parallel_loop3A_2174] {strides = array<i32>} : memref<4x256xf32, #tpu.memory_space<vmem>>, vector<16xf32>,
      tpu.vector_store %arg10[%parallel_loop3A_2173, %parallel_loop3A_2174], %parallel_loop3A_2171 {strides = array<i32>} : memref<4x256xf32, #tpu.memory_space<vmem>>, vector<16xf32>,
      %parallel_loop3A_2176 = arith.constant 3 : i32
      %parallel_loop3A_2177 = arith.index_cast %parallel_loop3A_2176 : i32 to index
      %parallel_loop3A_2178 = arith.index_cast %parallel_loop3A_870 : i32 to index
      %parallel_loop3A_2179 = tpu.vector_load %arg11[%parallel_loop3A_2177, %parallel_loop3A_2178] {strides = array<i32>} : memref<4x256xi32, #tpu.memory_space<vmem>>, vector<16xi32>,
      tpu.vector_store %arg11[%parallel_loop3A_2177, %parallel_loop3A_2178], %parallel_loop3A_2015 {strides = array<i32>} : memref<4x256xi32, #tpu.memory_space<vmem>>, vector<16xi32>,
    } {sc.loop_unroll_factor = 1 : i64, sc.parallel_access}
    "tpu.region"() ({
      %run_scoped3A = tpu.sem_alloc : memref<!tpu.dma_semaphore, #tpu.memory_space<semaphore_mem>>
      %dma_start3A_868 = arith.constant 0 : i32
      %dma_start3A_869 = tpu.memref_slice %arg4[%dma_start3A_868, %mul3A_2] : memref<4x8192xf32, #tpu.memory_space<hbm>> -> memref<4x256xf32, #tpu.memory_space<hbm>>
      %dma_start3A_870 = arith.constant 0 : i32
      %dma_start3A_871 = tpu.memref_slice %arg4[%dma_start3A_870, %mul3A_2] : memref<4x8192xf32, #tpu.memory_space<hbm>> -> memref<4x256xf32, #tpu.memory_space<hbm>>
      tpu.enqueue_dma source(%arg9 : memref<4x256xf32, #tpu.memory_space<vmem>>) target(%dma_start3A_871 : memref<4x256xf32, #tpu.memory_space<hbm>>) target_semaphore(%run_scoped3A : memref<!tpu.dma_semaphore, #tpu.memory_space<semaphore_mem>>)
      %dma_wait3A_872 = arith.constant 0 : i32
      %dma_wait3A_873 = tpu.memref_slice %arg4[%dma_wait3A_872, %mul3A_2] : memref<4x8192xf32, #tpu.memory_space<hbm>> -> memref<4x256xf32, #tpu.memory_space<hbm>>
      %dma_wait3A_874 = arith.constant 0 : i32
      %dma_wait3A_875 = tpu.memref_slice %arg4[%dma_wait3A_874, %mul3A_2] : memref<4x8192xf32, #tpu.memory_space<hbm>> -> memref<4x256xf32, #tpu.memory_space<hbm>>
      tpu.wait_dma2 semaphore(%run_scoped3A : memref<!tpu.dma_semaphore, #tpu.memory_space<semaphore_mem>>) src(%arg9 : memref<4x256xf32, #tpu.memory_space<vmem>>) dst(%dma_wait3A_875 : memref<4x256xf32, #tpu.memory_space<hbm>>)
      tpu.yield
    }) : () -> ()
    "tpu.region"() ({
      %run_scoped3A = tpu.sem_alloc : memref<!tpu.dma_semaphore, #tpu.memory_space<semaphore_mem>>
      %dma_start3A_868 = arith.constant 0 : i32
      %dma_start3A_869 = tpu.memref_slice %arg5[%dma_start3A_868, %mul3A_2] : memref<4x8192xf32, #tpu.memory_space<hbm>> -> memref<4x256xf32, #tpu.memory_space<hbm>>
      %dma_start3A_870 = arith.constant 0 : i32
      %dma_start3A_871 = tpu.memref_slice %arg5[%dma_start3A_870, %mul3A_2] : memref<4x8192xf32, #tpu.memory_space<hbm>> -> memref<4x256xf32, #tpu.memory_space<hbm>>
      tpu.enqueue_dma source(%arg10 : memref<4x256xf32, #tpu.memory_space<vmem>>) target(%dma_start3A_871 : memref<4x256xf32, #tpu.memory_space<hbm>>) target_semaphore(%run_scoped3A : memref<!tpu.dma_semaphore, #tpu.memory_space<semaphore_mem>>)
      %dma_wait3A_872 = arith.constant 0 : i32
      %dma_wait3A_873 = tpu.memref_slice %arg5[%dma_wait3A_872, %mul3A_2] : memref<4x8192xf32, #tpu.memory_space<hbm>> -> memref<4x256xf32, #tpu.memory_space<hbm>>
      %dma_wait3A_874 = arith.constant 0 : i32
      %dma_wait3A_875 = tpu.memref_slice %arg5[%dma_wait3A_874, %mul3A_2] : memref<4x8192xf32, #tpu.memory_space<hbm>> -> memref<4x256xf32, #tpu.memory_space<hbm>>
      tpu.wait_dma2 semaphore(%run_scoped3A : memref<!tpu.dma_semaphore, #tpu.memory_space<semaphore_mem>>) src(%arg10 : memref<4x256xf32, #tpu.memory_space<vmem>>) dst(%dma_wait3A_875 : memref<4x256xf32, #tpu.memory_space<hbm>>)
      tpu.yield
    }) : () -> ()
    "tpu.region"() ({
      %run_scoped3A = tpu.sem_alloc : memref<!tpu.dma_semaphore, #tpu.memory_space<semaphore_mem>>
      %dma_start3A_868 = arith.constant 0 : i32
      %dma_start3A_869 = tpu.memref_slice %arg6[%dma_start3A_868, %mul3A_2] : memref<4x8192xi32, #tpu.memory_space<hbm>> -> memref<4x256xi32, #tpu.memory_space<hbm>>
      %dma_start3A_870 = arith.constant 0 : i32
      %dma_start3A_871 = tpu.memref_slice %arg6[%dma_start3A_870, %mul3A_2] : memref<4x8192xi32, #tpu.memory_space<hbm>> -> memref<4x256xi32, #tpu.memory_space<hbm>>
      tpu.enqueue_dma source(%arg11 : memref<4x256xi32, #tpu.memory_space<vmem>>) target(%dma_start3A_871 : memref<4x256xi32, #tpu.memory_space<hbm>>) target_semaphore(%run_scoped3A : memref<!tpu.dma_semaphore, #tpu.memory_space<semaphore_mem>>)
      %dma_wait3A_872 = arith.constant 0 : i32
      %dma_wait3A_873 = tpu.memref_slice %arg6[%dma_wait3A_872, %mul3A_2] : memref<4x8192xi32, #tpu.memory_space<hbm>> -> memref<4x256xi32, #tpu.memory_space<hbm>>
      %dma_wait3A_874 = arith.constant 0 : i32
      %dma_wait3A_875 = tpu.memref_slice %arg6[%dma_wait3A_874, %mul3A_2] : memref<4x8192xi32, #tpu.memory_space<hbm>> -> memref<4x256xi32, #tpu.memory_space<hbm>>
      tpu.wait_dma2 semaphore(%run_scoped3A : memref<!tpu.dma_semaphore, #tpu.memory_space<semaphore_mem>>) src(%arg11 : memref<4x256xi32, #tpu.memory_space<vmem>>) dst(%dma_wait3A_875 : memref<4x256xi32, #tpu.memory_space<hbm>>)
      tpu.yield
    }) : () -> ()
    return
  }
}

module attributes {stable_mosaic.version = 14 : i64} {
  func.func @_logits_body(%arg0: i32, %arg1: memref<4096x96xf32, #tpu.memory_space<vmem>>, %arg2: memref<80x48xf32, #tpu.memory_space<vmem>>, %arg3: memref<16x48xf32, #tpu.memory_space<vmem>>, %arg4: memref<48x2xf32, #tpu.memory_space<vmem>>, %arg5: memref<48x4096xf32, #tpu.memory_space<vmem>>, %arg6: memref<48x4096xf32, #tpu.memory_space<vmem>>) attributes {dimension_semantics = [#tpu.dimension_semantics<arbitrary>], iteration_bounds = array<i64: 2>, scalar_prefetch = 0 : i64, scratch_operands = 0 : i64, tpu.core_type = #tpu.core_type<tc>, window_params = [{transform_indices = @transform_0, window_bounds = array<i64: 4096, 96>}, {pipeline_mode = #tpu.pipeline_mode<synchronous>, transform_indices = @transform_1, window_bounds = array<i64: 80, 48>}, {pipeline_mode = #tpu.pipeline_mode<synchronous>, transform_indices = @transform_2, window_bounds = array<i64: 16, 48>}, {pipeline_mode = #tpu.pipeline_mode<synchronous>, transform_indices = @transform_3, window_bounds = array<i64: 48, 2>}, {transform_indices = @transform_4, window_bounds = array<i64: 48, 4096>}, {transform_indices = @transform_5, window_bounds = array<i64: 48, 4096>}]} {
    %get3A = arith.constant 0 : index
    %get3A_0 = arith.constant 0 : index
    %get3A_1 = vector.load %arg1[%get3A, %get3A_0] : memref<4096x96xf32, #tpu.memory_space<vmem>>, vector<4096x96xf32>
    %get3A_2 = arith.constant 0 : index
    %get3A_3 = arith.constant 0 : index
    %get3A_4 = vector.load %arg2[%get3A_2, %get3A_3] : memref<80x48xf32, #tpu.memory_space<vmem>>, vector<80x48xf32>
    %slice3A = vector.extract_strided_slice %get3A_1 {offsets = [0, 0], sizes = [4096, 80], strides = [1, 1]} : vector<4096x96xf32> to vector<4096x80xf32>
    %dot_general3A = arith.constant dense<0.000000e+00> : vector<48x4096xf32>
    %dot_general3A_5 = tpu.matmul %get3A_4, %slice3A, %dot_general3A {dimension_numbers = #tpu.dot_dimension_numbers<[0], [1], [1], [0], [0, 1, 1, 0], [], []>, transpose_lhs_hint = false} : vector<80x48xf32>, vector<4096x80xf32>, vector<48x4096xf32> -> vector<48x4096xf32>
    %get3A_6 = arith.constant 0 : index
    %get3A_7 = arith.constant 0 : index
    %get3A_8 = vector.load %arg4[%get3A_6, %get3A_7] : memref<48x2xf32, #tpu.memory_space<vmem>>, vector<48x1xf32>
    %add3A = vector.broadcast %get3A_8 : vector<48x1xf32> to vector<48x4096xf32>
    %add3A_9 = arith.addf %dot_general3A_5, %add3A : vector<48x4096xf32>
    %swap3A = arith.constant 0 : index
    %swap3A_10 = arith.constant 0 : index
    %swap3A_11 = vector.load %arg5[%swap3A, %swap3A_10] : memref<48x4096xf32, #tpu.memory_space<vmem>>, vector<48x4096xf32>
    tpu.vector_store %arg5[%swap3A, %swap3A_10], %add3A_9 {strides = array<i32>} : memref<48x4096xf32, #tpu.memory_space<vmem>>, vector<48x4096xf32>,
    %get3A_12 = arith.constant 0 : index
    %get3A_13 = arith.constant 0 : index
    %get3A_14 = vector.load %arg3[%get3A_12, %get3A_13] : memref<16x48xf32, #tpu.memory_space<vmem>>, vector<16x48xf32>
    %slice3A_15 = vector.extract_strided_slice %get3A_1 {offsets = [0, 80], sizes = [4096, 16], strides = [1, 1]} : vector<4096x96xf32> to vector<4096x16xf32>
    %dot_general3A_16 = arith.constant dense<0.000000e+00> : vector<48x4096xf32>
    %dot_general3A_17 = tpu.matmul %get3A_14, %slice3A_15, %dot_general3A_16 {dimension_numbers = #tpu.dot_dimension_numbers<[0], [1], [1], [0], [0, 1, 1, 0], [], []>, transpose_lhs_hint = false} : vector<16x48xf32>, vector<4096x16xf32>, vector<48x4096xf32> -> vector<48x4096xf32>
    %get3A_18 = arith.constant 0 : index
    %get3A_19 = arith.constant 1 : index
    %get3A_20 = vector.load %arg4[%get3A_18, %get3A_19] : memref<48x2xf32, #tpu.memory_space<vmem>>, vector<48x1xf32>
    %add3A_21 = vector.broadcast %get3A_20 : vector<48x1xf32> to vector<48x4096xf32>
    %add3A_22 = arith.addf %dot_general3A_17, %add3A_21 : vector<48x4096xf32>
    %swap3A_23 = arith.constant 0 : index
    %swap3A_24 = arith.constant 0 : index
    %swap3A_25 = vector.load %arg6[%swap3A_23, %swap3A_24] : memref<48x4096xf32, #tpu.memory_space<vmem>>, vector<48x4096xf32>
    tpu.vector_store %arg6[%swap3A_23, %swap3A_24], %add3A_22 {strides = array<i32>} : memref<48x4096xf32, #tpu.memory_space<vmem>>, vector<48x4096xf32>,
    return
  }
  func.func @transform_0(%arg0: i32) -> (i32, i32) {
    %c0_i32 = arith.constant 0 : i32
    %c0_i32_0 = arith.constant 0 : i32
    return %arg0, %c0_i32 : i32, i32
  }
  func.func @transform_1(%arg0: i32) -> (i32, i32) {
    %c0_i32 = arith.constant 0 : i32
    %c0_i32_0 = arith.constant 0 : i32
    %c0_i32_1 = arith.constant 0 : i32
    return %c0_i32, %c0_i32_0 : i32, i32
  }
  func.func @transform_2(%arg0: i32) -> (i32, i32) {
    %c0_i32 = arith.constant 0 : i32
    %c0_i32_0 = arith.constant 0 : i32
    %c0_i32_1 = arith.constant 0 : i32
    return %c0_i32, %c0_i32_0 : i32, i32
  }
  func.func @transform_3(%arg0: i32) -> (i32, i32) {
    %c0_i32 = arith.constant 0 : i32
    %c0_i32_0 = arith.constant 0 : i32
    %c0_i32_1 = arith.constant 0 : i32
    return %c0_i32, %c0_i32_0 : i32, i32
  }
  func.func @transform_4(%arg0: i32) -> (i32, i32) {
    %c0_i32 = arith.constant 0 : i32
    %c0_i32_0 = arith.constant 0 : i32
    return %c0_i32, %arg0 : i32, i32
  }
  func.func @transform_5(%arg0: i32) -> (i32, i32) {
    %c0_i32 = arith.constant 0 : i32
    %c0_i32_0 = arith.constant 0 : i32
    return %c0_i32, %arg0 : i32, i32
  }
}

</mosaic_0001>

<sc_bundles>
// kernel: kernel.4.cloned.1.call-start
scs
__scs_entry_jumppad:
0x0: {  	(pc) =	sbr.rel $0x88, $3  }
0x1: {  	(tag) =	ssettag $0x0;
	lr =	simm.s32 $0x1  }
0x2: {  	[smem:$0x3F9F] =	sst lr;
	_ =	strace $0xD0000000  }
0x3: {  	_ = 	snop  }
0x4: {  	_ = 	snop  }
0x5: {  	_ = 	snop  }
0x6: {  	_ = 	snop  }
0x7: {  	_ = 	snop  }
__scs_overlays_trampoline_lowered:
0x8: {  	[smem:$0x3FAE] =	sst s0  }
0x9: {  	[smem:$0x3FAF] =	sst s1  }
0xa: {  	[smem:$0x3FB0] =	sst s2  }
0xb: {  	[smem:$0x3FB1] =	sst s3  }
0xc: {  	[smem:$0x3FB2] =	sst s4  }
0xd: {  	[smem:$0x3FB3] =	sst s5  }
0xe: {  	[smem:$0x3FB4] =	sst s6  }
0xf: {  	[smem:$0x3FB5] =	sst s7  }
0x10: {  	[smem:$0x3FB6] =	sst s8  }
0x11: {  	[smem:$0x3FB7] =	sst s9;
	s0 =	simm.s32 @!p0 $0x0  }
0x12: {  	s1 =	sld [smem:$0x3F9D];
	s0 =	simm.s32 @p0 $0x1  }
0x13: {  	[smem:$0x3FB8] =	sst s0;
	s0 =	simm.s32 @!p1 $0x0  }
0x14: {  	s2 =	sld [smem:$0x3F9C];
	s0 =	simm.s32 @p1 $0x1  }
0x15: {  	[smem:$0x3FB9] =	sst s0;
	s0 =	simm.s32 @!p2 $0x0  }
0x16: {  	s3 =	sld [smem:$0x3FDB];
	s0 =	simm.s32 @p2 $0x1  }
0x17: {  	s4 =	simm.s32 $0x1BF5;
	[smem:$0x3FBB] =	sst s0  }
0x18: {  	s0 =	sld [smem:$0x3F9E];
	_ =	swait.ge [sflag:s4], $0x0  }
0x19: {  	s7 =	sld [smem:$0x3F9F]  }
0x1a: {  	s8 =	sadd.s32 $0xFFFFE003, lr  }
0x1b: {  	s9 =	sadd.s32 $0xFFFFFEF7, lr;
	s5 =	simm.s32 $0xFFFFFFFF;
	p2 =	slt.u32 s8, $0xFFFFF086  }
0x1c: {  	p1 =	slt.u32 s9, $0xF7A;
	s5 =	simm.s32 @!p2 $0x0  }
0x1d: {  	s5 =	simm.s32 @p1 $0x1;
	p0 =	seq.s32 s7, s2  }
0x1e: {  	s7 =	smul.u32 @!p0 $0xF7A, s2;
	p2 =	seq.s32 @!p0 s5, $0x0  }
0x1f: {  	s9 =	smul.u32 $0xF7A, s1;
	s8 =	simm.s32 @!p0 $0x1BF5;
	p2 =	por !p2, p0  }
0x20: {  	[sflag:s8] =	ssyncset.s32 @!p0 $0xFFFFF086;
	s6 =	sadd.s32 @!p0 s3, s7;
	s7 =	simm.s32 @!p0 $0x108  }
0x21: {  	s3 =	sadd.s32 s3, s9;
	s6 =	sadd.s32 @!p0 $0x88, s6;
	s7 =	simm.s32 @p2 $0x1082  }
0x22: {  	[simem:s7], [sflag:s8] =	dma.local @!p0 [hbm:s6], $0xF7A  }
0x23: {  	s9 =	sor.u32 $0xD0000000, s2;
	s6 =	simm.s32 $0x108;
	_ =	swait.ge @!p0 [sflag:s8], $0x0  }
0x24: {  	s3 =	sadd.s32 $0x88, s3;
	s6 =	simm.s32 @!p1 $0x1082;
	[sflag:s4] =	ssyncset.s32 $0xFFFFF086  }
0x25: {  	[simem:s6], [sflag:s4] =	dma.local [hbm:s3], $0xF7A  }
0x26: {  	[smem:$0x3F9F] =	sst s1;
	(tag) =	ssettag s2;
	_ =	strace s9  }
0x27: {  	s1 =	sld [smem:$0x3FAF]  }
0x28: {  	s2 =	sld [smem:$0x3FB0]  }
0x29: {  	s4 =	sld [smem:$0x3FB2]  }
0x2a: {  	p0 =	seq.s32 s5, $0x0;
	s5 =	sld [smem:$0x3FB3]  }
0x2b: {  	s6 =	sld [smem:$0x3FB4]  }
0x2c: {  	s7 =	sld [smem:$0x3FB5]  }
0x2d: {  	s3 =	simm.s32 $0x108;
	s8 =	sld [smem:$0x3FB6]  }
0x2e: {  	s3 =	simm.s32 @!p0 $0x1082;
	s9 =	sld [smem:$0x3FB7]  }
0x2f: {  	lr =	sadd.s32 s0, s3;
	s0 =	sld [smem:$0x3FAE]  }
0x30: {  	s3 =	sld [smem:$0x3FB1]  }
0x31: {  	[smem:$0x3FBA] =	sst s10  }
0x32: {  	s10 =	sld [smem:$0x3FB8];
	_ =	sdelay $0x3  }
0x33: {  	p0 =	seq.s32 s10, $0x1;
	s10 =	sld [smem:$0x3FBA];
	_ =	sdelay $0x3  }
0x34: {  	[smem:$0x3FBA] =	sst s10  }
0x35: {  	s10 =	sld [smem:$0x3FB9];
	_ =	sdelay $0x3  }
0x36: {  	p1 =	seq.s32 s10, $0x1;
	s10 =	sld [smem:$0x3FBA];
	_ =	sdelay $0x3  }
0x37: {  	[smem:$0x3FBA] =	sst s10  }
0x38: {  	s10 =	sld [smem:$0x3FBB]  }
0x39: {  	_ = 	snop;
	(pc) =	sbr.ind lr, $3  }
0x3a: {  	_ = 	snop  }
0x3b: {  	_ = 	snop  }
0x3c: {  	p2 =	seq.s32 s10, $0x1;
	s10 =	sld [smem:$0x3FBA]  }
0x3d: {  	_ =	shalt  }
0x3e: {  	_ =	shalt  }
0x3f: {  	_ =	shalt  }
0x40: {  	_ =	shalt  }
0x41: {  	_ =	shalt  }
0x42: {  	_ =	shalt  }
0x43: {  	_ =	shalt  }
0x44: {  	_ =	shalt  }
0x45: {  	_ =	shalt  }
0x46: {  	_ =	shalt  }
0x47: {  	_ =	shalt  }
0x48: {  	_ =	shalt  }
0x49: {  	_ =	shalt  }
0x4a: {  	_ =	shalt  }
0x4b: {  	_ =	shalt  }
0x4c: {  	_ =	shalt  }
0x4d: {  	_ =	shalt  }
0x4e: {  	_ =	shalt  }
0x4f: {  	_ =	shalt  }
0x50: {  	_ =	shalt  }
0x51: {  	_ =	shalt  }
0x52: {  	_ =	shalt  }
0x53: {  	_ =	shalt  }
0x54: {  	_ =	shalt  }
0x55: {  	_ =	shalt  }
0x56: {  	_ =	shalt  }
0x57: {  	_ =	shalt  }
0x58: {  	_ =	shalt  }
0x59: {  	_ =	shalt  }
0x5a: {  	_ =	shalt  }
0x5b: {  	_ =	shalt  }
0x5c: {  	_ =	shalt  }
0x5d: {  	_ =	shalt  }
0x5e: {  	_ =	shalt  }
0x5f: {  	_ =	shalt  }
0x60: {  	_ =	shalt  }
0x61: {  	_ =	shalt  }
0x62: {  	_ =	shalt  }
0x63: {  	_ =	shalt  }
0x64: {  	_ =	shalt  }
0x65: {  	_ =	shalt  }
0x66: {  	_ =	shalt  }
0x67: {  	_ =	shalt  }
0x68: {  	_ =	shalt  }
0x69: {  	_ =	shalt  }
0x6a: {  	_ =	shalt  }
0x6b: {  	_ =	shalt  }
0x6c: {  	_ =	shalt  }
0x6d: {  	_ =	shalt  }
0x6e: {  	_ =	shalt  }
0x6f: {  	_ =	shalt  }
0x70: {  	_ =	shalt  }
0x71: {  	_ =	shalt  }
0x72: {  	_ =	shalt  }
0x73: {  	_ =	shalt  }
0x74: {  	_ =	shalt  }
0x75: {  	_ =	shalt  }
0x76: {  	_ =	shalt  }
0x77: {  	_ =	shalt  }
0x78: {  	_ =	shalt  }
0x79: {  	_ =	shalt  }
0x7a: {  	_ =	shalt  }
0x7b: {  	_ =	shalt  }
0x7c: {  	_ =	shalt  }
0x7d: {  	_ =	shalt  }
0x7e: {  	_ =	shalt  }
0x7f: {  	_ =	shalt  }
0x80: {  	_ =	shalt  }
0x81: {  	_ =	shalt  }
0x82: {  	_ =	shalt  }
0x83: {  	_ =	shalt  }
0x84: {  	_ =	shalt  }
0x85: {  	_ =	shalt  }
0x86: {  	_ =	shalt  }
0x87: {  	_ =	shalt  }
.Lfunc_end0:
.L_simem_size_0:
called_computation_lowered:
.L_overlay_start_0:
0x88: {  	s2 =	sld [smem:$0x3FD9]  }
0x89: {  	s3 =	sld [smem:$0x3FFE];
	_ =	sdelay $0x1  }
0x8a: {  	s1 =	srdreg.scid  }
0x8b: {  	s0 =	sand.u32 $0x1, s1  }
0x8c: {  	s14 =	sshll.u32 s0, $0xA;
	s2 =	sadd.s32 s3, s2  }
0x8d: {  	s2 =	sadd.s32 s2, s14  }
0x8e: {  	[smem:$0x3FC6] =	sst s2  }
0x8f: {  	_ = 	snop  }
0x90: {  	s2 =	sld [smem:$0x3FD0];
	_ =	sdelay $0x2  }
0x91: {  	s15 =	simm.s32 $0xA;
	s4 =	simm.s32 $0x10  }
0x92: {  	[smem:s4], [sflag:s15] =	dma.local [hbm:s2], $0x1  }
0x93: {  	_ =	swait.eq [sflag:s15], $0x1  }
0x94: {  	s16 =	sld [smem:$0x10];
	[sflag:s15] =	ssyncset.done $0x0  }
0x95: {  	s17 =	sld [smem:$0x11];
	[sflag:s15] =	ssyncadd.s32 $0xFFFFFFFF  }
0x96: {  	s18 =	sld [smem:$0x12];
	(tm) =	ssettm $0x1  }
0x97: {  	s5 =	sld [smem:$0x3FFB];
	_ =	sdelay $0x3  }
0x98: {  	_ =	strace s5  }
0x99: {  	s5 =	sld [smem:$0x3FFC];
	_ =	sdelay $0x3  }
0x9a: {  	_ =	strace s5  }
0x9b: {  	s5 =	sld [smem:$0x3FFD];
	_ =	sdelay $0x3  }
0x9c: {  	_ =	strace s5  }
0x9d: {  	_ =	strace $0x8FFFFFFF  }
0x9e: {  	s19 =	sld [smem:$0x3FDB];
	_ =	sdelay $0x1  }
0x9f: {  	s6 =	simm.s32 $_scs_section_size  }
0xa0: {  	s7 =	simm.s32 $_size__tile_overlayer_lowered;
	s8 =	simm.s32 $_tile_overlayer_lowered  }
0xa1: {  	s22 =	simm.s32 $0x1BFF;
	s21 =	sshll.u32 s8, $0x1;
	s5 =	sadd.s32 s6, s19  }
0xa2: {  	s9 =	simm.s32 $0x0;
	s20 =	sshll.u32 s7, $0x1;
	s7 =	sadd.s32 s21, s5  }
0xa3: {  	[timem:s9], [sflag:s22] =	dma.local [hbm:s7], s20  }
0xa4: {  	_ =	swait.ge [sflag:s22], s20  }
0xa5: {  	s6 =	ssub.s32 $0x0, s20;
	[sflag:s22] =	ssyncset.done $0x0  }
0xa6: {  	[sflag:s22] =	ssyncadd.s32 s6;
	_ =	sdelay $0x1  }
0xa7: {  	s23 =	simm.s32 $0x1B8B  }
0xa8: {  	_ =	swait.ge [sflag:s23], $0x1  }
0xa9: {  	[sflag:s23] =	ssyncset.done $0x0  }
0xaa: {  	s25 =	simm.s32 $0x1B8E;
	s24 =	sld [smem:$0x3FFE];
	[sflag:s23] =	ssyncadd.s32 $0xFFFFFFFF  }
0xab: {  	s26 =	simm.s32 $execute0_lowered;
	[smem:$0x3FD2] =	sst s25  }
0xac: {  	s7 =	sshll.u32 s26, $0x1;
	_ =	strace $0x80000046;
	[dreg:$0x1] =	wrdreg $0xFFFFFFFF  }
0xad: {  	s28 =	simm.s32 $_size_execute0_lowered;
	s5 =	sadd.s32 s5, s7;
	[dreg:$0x0] =	wrdreg $0x0  }
0xae: {  	s7 =	sshll.u32 s28, $0x1;
	[dreg:$0x2] =	wrdreg s5  }
0xaf: {  	[dreg:$0x3] =	wrdreg s7  }
0xb0: {  	[dreg:$0x4] =	wrdreg $0xC0  }
0xb1: {  	_ =	task [dreg:s9], $0x5FFFF  }
0xb2: {  	[dreg:$0x1] =	wrdreg $0xFFFFFFFF  }
0xb3: {  	[dreg:$0x0] =	wrdreg $0x60  }
0xb4: {  	[dreg:$0x2] =	wrdreg s24  }
0xb5: {  	[dreg:$0x3] =	wrdreg s16  }
0xb6: {  	[dreg:$0x4] =	wrdreg s17  }
0xb7: {  	[dreg:$0x5] =	wrdreg s18  }
0xb8: {  	[dreg:$0x6] =	wrdreg $0x9  }
0xb9: {  	_ =	task.clear_ibuf [dreg:s9], $0x7FFFF;
	_ =	strace $0x90000046  }
0xba: {  	s29 =	simm.s32 $0x9;
	_ =	strace $0x80000048  }
0xbb: {  	_ =	swait.ge [sflag:s29], $0x1  }
0xbc: {  	[sflag:s29] =	ssyncadd.s32 $0xFFFFFFFF  }
0xbd: {  	_ =	strace $0x90000048  }
0xbe: {  	_ =	sfence  }
0xbf: {  	s30 =	sld [smem:$0x0];
	_ =	sdelay $0x2  }
0xc0: {  	s31 =	sshll.u32 s1, $0xD;
	s1 =	sshrl.u32 s1, $0x2  }
0xc1: {  	s3 =	sand.u32 $0x4000, s31;
	s1 =	sadd.s32 s1, s30  }
0xc2: {  	s0 =	sor.u32 s3, s0;
	s1 =	sshll.u32 s1, $0x11  }
0xc3: {  	s0 =	sor.u32 s1, s0  }
0xc4: {  	s0 =	sadd.s32 $0x8F2B, s0  }
0xc5: {  	[sflag:s0] =	ssyncadd.remote.s32 $0x1  }
0xc6: {  	_ =	sfence.sel $0xFFFF  }
0xc7: {  	[dreg:$0x0] =	wrdreg $0xFFFFFFFF;
	(pc) =	sbr.abs _section_cstart, $3  }
0xc8: {  	[dreg:$0x1] =	wrdreg $0xFFFFFFFF  }
0xc9: {  	_ =	task.clear_ibuf [dreg:s9], $0x2FFFF;
	_ =	strace $0x9FFFFFFF  }
0xca: {  	(tm) =	ssettm $0x7FFFFFFF  }
0xcb: {  	_ =	shalt  }
tec
execute0_lowered:
.L_overlay_start_1:
0x0: {  	(tag) =	ssettag $0x1  }
0x1: {  	s2 =	srdreg.scid  }
0x2: {  	s0 =	rddreg [dreg:$0x0];
	s6 =	stileid.u32;
	s5 =	sand.u32 $0x1, s2  }
0x3: {  	s1 =	rddreg [dreg:$0x1];
	s6 =	sshll.u32 s6, $0x9;
	s7 =	sshll.u32 s5, $0x8  }
0x4: {  	s3 =	rddreg [dreg:$0x2];
	s6 =	sor.u32 s7, s6  }
0x5: {  	s4 =	rddreg [dreg:$0x3];
	s2 =	simm.s32 $0x0;
	s0 =	sadd.s32 s6, s0  }
0x6: {  	[smem:$0x7FF] =	sst s2;
	s10 =	sadd.s32 $0xD000, s0  }
0x7: {  	_ =	strace $0x80000047;
	s11 =	sadd.s32 $0xD010, s0;
	[dreg:$0x5] =	wrdreg s10  }
0x8: {  	s12 =	sadd.s32 $0xD020, s0;
	[dreg:$0x6] =	wrdreg s11  }
0x9: {  	s13 =	sadd.s32 $0xD030, s0;
	[dreg:$0x7] =	wrdreg s12  }
0xa: {  	s14 =	sadd.s32 $0xD040, s0;
	[dreg:$0x8] =	wrdreg s13  }
0xb: {  	s15 =	sadd.s32 $0xD050, s0;
	[dreg:$0x9] =	wrdreg s14  }
0xc: {  	s16 =	sadd.s32 $0xD060, s0;
	[dreg:$0xa] =	wrdreg s15  }
0xd: {  	s17 =	sadd.s32 $0xD070, s0;
	[dreg:$0xb] =	wrdreg s16  }
0xe: {  	s18 =	sadd.s32 $0xF000, s0;
	[dreg:$0xc] =	wrdreg s17  }
0xf: {  	s19 =	sadd.s32 $0xF010, s0;
	[dreg:$0xd] =	wrdreg s18  }
0x10: {  	s20 =	sadd.s32 $0xF020, s0;
	[dreg:$0xe] =	wrdreg s19  }
0x11: {  	s21 =	sadd.s32 $0xF030, s0;
	[dreg:$0xf] =	wrdreg s20  }
0x12: {  	s22 =	sadd.s32 $0xF040, s0;
	[dreg:$0x10] =	wrdreg s21  }
0x13: {  	s23 =	sadd.s32 $0xF050, s0;
	[dreg:$0x11] =	wrdreg s22  }
0x14: {  	s24 =	sadd.s32 $0xF060, s0;
	[dreg:$0x12] =	wrdreg s23  }
0x15: {  	s25 =	sadd.s32 $0xF070, s0;
	[dreg:$0x13] =	wrdreg s24  }
0x16: {  	s6 =	sshrl.u32 s6, $0x1;
	s26 =	sadd.s32 $0x11000, s0;
	[dreg:$0x14] =	wrdreg s25  }
0x17: {  	s1 =	sadd.s32 s1, s6;
	[dreg:$0x15] =	wrdreg s26  }
0x18: {  	s3 =	sadd.s32 s3, s6;
	[dreg:$0x16] =	wrdreg s1  }
0x19: {  	s5 =	ssub.s32 $0x2, s5;
	s7 =	sadd.s32 s4, s6;
	[dreg:$0x17] =	wrdreg s3  }
0x1a: {  	s9 =	sshrl.u32 s5, $0x1;
	s8 =	sadd.s32 $0x11010, s0;
	[dreg:$0x18] =	wrdreg s7  }
0x1b: {  	s5 =	ssub.s32 s5, s9;
	s9 =	sadd.s32 $0x11020, s0;
	[dreg:$0x19] =	wrdreg s8  }
0x1c: {  	[dreg:$0x1a] =	wrdreg s9;
	s10 =	sadd.s32 $0x11030, s0  }
0x1d: {  	s11 =	sadd.s32 $0x11040, s0;
	[dreg:$0x1b] =	wrdreg s10  }
0x1e: {  	s12 =	sadd.s32 $0x11050, s0;
	[dreg:$0x1c] =	wrdreg s11  }
0x1f: {  	s13 =	sadd.s32 $0x11060, s0;
	[dreg:$0x1d] =	wrdreg s12  }
0x20: {  	s14 =	sadd.s32 $0x11070, s0;
	[dreg:$0x1e] =	wrdreg s13  }
0x21: {  	s15 =	sadd.s32 $0x13000, s0;
	[dreg:$0x1f] =	wrdreg s14  }
0x22: {  	s16 =	sadd.s32 $0x13010, s0;
	[smem:$0x7F2] =	sst s15  }
0x23: {  	s17 =	sadd.s32 $0x13020, s0;
	[smem:$0x7F3] =	sst s16  }
0x24: {  	s18 =	sadd.s32 $0x13030, s0;
	[smem:$0x7F4] =	sst s17  }
0x25: {  	s19 =	sadd.s32 $0x13040, s0;
	[smem:$0x7F5] =	sst s18  }
0x26: {  	s20 =	sadd.s32 $0x13050, s0;
	[smem:$0x7F6] =	sst s19  }
0x27: {  	s21 =	sadd.s32 $0x13060, s0;
	[smem:$0x7F7] =	sst s20  }
0x28: {  	s22 =	sadd.s32 $0x13070, s0;
	[smem:$0x7F8] =	sst s21  }
0x29: {  	s23 =	sadd.s32 $0x15000, s0;
	[smem:$0x7F9] =	sst s22  }
0x2a: {  	s28 =	simm.s32 $0x400;
	s24 =	sadd.s32 $0x15010, s0;
	[smem:$0x7FA] =	sst s23  }
0x2b: {  	s29 =	simm.s32 $0x3000;
	s25 =	sadd.s32 $0x15020, s0;
	[smem:$0x7FB] =	sst s24  }
0x2c: {  	s30 =	simm.s32 $0x2;
	s26 =	sadd.s32 $0x15030, s0;
	[smem:$0x7FC] =	sst s25  }
0x2d: {  	s31 =	simm.s32 $0x1;
	[smem:$0x7FD] =	sst s26;
	s12 =	sadd.s32 $0x15040, s0  }
0x2e: {  	s13 =	sadd.s32 $0x15050, s0;
	s14 =	sadd.s32 $0x15060, s0;
	s15 =	sadd.s32 $0x15070, s0  }
0x2f: {  	s16 =	sadd.s32 $0x17000, s0;
	s17 =	sadd.s32 $0x17010, s0;
	s18 =	sadd.s32 $0x17020, s0  }
0x30: {  	s19 =	sadd.s32 $0x17030, s0;
	s20 =	sadd.s32 $0x17040, s0;
	s21 =	sadd.s32 $0x17050, s0  }
0x31: {  	s22 =	sadd.s32 $0x17060, s0;
	s23 =	sadd.s32 $0x17070, s0;
	s24 =	sadd.s32 $0x1000, s0  }
0x32: {  	s25 =	smax.u32 s5, $0x1;
	s26 =	simm.s32 $0x80;
	s0 =	simm.s32 $0x0  }
.LBB2_1:
0x33: {  	s1 =	rddreg [dreg:$0x5]  }
0x34: {  	s9 =	rddreg [dreg:$0x6]  }
0x35: {  	[tilespmem:s29], [sflag:$0x1] =	stream.strided.gather [hbm4b:s1+s26], $0x100, s28, s26, $0x38;
	[tilespmem:$0x6C00] =	vst v63  }
0x36: {  	s3 =	simm.s32 $0x3100;
	s10 =	rddreg [dreg:$0x7]  }
0x37: {  	[tilespmem:s3], [sflag:$0x1] =	stream.strided.gather [hbm4b:s9+s26], $0x100, s28, s26, $0x38;
	[tilespmem:$0x6C00] =	vst v63  }
0x38: {  	s11 =	simm.s32 $0x3200;
	s4 =	rddreg [dreg:$0x8]  }
0x39: {  	[tilespmem:s11], [sflag:$0x1] =	stream.strided.gather [hbm4b:s10+s26], $0x100, s28, s26, $0x38;
	[tilespmem:$0x6C00] =	vst v63  }
0x3a: {  	s5 =	simm.s32 $0x3300;
	s6 =	rddreg [dreg:$0x9]  }
0x3b: {  	[tilespmem:s5], [sflag:$0x1] =	stream.strided.gather [hbm4b:s4+s26], $0x100, s28, s26, $0x38;
	[tilespmem:$0x6C00] =	vst v63  }
0x3c: {  	s7 =	simm.s32 $0x3400;
	s8 =	rddreg [dreg:$0xa]  }
0x3d: {  	[tilespmem:s7], [sflag:$0x1] =	stream.strided.gather [hbm4b:s6+s26], $0x100, s28, s26, $0x38;
	[tilespmem:$0x6C00] =	vst v63  }
0x3e: {  	s9 =	simm.s32 $0x3500;
	s10 =	rddreg [dreg:$0xb]  }
0x3f: {  	[tilespmem:s9], [sflag:$0x1] =	stream.strided.gather [hbm4b:s8+s26], $0x100, s28, s26, $0x38;
	[tilespmem:$0x6C00] =	vst v63  }
0x40: {  	s11 =	simm.s32 $0x3600;
	s4 =	rddreg [dreg:$0xc]  }
0x41: {  	[tilespmem:s11], [sflag:$0x1] =	stream.strided.gather [hbm4b:s10+s26], $0x100, s28, s26, $0x38;
	[tilespmem:$0x6C00] =	vst v63  }
0x42: {  	s5 =	simm.s32 $0x3700;
	s6 =	rddreg [dreg:$0xd]  }
0x43: {  	[tilespmem:s5], [sflag:$0x1] =	stream.strided.gather [hbm4b:s4+s26], $0x100, s28, s26, $0x38;
	[tilespmem:$0x6C00] =	vst v63  }
0x44: {  	s7 =	simm.s32 $0x3800;
	s8 =	rddreg [dreg:$0xe]  }
0x45: {  	[tilespmem:s7], [sflag:$0x1] =	stream.strided.gather [hbm4b:s6+s26], $0x100, s28, s26, $0x38;
	[tilespmem:$0x6C00] =	vst v63  }
0x46: {  	s9 =	simm.s32 $0x3900;
	s10 =	rddreg [dreg:$0xf]  }
0x47: {  	[tilespmem:s9], [sflag:$0x1] =	stream.strided.gather [hbm4b:s8+s26], $0x100, s28, s26, $0x38;
	[tilespmem:$0x6C00] =	vst v63  }
0x48: {  	s11 =	simm.s32 $0x3A00;
	s4 =	rddreg [dreg:$0x10]  }
0x49: {  	[tilespmem:s11], [sflag:$0x1] =	stream.strided.gather [hbm4b:s10+s26], $0x100, s28, s26, $0x38;
	[tilespmem:$0x6C00] =	vst v63  }
0x4a: {  	s5 =	simm.s32 $0x3B00;
	s6 =	rddreg [dreg:$0x11]  }
0x4b: {  	[tilespmem:s5], [sflag:$0x1] =	stream.strided.gather [hbm4b:s4+s26], $0x100, s28, s26, $0x38;
	[tilespmem:$0x6C00] =	vst v63  }
0x4c: {  	s7 =	simm.s32 $0x3C00;
	s8 =	rddreg [dreg:$0x12]  }
0x4d: {  	[tilespmem:s7], [sflag:$0x1] =	stream.strided.gather [hbm4b:s6+s26], $0x100, s28, s26, $0x38;
	[tilespmem:$0x6C00] =	vst v63  }
0x4e: {  	s9 =	simm.s32 $0x3D00;
	s10 =	rddreg [dreg:$0x13]  }
0x4f: {  	[tilespmem:s9], [sflag:$0x1] =	stream.strided.gather [hbm4b:s8+s26], $0x100, s28, s26, $0x38;
	[tilespmem:$0x6C00] =	vst v63  }
0x50: {  	s11 =	simm.s32 $0x3E00;
	s4 =	rddreg [dreg:$0x14]  }
0x51: {  	[tilespmem:s11], [sflag:$0x1] =	stream.strided.gather [hbm4b:s10+s26], $0x100, s28, s26, $0x38;
	[tilespmem:$0x6C00] =	vst v63  }
0x52: {  	s5 =	simm.s32 $0x3F00;
	s6 =	rddreg [dreg:$0x15]  }
0x53: {  	[tilespmem:s5], [sflag:$0x1] =	stream.strided.gather [hbm4b:s4+s26], $0x100, s28, s26, $0x38;
	[tilespmem:$0x6C00] =	vst v63  }
0x54: {  	s7 =	simm.s32 $0x4000;
	s8 =	rddreg [dreg:$0x19]  }
0x55: {  	[tilespmem:s7], [sflag:$0x1] =	stream.strided.gather [hbm4b:s6+s26], $0x100, s28, s26, $0x38;
	[tilespmem:$0x6C00] =	vst v63  }
0x56: {  	s9 =	simm.s32 $0x4100;
	s10 =	rddreg [dreg:$0x1a]  }
0x57: {  	[tilespmem:s9], [sflag:$0x1] =	stream.strided.gather [hbm4b:s8+s26], $0x100, s28, s26, $0x38;
	[tilespmem:$0x6C00] =	vst v63  }
0x58: {  	s11 =	simm.s32 $0x4200;
	s4 =	rddreg [dreg:$0x1b]  }
0x59: {  	[tilespmem:s11], [sflag:$0x1] =	stream.strided.gather [hbm4b:s10+s26], $0x100, s28, s26, $0x38;
	[tilespmem:$0x6C00] =	vst v63  }
0x5a: {  	s5 =	simm.s32 $0x4300;
	s6 =	rddreg [dreg:$0x1c]  }
0x5b: {  	[tilespmem:s5], [sflag:$0x1] =	stream.strided.gather [hbm4b:s4+s26], $0x100, s28, s26, $0x38;
	[tilespmem:$0x6C00] =	vst v63  }
0x5c: {  	s7 =	simm.s32 $0x4400;
	s8 =	rddreg [dreg:$0x1d]  }
0x5d: {  	[tilespmem:s7], [sflag:$0x1] =	stream.strided.gather [hbm4b:s6+s26], $0x100, s28, s26, $0x38;
	[tilespmem:$0x6C00] =	vst v63  }
0x5e: {  	s9 =	simm.s32 $0x4500;
	s10 =	rddreg [dreg:$0x1e]  }
0x5f: {  	[tilespmem:s9], [sflag:$0x1] =	stream.strided.gather [hbm4b:s8+s26], $0x100, s28, s26, $0x38;
	[tilespmem:$0x6C00] =	vst v63  }
0x60: {  	s11 =	simm.s32 $0x4600;
	s4 =	rddreg [dreg:$0x1f]  }
0x61: {  	[tilespmem:s11], [sflag:$0x1] =	stream.strided.gather [hbm4b:s10+s26], $0x100, s28, s26, $0x38;
	[tilespmem:$0x6C00] =	vst v63  }
0x62: {  	s5 =	simm.s32 $0x4700;
	s6 =	sld [smem:$0x7F2]  }
0x63: {  	[tilespmem:s5], [sflag:$0x1] =	stream.strided.gather [hbm4b:s4+s26], $0x100, s28, s26, $0x38;
	[tilespmem:$0x6C00] =	vst v63  }
0x64: {  	s7 =	simm.s32 $0x4800;
	s8 =	sld [smem:$0x7F3]  }
0x65: {  	[tilespmem:s7], [sflag:$0x1] =	stream.strided.gather [hbm4b:s6+s26], $0x100, s28, s26, $0x38;
	[tilespmem:$0x6C00] =	vst v63  }
0x66: {  	s9 =	simm.s32 $0x4900;
	s10 =	sld [smem:$0x7F4]  }
0x67: {  	[tilespmem:s9], [sflag:$0x1] =	stream.strided.gather [hbm4b:s8+s26], $0x100, s28, s26, $0x38;
	[tilespmem:$0x6C00] =	vst v63  }
0x68: {  	s3 =	sld [smem:$0x7F5];
	s11 =	simm.s32 $0x4A00  }
0x69: {  	[tilespmem:s11], [sflag:$0x1] =	stream.strided.gather [hbm4b:s10+s26], $0x100, s28, s26, $0x38;
	[tilespmem:$0x6C00] =	vst v63  }
0x6a: {  	s4 =	simm.s32 $0x4B00;
	s5 =	sld [smem:$0x7F6]  }
0x6b: {  	[tilespmem:s4], [sflag:$0x1] =	stream.strided.gather [hbm4b:s3+s26], $0x100, s28, s26, $0x38;
	[tilespmem:$0x6C00] =	vst v63  }
0x6c: {  	s6 =	simm.s32 $0x4C00;
	s7 =	sld [smem:$0x7F7]  }
0x6d: {  	[tilespmem:s6], [sflag:$0x1] =	stream.strided.gather [hbm4b:s5+s26], $0x100, s28, s26, $0x38;
	[tilespmem:$0x6C00] =	vst v63  }
0x6e: {  	s8 =	simm.s32 $0x4D00  }
0x6f: {  	[tilespmem:s8], [sflag:$0x1] =	stream.strided.gather [hbm4b:s7+s26], $0x100, s28, s26, $0x38;
	[tilespmem:$0x6C00] =	vst v63  }
0x70: {  	s1 =	sld [smem:$0x7F8];
	_ =	sdelay $0x1  }
0x71: {  	s9 =	simm.s32 $0x4E00;
	s10 =	sld [smem:$0x7F9]  }
0x72: {  	[tilespmem:s9], [sflag:$0x1] =	stream.strided.gather [hbm4b:s1+s26], $0x100, s28, s26, $0x38;
	[tilespmem:$0x6C00] =	vst v63  }
0x73: {  	s11 =	simm.s32 $0x4F00;
	s4 =	sld [smem:$0x7FA]  }
0x74: {  	[tilespmem:s11], [sflag:$0x1] =	stream.strided.gather [hbm4b:s10+s26], $0x100, s28, s26, $0x38;
	[tilespmem:$0x6C00] =	vst v63  }
0x75: {  	s5 =	simm.s32 $0x5000;
	s6 =	sld [smem:$0x7FB]  }
0x76: {  	[tilespmem:s5], [sflag:$0x1] =	stream.strided.gather [hbm4b:s4+s26], $0x100, s28, s26, $0x38;
	[tilespmem:$0x6C00] =	vst v63  }
0x77: {  	s7 =	simm.s32 $0x5100;
	s8 =	sld [smem:$0x7FC]  }
0x78: {  	[tilespmem:s7], [sflag:$0x1] =	stream.strided.gather [hbm4b:s6+s26], $0x100, s28, s26, $0x38;
	[tilespmem:$0x6C00] =	vst v63  }
0x79: {  	s9 =	simm.s32 $0x5200;
	s10 =	sld [smem:$0x7FD]  }
0x7a: {  	[tilespmem:s9], [sflag:$0x1] =	stream.strided.gather [hbm4b:s8+s26], $0x100, s28, s26, $0x38;
	[tilespmem:$0x6C00] =	vst v63  }
0x7b: {  	s11 =	simm.s32 $0x5300  }
0x7c: {  	[tilespmem:s11], [sflag:$0x1] =	stream.strided.gather [hbm4b:s10+s26], $0x100, s28, s26, $0x38;
	[tilespmem:$0x6C00] =	vst v63  }
0x7d: {  	s3 =	simm.s32 $0x5400  }
0x7e: {  	[tilespmem:s3], [sflag:$0x1] =	stream.strided.gather [hbm4b:s12+s26], $0x100, s28, s26, $0x38;
	[tilespmem:$0x6C00] =	vst v63  }
0x7f: {  	s4 =	simm.s32 $0x5500  }
0x80: {  	[tilespmem:s4], [sflag:$0x1] =	stream.strided.gather [hbm4b:s13+s26], $0x100, s28, s26, $0x38;
	[tilespmem:$0x6C00] =	vst v63  }
0x81: {  	s5 =	simm.s32 $0x5600  }
0x82: {  	[tilespmem:s5], [sflag:$0x1] =	stream.strided.gather [hbm4b:s14+s26], $0x100, s28, s26, $0x38;
	[tilespmem:$0x6C00] =	vst v63  }
0x83: {  	s6 =	simm.s32 $0x5700  }
0x84: {  	[tilespmem:s6], [sflag:$0x1] =	stream.strided.gather [hbm4b:s15+s26], $0x100, s28, s26, $0x38;
	[tilespmem:$0x6C00] =	vst v63  }
0x85: {  	s7 =	simm.s32 $0x5800  }
0x86: {  	[tilespmem:s7], [sflag:$0x1] =	stream.strided.gather [hbm4b:s16+s26], $0x100, s28, s26, $0x38;
	[tilespmem:$0x6C00] =	vst v63  }
0x87: {  	s8 =	simm.s32 $0x5900  }
0x88: {  	[tilespmem:s8], [sflag:$0x1] =	stream.strided.gather [hbm4b:s17+s26], $0x100, s28, s26, $0x38;
	[tilespmem:$0x6C00] =	vst v63  }
0x89: {  	s9 =	simm.s32 $0x5A00  }
0x8a: {  	[tilespmem:s9], [sflag:$0x1] =	stream.strided.gather [hbm4b:s18+s26], $0x100, s28, s26, $0x38;
	[tilespmem:$0x6C00] =	vst v63  }
0x8b: {  	s10 =	simm.s32 $0x5B00  }
0x8c: {  	[tilespmem:s10], [sflag:$0x1] =	stream.strided.gather [hbm4b:s19+s26], $0x100, s28, s26, $0x38;
	[tilespmem:$0x6C00] =	vst v63  }
0x8d: {  	s11 =	simm.s32 $0x5C00  }
0x8e: {  	[tilespmem:s11], [sflag:$0x1] =	stream.strided.gather [hbm4b:s20+s26], $0x100, s28, s26, $0x38;
	[tilespmem:$0x6C00] =	vst v63  }
0x8f: {  	s3 =	simm.s32 $0x5D00  }
0x90: {  	[tilespmem:s3], [sflag:$0x1] =	stream.strided.gather [hbm4b:s21+s26], $0x100, s28, s26, $0x38;
	[tilespmem:$0x6C00] =	vst v63  }
0x91: {  	s4 =	simm.s32 $0x5E00  }
0x92: {  	[tilespmem:s4], [sflag:$0x1] =	stream.strided.gather [hbm4b:s22+s26], $0x100, s28, s26, $0x38;
	[tilespmem:$0x6C00] =	vst v63  }
0x93: {  	s5 =	simm.s32 $0x5F00  }
0x94: {  	[tilespmem:s5], [sflag:$0x1] =	stream.strided.gather [hbm4b:s23+s26], $0x100, s28, s26, $0x38;
	[tilespmem:$0x6C00] =	vst v63  }
0x95: {  	s6 =	simm.s32 $0x800;
	s7 =	simm.s32 $0x10000  }
0x96: {  	[tilespmem:s2], [sflag:$0x2] =	stream.strided.gather [hbm4b:s24+s6], $0x3000, s7, s6, $0x38;
	[tilespmem:$0x6C00] =	vst v63  }
0x97: {  	_ =	swait.ge [sflag:s30], $0x3000  }
0x98: {  	[sflag:s30] =	ssyncset.done $0x0  }
0x99: {  	[sflag:s30] =	ssyncadd.s32 $0xFFFFD000  }
0x9a: {  	_ =	swait.ge [sflag:s31], $0x100  }
0x9b: {  	[sflag:s31] =	ssyncset.done $0x0  }
0x9c: {  	[sflag:s31] =	ssyncadd.s32 $0xFFFFFF00  }
0x9d: {  	_ =	swait.ge [sflag:s31], $0x100  }
0x9e: {  	[sflag:s31] =	ssyncset.done $0x0  }
0x9f: {  	[sflag:s31] =	ssyncadd.s32 $0xFFFFFF00  }
0xa0: {  	_ =	swait.ge [sflag:s31], $0x100  }
0xa1: {  	[sflag:s31] =	ssyncset.done $0x0  }
0xa2: {  	[sflag:s31] =	ssyncadd.s32 $0xFFFFFF00  }
0xa3: {  	_ =	swait.ge [sflag:s31], $0x100  }
0xa4: {  	[sflag:s31] =	ssyncset.done $0x0  }
0xa5: {  	[sflag:s31] =	ssyncadd.s32 $0xFFFFFF00  }
0xa6: {  	_ =	swait.ge [sflag:s31], $0x100  }
0xa7: {  	[sflag:s31] =	ssyncset.done $0x0  }
0xa8: {  	[sflag:s31] =	ssyncadd.s32 $0xFFFFFF00  }
0xa9: {  	_ =	swait.ge [sflag:s31], $0x100  }
0xaa: {  	[sflag:s31] =	ssyncset.done $0x0  }
0xab: {  	[sflag:s31] =	ssyncadd.s32 $0xFFFFFF00  }
0xac: {  	_ =	swait.ge [sflag:s31], $0x100  }
0xad: {  	[sflag:s31] =	ssyncset.done $0x0  }
0xae: {  	[sflag:s31] =	ssyncadd.s32 $0xFFFFFF00  }
0xaf: {  	_ =	swait.ge [sflag:s31], $0x100  }
0xb0: {  	[sflag:s31] =	ssyncset.done $0x0  }
0xb1: {  	[sflag:s31] =	ssyncadd.s32 $0xFFFFFF00  }
0xb2: {  	_ =	swait.ge [sflag:s31], $0x100  }
0xb3: {  	[sflag:s31] =	ssyncset.done $0x0  }
0xb4: {  	[sflag:s31] =	ssyncadd.s32 $0xFFFFFF00  }
0xb5: {  	_ =	swait.ge [sflag:s31], $0x100  }
0xb6: {  	[sflag:s31] =	ssyncset.done $0x0  }
0xb7: {  	[sflag:s31] =	ssyncadd.s32 $0xFFFFFF00  }
0xb8: {  	_ =	swait.ge [sflag:s31], $0x100  }
0xb9: {  	[sflag:s31] =	ssyncset.done $0x0  }
0xba: {  	[sflag:s31] =	ssyncadd.s32 $0xFFFFFF00  }
0xbb: {  	_ =	swait.ge [sflag:s31], $0x100  }
0xbc: {  	[sflag:s31] =	ssyncset.done $0x0  }
0xbd: {  	[sflag:s31] =	ssyncadd.s32 $0xFFFFFF00  }
0xbe: {  	_ =	swait.ge [sflag:s31], $0x100  }
0xbf: {  	[sflag:s31] =	ssyncset.done $0x0  }
0xc0: {  	[sflag:s31] =	ssyncadd.s32 $0xFFFFFF00  }
0xc1: {  	_ =	swait.ge [sflag:s31], $0x100  }
0xc2: {  	[sflag:s31] =	ssyncset.done $0x0  }
0xc3: {  	[sflag:s31] =	ssyncadd.s32 $0xFFFFFF00  }
0xc4: {  	_ =	swait.ge [sflag:s31], $0x100  }
0xc5: {  	[sflag:s31] =	ssyncset.done $0x0  }
0xc6: {  	[sflag:s31] =	ssyncadd.s32 $0xFFFFFF00  }
0xc7: {  	_ =	swait.ge [sflag:s31], $0x100  }
0xc8: {  	[sflag:s31] =	ssyncset.done $0x0  }
0xc9: {  	[sflag:s31] =	ssyncadd.s32 $0xFFFFFF00  }
0xca: {  	_ =	swait.ge [sflag:s31], $0x100  }
0xcb: {  	[sflag:s31] =	ssyncset.done $0x0  }
0xcc: {  	[sflag:s31] =	ssyncadd.s32 $0xFFFFFF00  }
0xcd: {  	_ =	swait.ge [sflag:s31], $0x100  }
0xce: {  	[sflag:s31] =	ssyncset.done $0x0  }
0xcf: {  	[sflag:s31] =	ssyncadd.s32 $0xFFFFFF00  }
0xd0: {  	_ =	swait.ge [sflag:s31], $0x100  }
0xd1: {  	[sflag:s31] =	ssyncset.done $0x0  }
0xd2: {  	[sflag:s31] =	ssyncadd.s32 $0xFFFFFF00  }
0xd3: {  	_ =	swait.ge [sflag:s31], $0x100  }
0xd4: {  	[sflag:s31] =	ssyncset.done $0x0  }
0xd5: {  	[sflag:s31] =	ssyncadd.s32 $0xFFFFFF00  }
0xd6: {  	_ =	swait.ge [sflag:s31], $0x100  }
0xd7: {  	[sflag:s31] =	ssyncset.done $0x0  }
0xd8: {  	[sflag:s31] =	ssyncadd.s32 $0xFFFFFF00  }
0xd9: {  	_ =	swait.ge [sflag:s31], $0x100  }
0xda: {  	[sflag:s31] =	ssyncset.done $0x0  }
0xdb: {  	[sflag:s31] =	ssyncadd.s32 $0xFFFFFF00  }
0xdc: {  	_ =	swait.ge [sflag:s31], $0x100  }
0xdd: {  	[sflag:s31] =	ssyncset.done $0x0  }
0xde: {  	[sflag:s31] =	ssyncadd.s32 $0xFFFFFF00  }
0xdf: {  	_ =	swait.ge [sflag:s31], $0x100  }
0xe0: {  	[sflag:s31] =	ssyncset.done $0x0  }
0xe1: {  	[sflag:s31] =	ssyncadd.s32 $0xFFFFFF00  }
0xe2: {  	_ =	swait.ge [sflag:s31], $0x100  }
0xe3: {  	[sflag:s31] =	ssyncset.done $0x0  }
0xe4: {  	[sflag:s31] =	ssyncadd.s32 $0xFFFFFF00  }
0xe5: {  	_ =	swait.ge [sflag:s31], $0x100  }
0xe6: {  	[sflag:s31] =	ssyncset.done $0x0  }
0xe7: {  	[sflag:s31] =	ssyncadd.s32 $0xFFFFFF00  }
0xe8: {  	_ =	swait.ge [sflag:s31], $0x100  }
0xe9: {  	[sflag:s31] =	ssyncset.done $0x0  }
0xea: {  	[sflag:s31] =	ssyncadd.s32 $0xFFFFFF00  }
0xeb: {  	_ =	swait.ge [sflag:s31], $0x100  }
0xec: {  	[sflag:s31] =	ssyncset.done $0x0  }
0xed: {  	[sflag:s31] =	ssyncadd.s32 $0xFFFFFF00  }
0xee: {  	_ =	swait.ge [sflag:s31], $0x100  }
0xef: {  	[sflag:s31] =	ssyncset.done $0x0  }
0xf0: {  	[sflag:s31] =	ssyncadd.s32 $0xFFFFFF00  }
0xf1: {  	_ =	swait.ge [sflag:s31], $0x100  }
0xf2: {  	[sflag:s31] =	ssyncset.done $0x0  }
0xf3: {  	[sflag:s31] =	ssyncadd.s32 $0xFFFFFF00  }
0xf4: {  	_ =	swait.ge [sflag:s31], $0x100  }
0xf5: {  	[sflag:s31] =	ssyncset.done $0x0  }
0xf6: {  	[sflag:s31] =	ssyncadd.s32 $0xFFFFFF00  }
0xf7: {  	_ =	swait.ge [sflag:s31], $0x100  }
0xf8: {  	[sflag:s31] =	ssyncset.done $0x0  }
0xf9: {  	[sflag:s31] =	ssyncadd.s32 $0xFFFFFF00  }
0xfa: {  	_ =	swait.ge [sflag:s31], $0x100  }
0xfb: {  	[sflag:s31] =	ssyncset.done $0x0  }
0xfc: {  	[sflag:s31] =	ssyncadd.s32 $0xFFFFFF00  }
0xfd: {  	_ =	swait.ge [sflag:s31], $0x100  }
0xfe: {  	[sflag:s31] =	ssyncset.done $0x0  }
0xff: {  	[sflag:s31] =	ssyncadd.s32 $0xFFFFFF00  }
0x100: {  	_ =	swait.ge [sflag:s31], $0x100  }
0x101: {  	[sflag:s31] =	ssyncset.done $0x0  }
0x102: {  	[sflag:s31] =	ssyncadd.s32 $0xFFFFFF00  }
0x103: {  	_ =	swait.ge [sflag:s31], $0x100  }
0x104: {  	[sflag:s31] =	ssyncset.done $0x0  }
0x105: {  	[sflag:s31] =	ssyncadd.s32 $0xFFFFFF00  }
0x106: {  	_ =	swait.ge [sflag:s31], $0x100  }
0x107: {  	[sflag:s31] =	ssyncset.done $0x0  }
0x108: {  	[sflag:s31] =	ssyncadd.s32 $0xFFFFFF00  }
0x109: {  	_ =	swait.ge [sflag:s31], $0x100  }
0x10a: {  	[sflag:s31] =	ssyncset.done $0x0  }
0x10b: {  	[sflag:s31] =	ssyncadd.s32 $0xFFFFFF00  }
0x10c: {  	_ =	swait.ge [sflag:s31], $0x100  }
0x10d: {  	[sflag:s31] =	ssyncset.done $0x0  }
0x10e: {  	[sflag:s31] =	ssyncadd.s32 $0xFFFFFF00  }
0x10f: {  	_ =	swait.ge [sflag:s31], $0x100  }
0x110: {  	[sflag:s31] =	ssyncset.done $0x0  }
0x111: {  	[sflag:s31] =	ssyncadd.s32 $0xFFFFFF00  }
0x112: {  	_ =	swait.ge [sflag:s31], $0x100  }
0x113: {  	[sflag:s31] =	ssyncset.done $0x0  }
0x114: {  	[sflag:s31] =	ssyncadd.s32 $0xFFFFFF00  }
0x115: {  	_ =	swait.ge [sflag:s31], $0x100  }
0x116: {  	[sflag:s31] =	ssyncset.done $0x0  }
0x117: {  	[sflag:s31] =	ssyncadd.s32 $0xFFFFFF00  }
0x118: {  	_ =	swait.ge [sflag:s31], $0x100  }
0x119: {  	[sflag:s31] =	ssyncset.done $0x0  }
0x11a: {  	[sflag:s31] =	ssyncadd.s32 $0xFFFFFF00  }
0x11b: {  	_ =	swait.ge [sflag:s31], $0x100  }
0x11c: {  	[sflag:s31] =	ssyncset.done $0x0  }
0x11d: {  	[sflag:s31] =	ssyncadd.s32 $0xFFFFFF00  }
0x11e: {  	_ =	swait.ge [sflag:s31], $0x100  }
0x11f: {  	[sflag:s31] =	ssyncset.done $0x0  }
0x120: {  	[sflag:s31] =	ssyncadd.s32 $0xFFFFFF00  }
0x121: {  	_ =	swait.ge [sflag:s31], $0x100  }
0x122: {  	[sflag:s31] =	ssyncset.done $0x0  }
0x123: {  	[sflag:s31] =	ssyncadd.s32 $0xFFFFFF00  }
0x124: {  	_ =	swait.ge [sflag:s31], $0x100  }
0x125: {  	[sflag:s31] =	ssyncset.done $0x0  }
0x126: {  	[sflag:s31] =	ssyncadd.s32 $0xFFFFFF00  }
0x127: {  	s8 =	simm.s32 $0x0;
	_ =	swait.ge [sflag:s31], $0x100  }
0x128: {  	s9 =	sand.u32 $0x70, s2;
	s3 =	sand.u32 $0x3FFFFC00, s8;
	[sflag:s31] =	ssyncset.done $0x0  }
0x129: {  	s3 =	sor.u32 s9, s3;
	[sflag:s31] =	ssyncadd.s32 $0xFFFFFF00  }
0x12a: {  	v0 =	vld [tilespmem:s3+$0x180]  }
0x12b: {  	v1 =	vld [tilespmem:s3+$0x100]  }
0x12c: {  	v2 =	vld [tilespmem:s3+$0x80]  }
0x12d: {  	v3 =	vld [tilespmem:s3+$0x0];
	_ =	sdelay $0x2  }
0x12e: {  	v9 =	vimm.s32 $0x0;
	vm0 =	vlt.f32 v0, $-Inf;
	vm1 =	vgt.f32 v0, $-Inf  }
0x12f: {  	vm2 =	vlt.f32 v1, $-Inf;
	vm3 =	vgt.f32 v1, $-Inf;
	vm4 =	vlt.f32 v2, $-Inf  }
0x130: {  	vm5 =	vgt.f32 v2, $-Inf;
	vm6 =	vgt.f32 v3, $-Inf;
	vm0 =	vmor vm1, vm0  }
0x131: {  	vm1 =	vmor vm3, vm2;
	vm2 =	vmor vm5, vm4;
	v3 =	vnsel vm6, $0xFF800000, v3  }
0x132: {  	v4 =	vsel vm0, $0x3, v9;
	v6 =	vnsel vm0, $0xFF800000, v0;
	vm0 =	vgt.f32 v2, v3  }
0x133: {  	v5 =	vsel vm1, $0x2, v9;
	v8 =	vnsel vm2, $0xFF800000, v2;
	vm3 =	vmneg vm0  }
0x134: {  	v7 =	vnsel vm1, $0xFF800000, v1;
	vm1 =	vmand vm2, vm3;
	v8 =	vsel vm3, v8, v3  }
0x135: {  	v2 =	vsel vm3, v3, v2;
	v3 =	vsel vm1, $0x1, v9;
	vm1 =	vgt.f32 v1, v8  }
0x136: {  	v9 =	vsel vm0, $0x1, v9;
	vm0 =	vgt.f32 v1, v2;
	v5 =	vsel vm1, v3, v5  }
0x137: {  	v11 =	vld [tilespmem:s3+$0x200];
	v7 =	vsel vm1, v8, v7;
	v3 =	vsel vm1, $0x2, v3;
	v10 =	vsel vm0, $0x2, v9  }
0x138: {  	v8 =	vsel vm1, v1, v8;
	v1 =	vsel vm0, v1, v2;
	v3 =	vsel vm0, v9, v3  }
0x139: {  	vm1 =	vgt.f32 v0, v7;
	v2 =	vsel vm0, v2, v8;
	vm0 =	vgt.f32 v0, v1  }
0x13a: {  	v6 =	vsel vm1, v7, v6;
	v4 =	vsel vm1, v5, v4;
	v5 =	vsel vm1, $0x3, v5  }
0x13b: {  	vm2 =	vgt.f32 v0, v2;
	v7 =	vsel vm1, v0, v7;
	v8 =	vsel vm0, $0x3, v10  }
0x13c: {  	v9 =	vsel vm0, v0, v1;
	v5 =	vsel vm2, v3, v5;
	vm1 =	vgt.f32 v11, v6  }
0x13d: {  	v7 =	vsel vm2, v2, v7;
	v3 =	vsel vm2, $0x3, v3;
	vm3 =	vgt.f32 v11, v9  }
0x13e: {  	v0 =	vsel vm2, v0, v2;
	v4 =	vsel vm1, $0x4, v4;
	v6 =	vsel vm1, v11, v6  }
0x13f: {  	v2 =	vld [tilespmem:s3+$0x280];
	v12 =	vsel vm3, $0x4, v8;
	v3 =	vsel vm0, v10, v3;
	vm1 =	vgt.f32 v11, v7  }
0x140: {  	v0 =	vsel vm0, v1, v0;
	v1 =	vsel vm1, v5, v4;
	v4 =	vsel vm3, v11, v9  }
0x141: {  	v6 =	vsel vm1, v7, v6;
	v5 =	vsel vm1, $0x4, v5;
	vm2 =	vgt.f32 v11, v0  }
0x142: {  	v10 =	vld [tilespmem:s3+$0x300];
	v7 =	vsel vm1, v11, v7;
	v5 =	vsel vm2, v3, v5;
	v3 =	vsel vm2, $0x4, v3  }
0x143: {  	v7 =	vsel vm2, v0, v7;
	v0 =	vsel vm2, v11, v0;
	v3 =	vsel vm3, v8, v3  }
0x144: {  	v0 =	vsel vm3, v9, v0;
	vm0 =	vgt.f32 v2, v4;
	vm1 =	vgt.f32 v2, v6  }
0x145: {  	vm3 =	vgt.f32 v2, v0;
	v13 =	vsel vm0, $0x5, v12;
	v11 =	vsel vm0, v2, v4  }
0x146: {  	v8 =	vld [tilespmem:s3+$0x380];
	v6 =	vsel vm1, v2, v6;
	v1 =	vsel vm1, $0x5, v1;
	vm1 =	vgt.f32 v2, v7  }
0x147: {  	vm2 =	vgt.f32 v10, v11;
	v6 =	vsel vm1, v7, v6;
	v1 =	vsel vm1, v5, v1  }
0x148: {  	v5 =	vsel vm1, $0x5, v5;
	v7 =	vsel vm1, v2, v7;
	v9 =	vsel vm2, $0x6, v13  }
0x149: {  	v5 =	vsel vm3, v3, v5;
	vm4 =	vgt.f32 v10, v6;
	v14 =	vsel vm2, v10, v11  }
0x14a: {  	v15 =	vld [tilespmem:s3+$0x800];
	v7 =	vsel vm3, v0, v7;
	v3 =	vsel vm3, $0x5, v3;
	v0 =	vsel vm3, v2, v0  }
0x14b: {  	vm1 =	vgt.f32 v8, v14;
	v2 =	vsel vm4, v10, v6;
	v1 =	vsel vm4, $0x6, v1  }
0x14c: {  	v3 =	vsel vm0, v12, v3;
	vm3 =	vgt.f32 v10, v7;
	v0 =	vsel vm0, v4, v0  }
0x14d: {  	v6 =	vsel vm1, $0x7, v9;
	v1 =	vsel vm3, v5, v1;
	v4 =	vsel vm1, v8, v14  }
0x14e: {  	v2 =	vsel vm3, v7, v2;
	v5 =	vsel vm3, $0x6, v5;
	vm4 =	vgt.f32 v10, v0  }
0x14f: {  	v7 =	vsel vm3, v10, v7;
	vm0 =	vgt.f32 v15, v4;
	v5 =	vsel vm4, v3, v5  }
0x150: {  	v12 =	vld [tilespmem:s3+$0x880];
	vm3 =	vgt.f32 v8, v2;
	v7 =	vsel vm4, v0, v7;
	v3 =	vsel vm4, $0x6, v3  }
0x151: {  	v0 =	vsel vm4, v10, v0;
	v16 =	vsel vm0, $0x8, v6;
	v1 =	vsel vm3, $0x7, v1  }
0x152: {  	v10 =	vsel vm0, v15, v4;
	v3 =	vsel vm2, v13, v3;
	vm4 =	vgt.f32 v8, v7  }
0x153: {  	v2 =	vsel vm3, v8, v2;
	v0 =	vsel vm2, v11, v0;
	v1 =	vsel vm4, v5, v1  }
0x154: {  	v2 =	vsel vm4, v7, v2;
	v5 =	vsel vm4, $0x7, v5;
	vm2 =	vgt.f32 v8, v0  }
0x155: {  	v7 =	vsel vm4, v8, v7;
	vm3 =	vgt.f32 v12, v10;
	v5 =	vsel vm2, v3, v5  }
0x156: {  	v13 =	vld [tilespmem:s3+$0x900];
	v3 =	vsel vm2, $0x7, v3;
	vm4 =	vgt.f32 v15, v2;
	v7 =	vsel vm2, v0, v7  }
0x157: {  	v0 =	vsel vm2, v8, v0;
	v11 =	vsel vm3, $0x9, v16;
	v17 =	vsel vm3, v12, v10  }
0x158: {  	v2 =	vsel vm4, v15, v2;
	v1 =	vsel vm4, $0x8, v1;
	vm4 =	vgt.f32 v15, v7  }
0x159: {  	v3 =	vsel vm1, v9, v3;
	v0 =	vsel vm1, v14, v0;
	v1 =	vsel vm4, v5, v1  }
0x15a: {  	v8 =	vld [tilespmem:s3+$0x980];
	v5 =	vsel vm4, $0x8, v5;
	vm5 =	vgt.f32 v15, v0;
	v2 =	vsel vm4, v7, v2  }
0x15b: {  	v7 =	vsel vm4, v15, v7;
	vm2 =	vgt.f32 v13, v17;
	v5 =	vsel vm5, v3, v5  }
0x15c: {  	vm4 =	vgt.f32 v12, v2;
	v7 =	vsel vm5, v0, v7;
	v3 =	vsel vm5, $0x8, v3  }
0x15d: {  	v0 =	vsel vm5, v15, v0;
	v18 =	vsel vm2, $0xA, v11;
	v9 =	vsel vm2, v13, v17  }
0x15e: {  	v1 =	vsel vm4, $0x9, v1;
	v3 =	vsel vm0, v6, v3;
	vm5 =	vgt.f32 v12, v7  }
0x15f: {  	v14 =	vld [tilespmem:s3+$0xA00];
	v2 =	vsel vm4, v12, v2;
	v0 =	vsel vm0, v4, v0;
	vm1 =	vgt.f32 v8, v9  }
0x160: {  	v1 =	vsel vm5, v5, v1;
	v2 =	vsel vm5, v7, v2;
	v4 =	vsel vm5, $0x9, v5  }
0x161: {  	vm4 =	vgt.f32 v12, v0;
	v7 =	vsel vm5, v12, v7;
	v19 =	vsel vm1, $0xB, v18  }
0x162: {  	v15 =	vsel vm1, v8, v9;
	v4 =	vsel vm4, v3, v4;
	v3 =	vsel vm4, $0x9, v3  }
0x163: {  	v6 =	vld [tilespmem:s3+$0xA80];
	vm5 =	vgt.f32 v13, v2;
	v7 =	vsel vm4, v0, v7;
	v0 =	vsel vm4, v12, v0  }
0x164: {  	vm0 =	vgt.f32 v14, v15;
	v2 =	vsel vm5, v13, v2;
	v1 =	vsel vm5, $0xA, v1  }
0x165: {  	v3 =	vsel vm3, v16, v3;
	vm4 =	vgt.f32 v13, v7;
	v0 =	vsel vm3, v10, v0  }
0x166: {  	v5 =	vsel vm0, $0xC, v19;
	v23 =	vsel vm0, v14, v15;
	v1 =	vsel vm4, v4, v1  }
0x167: {  	v12 =	vld [tilespmem:s3+$0xB00];
	v4 =	vsel vm4, $0xA, v4;
	vm3 =	vgt.f32 v13, v0;
	v2 =	vsel vm4, v7, v2  }
0x168: {  	v7 =	vsel vm4, v13, v7;
	vm6 =	vgt.f32 v6, v23;
	v4 =	vsel vm3, v3, v4  }
0x169: {  	vm4 =	vgt.f32 v8, v2;
	v7 =	vsel vm3, v0, v7;
	v3 =	vsel vm3, $0xA, v3  }
0x16a: {  	v0 =	vsel vm3, v13, v0;
	v24 =	vsel vm6, $0xD, v5;
	v25 =	vsel vm6, v6, v23  }
0x16b: {  	v1 =	vsel vm4, $0xB, v1;
	v3 =	vsel vm2, v11, v3;
	vm3 =	vgt.f32 v8, v7  }
0x16c: {  	v26 =	vld [tilespmem:s3+$0xB80];
	v2 =	vsel vm4, v8, v2;
	v0 =	vsel vm2, v17, v0;
	vm5 =	vgt.f32 v12, v25  }
0x16d: {  	v1 =	vsel vm3, v4, v1;
	v2 =	vsel vm3, v7, v2;
	v4 =	vsel vm3, $0xB, v4  }
0x16e: {  	vm2 =	vgt.f32 v8, v0;
	v7 =	vsel vm3, v8, v7;
	v27 =	vsel vm5, $0xE, v24  }
0x16f: {  	v13 =	vsel vm5, v12, v25;
	v7 =	vsel vm2, v0, v7;
	v4 =	vsel vm2, v3, v4  }
0x170: {  	v11 =	vld [tilespmem:s3+$0x1000];
	vm7 =	vgt.f32 v14, v2;
	v0 =	vsel vm2, v8, v0;
	v3 =	vsel vm2, $0xB, v3  }
0x171: {  	vm4 =	vgt.f32 v26, v13;
	v2 =	vsel vm7, v14, v2;
	v1 =	vsel vm7, $0xC, v1  }
0x172: {  	v8 =	vsel vm1, v18, v3;
	vm2 =	vgt.f32 v14, v7;
	v0 =	vsel vm1, v9, v0  }
0x173: {  	v17 =	vsel vm4, $0xF, v27;
	v30 =	vsel vm4, v26, v13;
	v2 =	vsel vm2, v7, v2  }
0x174: {  	v32 =	vld [tilespmem:s3+$0x1080];
	v1 =	vsel vm2, v4, v1;
	vm7 =	vgt.f32 v14, v0;
	v4 =	vsel vm2, $0xC, v4  }
0x175: {  	v7 =	vsel vm2, v14, v7;
	vm3 =	vgt.f32 v11, v30;
	v4 =	vsel vm7, v8, v4  }
0x176: {  	vm2 =	vgt.f32 v6, v2;
	v7 =	vsel vm7, v0, v7;
	v8 =	vsel vm7, $0xC, v8  }
0x177: {  	v0 =	vsel vm7, v14, v0;
	v33 =	vsel vm3, $0x10, v17;
	v35 =	vsel vm3, v11, v30  }
0x178: {  	v1 =	vsel vm2, $0xD, v1;
	v8 =	vsel vm0, v19, v8;
	vm7 =	vgt.f32 v6, v7  }
0x179: {  	v3 =	vld [tilespmem:s3+$0x1100];
	v2 =	vsel vm2, v6, v2;
	v0 =	vsel vm0, v15, v0;
	vm1 =	vgt.f32 v32, v35  }
0x17a: {  	v9 =	vsel vm7, v4, v1;
	v2 =	vsel vm7, v7, v2;
	v1 =	vsel vm7, $0xD, v4  }
0x17b: {  	vm0 =	vgt.f32 v6, v0;
	v4 =	vsel vm7, v6, v7;
	v21 =	vsel vm1, $0x11, v33  }
0x17c: {  	v16 =	vsel vm1, v32, v35;
	v4 =	vsel vm0, v0, v4;
	v7 =	vsel vm0, v8, v1  }
0x17d: {  	v20 =	vld [tilespmem:s3+$0x1180];
	vm7 =	vgt.f32 v12, v2;
	v0 =	vsel vm0, v6, v0;
	v6 =	vsel vm0, $0xD, v8  }
0x17e: {  	vm2 =	vgt.f32 v3, v16;
	v8 =	vsel vm7, v12, v2;
	v9 =	vsel vm7, $0xE, v9  }
0x17f: {  	v5 =	vsel vm6, v5, v6;
	vm7 =	vgt.f32 v12, v4;
	v0 =	vsel vm6, v23, v0  }
0x180: {  	v10 =	vsel vm2, $0x12, v21;
	v22 =	vsel vm2, v3, v16;
	v6 =	vsel vm7, v4, v8  }
0x181: {  	v1 =	vld [tilespmem:s3+$0x1200];
	v8 =	vsel vm7, v7, v9;
	vm8 =	vgt.f32 v12, v0;
	v7 =	vsel vm7, $0xE, v7  }
0x182: {  	v9 =	vsel vm7, v12, v4;
	vm0 =	vgt.f32 v20, v22;
	v7 =	vsel vm8, v5, v7  }
0x183: {  	vm7 =	vgt.f32 v26, v6;
	v9 =	vsel vm8, v0, v9;
	v14 =	vsel vm8, $0xE, v5  }
0x184: {  	v0 =	vsel vm8, v12, v0;
	v2 =	vsel vm0, $0x13, v10;
	v28 =	vsel vm0, v20, v22  }
0x185: {  	v8 =	vsel vm7, $0xF, v8;
	v12 =	vsel vm5, v24, v14;
	vm8 =	vgt.f32 v26, v9  }
0x186: {  	v4 =	vld [tilespmem:s3+$0x1280];
	v14 =	vsel vm7, v26, v6;
	v15 =	vsel vm5, v25, v0;
	vm6 =	vgt.f32 v1, v28  }
0x187: {  	v8 =	vsel vm8, v7, v8;
	v14 =	vsel vm8, v9, v14;
	v7 =	vsel vm8, $0xF, v7  }
0x188: {  	vm5 =	vgt.f32 v26, v15;
	v9 =	vsel vm8, v26, v9;
	v5 =	vsel vm6, $0x14, v2  }
0x189: {  	v34 =	vsel vm6, v1, v28;
	v18 =	vsel vm5, v15, v9;
	v19 =	vsel vm5, v12, v7  }
0x18a: {  	v6 =	vld [tilespmem:s3+$0x1300];
	vm7 =	vgt.f32 v11, v14;
	v15 =	vsel vm5, v26, v15;
	v9 =	vsel vm5, $0xF, v12  }
0x18b: {  	vm10 =	vgt.f32 v4, v34;
	vm5 =	vgt.f32 v11, v18;
	v12 =	vsel vm7, v11, v14  }
0x18c: {  	v8 =	vsel vm7, $0x10, v8;
	v14 =	vsel vm4, v27, v9;
	v13 =	vsel vm4, v13, v15  }
0x18d: {  	v0 =	vsel vm10, $0x15, v5;
	v31 =	vsel vm10, v4, v34;
	v12 =	vsel vm5, v18, v12  }
0x18e: {  	v7 =	vld [tilespmem:s3+$0x1380];
	v15 =	vsel vm5, v19, v8;
	vm4 =	vgt.f32 v11, v13;
	v19 =	vsel vm5, $0x10, v19  }
0x18f: {  	v18 =	vsel vm5, v11, v18;
	vm9 =	vgt.f32 v6, v31;
	v19 =	vsel vm4, v14, v19  }
0x190: {  	vm5 =	vgt.f32 v32, v12;
	v18 =	vsel vm4, v13, v18;
	v14 =	vsel vm4, $0x10, v14  }
0x191: {  	v13 =	vsel vm4, v11, v13;
	v9 =	vsel vm9, v6, v31;
	v29 =	vsel vm9, $0x16, v0  }
0x192: {  	v15 =	vsel vm5, $0x11, v15;
	v14 =	vsel vm3, v17, v14;
	vm4 =	vgt.f32 v32, v18  }
0x193: {  	v8 =	vld [tilespmem:s3+$0x1800];
	v12 =	vsel vm5, v32, v12;
	v13 =	vsel vm3, v30, v13;
	vm8 =	vgt.f32 v7, v9  }
0x194: {  	v15 =	vsel vm4, v19, v15;
	v23 =	vsel vm4, v18, v12;
	v17 =	vsel vm4, v32, v18  }
0x195: {  	v18 =	vsel vm4, $0x11, v19;
	vm3 =	vgt.f32 v32, v13;
	v25 =	vsel vm8, $0x17, v29  }
0x196: {  	v24 =	vsel vm8, v7, v9;
	v26 =	vsel vm3, v13, v17;
	v27 =	vsel vm3, v14, v18  }
0x197: {  	v11 =	vld [tilespmem:s3+$0x1880];
	vm4 =	vgt.f32 v3, v23;
	v30 =	vsel vm3, v32, v13;
	v13 =	vsel vm3, $0x11, v14  }
0x198: {  	vm5 =	vgt.f32 v8, v24;
	vm3 =	vgt.f32 v3, v26;
	v14 =	vsel vm4, v3, v23  }
0x199: {  	v15 =	vsel vm4, $0x12, v15;
	v23 =	vsel vm1, v33, v13;
	v30 =	vsel vm1, v35, v30  }
0x19a: {  	v12 =	vsel vm5, v8, v24;
	v51 =	vsel vm3, v26, v14;
	v52 =	vsel vm3, v27, v15  }
0x19b: {  	vm4 =	vgt.f32 v3, v30;
	v15 =	vsel vm3, v3, v26;
	v26 =	vsel vm3, $0x12, v27  }
0x19c: {  	v17 =	vld [tilespmem:s3+$0x1900];
	v19 =	vsel vm5, $0x18, v25;
	vm7 =	vgt.f32 v11, v12;
	v26 =	vsel vm4, v23, v26  }
0x19d: {  	vm3 =	vgt.f32 v20, v51;
	v27 =	vsel vm4, v30, v15;
	v53 =	vsel vm4, $0x12, v23  }
0x19e: {  	v30 =	vsel vm4, v3, v30;
	v18 =	vsel vm7, v11, v12;
	v13 =	vsel vm7, $0x19, v19  }
0x19f: {  	v33 =	vsel vm3, $0x13, v52;
	v21 =	vsel vm2, v21, v53;
	vm4 =	vgt.f32 v20, v27  }
0x1a0: {  	v14 =	vld [tilespmem:s3+$0x1980];
	v32 =	vsel vm3, v20, v51;
	v30 =	vsel vm2, v16, v30;
	v16 =	vimm.s32 $0x0  }
0x1a1: {  	vm1 =	vgt.f32 v17, v18;
	v33 =	vsel vm4, v26, v33;
	v32 =	vsel vm4, v27, v32  }
0x1a2: {  	v27 =	vsel vm4, v20, v27;
	v54 =	vsel vm4, $0x13, v26;
	vm2 =	vgt.f32 v20, v30  }
0x1a3: {  	v3 =	vld [tilespmem:s3+$0x1A00];
	v15 =	vsel vm1, $0x1A, v13;
	v23 =	vsel vm1, v17, v18;
	v36 =	vsel vm2, v30, v27  }
0x1a4: {  	v35 =	vsel vm2, v21, v54;
	v30 =	vsel vm2, v20, v30;
	v20 =	vsel vm2, $0x13, v21  }
0x1a5: {  	v27 =	vimm.s32 $0x0;
	vm3 =	vgt.f32 v14, v23;
	vm2 =	vgt.f32 v1, v36  }
0x1a6: {  	v37 =	vsel vm0, v10, v20;
	v30 =	vsel vm0, v22, v30;
	v16 =	vsel vm3, $0xFFFFFFFF, v16  }
0x1a7: {  	v26 =	vsel vm3, v14, v23;
	vm0 =	vgt.f32 v1, v30;
	v22 =	vsel vm2, v1, v36  }
0x1a8: {  	[tilespmem:$0x1FA80] =	vst v16;
	v16 =	vsel vm3, $0x1B, v15;
	vm3 =	vgt.f32 v1, v32;
	vm12 =	vgt.f32 v3, v26  }
0x1a9: {  	v32 =	vsel vm3, v1, v32;
	v33 =	vsel vm3, $0x14, v33;
	v51 =	vsel vm12, v3, v26  }
0x1aa: {  	v20 =	vsel vm12, $0x1C, v16;
	v32 =	vsel vm2, v36, v32;
	v33 =	vsel vm2, v35, v33  }
0x1ab: {  	v21 =	vld [tilespmem:s3+$0x1A80];
	v35 =	vsel vm2, $0x14, v35;
	v36 =	vsel vm0, v30, v22;
	v30 =	vsel vm0, v1, v30  }
0x1ac: {  	v35 =	vsel vm0, v37, v35;
	vm2 =	vgt.f32 v4, v32;
	v37 =	vsel vm0, $0x14, v37  }
0x1ad: {  	vm0 =	vgt.f32 v4, v36;
	v30 =	vsel vm6, v28, v30;
	v33 =	vsel vm2, $0x15, v33  }
0x1ae: {  	v10 =	vld [tilespmem:s3+$0x1B00];
	v37 =	vsel vm6, v2, v37;
	v32 =	vsel vm2, v4, v32;
	v2 =	vimm.s32 $0x0  }
0x1af: {  	v33 =	vsel vm0, v35, v33;
	v38 =	vsel vm0, v36, v32;
	v36 =	vsel vm0, v4, v36  }
0x1b0: {  	v35 =	vsel vm0, $0x15, v35;
	vm0 =	vgt.f32 v4, v30;
	vm3 =	vgt.f32 v21, v51  }
0x1b1: {  	v36 =	vsel vm0, v30, v36;
	v35 =	vsel vm0, v37, v35;
	v39 =	vsel vm0, v4, v30  }
0x1b2: {  	v55 =	vsel vm0, $0x15, v37;
	v27 =	vsel vm3, $0xFFFFFFFF, v27;
	v1 =	vsel vm3, v21, v51  }
0x1b3: {  	v22 =	vsel vm3, $0x1D, v20;
	vm3 =	vgt.f32 v6, v36;
	vm2 =	vgt.f32 v10, v1  }
0x1b4: {  	v40 =	vsel vm10, v5, v55;
	v39 =	vsel vm10, v34, v39;
	v2 =	vsel vm2, $0xFFFFFFFF, v2  }
0x1b5: {  	v32 =	vsel vm2, v10, v1;
	v28 =	vsel vm2, $0x1E, v22;
	vm2 =	vgt.f32 v6, v38  }
0x1b6: {  	[tilespmem:$0x1FA90] =	vst v27;
	v58 =	vsel vm3, v6, v36;
	v56 =	vsel vm2, v6, v38;
	v57 =	vsel vm2, $0x16, v33  }
0x1b7: {  	v27 =	vld [tilespmem:s3+$0x1B80];
	vm2 =	vgt.f32 v6, v39;
	v37 =	vsel vm3, v36, v56;
	v38 =	vsel vm3, v35, v57  }
0x1b8: {  	v35 =	vsel vm3, $0x16, v35;
	v41 =	vsel vm2, v39, v58;
	v39 =	vsel vm2, v6, v39  }
0x1b9: {  	v59 =	vsel vm2, v40, v35;
	vm3 =	vgt.f32 v7, v37;
	v40 =	vsel vm2, $0x16, v40  }
0x1ba: {  	vm6 =	vgt.f32 v7, v41;
	v39 =	vsel vm9, v31, v39;
	v38 =	vsel vm3, $0x17, v38  }
0x1bb: {  	[tilespmem:$0x1FAA0] =	vst v2;
	v2 =	vld [tilespmem:$0x1FA80];
	v0 =	vsel vm9, v0, v40;
	v37 =	vsel vm3, v7, v37;
	v60 =	vsel vm6, v7, v41  }
0x1bc: {  	v4 =	vld [tilespmem:s3+$0x2000];
	v61 =	vsel vm6, $0x17, v59;
	vm3 =	vgt.f32 v7, v39;
	vm14 =	vgt.f32 v27, v32  }
0x1bd: {  	v38 =	vsel vm6, v59, v38;
	v37 =	vsel vm6, v41, v37;
	v40 =	vsel vm3, v39, v60  }
0x1be: {  	v41 =	vsel vm3, v0, v61;
	v39 =	vsel vm3, v7, v39;
	v0 =	vsel vm3, $0x17, v0  }
0x1bf: {  	v33 =	vsel vm14, v27, v32;
	v30 =	vsel vm14, $0x1F, v28;
	vm6 =	vgt.f32 v8, v37  }
0x1c0: {  	vm3 =	vgt.f32 v8, v40;
	v0 =	vsel vm8, v29, v0;
	v39 =	vsel vm8, v9, v39  }
0x1c1: {  	v5 =	vld [tilespmem:s3+$0x2080];
	vm0 =	vnez.u8 v2;
	vm4 =	vgt.f32 v4, v33;
	v42 =	vsel vm6, v8, v37  }
0x1c2: {  	v43 =	vsel vm6, $0x18, v38;
	vm6 =	vgt.f32 v8, v39;
	v62 =	vsel vm3, v8, v40  }
0x1c3: {  	v63 =	vsel vm3, $0x18, v41;
	v34 =	vsel vm4, $0x20, v30;
	v35 =	vsel vm4, v4, v33  }
0x1c4: {  	v6 =	vld [tilespmem:s3+$0x2100];
	v42 =	vsel vm3, v40, v42;
	v43 =	vsel vm3, v41, v43;
	v41 =	vsel vm6, v0, v63  }
0x1c5: {  	v44 =	vsel vm6, v39, v62;
	v0 =	vsel vm6, $0x18, v0;
	v39 =	vsel vm6, v8, v39  }
0x1c6: {  	vm2 =	vgt.f32 v5, v35;
	vm3 =	vgt.f32 v11, v42;
	v0 =	vsel vm5, v25, v0  }
0x1c7: {  	vm6 =	vgt.f32 v11, v44;
	v24 =	vsel vm5, v24, v39;
	v31 =	vsel vm2, v5, v35  }
0x1c8: {  	v7 =	vld [tilespmem:s3+$0x2180];
	v36 =	vsel vm2, $0x21, v34;
	v43 =	vsel vm3, $0x19, v43;
	v25 =	vsel vm3, v11, v42  }
0x1c9: {  	vm3 =	vgt.f32 v11, v24;
	vm11 =	vgt.f32 v6, v31;
	v43 =	vsel vm6, v41, v43  }
0x1ca: {  	v25 =	vsel vm6, v44, v25;
	v44 =	vsel vm6, v11, v44;
	v41 =	vsel vm6, $0x19, v41  }
0x1cb: {  	v38 =	vsel vm11, v6, v31;
	v37 =	vsel vm11, $0x22, v36;
	v44 =	vsel vm3, v24, v44  }
0x1cc: {  	v45 =	vsel vm3, v0, v41;
	vm5 =	vgt.f32 v17, v25;
	v24 =	vsel vm3, v11, v24  }
0x1cd: {  	v0 =	vsel vm3, $0x19, v0;
	vm15 =	vgt.f32 v7, v38;
	vm6 =	vgt.f32 v17, v44  }
0x1ce: {  	v25 =	vsel vm5, v17, v25;
	v46 =	vsel vm5, $0x1A, v43;
	v0 =	vsel vm7, v19, v0  }
0x1cf: {  	v9 =	vld [tilespmem:s3+$0x2200];
	v19 =	vsel vm7, v12, v24;
	v29 =	vsel vm15, $0x23, v37;
	v40 =	vsel vm15, v7, v38  }
0x1d0: {  	v24 =	vsel vm6, v44, v25;
	v25 =	vsel vm6, v45, v46;
	vm5 =	vgt.f32 v17, v19  }
0x1d1: {  	v44 =	vsel vm6, v17, v44;
	v12 =	vsel vm6, $0x1A, v45;
	v17 =	vsel vm5, v17, v19  }
0x1d2: {  	v8 =	vld [tilespmem:s3+$0x2280];
	v45 =	vsel vm5, v0, v12;
	vm6 =	vgt.f32 v14, v24;
	v17 =	vsel vm1, v18, v17  }
0x1d3: {  	v19 =	vsel vm5, v19, v44;
	v0 =	vsel vm5, $0x1A, v0;
	vm5 =	vgt.f32 v14, v17  }
0x1d4: {  	vm9 =	vgt.f32 v9, v40;
	v18 =	vsel vm6, $0x1B, v25;
	v25 =	vsel vm5, v14, v17  }
0x1d5: {  	v2 =	vld [tilespmem:$0x1FA90];
	v42 =	vsel vm9, v9, v40;
	v0 =	vsel vm1, v13, v0;
	v47 =	vsel vm0, v23, v25  }
0x1d6: {  	vm1 =	vgt.f32 v14, v19;
	v13 =	vsel vm6, v14, v24;
	vm7 =	vgt.f32 v3, v47  }
0x1d7: {  	vm3 =	vgt.f32 v8, v42;
	v18 =	vsel vm1, v45, v18;
	v24 =	vsel vm7, v3, v47  }
0x1d8: {  	v11 =	vld [tilespmem:s3+$0x2300];
	v14 =	vsel vm1, v14, v19;
	v25 =	vsel vm1, $0x1B, v45;
	v45 =	vsel vm12, v26, v24  }
0x1d9: {  	v23 =	vsel vm1, v19, v13;
	v19 =	vsel vm5, $0x1B, v0;
	vm10 =	vgt.f32 v21, v45  }
0x1da: {  	v12 =	vld [tilespmem:s3+$0x2380];
	vm1 =	vnez.u8 v2;
	v49 =	vsel vm0, v15, v19;
	v15 =	vsel vm10, v21, v45  }
0x1db: {  	v43 =	vsel vm3, v8, v42;
	v14 =	vsel vm5, v17, v14;
	v51 =	vsel vm1, v51, v15  }
0x1dc: {  	v13 =	vld [tilespmem:s3+$0x2800];
	v2 =	vimm.s32 $0x0;
	v15 =	vsel vm5, v0, v25;
	vm5 =	vgt.f32 v10, v51  }
0x1dd: {  	v39 =	vsel vm9, $0x24, v29;
	vm13 =	vgt.f32 v11, v43;
	v2 =	vsel vm5, $0xFFFFFFFF, v2  }
0x1de: {  	v41 =	vsel vm3, $0x25, v39;
	v46 =	vsel vm13, v11, v43;
	[tilespmem:$0x1FAB0] =	vst v2;
	v2 =	vld [tilespmem:$0x1FAA0]  }
0x1df: {  	v44 =	vsel vm13, $0x26, v41;
	vm0 =	vgt.f32 v3, v23;
	vm8 =	vgt.f32 v12, v46  }
0x1e0: {  	v48 =	vsel vm8, $0x27, v44;
	v50 =	vsel vm8, v12, v46;
	v0 =	vsel vm7, $0x1C, v49  }
0x1e1: {  	v26 =	vimm.s32 $0x0;
	v52 =	vsel vm12, v16, v0;
	vm12 =	vgt.f32 v13, v50  }
0x1e2: {  	v16 =	vsel vm0, v3, v23;
	v0 =	vsel vm5, v10, v51;
	v54 =	vsel vm12, v13, v50  }
0x1e3: {  	v55 =	vsel vm12, $0x28, v48;
	vm6 =	vnez.u8 v2;
	v2 =	vimm.s32 $0x0  }
0x1e4: {  	v53 =	vsel vm6, v1, v0;
	v0 =	vsel vm10, $0x1D, v52;
	v1 =	vsel vm0, $0x1C, v18  }
0x1e5: {  	vm0 =	vgt.f32 v27, v53;
	v24 =	vsel vm1, v20, v0;
	vm1 =	vgt.f32 v3, v14  }
0x1e6: {  	v0 =	vsel vm0, v27, v53;
	v2 =	vsel vm0, $0xFFFFFFFF, v2;
	v57 =	vsel vm1, v15, v1  }
0x1e7: {  	[tilespmem:$0x1FAC0] =	vst v2;
	v56 =	vsel vm14, v32, v0;
	v0 =	vsel vm5, $0x1E, v24;
	v32 =	vsel vm1, v14, v16  }
0x1e8: {  	v2 =	vimm.s32 $0x0;
	v20 =	vld [tilespmem:s3+$0x2880];
	v0 =	vsel vm6, v22, v0;
	vm5 =	vgt.f32 v4, v56  }
0x1e9: {  	[tilespmem:$0x1FB20] =	vst v0;
	v2 =	vsel vm5, $0xFFFFFFFF, v2;
	v1 =	vsel vm5, v4, v56;
	v16 =	vsel vm0, $0x1F, v0  }
0x1ea: {  	v58 =	vsel vm1, v3, v14;
	[tilespmem:$0x1FAD0] =	vst v2;
	v59 =	vsel vm4, v33, v1;
	v0 =	vsel vm14, v28, v16  }
0x1eb: {  	v33 =	vsel vm1, $0x1C, v15;
	v1 =	vimm.s32 $0x0;
	v19 =	vld [tilespmem:s3+$0x2900];
	vm0 =	vgt.f32 v5, v59  }
0x1ec: {  	v58 =	vsel vm7, v47, v58;
	[tilespmem:$0x1FB30] =	vst v0;
	v49 =	vsel vm7, v49, v33;
	v1 =	vsel vm0, $0xFFFFFFFF, v1  }
0x1ed: {  	v17 =	vld [tilespmem:s3+$0x2980];
	v3 =	vsel vm0, v5, v59;
	[tilespmem:$0x1FAE0] =	vst v1;
	v1 =	vsel vm5, $0x20, v0;
	vm5 =	vgt.f32 v20, v54  }
0x1ee: {  	v61 =	vsel vm2, v35, v3;
	v0 =	vsel vm4, v30, v1;
	v60 =	vsel vm5, v20, v54  }
0x1ef: {  	v35 =	vsel vm5, $0x29, v55;
	[tilespmem:$0x1FB60] =	vst v0;
	v1 =	vsel vm0, $0x21, v0;
	vm0 =	vgt.f32 v6, v61  }
0x1f0: {  	v16 =	vld [tilespmem:s3+$0x2A00];
	vm4 =	vgt.f32 v19, v60;
	v0 =	vsel vm2, v34, v1;
	v1 =	vimm.s32 $0x0  }
0x1f1: {  	[tilespmem:$0x1FB80] =	vst v0;
	v1 =	vsel vm0, $0xFFFFFFFF, v1;
	v34 =	vsel vm4, v19, v60;
	v3 =	vsel vm0, $0x22, v0  }
0x1f2: {  	v0 =	vimm.s32 $0x0;
	v63 =	vsel vm4, $0x2A, v35;
	[tilespmem:$0x1FAF0] =	vst v1;
	v1 =	vsel vm0, v6, v61  }
0x1f3: {  	v2 =	vsel vm11, v36, v3;
	vm2 =	vgt.f32 v17, v34;
	v15 =	vld [tilespmem:s3+$0x2A80];
	v62 =	vsel vm11, v31, v1  }
0x1f4: {  	v3 =	vimm.s32 $0x0;
	v36 =	vsel vm2, v17, v34;
	vm0 =	vgt.f32 v7, v62  }
0x1f5: {  	[tilespmem:$0x1FBB0] =	vst v2;
	v0 =	vsel vm0, $0xFFFFFFFF, v0;
	v18 =	vsel vm0, v7, v62;
	vm1 =	vgt.f32 v16, v36  }
0x1f6: {  	v14 =	vld [tilespmem:s3+$0x2B00];
	[tilespmem:$0x1FB10] =	vst v0;
	v0 =	vsel vm1, v16, v36;
	v1 =	vsel vm15, v38, v18;
	v18 =	vsel vm0, $0x23, v2  }
0x1f7: {  	v38 =	vsel vm2, $0x2B, v63;
	v2 =	vimm.s32 $0x0;
	v25 =	vsel vm15, v37, v18  }
0x1f8: {  	v23 =	vld [tilespmem:s3+$0x2B80];
	v31 =	vsel vm1, $0x2C, v38;
	vm6 =	vgt.f32 v9, v1;
	vm0 =	vgt.f32 v15, v0  }
0x1f9: {  	v2 =	vsel vm6, $0xFFFFFFFF, v2;
	v18 =	vsel vm6, v9, v1;
	v30 =	vsel vm0, v15, v0  }
0x1fa: {  	[tilespmem:$0x1FB40] =	vst v2;
	v2 =	vsel vm0, $0x2D, v31;
	v37 =	vsel vm9, v40, v18;
	v18 =	vsel vm6, $0x24, v25  }
0x1fb: {  	[tilespmem:$0x1FBD0] =	vst v25;
	v25 =	vimm.s32 $0x0;
	vm15 =	vgt.f32 v14, v30;
	vm6 =	vgt.f32 v8, v37  }
0x1fc: {  	v28 =	vsel vm9, v29, v18;
	vm9 =	vgt.f32 v21, v58;
	v22 =	vsel vm15, v14, v30  }
0x1fd: {  	v3 =	vsel vm15, $0xFFFFFFFF, v3;
	v40 =	vsel vm6, v8, v37;
	vm14 =	vgt.f32 v23, v22  }
0x1fe: {  	v47 =	vsel vm6, $0x25, v28;
	[tilespmem:$0x1FB00] =	vst v3;
	v3 =	vsel vm15, $0x2E, v2;
	v25 =	vsel vm14, $0xFFFFFFFF, v25  }
0x1ff: {  	v29 =	vsel vm3, v42, v40;
	v47 =	vsel vm3, v39, v47;
	[tilespmem:$0x1FB50] =	vst v25;
	v25 =	vimm.s32 $0x0  }
0x200: {  	vm3 =	vgt.f32 v21, v32;
	v18 =	vsel vm14, $0x2F, v3;
	v25 =	vsel vm6, $0xFFFFFFFF, v25  }
0x201: {  	vm15 =	vgt.f32 v11, v29;
	v40 =	vshll.u32 v18, $0x8;
	[tilespmem:$0x1FB70] =	vst v25;
	v25 =	vlaneseq.u32  }
0x202: {  	v26 =	vsel vm15, $0xFFFFFFFF, v26;
	v33 =	vsel vm15, v11, v29;
	v25 =	vor.u32 s2, v25  }
0x203: {  	[tilespmem:$0x1FBC0] =	vst v26;
	v42 =	vsel vm13, v43, v33;
	v26 =	vsel vm3, $0x1D, v57;
	v40 =	vadd.s32 v25, v40  }
0x204: {  	v57 =	vsel vm15, $0x26, v47;
	[tilespmem:$0x1FBA0] =	vst v26;
	vm6 =	vgt.f32 v12, v42;
	v26 =	vsel vm3, v21, v32  }
0x205: {  	v39 =	vimm.s32 $0x0;
	[tilespmem:$0x1FB90] =	vst v26;
	v26 =	vsel vm13, v41, v57;
	v41 =	vsel vm6, v12, v42  }
0x206: {  	v21 =	vsel vm9, v21, v58;
	v32 =	vsel vm6, $0xFFFFFFFF, v39;
	v57 =	vsel vm8, v46, v41  }
0x207: {  	[tilespmem:$0x1FBE0] =	vst v32;
	v43 =	vsel vm6, $0x27, v26;
	v46 =	vimm.s32 $0x0;
	vm3 =	vgt.f32 v13, v57  }
0x208: {  	v33 =	vsel vm8, v44, v43;
	v44 =	vsel vm9, $0x1D, v49;
	v32 =	vsel vm3, $0xFFFFFFFF, v46;
	v39 =	vld.idx.msk [tilespmem:v40+s29+$0x0], $0xffff  }
0x209: {  	v52 =	vsel vm10, v52, v44;
	v44 =	vsel vm3, $0x28, v33;
	[tilespmem:$0x1FBF0] =	vst v32;
	v32 =	vsel vm3, v13, v57  }
0x20a: {  	v46 =	vsel vm10, v45, v21;
	v45 =	vsel vm12, v48, v44;
	v21 =	vsel vm12, v50, v32  }
0x20b: {  	v48 =	vimm.s32 $0x0;
	v40 =	vsel vm14, v23, v22;
	vm3 =	vgt.f32 v20, v21  }
0x20c: {  	[tilespmem:$0x1FC20] =	vst v45;
	v41 =	vsel vm3, $0xFFFFFFFF, v48;
	v50 =	vsel vm3, v20, v21;
	v45 =	vsel vm3, $0x29, v45  }
0x20d: {  	[tilespmem:$0x1FC00] =	vst v41;
	v41 =	vadd.f32 v40, v39;
	v39 =	vsel vm5, v54, v50;
	v50 =	vsel vm5, v55, v45;
	v55 =	vld [tilespmem:$0x1FAB0];
	_ =	sdelay $0x2  }
0x20e: {  	v40 =	vsub.f32 $0.0e+00, v40;
	vm6 =	vgt.f32 v19, v39  }
0x20f: {  	vm11 =	vgt.f32 v10, v46;
	v41 =	vsub.f32 $0.0e+00, v41;
	v48 =	vsel vm6, v19, v39  }
0x210: {  	v40 =	vmul.f32 $1.442695020e+00, v40;
	vm3 =	vnez.u8 v55;
	v55 =	vsel vm4, v60, v48;
	v60 =	vld [tilespmem:$0x1FAC0]  }
0x211: {  	v43 =	vsel vm11, v10, v46;
	v54 =	vimm.s32 $0x0  }
0x212: {  	v32 =	vsel vm6, $0xFFFFFFFF, v54;
	v41 =	vmul.f32 $1.442695020e+00, v41;
	(erf) = vpow2.f32 v40  }
0x213: {  	v48 =	vimm.s32 $0x0;
	v54 =	vsel vm3, v51, v43;
	vm12 =	vgt.f32 v17, v55  }
0x214: {  	(erf) = vpow2.f32 v41;
	v41 =	vsel vm6, $0x2A, v50;
	vm7 =	vgt.f32 v27, v54  }
0x215: {  	v51 =	vsel vm12, v17, v55;
	v45 =	vsel vm7, v27, v54;
	vm8 =	vnez.u8 v60  }
0x216: {  	[tilespmem:$0x1FC10] =	vst v32;
	v32 =	vsel vm7, $0xFFFFFFFF, v48;
	v60 =	vsel vm4, v35, v41;
	v41 =	vld [tilespmem:$0x1FAD0];
	v43 =	vsel vm8, v53, v45  }
0x217: {  	v44 =	vsel vm2, v34, v51;
	v48 =	vimm.s32 $0x0;
	vm6 =	vgt.f32 v4, v43  }
0x218: {  	v51 =	vimm.s32 $0x0;
	[tilespmem:$0x1FC30] =	vst v32;
	vm4 =	vgt.f32 v16, v44;
	v32 =	vsel vm6, $0xFFFFFFFF, v48  }
0x219: {  	v53 =	vsel vm4, v16, v44;
	[tilespmem:$0x1FC40] =	vst v32;
	v32 =	vsel vm4, $0xFFFFFFFF, v51  }
0x21a: {  	v35 =	vsel vm1, v36, v53;
	[tilespmem:$0x1FC50] =	vst v32;
	v32 =	vsel vm12, $0x2B, v60  }
0x21b: {  	v40 =	vld [tilespmem:$0x1FAE0];
	v45 =	vsel vm6, v4, v43;
	vm5 =	vnez.u8 v41;
	v63 =	vsel vm2, v63, v32  }
0x21c: {  	v56 =	vsel vm5, v56, v45;
	v45 =	vsel vm4, $0x2C, v63;
	vm4 =	vgt.f32 v15, v35  }
0x21d: {  	v53 =	vsel vm4, v15, v35  }
0x21e: {  	v32 =	vsel vm1, v38, v45;
	vm1 =	vmmov vm4;
	v34 =	vsel vm0, v0, v53;
	v53 =	vld [tilespmem:$0x1FAF0]  }
0x21f: {  	v51 =	vimm.s32 $0x0;
	vm15 =	vgt.f32 v5, v56;
	v0 =	vsel vm1, $0x2D, v32  }
0x220: {  	v48 =	vsel vm15, v5, v56;
	v36 =	vsel vm4, $0xFFFFFFFF, v51;
	vm4 =	vnez.u8 v40  }
0x221: {  	v41 =	vsel vm11, $0x1E, v52;
	v45 =	vimm.s32 $0x0;
	v40 =	vsel vm4, v59, v48  }
0x222: {  	v48 =	vsel vm3, v24, v41;
	v59 =	vsel vm0, v31, v0;
	vm0 =	vgt.f32 v6, v40;
	v0 =	vpop (erf)  }
0x223: {  	v24 =	vsel vm0, v6, v40;
	v0 =	vadd.f32 $1.000000000e+00, v0;
	v51 =	vpop (erf);
	vm13 =	vnez.u8 v53  }
0x224: {  	v31 =	vsel vm0, $0xFFFFFFFF, v45;
	v45 =	vsel vm13, v61, v24;
	v24 =	vadd.f32 $1.000000000e+00, v51  }
0x225: {  	(erf) = vrcp.f32 v0  }
0x226: {  	(erf) = vrcp.f32 v24;
	v24 =	vld [tilespmem:$0x1FB00];
	_ =	sdelay $0x3  }
0x227: {  	vm3 =	vmmov vm0  }
0x228: {  	vm0 =	vgt.f32 v7, v45;
	vm10 =	vnez.u8 v24;
	v24 =	vimm.s32 $0x0  }
0x229: {  	v24 =	vsel vm0, $0xFFFFFFFF, v24  }
0x22a: {  	[tilespmem:$0x1FC80] =	vst v24;
	v24 =	vld [tilespmem:$0x1FB10];
	_ =	sdelay $0x2  }
0x22b: {  	vm14 =	vgt.f32 v14, v34  }
0x22c: {  	v0 =	vsel vm14, v14, v34  }
0x22d: {  	v53 =	vsel vm10, v30, v0;
	v0 =	vsel vm0, v7, v45;
	vm2 =	vnez.u8 v24  }
0x22e: {  	v38 =	vsel vm2, v62, v0;
	v0 =	vsel vm14, $0x2E, v59  }
0x22f: {  	v61 =	vsel vm10, v2, v0;
	v0 =	vld [tilespmem:$0x1FB20];
	_ =	sdelay $0x3  }
0x230: {  	v24 =	vsel vm7, $0x1F, v48  }
0x231: {  	v62 =	vsel vm8, v0, v24;
	v24 =	vld [tilespmem:$0x1FB30];
	_ =	sdelay $0x1  }
0x232: {  	vm7 =	vgt.f32 v9, v38;
	v2 =	vimm.s32 $0x0  }
0x233: {  	v2 =	vsel vm7, $0xFFFFFFFF, v2  }
0x234: {  	[tilespmem:$0x1FC90] =	vst v2;
	v2 =	vsel vm6, $0x20, v62  }
0x235: {  	[tilespmem:$0x1FC60] =	vst v36;
	v36 =	vsel vm5, v24, v2;
	v2 =	vld [tilespmem:$0x1FB40];
	_ =	sdelay $0x4  }
0x236: {  	v0 =	vsel vm7, v9, v38;
	vm5 =	vnez.u8 v2  }
0x237: {  	v24 =	vsel vm5, v1, v0;
	v1 =	vld [tilespmem:$0x1FB50];
	_ =	sdelay $0x3  }
0x238: {  	vm10 =	vgt.f32 v23, v53  }
0x239: {  	v0 =	vsel vm10, $0x2F, v61;
	vm8 =	vnez.u8 v1  }
0x23a: {  	vm6 =	vgt.f32 v8, v24;
	v51 =	vsel vm8, v3, v0;
	v3 =	vimm.s32 $0x0  }
0x23b: {  	v1 =	vld [tilespmem:$0x1FB60];
	v3 =	vsel vm6, $0xFFFFFFFF, v3  }
0x23c: {  	[tilespmem:$0x1FCA0] =	vst v3;
	v3 =	vld [tilespmem:$0x1FB70];
	_ =	sdelay $0x3  }
0x23d: {  	v0 =	vsel vm15, $0x21, v36  }
0x23e: {  	v1 =	vsel vm4, v1, v0;
	v0 =	vsel vm6, v8, v24;
	vm4 =	vnez.u8 v3  }
0x23f: {  	v0 =	vsel vm4, v37, v0;
	v37 =	vld [tilespmem:$0x1FB80];
	_ =	sdelay $0x3  }
0x240: {  	v3 =	vsel vm3, $0x22, v1  }
0x241: {  	v37 =	vsel vm13, v37, v3;
	v3 =	vld [tilespmem:$0x1FB90]  }
0x242: {  	s10 =	simm.s32 $0x0;
	v41 =	vld [tilespmem:$0x1FBA0]  }
0x243: {  	s3 =	sand.u32 $0xFFFFFE00, s10  }
0x244: {  	s6 =	sor.u32 s9, s3;
	[tilespmem:$0x1FC70] =	vst v31  }
0x245: {  	[tilespmem:s6+$0x6800] =	vst v18  }
0x246: {  	v3 =	vsel vm9, v58, v3;
	v58 =	vld [tilespmem:$0x1FBB0]  }
0x247: {  	v30 =	vsel vm9, v49, v41;
	v49 =	vimm.s32 $0x0;
	vm1 =	vgt.f32 v11, v0  }
0x248: {  	v41 =	vsel vm1, $0xFFFFFFFF, v49  }
0x249: {  	v18 =	vpop (erf);
	[tilespmem:$0x1FCB0] =	vst v41  }
0x24a: {  	v41 =	vsel vm0, $0x23, v37;
	[tilespmem:s6+$0x6000] =	vst v18  }
0x24b: {  	v18 =	vpop (erf);
	v49 =	vsel vm2, v58, v41;
	v58 =	vld [tilespmem:$0x1FBC0]  }
0x24c: {  	v31 =	vsel vm1, v11, v0;
	vm13 =	vmmov vm1;
	vm1 =	vgt.f32 v10, v3;
	[tilespmem:s6+$0x6400] =	vst v18  }
0x24d: {  	v2 =	vshll.u32 v51, $0x8;
	v3 =	vsel vm1, v10, v3;
	v10 =	vld [tilespmem:$0x1FBD0]  }
0x24e: {  	v2 =	vadd.s32 v25, v2;
	_ =	sdelay $0x1  }
0x24f: {  	vm2 =	vnez.u8 v58  }
0x250: {  	v18 =	vsel vm7, $0x24, v49;
	v41 =	vsel vm2, v29, v31  }
0x251: {  	v58 =	vsel vm5, v10, v18;
	v18 =	vimm.s32 $0x0;
	vm0 =	vgt.f32 v12, v41  }
0x252: {  	v2 =	vld.idx.msk [tilespmem:v2+s29+$0x0], $0xffff;
	v29 =	vsel vm1, $0x1E, v30;
	v18 =	vsel vm0, $0xFFFFFFFF, v18  }
0x253: {  	[tilespmem:$0x1FCC0] =	vst v18;
	v18 =	vsel vm11, v52, v29;
	v52 =	vld [tilespmem:$0x1FBE0];
	_ =	sdelay $0x4  }
0x254: {  	v10 =	vsel vm0, v12, v41;
	vm1 =	vmmov vm0;
	vm3 =	vnez.u8 v52  }
0x255: {  	v29 =	vsel vm11, v46, v3;
	v42 =	vsel vm3, v42, v10;
	v10 =	vsel vm6, $0x25, v58  }
0x256: {  	v52 =	vimm.s32 $0x0;
	v46 =	vsel vm4, v28, v10;
	vm0 =	vgt.f32 v13, v42  }
0x257: {  	v3 =	vsel vm10, v23, v53;
	v28 =	vsel vm0, $0xFFFFFFFF, v52;
	v52 =	vsel vm13, $0x26, v46  }
0x258: {  	v22 =	vsel vm8, v22, v3;
	v3 =	vsel vm2, v47, v52;
	v47 =	vld [tilespmem:$0x1FBF0];
	_ =	sdelay $0x4  }
0x259: {  	v10 =	vsel vm0, v13, v42;
	vm4 =	vnez.u8 v47  }
0x25a: {  	v47 =	vsel vm4, v57, v10;
	v10 =	vsel vm1, $0x27, v3  }
0x25b: {  	v10 =	vsel vm3, v26, v10;
	v26 =	vld [tilespmem:$0x1FC00];
	_ =	sdelay $0x3  }
0x25c: {  	v2 =	vadd.f32 v22, v2;
	vm2 =	vgt.f32 v20, v47  }
0x25d: {  	v52 =	vsub.f32 $0.0e+00, v22;
	v22 =	vsel vm2, v20, v47;
	vm3 =	vnez.u8 v26  }
0x25e: {  	vm1 =	vgt.f32 v27, v29;
	v26 =	vsel vm3, v21, v22;
	v21 =	vsel vm0, $0x28, v10  }
0x25f: {  	v22 =	vsel vm4, v33, v21;
	vm4 =	vgt.f32 v19, v26;
	v33 =	vimm.s32 $0x0  }
0x260: {  	v30 =	vsel vm4, $0xFFFFFFFF, v33;
	v33 =	vsel vm1, $0x1F, v18;
	v18 =	vld [tilespmem:$0x1FC10];
	_ =	sdelay $0x1  }
0x261: {  	v21 =	vmul.f32 $1.442695020e+00, v52;
	_ =	sdelay $0x1  }
0x262: {  	v2 =	vsub.f32 $0.0e+00, v2;
	(erf) = vpow2.f32 v21;
	v21 =	vld [tilespmem:$0x1FC20]  }
0x263: {  	v57 =	vsel vm4, v19, v26;
	vm0 =	vnez.u8 v18  }
0x264: {  	v2 =	vmul.f32 $1.442695020e+00, v2;
	[tilespmem:$0x1FCE0] =	vst v30;
	v30 =	vsel vm0, v39, v57  }
0x265: {  	v18 =	vimm.s32 $0x0;
	vm5 =	vgt.f32 v17, v30  }
0x266: {  	(erf) = vpow2.f32 v2;
	v2 =	vsel vm2, $0x29, v22;
	v18 =	vsel vm5, $0xFFFFFFFF, v18  }
0x267: {  	[tilespmem:$0x1FCF0] =	vst v18;
	v18 =	vsel vm1, v27, v29;
	v27 =	vsel vm3, v21, v2;
	v21 =	vld [tilespmem:$0x1FC30];
	_ =	sdelay $0x4  }
0x268: {  	v2 =	vsel vm5, v17, v30;
	vm11 =	vnez.u8 v21  }
0x269: {  	v52 =	vsel vm12, v55, v2;
	v2 =	vsel vm4, $0x2A, v27;
	v18 =	vsel vm11, v54, v18  }
0x26a: {  	v54 =	vsel vm0, v50, v2;
	vm9 =	vgt.f32 v4, v18  }
0x26b: {  	v2 =	vsel vm9, v4, v18;
	v18 =	vsel vm5, $0x2B, v54  }
0x26c: {  	v21 =	vsel vm12, v60, v18;
	v18 =	vld [tilespmem:$0x1FC40];
	_ =	sdelay $0x4  }
0x26d: {  	vm12 =	vnez.u8 v18;
	v18 =	vld [tilespmem:$0x1FC50];
	_ =	sdelay $0x2  }
0x26e: {  	v2 =	vsel vm12, v43, v2  }
0x26f: {  	vm7 =	vgt.f32 v16, v52;
	vm6 =	vgt.f32 v5, v2  }
0x270: {  	v4 =	vsel vm7, v16, v52;
	v2 =	vsel vm6, v5, v2;
	v5 =	vld [tilespmem:$0x1FC60];
	vm0 =	vnez.u8 v18  }
0x271: {  	v55 =	vsel vm0, v44, v4;
	v4 =	vsel vm7, $0x2C, v21  }
0x272: {  	v18 =	vsel vm0, v63, v4;
	v63 =	vld [tilespmem:$0x1FC70];
	_ =	sdelay $0x1  }
0x273: {  	v2 =	vsel vm15, v56, v2;
	vm13 =	vgt.f32 v15, v55  }
0x274: {  	vm4 =	vgt.f32 v6, v2;
	v4 =	vsel vm13, v15, v55;
	vm0 =	vnez.u8 v5  }
0x275: {  	v56 =	vpop (erf);
	v2 =	vsel vm4, v6, v2;
	v57 =	vsel vm0, v35, v4;
	v4 =	vsel vm13, $0x2D, v18  }
0x276: {  	v5 =	vsel vm0, v32, v4;
	v4 =	vadd.f32 $1.000000000e+00, v56;
	vm1 =	vnez.u8 v63  }
0x277: {  	vm3 =	vgt.f32 v14, v57;
	v32 =	vsel vm1, v40, v2  }
0x278: {  	(erf) = vrcp.f32 v4;
	v4 =	vsel vm3, $0x2E, v5;
	vm5 =	vgt.f32 v7, v32  }
0x279: {  	v60 =	vpop (erf);
	v40 =	vsel vm14, v59, v4;
	v4 =	vsel vm5, v7, v32;
	v7 =	vld [tilespmem:$0x1FC80]  }
0x27a: {  	v6 =	vadd.f32 $1.000000000e+00, v60  }
0x27b: {  	v44 =	vld [tilespmem:$0x1FC90];
	v2 =	vsel vm3, v14, v57  }
0x27c: {  	s3 =	sadd.s32 $0x0, s3;
	(erf) = vrcp.f32 v6;
	v6 =	vsel vm11, v48, v33;
	v2 =	vsel vm14, v34, v2  }
0x27d: {  	s7 =	sor.u32 $0x80, s3;
	[tilespmem:$0x1FCD0] =	vst v28;
	v6 =	vsel vm9, $0x20, v6;
	vm0 =	vgt.f32 v23, v2  }
0x27e: {  	v43 =	vsel vm12, v62, v6;
	[tilespmem:s7+$0x6800] =	vst v51;
	vm14 =	vnez.u8 v7;
	v7 =	vsel vm0, $0x2F, v40  }
0x27f: {  	v4 =	vsel vm14, v45, v4;
	v6 =	vsel vm10, v61, v7;
	v7 =	vsel vm6, $0x21, v43;
	v45 =	vld [tilespmem:$0x1FCA0]  }
0x280: {  	vm8 =	vnez.u8 v44;
	vm9 =	vgt.f32 v9, v4;
	v7 =	vsel vm15, v36, v7  }
0x281: {  	v4 =	vsel vm9, v9, v4;
	v9 =	vshll.u32 v6, $0x8;
	v7 =	vsel vm4, $0x22, v7  }
0x282: {  	v4 =	vsel vm8, v38, v4;
	v9 =	vadd.s32 v25, v9  }
0x283: {  	vm6 =	vgt.f32 v8, v4  }
0x284: {  	v1 =	vsel vm1, v1, v7;
	v8 =	vsel vm6, v8, v4;
	v7 =	vpop (erf);
	vm12 =	vnez.u8 v45  }
0x285: {  	v8 =	vsel vm12, v24, v8;
	[tilespmem:s7+$0x6000] =	vst v7;
	v7 =	vpop (erf)  }
0x286: {  	v1 =	vsel vm5, $0x23, v1;
	vm5 =	vgt.f32 v11, v8;
	[tilespmem:s7+$0x6400] =	vst v7  }
0x287: {  	v7 =	vsel vm5, v11, v8;
	v8 =	vld.idx.msk [tilespmem:v9+s29+$0x0], $0xffff  }
0x288: {  	v9 =	vld [tilespmem:$0x1FCB0];
	_ =	sdelay $0x3  }
0x289: {  	v1 =	vsel vm14, v37, v1  }
0x28a: {  	v1 =	vsel vm9, $0x24, v1;
	vm1 =	vnez.u8 v9;
	v9 =	vld [tilespmem:$0x1FCC0]  }
0x28b: {  	s4 =	simm.s32 $0x10;
	s5 =	simm.s32 $0x80;
	v1 =	vsel vm8, v49, v1  }
0x28c: {  	s11 =	sand.u32 $0x70, s4;
	s5 =	sand.u32 $0x3FFFFC00, s5;
	v1 =	vsel vm6, $0x25, v1  }
0x28d: {  	s5 =	sor.u32 s11, s5;
	v1 =	vsel vm12, v58, v1  }
0x28e: {  	v4 =	vld [tilespmem:s5+$0x180];
	v1 =	vsel vm5, $0x26, v1  }
0x28f: {  	v0 =	vsel vm1, v0, v7;
	vm8 =	vnez.u8 v9;
	v9 =	vsel vm0, v23, v2  }
0x290: {  	v1 =	vsel vm1, v46, v1;
	vm9 =	vgt.f32 v12, v0;
	v9 =	vsel vm10, v53, v9  }
0x291: {  	v1 =	vsel vm9, $0x27, v1;
	v11 =	vsub.f32 $0.0e+00, v9;
	v8 =	vadd.f32 v9, v8;
	v9 =	vld [tilespmem:$0x1FCD0]  }
0x292: {  	v1 =	vsel vm8, v3, v1;
	v3 =	vld [tilespmem:$0x1FCE0]  }
0x293: {  	vm14 =	vmmov vm0;
	vm4 =	vlt.f32 v4, $-Inf;
	v7 =	vld [tilespmem:s5+$0x100];
	v0 =	vsel vm9, v12, v0  }
0x294: {  	vm6 =	vgt.f32 v4, $-Inf;
	v0 =	vsel vm8, v41, v0;
	v8 =	vsub.f32 $0.0e+00, v8  }
0x295: {  	vm6 =	vmor vm6, vm4;
	vm5 =	vgt.f32 v13, v0;
	v11 =	vmul.f32 $1.442695020e+00, v11  }
0x296: {  	v12 =	vld [tilespmem:s5+$0x0];
	v0 =	vsel vm5, v13, v0;
	v8 =	vmul.f32 $1.442695020e+00, v8;
	vm0 =	vnez.u8 v9  }
0x297: {  	(erf) = vpow2.f32 v11;
	vm8 =	vnez.u8 v3;
	v3 =	vld [tilespmem:$0x1FCF0];
	v0 =	vsel vm0, v42, v0  }
0x298: {  	vm11 =	vlt.f32 v7, $-Inf;
	v1 =	vsel vm5, $0x28, v1;
	vm10 =	vgt.f32 v20, v0  }
0x299: {  	v9 =	vld [tilespmem:s5+$0x80];
	(erf) = vpow2.f32 v8;
	v1 =	vsel vm0, v10, v1;
	v0 =	vsel vm10, v20, v0  }
0x29a: {  	vm9 =	vgt.f32 v7, $-Inf;
	v1 =	vsel vm10, $0x29, v1;
	v0 =	vsel vm2, v47, v0  }
0x29b: {  	vm0 =	vgt.f32 v12, $-Inf;
	v1 =	vsel vm2, v22, v1;
	vm12 =	vgt.f32 v19, v0  }
0x29c: {  	vm1 =	vnez.u8 v3;
	vm2 =	vmor vm9, vm11;
	v0 =	vsel vm12, v19, v0  }
0x29d: {  	v3 =	vnsel vm0, $0xFF800000, v12;
	v12 =	vimm.s32 $0x0;
	v0 =	vsel vm8, v26, v0  }
0x29e: {  	vm5 =	vlt.f32 v9, $-Inf;
	vm15 =	vgt.f32 v9, $-Inf;
	vm10 =	vgt.f32 v17, v0  }
0x29f: {  	v10 =	vsel vm6, $0x3, v12;
	v1 =	vsel vm12, $0x2A, v1;
	v0 =	vsel vm10, v17, v0  }
0x2a0: {  	vm4 =	vmor vm15, vm5;
	v1 =	vsel vm8, v27, v1;
	v8 =	vpop (erf);
	v0 =	vsel vm1, v30, v0  }
0x2a1: {  	v1 =	vsel vm10, $0x2B, v1;
	v8 =	vadd.f32 $1.000000000e+00, v8;
	vm12 =	vgt.f32 v16, v0  }
0x2a2: {  	v13 =	vnsel vm4, $0xFF800000, v9;
	v1 =	vsel vm1, v54, v1;
	v11 =	vpop (erf);
	v0 =	vsel vm12, v16, v0  }
0x2a3: {  	v11 =	vadd.f32 $1.000000000e+00, v11;
	(erf) = vrcp.f32 v8;
	v0 =	vsel vm7, v52, v0  }
0x2a4: {  	v8 =	vsel vm2, $0x2, v12;
	v1 =	vsel vm12, $0x2C, v1;
	vm0 =	vgt.f32 v15, v0  }
0x2a5: {  	v12 =	vnsel vm2, $0xFF800000, v7;
	v1 =	vsel vm7, v21, v1;
	v0 =	vsel vm0, v15, v0  }
0x2a6: {  	(erf) = vrcp.f32 v11;
	v1 =	vsel vm0, $0x2D, v1;
	v0 =	vsel vm13, v55, v0  }
0x2a7: {  	v11 =	vnsel vm6, $0xFF800000, v4;
	v1 =	vsel vm13, v18, v1;
	vm0 =	vgt.f32 v14, v0  }
0x2a8: {  	v15 =	vimm.s32 $0x0;
	v0 =	vsel vm0, v14, v0;
	v1 =	vsel vm0, $0x2E, v1  }
0x2a9: {  	vm0 =	vgt.f32 v9, v3;
	v0 =	vsel vm3, v57, v0;
	v1 =	vsel vm3, v5, v1  }
0x2aa: {  	vm3 =	vmneg vm0;
	v14 =	vsel vm0, $0x1, v15;
	vm1 =	vgt.f32 v23, v0  }
0x2ab: {  	vm2 =	vmand vm4, vm3;
	v1 =	vsel vm1, $0x2F, v1;
	v0 =	vsel vm1, v23, v0  }
0x2ac: {  	v5 =	vsel vm14, v40, v1;
	v1 =	vsel vm3, v13, v3;
	v3 =	vsel vm3, v3, v9  }
0x2ad: {  	v13 =	vsel vm2, $0x1, v15;
	v2 =	vsel vm14, v2, v0;
	v9 =	vshll.u32 v5, $0x8  }
0x2ae: {  	[tilespmem:$0x1FFF0] =	vst v5;
	vm2 =	vgt.f32 v7, v1;
	vm0 =	vgt.f32 v7, v3;
	v5 =	vimm.s32 $0x0  }
0x2af: {  	v9 =	vadd.s32 v25, v9;
	v8 =	vsel vm2, v13, v8;
	v12 =	vsel vm2, v1, v12  }
0x2b0: {  	v13 =	vsel vm2, $0x2, v13;
	v16 =	vsel vm0, $0x2, v14;
	v1 =	vsel vm2, v7, v1  }
0x2b1: {  	v15 =	vpop (erf);
	v17 =	vld [tilespmem:s5+$0x200];
	v7 =	vsel vm0, v7, v3;
	v13 =	vsel vm0, v14, v13;
	vm2 =	vgt.f32 v4, v12  }
0x2b2: {  	[tilespmem:s6+$0x6900] =	vst v6;
	v6 =	vpop (erf);
	v1 =	vsel vm0, v3, v1;
	vm0 =	vgt.f32 v4, v7;
	v3 =	vsel vm2, v12, v11  }
0x2b3: {  	[tilespmem:s6+$0x6500] =	vst v6;
	v6 =	vsel vm2, v8, v10;
	v8 =	vsel vm2, $0x3, v8;
	vm3 =	vgt.f32 v4, v1  }
0x2b4: {  	[tilespmem:s6+$0x6100] =	vst v15;
	v10 =	vsel vm2, v4, v12;
	v11 =	vsel vm0, $0x3, v16;
	v12 =	vsel vm0, v4, v7  }
0x2b5: {  	v8 =	vsel vm3, v13, v8;
	v10 =	vsel vm3, v1, v10;
	v13 =	vsel vm3, $0x3, v13;
	v9 =	vld.idx.msk [tilespmem:v9+s29+$0x0], $0xffff  }
0x2b6: {  	v1 =	vsel vm3, v4, v1;
	v0 =	vsel vm0, v16, v13;
	vm2 =	vgt.f32 v17, v3  }
0x2b7: {  	v1 =	vsel vm0, v7, v1;
	vm4 =	vgt.f32 v17, v12;
	v4 =	vsel vm2, $0x4, v6;
	v6 =	vld [tilespmem:s5+$0x280]  }
0x2b8: {  	vm1 =	vgt.f32 v17, v10;
	vm0 =	vgt.f32 v17, v1;
	v3 =	vsel vm2, v17, v3  }
0x2b9: {  	v14 =	vsel vm4, $0x4, v11;
	v7 =	vsel vm4, v17, v12;
	v4 =	vsel vm1, v8, v4  }
0x2ba: {  	v13 =	vsel vm1, v10, v3;
	v8 =	vsel vm1, $0x4, v8;
	v9 =	vadd.f32 v2, v9  }
0x2bb: {  	v3 =	vimm.s32 $0x0;
	v8 =	vsel vm0, v0, v8;
	v0 =	vsel vm0, $0x4, v0  }
0x2bc: {  	[tilespmem:$0x1FF90] =	vst v2;
	v0 =	vsel vm4, v11, v0;
	vm2 =	vgt.f32 v6, v7;
	v2 =	vsub.f32 $0.0e+00, v9  }
0x2bd: {  	v9 =	vsel vm1, v17, v10;
	vm1 =	vgt.f32 v6, v13;
	v15 =	vsel vm2, $0x5, v14  }
0x2be: {  	v9 =	vsel vm0, v1, v9;
	v1 =	vsel vm0, v17, v1;
	v11 =	vsel vm1, v6, v13;
	[tilespmem:$0x1FD40] =	vst v2  }
0x2bf: {  	v4 =	vsel vm1, $0x5, v4;
	v1 =	vsel vm4, v12, v1;
	vm0 =	vgt.f32 v6, v9;
	v10 =	vld [tilespmem:s5+$0x300]  }
0x2c0: {  	v4 =	vsel vm0, v8, v4;
	v8 =	vsel vm0, $0x5, v8;
	vm3 =	vgt.f32 v6, v1  }
0x2c1: {  	v13 =	vld [tilespmem:s5+$0x380];
	v11 =	vsel vm0, v9, v11;
	v9 =	vsel vm0, v6, v9;
	v8 =	vsel vm3, v0, v8  }
0x2c2: {  	v9 =	vsel vm3, v1, v9;
	v0 =	vsel vm3, $0x5, v0;
	v1 =	vsel vm3, v6, v1  }
0x2c3: {  	v16 =	vsel vm2, v6, v7;
	v0 =	vsel vm2, v14, v0;
	v1 =	vsel vm2, v7, v1  }
0x2c4: {  	vm1 =	vgt.f32 v10, v16;
	vm4 =	vgt.f32 v10, v11;
	vm3 =	vgt.f32 v10, v9  }
0x2c5: {  	v18 =	vld [tilespmem:s5+$0x800];
	v12 =	vsel vm1, $0x6, v15;
	v17 =	vsel vm1, v10, v16;
	v6 =	vsel vm4, v10, v11  }
0x2c6: {  	v4 =	vsel vm4, $0x6, v4;
	vm4 =	vgt.f32 v10, v1;
	vm0 =	vgt.f32 v13, v17  }
0x2c7: {  	v4 =	vsel vm3, v8, v4;
	v6 =	vsel vm3, v9, v6;
	v8 =	vsel vm3, $0x6, v8  }
0x2c8: {  	v9 =	vsel vm3, v10, v9;
	v11 =	vsel vm0, $0x7, v12;
	v7 =	vsel vm0, v13, v17  }
0x2c9: {  	v8 =	vsel vm4, v0, v8;
	vm3 =	vgt.f32 v13, v6;
	v9 =	vsel vm4, v1, v9  }
0x2ca: {  	v14 =	vld [tilespmem:s5+$0x880];
	v0 =	vsel vm4, $0x6, v0;
	v1 =	vsel vm4, v10, v1;
	vm2 =	vgt.f32 v18, v7  }
0x2cb: {  	v4 =	vsel vm3, $0x7, v4;
	v0 =	vsel vm1, v15, v0;
	vm4 =	vgt.f32 v13, v9  }
0x2cc: {  	v6 =	vsel vm3, v13, v6;
	v1 =	vsel vm1, v16, v1;
	v19 =	vsel vm2, $0x8, v11  }
0x2cd: {  	v10 =	vsel vm2, v18, v7;
	v4 =	vsel vm4, v8, v4;
	v6 =	vsel vm4, v9, v6  }
0x2ce: {  	v8 =	vsel vm4, $0x7, v8;
	vm1 =	vgt.f32 v13, v1;
	v9 =	vsel vm4, v13, v9  }
0x2cf: {  	vm3 =	vgt.f32 v14, v10;
	v8 =	vsel vm1, v0, v8;
	v0 =	vsel vm1, $0x7, v0  }
0x2d0: {  	v15 =	vld [tilespmem:s5+$0x900];
	vm4 =	vgt.f32 v18, v6;
	v9 =	vsel vm1, v1, v9;
	v1 =	vsel vm1, v13, v1  }
0x2d1: {  	v16 =	vsel vm3, $0x9, v19;
	v20 =	vsel vm3, v14, v10;
	v6 =	vsel vm4, v18, v6  }
0x2d2: {  	v4 =	vsel vm4, $0x8, v4;
	v0 =	vsel vm0, v12, v0;
	vm4 =	vgt.f32 v18, v9  }
0x2d3: {  	v1 =	vsel vm0, v17, v1;
	v4 =	vsel vm4, v8, v4;
	v8 =	vsel vm4, $0x8, v8  }
0x2d4: {  	v13 =	vld [tilespmem:s5+$0x980];
	vm5 =	vgt.f32 v18, v1;
	v6 =	vsel vm4, v9, v6;
	v9 =	vsel vm4, v18, v9  }
0x2d5: {  	vm1 =	vgt.f32 v15, v20;
	v8 =	vsel vm5, v0, v8;
	vm4 =	vgt.f32 v14, v6  }
0x2d6: {  	v9 =	vsel vm5, v1, v9;
	v0 =	vsel vm5, $0x8, v0;
	v1 =	vsel vm5, v18, v1  }
0x2d7: {  	v21 =	vsel vm1, $0xA, v16;
	v12 =	vsel vm1, v15, v20;
	v4 =	vsel vm4, $0x9, v4  }
0x2d8: {  	v17 =	vld [tilespmem:s5+$0xA00];
	v0 =	vsel vm2, v11, v0;
	vm5 =	vgt.f32 v14, v9;
	v6 =	vsel vm4, v14, v6  }
0x2d9: {  	v1 =	vsel vm2, v7, v1;
	vm0 =	vgt.f32 v13, v12;
	v4 =	vsel vm5, v8, v4  }
0x2da: {  	v6 =	vsel vm5, v9, v6;
	v7 =	vsel vm5, $0x9, v8;
	vm4 =	vgt.f32 v14, v1  }
0x2db: {  	v9 =	vsel vm5, v14, v9;
	v22 =	vsel vm0, $0xB, v21;
	v18 =	vsel vm0, v13, v12  }
0x2dc: {  	v7 =	vsel vm4, v0, v7;
	v0 =	vsel vm4, $0x9, v0;
	vm5 =	vgt.f32 v15, v6  }
0x2dd: {  	v11 =	vld [tilespmem:s5+$0xA80];
	v9 =	vsel vm4, v1, v9;
	v1 =	vsel vm4, v14, v1;
	vm2 =	vgt.f32 v17, v18  }
0x2de: {  	v6 =	vsel vm5, v15, v6;
	v4 =	vsel vm5, $0xA, v4;
	v0 =	vsel vm3, v19, v0  }
0x2df: {  	vm4 =	vgt.f32 v15, v9;
	v1 =	vsel vm3, v10, v1;
	v8 =	vsel vm2, $0xC, v22  }
0x2e0: {  	v23 =	vsel vm2, v17, v18;
	v4 =	vsel vm4, v7, v4;
	v7 =	vsel vm4, $0xA, v7  }
0x2e1: {  	v14 =	vld [tilespmem:s5+$0xB00];
	vm3 =	vgt.f32 v15, v1;
	v6 =	vsel vm4, v9, v6;
	v9 =	vsel vm4, v15, v9  }
0x2e2: {  	vm6 =	vgt.f32 v11, v23;
	v7 =	vsel vm3, v0, v7;
	vm5 =	vgt.f32 v13, v6  }
0x2e3: {  	v9 =	vsel vm3, v1, v9;
	v0 =	vsel vm3, $0xA, v0;
	v1 =	vsel vm3, v15, v1  }
0x2e4: {  	v24 =	vsel vm6, $0xD, v8;
	v19 =	vsel vm6, v11, v23;
	v4 =	vsel vm5, $0xB, v4  }
0x2e5: {  	v26 =	vld [tilespmem:s5+$0xB80];
	v0 =	vsel vm1, v16, v0;
	vm7 =	vgt.f32 v13, v9;
	v6 =	vsel vm5, v13, v6  }
0x2e6: {  	v1 =	vsel vm1, v20, v1;
	vm4 =	vgt.f32 v14, v19;
	v4 =	vsel vm7, v7, v4  }
0x2e7: {  	v6 =	vsel vm7, v9, v6;
	v7 =	vsel vm7, $0xB, v7;
	vm1 =	vgt.f32 v13, v1  }
0x2e8: {  	v9 =	vsel vm7, v13, v9;
	v27 =	vsel vm4, $0xE, v24;
	v47 =	vsel vm4, v14, v19  }
0x2e9: {  	v9 =	vsel vm1, v1, v9;
	v7 =	vsel vm1, v0, v7;
	vm5 =	vgt.f32 v17, v6  }
0x2ea: {  	v16 =	vld [tilespmem:s5+$0x1000];
	v1 =	vsel vm1, v13, v1;
	v0 =	vsel vm1, $0xB, v0;
	vm3 =	vgt.f32 v26, v47  }
0x2eb: {  	v6 =	vsel vm5, v17, v6;
	v4 =	vsel vm5, $0xC, v4;
	v10 =	vsel vm0, v21, v0  }
0x2ec: {  	vm5 =	vgt.f32 v17, v9;
	v1 =	vsel vm0, v12, v1;
	v48 =	vsel vm3, $0xF, v27  }
0x2ed: {  	v49 =	vsel vm3, v26, v47;
	v6 =	vsel vm5, v9, v6;
	vm7 =	vgt.f32 v17, v1  }
0x2ee: {  	v50 =	vld [tilespmem:s5+$0x1080];
	v12 =	vsel vm5, $0xC, v7;
	v7 =	vsel vm5, v7, v4;
	v4 =	vsel vm5, v17, v9  }
0x2ef: {  	vm1 =	vgt.f32 v16, v49;
	v9 =	vsel vm7, v10, v12;
	vm5 =	vgt.f32 v11, v6  }
0x2f0: {  	v12 =	vsel vm7, v1, v4;
	v10 =	vsel vm7, $0xC, v10;
	v1 =	vsel vm7, v17, v1  }
0x2f1: {  	v51 =	vsel vm1, $0x10, v48;
	v52 =	vsel vm1, v16, v49;
	v7 =	vsel vm5, $0xD, v7  }
0x2f2: {  	v0 =	vld [tilespmem:s5+$0x1100];
	v10 =	vsel vm2, v22, v10;
	vm7 =	vgt.f32 v11, v12;
	v6 =	vsel vm5, v11, v6  }
0x2f3: {  	v1 =	vsel vm2, v18, v1;
	vm0 =	vgt.f32 v50, v52;
	v13 =	vsel vm7, v9, v7  }
0x2f4: {  	v6 =	vsel vm7, v12, v6;
	v7 =	vsel vm7, $0xD, v9;
	vm5 =	vgt.f32 v11, v1  }
0x2f5: {  	v9 =	vsel vm7, v11, v12;
	v4 =	vsel vm0, $0x11, v51;
	v20 =	vsel vm0, v50, v52  }
0x2f6: {  	v9 =	vsel vm5, v1, v9;
	v17 =	vsel vm5, v10, v7;
	vm7 =	vgt.f32 v14, v6  }
0x2f7: {  	v15 =	vld [tilespmem:s5+$0x1180];
	v1 =	vsel vm5, v11, v1;
	v10 =	vsel vm5, $0xD, v10;
	vm2 =	vgt.f32 v0, v20  }
0x2f8: {  	v6 =	vsel vm7, v14, v6;
	v11 =	vsel vm7, $0xE, v13;
	v10 =	vsel vm6, v8, v10  }
0x2f9: {  	vm7 =	vgt.f32 v14, v9;
	v1 =	vsel vm6, v23, v1;
	v25 =	vsel vm2, $0x12, v4  }
0x2fa: {  	v12 =	vsel vm2, v0, v20;
	v6 =	vsel vm7, v9, v6;
	vm6 =	vgt.f32 v14, v1  }
0x2fb: {  	v7 =	vld [tilespmem:s5+$0x1200];
	v13 =	vsel vm7, $0xE, v17;
	v11 =	vsel vm7, v17, v11;
	v9 =	vsel vm7, v14, v9  }
0x2fc: {  	vm5 =	vgt.f32 v15, v12;
	v13 =	vsel vm6, v10, v13;
	vm7 =	vgt.f32 v26, v6  }
0x2fd: {  	v17 =	vsel vm6, v1, v9;
	v10 =	vsel vm6, $0xE, v10;
	v1 =	vsel vm6, v14, v1  }
0x2fe: {  	v53 =	vsel vm5, $0x13, v25;
	v32 =	vsel vm5, v15, v12;
	v11 =	vsel vm7, $0xF, v11  }
0x2ff: {  	v8 =	vld [tilespmem:s5+$0x1280];
	v14 =	vsel vm4, v24, v10;
	vm6 =	vgt.f32 v26, v17;
	v6 =	vsel vm7, v26, v6  }
0x300: {  	v18 =	vsel vm4, v19, v1;
	vm8 =	vgt.f32 v7, v32;
	v19 =	vsel vm6, v13, v11  }
0x301: {  	v6 =	vsel vm6, v17, v6;
	v11 =	vsel vm6, $0xF, v13;
	vm4 =	vgt.f32 v26, v18  }
0x302: {  	v13 =	vsel vm6, v26, v17;
	v9 =	vsel vm8, $0x14, v53;
	v31 =	vsel vm8, v7, v32  }
0x303: {  	v17 =	vsel vm4, v18, v13;
	v21 =	vsel vm4, v14, v11;
	vm6 =	vgt.f32 v16, v6  }
0x304: {  	v10 =	vld [tilespmem:s5+$0x1300];
	v18 =	vsel vm4, v26, v18;
	v13 =	vsel vm4, $0xF, v14;
	vm10 =	vgt.f32 v8, v31  }
0x305: {  	vm4 =	vgt.f32 v16, v17;
	v6 =	vsel vm6, v16, v6;
	v14 =	vsel vm6, $0x10, v19  }
0x306: {  	v19 =	vsel vm3, v27, v13;
	v18 =	vsel vm3, v47, v18;
	v1 =	vsel vm10, $0x15, v9  }
0x307: {  	v29 =	vsel vm10, v8, v31;
	v6 =	vsel vm4, v17, v6;
	vm3 =	vgt.f32 v16, v18  }
0x308: {  	v11 =	vld [tilespmem:s5+$0x1380];
	v22 =	vsel vm4, $0x10, v21;
	v21 =	vsel vm4, v21, v14;
	v17 =	vsel vm4, v16, v17  }
0x309: {  	vm7 =	vgt.f32 v10, v29;
	v24 =	vsel vm3, v19, v22;
	vm4 =	vgt.f32 v50, v6  }
0x30a: {  	v17 =	vsel vm3, v18, v17;
	v19 =	vsel vm3, $0x10, v19;
	v16 =	vsel vm3, v16, v18  }
0x30b: {  	v13 =	vsel vm7, v10, v29;
	v2 =	vsel vm7, $0x16, v1;
	v18 =	vsel vm4, $0x11, v21  }
0x30c: {  	v14 =	vld [tilespmem:s5+$0x1800];
	v19 =	vsel vm1, v48, v19;
	vm3 =	vgt.f32 v50, v17;
	v6 =	vsel vm4, v50, v6  }
0x30d: {  	v27 =	vsel vm1, v49, v16;
	vm6 =	vgt.f32 v11, v13;
	v54 =	vsel vm3, v24, v18  }
0x30e: {  	v6 =	vsel vm3, v17, v6;
	v17 =	vsel vm3, v50, v17;
	v18 =	vsel vm3, $0x11, v24  }
0x30f: {  	vm1 =	vgt.f32 v50, v27;
	v22 =	vsel vm6, $0x17, v2;
	v23 =	vsel vm6, v11, v13  }
0x310: {  	v55 =	vsel vm1, v27, v17;
	v56 =	vsel vm1, v19, v18;
	vm3 =	vgt.f32 v0, v6  }
0x311: {  	v21 =	vld [tilespmem:s5+$0x1880];
	v35 =	vsel vm1, v50, v27;
	v17 =	vsel vm1, $0x11, v19;
	vm4 =	vgt.f32 v14, v23  }
0x312: {  	vm12 =	vgt.f32 v0, v55;
	v6 =	vsel vm3, v0, v6;
	v19 =	vsel vm3, $0x12, v54  }
0x313: {  	v57 =	vsel vm0, v51, v17;
	v35 =	vsel vm0, v52, v35;
	v24 =	vsel vm4, v14, v23  }
0x314: {  	v16 =	vsel vm4, $0x18, v22;
	v58 =	vsel vm12, v55, v6;
	vm0 =	vgt.f32 v0, v35  }
0x315: {  	v18 =	vld [tilespmem:s5+$0x1900];
	v59 =	vsel vm12, $0x12, v56;
	v33 =	vsel vm12, v56, v19;
	v19 =	vsel vm12, v0, v55  }
0x316: {  	vm1 =	vgt.f32 v21, v24;
	v60 =	vsel vm0, v57, v59;
	vm3 =	vgt.f32 v15, v58  }
0x317: {  	v61 =	vsel vm0, v35, v19;
	v28 =	vsel vm0, $0x12, v57;
	v35 =	vsel vm0, v0, v35  }
0x318: {  	v27 =	vsel vm1, v21, v24;
	v17 =	vsel vm1, $0x19, v16;
	v33 =	vsel vm3, $0x13, v33  }
0x319: {  	v6 =	vld [tilespmem:s5+$0x1980];
	v28 =	vsel vm2, v4, v28;
	vm0 =	vgt.f32 v15, v61;
	v36 =	vsel vm3, v15, v58  }
0x31a: {  	v35 =	vsel vm2, v20, v35;
	vm11 =	vgt.f32 v18, v27;
	v33 =	vsel vm0, v60, v33  }
0x31b: {  	v36 =	vsel vm0, v61, v36;
	v37 =	vsel vm0, v15, v61;
	v62 =	vsel vm0, $0x13, v60  }
0x31c: {  	vm0 =	vgt.f32 v15, v35;
	v19 =	vsel vm11, $0x1A, v17;
	v0 =	vsel vm11, v18, v27  }
0x31d: {  	v37 =	vsel vm0, v35, v37;
	v38 =	vsel vm0, v28, v62;
	vm2 =	vgt.f32 v7, v36  }
0x31e: {  	v4 =	vld [tilespmem:s5+$0x1A00];
	v35 =	vsel vm0, v15, v35;
	v28 =	vsel vm0, $0x13, v28;
	vm12 =	vgt.f32 v6, v0  }
0x31f: {  	vm0 =	vgt.f32 v7, v37;
	v36 =	vsel vm2, v7, v36;
	v63 =	vsel vm2, $0x14, v33  }
0x320: {  	v28 =	vsel vm5, v25, v28;
	v35 =	vsel vm5, v12, v35;
	v30 =	vsel vm12, v6, v0  }
0x321: {  	v20 =	vsel vm12, $0x1B, v19;
	v44 =	vsel vm0, v37, v36;
	vm2 =	vgt.f32 v7, v35  }
0x322: {  	v15 =	vld [tilespmem:s5+$0x1A80];
	v45 =	vsel vm0, $0x14, v38;
	v38 =	vsel vm0, v38, v63;
	v37 =	vsel vm0, v7, v37  }
0x323: {  	vm3 =	vgt.f32 v4, v30;
	v46 =	vsel vm2, v28, v45;
	vm5 =	vgt.f32 v8, v44  }
0x324: {  	v37 =	vsel vm2, v35, v37;
	v47 =	vsel vm2, $0x14, v28;
	v35 =	vsel vm2, v7, v35  }
0x325: {  	v33 =	vsel vm3, v4, v30;
	v25 =	vsel vm3, $0x1C, v20;
	v38 =	vsel vm5, $0x15, v38  }
0x326: {  	v34 =	vsel vm8, v53, v47;
	vm2 =	vgt.f32 v8, v37;
	v40 =	vsel vm5, v8, v44  }
0x327: {  	v12 =	vld [tilespmem:s5+$0x1B00];
	v35 =	vsel vm8, v32, v35;
	vm0 =	vgt.f32 v15, v33;
	v38 =	vsel vm2, v46, v38  }
0x328: {  	v40 =	vsel vm2, v37, v40;
	v37 =	vsel vm2, v8, v37;
	v48 =	vsel vm2, $0x15, v46  }
0x329: {  	vm2 =	vgt.f32 v8, v35;
	v3 =	vsel vm0, $0xFFFFFFFF, v3;
	v36 =	vsel vm0, v15, v33  }
0x32a: {  	v37 =	vsel vm2, v35, v37;
	v41 =	vsel vm2, v34, v48;
	vm5 =	vgt.f32 v10, v40  }
0x32b: {  	v35 =	vsel vm2, v8, v35;
	v34 =	vsel vm2, $0x15, v34;
	[tilespmem:$0x1FD00] =	vst v3;
	v3 =	vsel vm0, $0x1D, v25  }
0x32c: {  	vm0 =	vgt.f32 v12, v36;
	vm2 =	vgt.f32 v10, v37;
	v40 =	vsel vm5, v10, v40  }
0x32d: {  	v38 =	vsel vm5, $0x16, v38;
	v49 =	vsel vm10, v9, v34;
	v31 =	vsel vm10, v31, v35  }
0x32e: {  	v5 =	vsel vm0, $0xFFFFFFFF, v5;
	v39 =	vsel vm0, v12, v36;
	v32 =	vsel vm0, $0x1E, v3  }
0x32f: {  	v40 =	vsel vm2, v37, v40;
	vm5 =	vgt.f32 v10, v31;
	v50 =	vsel vm2, $0x16, v41  }
0x330: {  	v38 =	vsel vm2, v41, v38;
	v37 =	vsel vm2, v10, v37;
	v52 =	vsel vm5, v49, v50  }
0x331: {  	v51 =	vld [tilespmem:s5+$0x1B80];
	[tilespmem:$0x1FD10] =	vst v5;
	vm2 =	vgt.f32 v11, v40;
	v5 =	vimm.s32 $0x0;
	v37 =	vsel vm5, v31, v37  }
0x332: {  	v43 =	vsel vm5, $0x16, v49;
	v31 =	vsel vm5, v10, v31;
	v38 =	vsel vm2, $0x17, v38  }
0x333: {  	v43 =	vsel vm7, v1, v43;
	vm5 =	vgt.f32 v11, v37;
	v1 =	vsel vm2, v11, v40  }
0x334: {  	v29 =	vsel vm7, v29, v31;
	v53 =	vsel vm5, v52, v38;
	v54 =	vsel vm5, v37, v1  }
0x335: {  	v37 =	vsel vm5, v11, v37;
	v55 =	vsel vm5, $0x17, v52;
	vm2 =	vgt.f32 v11, v29  }
0x336: {  	v37 =	vsel vm2, v29, v37;
	v40 =	vsel vm2, v43, v55;
	vm5 =	vgt.f32 v14, v54  }
0x337: {  	v28 =	vld [tilespmem:s5+$0x2000];
	v29 =	vsel vm2, v11, v29;
	v56 =	vsel vm2, $0x17, v43;
	vm13 =	vgt.f32 v51, v39  }
0x338: {  	vm7 =	vgt.f32 v14, v37;
	v38 =	vsel vm5, v14, v54;
	v31 =	vsel vm5, $0x18, v53  }
0x339: {  	v41 =	vsel vm6, v2, v56;
	v29 =	vsel vm6, v13, v29;
	v42 =	vsel vm13, v51, v39  }
0x33a: {  	v34 =	vsel vm13, $0x1F, v32;
	v38 =	vsel vm7, v37, v38;
	vm5 =	vgt.f32 v14, v29  }
0x33b: {  	v57 =	vsel vm7, $0x18, v40;
	v31 =	vsel vm7, v40, v31;
	v37 =	vsel vm7, v14, v37  }
0x33c: {  	v26 =	vld [tilespmem:s5+$0x2080];
	vm0 =	vgt.f32 v28, v42;
	v58 =	vsel vm5, v41, v57;
	vm6 =	vgt.f32 v21, v38  }
0x33d: {  	v37 =	vsel vm5, v29, v37;
	v41 =	vsel vm5, $0x18, v41;
	v14 =	vsel vm5, v14, v29  }
0x33e: {  	v5 =	vsel vm0, $0xFFFFFFFF, v5;
	v35 =	vsel vm0, $0x20, v34;
	v45 =	vsel vm0, v28, v42  }
0x33f: {  	v59 =	vsel vm6, $0x19, v31;
	v22 =	vsel vm4, v22, v41;
	vm5 =	vgt.f32 v21, v37  }
0x340: {  	v60 =	vsel vm6, v21, v38;
	v23 =	vsel vm4, v23, v14;
	vm0 =	vmmov vm11  }
0x341: {  	vm10 =	vgt.f32 v26, v45;
	v29 =	vsel vm5, v58, v59;
	vm6 =	vgt.f32 v21, v23  }
0x342: {  	[tilespmem:$0x1FD20] =	vst v5;
	v31 =	vsel vm5, v37, v60;
	v61 =	vsel vm5, v21, v37;
	v40 =	vsel vm5, $0x19, v58  }
0x343: {  	v5 =	vimm.s32 $0x0;
	v10 =	vld [tilespmem:s5+$0x2100];
	v46 =	vsel vm10, v26, v45;
	v1 =	vsel vm10, $0x21, v35  }
0x344: {  	v21 =	vsel vm6, v21, v23;
	v23 =	vsel vm6, v23, v61;
	vm5 =	vgt.f32 v18, v31  }
0x345: {  	v11 =	vld [tilespmem:s5+$0x2180];
	v21 =	vsel vm1, v24, v21;
	v24 =	vsel vm6, v22, v40;
	v22 =	vsel vm6, $0x19, v22  }
0x346: {  	v31 =	vsel vm5, v18, v31;
	v29 =	vsel vm5, $0x1A, v29;
	vm14 =	vgt.f32 v18, v21  }
0x347: {  	v13 =	vld [tilespmem:s5+$0x2200];
	vm6 =	vgt.f32 v18, v23;
	v22 =	vsel vm1, v16, v22;
	v62 =	vsel vm14, v18, v21  }
0x348: {  	v29 =	vsel vm6, v24, v29;
	v27 =	vsel vm11, v27, v62;
	vm9 =	vgt.f32 v10, v46  }
0x349: {  	v14 =	vld [tilespmem:s5+$0x2280];
	v18 =	vsel vm6, v18, v23;
	vm7 =	vgt.f32 v6, v27;
	v47 =	vsel vm9, v10, v46  }
0x34a: {  	v2 =	vsel vm9, $0x22, v1;
	v38 =	vsel vm7, v6, v27;
	vm15 =	vgt.f32 v11, v47  }
0x34b: {  	v53 =	vsel vm12, v0, v38;
	v0 =	vsel vm6, v23, v31;
	v49 =	vsel vm15, v11, v47  }
0x34c: {  	v23 =	vsel vm6, $0x1A, v24;
	vm11 =	vgt.f32 v4, v53;
	vm8 =	vgt.f32 v13, v49  }
0x34d: {  	v48 =	vsel vm15, $0x23, v2;
	v24 =	vsel vm11, v4, v53;
	v50 =	vsel vm8, v13, v49  }
0x34e: {  	v37 =	vsel vm8, $0x24, v48;
	v44 =	vsel vm3, v30, v24;
	vm2 =	vgt.f32 v14, v50  }
0x34f: {  	v5 =	vsel vm2, $0xFFFFFFFF, v5;
	v52 =	vsel vm2, v14, v50;
	v43 =	vsel vm2, $0x25, v37  }
0x350: {  	v16 =	vld [tilespmem:s5+$0x2300];
	vm2 =	vmmov vm12;
	vm12 =	vgt.f32 v15, v44;
	[tilespmem:$0x1FD30] =	vst v5;
	v5 =	vimm.s32 $0x0  }
0x351: {  	v5 =	vsel vm12, $0xFFFFFFFF, v5  }
0x352: {  	[tilespmem:$0x1FD50] =	vst v5;
	v5 =	vld [tilespmem:$0x1FD00];
	_ =	sdelay $0x3  }
0x353: {  	vm5 =	vmmov vm3;
	v18 =	vsel vm14, v21, v18;
	v21 =	vsel vm14, $0x1A, v22  }
0x354: {  	v17 =	vsel vm0, v17, v21;
	v21 =	vsel vm12, v15, v44;
	vm3 =	vnez.u8 v5  }
0x355: {  	v38 =	vsel vm3, v33, v21  }
0x356: {  	v5 =	vimm.s32 $0x0;
	vm0 =	vgt.f32 v12, v38  }
0x357: {  	v5 =	vsel vm0, $0xFFFFFFFF, v5  }
0x358: {  	[tilespmem:$0x1FD60] =	vst v5;
	v5 =	vld [tilespmem:$0x1FD10];
	_ =	sdelay $0x1  }
0x359: {  	v63 =	vsel vm14, v22, v23;
	vm1 =	vgt.f32 v6, v0  }
0x35a: {  	v22 =	vsel vm1, $0x1B, v29;
	v0 =	vsel vm1, v6, v0;
	vm1 =	vgt.f32 v6, v18  }
0x35b: {  	v0 =	vsel vm1, v18, v0;
	v21 =	vsel vm7, $0x1B, v17  }
0x35c: {  	v56 =	vsel vm2, v19, v21;
	v19 =	vsel vm0, v12, v38;
	vm4 =	vnez.u8 v5  }
0x35d: {  	v18 =	vsel vm1, v6, v18;
	v40 =	vsel vm4, v36, v19;
	v19 =	vsel vm11, $0x1C, v56  }
0x35e: {  	v5 =	vimm.s32 $0x0;
	v57 =	vsel vm5, v20, v19;
	vm5 =	vgt.f32 v51, v40  }
0x35f: {  	v19 =	vsel vm5, v51, v40;
	v5 =	vsel vm5, $0xFFFFFFFF, v5;
	v20 =	vsel vm12, $0x1D, v57  }
0x360: {  	vm2 =	vmmov vm0;
	v23 =	vld [tilespmem:s5+$0x2380];
	[tilespmem:$0x1FD70] =	vst v5;
	v41 =	vsel vm13, v39, v19;
	v5 =	vsel vm3, v25, v20  }
0x361: {  	[tilespmem:$0x1FD90] =	vst v5;
	vm0 =	vgt.f32 v28, v41;
	v6 =	vsel vm2, $0x1E, v5;
	v5 =	vimm.s32 $0x0  }
0x362: {  	v24 =	vld [tilespmem:s5+$0x2800];
	v5 =	vsel vm0, $0xFFFFFFFF, v5  }
0x363: {  	[tilespmem:$0x1FD80] =	vst v5;
	v5 =	vld [tilespmem:$0x1FD20];
	_ =	sdelay $0x3  }
0x364: {  	v21 =	vsel vm1, v63, v22;
	v22 =	vsel vm1, $0x1B, v63;
	v20 =	vsel vm7, v27, v18  }
0x365: {  	v19 =	vsel vm0, v28, v41;
	v3 =	vsel vm4, v3, v6;
	vm4 =	vnez.u8 v5  }
0x366: {  	vm2 =	vmmov vm0;
	vm0 =	vgt.f32 v4, v0;
	v6 =	vsel vm4, v42, v19  }
0x367: {  	v5 =	vimm.s32 $0x0;
	v19 =	vsel vm5, $0x1F, v3;
	vm1 =	vgt.f32 v26, v6  }
0x368: {  	[tilespmem:$0x1FDB0] =	vst v3;
	v42 =	vsel vm7, v17, v22;
	v3 =	vsel vm13, v32, v19;
	v18 =	vsel vm1, v26, v6  }
0x369: {  	[tilespmem:$0x1FDC0] =	vst v3;
	v5 =	vsel vm1, $0xFFFFFFFF, v5;
	v17 =	vsel vm2, $0x20, v3;
	v32 =	vsel vm10, v45, v18  }
0x36a: {  	[tilespmem:$0x1FDA0] =	vst v5;
	v3 =	vsel vm4, v34, v17;
	v5 =	vimm.s32 $0x0;
	vm2 =	vgt.f32 v10, v32  }
0x36b: {  	v45 =	vsel vm0, v4, v0;
	v17 =	vsel vm1, $0x21, v3;
	v0 =	vsel vm2, v10, v32  }
0x36c: {  	v25 =	vld [tilespmem:s5+$0x2880];
	[tilespmem:$0x1FDF0] =	vst v3;
	v5 =	vsel vm2, $0xFFFFFFFF, v5;
	v34 =	vsel vm9, v46, v0;
	v0 =	vsel vm10, v35, v17  }
0x36d: {  	v3 =	vimm.s32 $0x0;
	[tilespmem:$0x1FDD0] =	vst v5;
	vm1 =	vgt.f32 v11, v34;
	v17 =	vsel vm2, $0x22, v0  }
0x36e: {  	v22 =	vld [tilespmem:s5+$0x2900];
	[tilespmem:$0x1FE10] =	vst v0;
	v3 =	vsel vm1, $0xFFFFFFFF, v3;
	v18 =	vsel vm1, v11, v34;
	v0 =	vsel vm9, v1, v17  }
0x36f: {  	v60 =	vsel vm0, $0x1C, v21;
	v21 =	vld [tilespmem:s5+$0x2980];
	[tilespmem:$0x1FDE0] =	vst v3;
	v39 =	vsel vm15, v47, v18;
	v1 =	vsel vm1, $0x23, v0  }
0x370: {  	[tilespmem:$0x1FE60] =	vst v0;
	v0 =	vsel vm15, v2, v1;
	vm2 =	vgt.f32 v13, v39;
	v1 =	vimm.s32 $0x0  }
0x371: {  	v19 =	vld [tilespmem:s5+$0x2A00];
	[tilespmem:$0x1FE80] =	vst v0;
	v1 =	vsel vm2, $0xFFFFFFFF, v1;
	v17 =	vsel vm2, $0x24, v0  }
0x372: {  	vm6 =	vgt.f32 v16, v52;
	[tilespmem:$0x1FE00] =	vst v1;
	v1 =	vsel vm2, v13, v39;
	v31 =	vsel vm8, v48, v17  }
0x373: {  	v55 =	vsel vm6, v16, v52;
	v18 =	vld [tilespmem:s5+$0x2A80];
	v35 =	vsel vm8, v49, v1;
	[tilespmem:$0x1FEA0] =	vst v31  }
0x374: {  	vm3 =	vgt.f32 v23, v55;
	v0 =	vimm.s32 $0x0;
	v17 =	vld [tilespmem:s5+$0x2B00];
	vm7 =	vgt.f32 v14, v35  }
0x375: {  	v59 =	vsel vm3, v23, v55;
	v29 =	vld [tilespmem:s5+$0x2B80];
	v0 =	vsel vm7, $0xFFFFFFFF, v0  }
0x376: {  	vm13 =	vgt.f32 v24, v59;
	[tilespmem:$0x1FE40] =	vst v0;
	v0 =	vld [tilespmem:$0x1FD30]  }
0x377: {  	v61 =	vsel vm13, v24, v59  }
0x378: {  	vm5 =	vgt.f32 v25, v61  }
0x379: {  	v62 =	vsel vm5, v25, v61  }
0x37a: {  	v54 =	vsel vm6, $0x26, v43;
	vm4 =	vgt.f32 v4, v20;
	vm1 =	vgt.f32 v22, v62  }
0x37b: {  	v63 =	vsel vm1, v22, v62;
	v2 =	vsel vm7, v14, v35;
	vm2 =	vnez.u8 v0  }
0x37c: {  	v33 =	vsel vm4, v20, v45;
	vm15 =	vgt.f32 v21, v63;
	v45 =	vsel vm2, v50, v2  }
0x37d: {  	v1 =	vsel vm15, v21, v63;
	v0 =	vimm.s32 $0x0;
	vm8 =	vgt.f32 v16, v45  }
0x37e: {  	v58 =	vsel vm3, $0x27, v54;
	vm9 =	vgt.f32 v19, v1;
	v0 =	vsel vm8, $0xFFFFFFFF, v0  }
0x37f: {  	v46 =	vsel vm4, v4, v20;
	v48 =	vsel vm13, $0x28, v58;
	v20 =	vsel vm9, v19, v1;
	[tilespmem:$0x1FE70] =	vst v0;
	v0 =	vld [tilespmem:$0x1FD40]  }
0x380: {  	v49 =	vsel vm5, $0x29, v48;
	vm12 =	vgt.f32 v18, v20  }
0x381: {  	v3 =	vsel vm1, $0x2A, v49;
	v2 =	vsel vm12, v18, v20  }
0x382: {  	v4 =	vsel vm15, $0x2B, v3;
	vm14 =	vgt.f32 v17, v2  }
0x383: {  	v5 =	vsel vm9, $0x2C, v4;
	v8 =	vsel vm14, v17, v2;
	v47 =	vsel vm8, v16, v45  }
0x384: {  	v36 =	vsel vm6, v52, v47;
	v47 =	vmul.f32 $1.442695020e+00, v0;
	v0 =	vsel vm4, v42, v60  }
0x385: {  	v7 =	vsel vm12, $0x2D, v5;
	vm0 =	vgt.f32 v29, v8;
	[tilespmem:$0x1FE50] =	vst v0;
	v0 =	vimm.s32 $0x0  }
0x386: {  	v27 =	vimm.s32 $0x0;
	v9 =	vsel vm14, $0x2E, v7;
	v0 =	vsel vm0, $0xFFFFFFFF, v0  }
0x387: {  	v52 =	vsel vm4, $0x1C, v42;
	v30 =	vsel vm0, $0x2F, v9;
	[tilespmem:$0x1FE20] =	vst v0;
	v0 =	vlaneseq.u32  }
0x388: {  	vm10 =	vgt.f32 v23, v36;
	v50 =	vshll.u32 v30, $0x8;
	v60 =	vor.u32 s4, v0  }
0x389: {  	v27 =	vsel vm10, $0xFFFFFFFF, v27;
	v0 =	vadd.s32 v60, v50;
	v50 =	vsel vm10, v23, v36  }
0x38a: {  	[tilespmem:$0x1FE90] =	vst v27;
	v27 =	vimm.s32 $0x0;
	v42 =	vsel vm3, v55, v50;
	v55 =	vsel vm7, $0x25, v31  }
0x38b: {  	(erf) = vpow2.f32 v47;
	v47 =	vsel vm2, v37, v55;
	vm4 =	vgt.f32 v24, v42  }
0x38c: {  	v37 =	vsel vm11, v53, v46;
	v27 =	vsel vm4, $0xFFFFFFFF, v27;
	v53 =	vsel vm8, $0x26, v47  }
0x38d: {  	[tilespmem:$0x1FEB0] =	vst v27;
	v50 =	vsel vm6, v43, v53  }
0x38e: {  	v31 =	vsel vm4, v24, v42;
	v53 =	vld.idx.msk [tilespmem:v0+s29+$0x0], $0xffff;
	v0 =	vsel vm10, $0x27, v50  }
0x38f: {  	v46 =	vsel vm13, v59, v31;
	v31 =	vsel vm3, v54, v0;
	v0 =	vld [tilespmem:$0x1FD50];
	_ =	sdelay $0x1  }
0x390: {  	v52 =	vsel vm11, v56, v52  }
0x391: {  	vm7 =	vgt.f32 v15, v37;
	v27 =	vimm.s32 $0x0;
	vm2 =	vgt.f32 v25, v46  }
0x392: {  	v55 =	vsel vm7, $0x1D, v52;
	v27 =	vsel vm2, $0xFFFFFFFF, v27;
	v56 =	vsel vm2, v25, v46  }
0x393: {  	v43 =	vsel vm5, v61, v56;
	v59 =	vsel vm4, $0x28, v31;
	vm3 =	vnez.u8 v0  }
0x394: {  	[tilespmem:$0x1FEC0] =	vst v27;
	v61 =	vimm.s32 $0x0;
	v27 =	vsel vm3, v57, v55;
	v57 =	vsel vm7, v15, v37  }
0x395: {  	v0 =	vsel vm3, v44, v57;
	v44 =	vsel vm13, v58, v59;
	vm3 =	vgt.f32 v22, v43  }
0x396: {  	v56 =	vsel vm3, $0xFFFFFFFF, v61;
	v61 =	vsel vm2, $0x29, v44  }
0x397: {  	v55 =	vsel vm3, v22, v43;
	v61 =	vsel vm5, v48, v61  }
0x398: {  	v48 =	vsel vm1, v62, v55;
	v62 =	vsel vm3, $0x2A, v61  }
0x399: {  	v49 =	vsel vm1, v49, v62;
	v62 =	vld [tilespmem:$0x1FD60];
	_ =	sdelay $0x3  }
0x39a: {  	v54 =	vsel vm0, v29, v8  }
0x39b: {  	v53 =	vadd.f32 v54, v53;
	vm3 =	vnez.u8 v62;
	v62 =	vld [tilespmem:$0x1FD70]  }
0x39c: {  	v54 =	vsub.f32 $0.0e+00, v54;
	vm8 =	vgt.f32 v12, v0  }
0x39d: {  	v53 =	vsub.f32 $0.0e+00, v53;
	v59 =	vpop (erf);
	v57 =	vimm.s32 $0x0;
	[tilespmem:$0x1FED0] =	vst v56;
	v56 =	vsel vm8, v12, v0  }
0x39e: {  	v55 =	vadd.f32 $1.000000000e+00, v59;
	v59 =	vimm.s32 $0x0;
	v58 =	vsel vm3, v38, v56  }
0x39f: {  	vm1 =	vgt.f32 v21, v48;
	v56 =	vmul.f32 $1.442695020e+00, v54;
	vm5 =	vgt.f32 v51, v58  }
0x3a0: {  	v38 =	vsel vm5, v51, v58;
	v54 =	vsel vm5, $0xFFFFFFFF, v57;
	vm0 =	vnez.u8 v62  }
0x3a1: {  	[tilespmem:$0x1FEE0] =	vst v54;
	v54 =	vsel vm1, $0xFFFFFFFF, v59;
	v59 =	vsel vm0, v40, v38;
	v40 =	vld [tilespmem:$0x1FD80]  }
0x3a2: {  	v53 =	vmul.f32 $1.442695020e+00, v53;
	(erf) = vrcp.f32 v55  }
0x3a3: {  	(erf) = vpow2.f32 v56;
	v57 =	vsel vm1, v21, v48  }
0x3a4: {  	(erf) = vpow2.f32 v53;
	v56 =	vsel vm15, v63, v57  }
0x3a5: {  	v62 =	vsel vm1, $0x2B, v49;
	vm1 =	vgt.f32 v19, v56;
	vm13 =	vgt.f32 v28, v59  }
0x3a6: {  	v53 =	vsel vm15, v3, v62;
	v3 =	vsel vm13, v28, v59;
	vm2 =	vnez.u8 v40  }
0x3a7: {  	v55 =	vsel vm2, v41, v3;
	v41 =	vsel vm1, $0x2C, v53  }
0x3a8: {  	v41 =	vsel vm9, v4, v41;
	v4 =	vld [tilespmem:$0x1FD90]  }
0x3a9: {  	v3 =	vsel vm1, v19, v56  }
0x3aa: {  	v57 =	vsel vm9, v1, v3;
	vm4 =	vgt.f32 v26, v55;
	v3 =	vimm.s32 $0x0  }
0x3ab: {  	v3 =	vsel vm4, $0xFFFFFFFF, v3  }
0x3ac: {  	v63 =	vimm.s32 $0x0;
	[tilespmem:$0x1FF10] =	vst v3;
	v3 =	vsel vm8, $0x1E, v27  }
0x3ad: {  	v38 =	vsel vm1, $0xFFFFFFFF, v63;
	v63 =	vsel vm3, v4, v3;
	v3 =	vld [tilespmem:$0x1FDA0];
	_ =	sdelay $0x4  }
0x3ae: {  	v1 =	vsel vm4, v26, v55;
	vm10 =	vgt.f32 v18, v57;
	vm1 =	vnez.u8 v3  }
0x3af: {  	[tilespmem:$0x1FEF0] =	vst v54;
	v54 =	vsel vm1, v6, v1;
	v1 =	vsel vm10, v18, v57  }
0x3b0: {  	[tilespmem:$0x1FF00] =	vst v38;
	v38 =	vsel vm12, v20, v1;
	v1 =	vsel vm10, $0x2D, v41  }
0x3b1: {  	v40 =	vsel vm12, v5, v1;
	v1 =	vld [tilespmem:$0x1FDB0];
	_ =	sdelay $0x1  }
0x3b2: {  	v20 =	vld [tilespmem:$0x1FDC0];
	_ =	sdelay $0x1  }
0x3b3: {  	v3 =	vsel vm5, $0x1F, v63  }
0x3b4: {  	v6 =	vpop (erf);
	v62 =	vsel vm0, v1, v3  }
0x3b5: {  	v1 =	vpop (erf);
	v5 =	vsel vm13, $0x20, v62  }
0x3b6: {  	v4 =	vimm.s32 $0x0;
	v1 =	vadd.f32 $1.000000000e+00, v1;
	v20 =	vsel vm2, v20, v5;
	v5 =	vld [tilespmem:$0x1FDD0]  }
0x3b7: {  	vm5 =	vgt.f32 v10, v54;
	vm12 =	vmmov vm13;
	vm13 =	vgt.f32 v17, v38  }
0x3b8: {  	v4 =	vsel vm5, $0xFFFFFFFF, v4;
	(erf) = vrcp.f32 v1;
	v1 =	vsel vm13, v17, v38  }
0x3b9: {  	v1 =	vsel vm14, v2, v1;
	v2 =	vld [tilespmem:$0x1FDE0];
	_ =	sdelay $0x1  }
0x3ba: {  	[tilespmem:$0x1FF20] =	vst v4;
	v3 =	vsel vm5, v10, v54;
	v4 =	vpop (erf);
	vm11 =	vnez.u8 v5  }
0x3bb: {  	v4 =	vadd.f32 $1.000000000e+00, v4;
	v3 =	vsel vm11, v32, v3  }
0x3bc: {  	vm3 =	vgt.f32 v11, v3  }
0x3bd: {  	(erf) = vrcp.f32 v4;
	vm9 =	vnez.u8 v2;
	v4 =	vsel vm3, v11, v3  }
0x3be: {  	v2 =	vsel vm9, v34, v4;
	v4 =	vsel vm13, $0x2E, v40  }
0x3bf: {  	v4 =	vsel vm14, v7, v4;
	v7 =	vld [tilespmem:$0x1FDF0];
	_ =	sdelay $0x1  }
0x3c0: {  	v5 =	vimm.s32 $0x0  }
0x3c1: {  	v5 =	vsel vm3, $0xFFFFFFFF, v5  }
0x3c2: {  	[tilespmem:$0x1FF30] =	vst v5;
	v5 =	vsel vm4, $0x21, v20  }
0x3c3: {  	vm0 =	vgt.f32 v13, v2;
	v32 =	vsel vm1, v7, v5;
	v7 =	vimm.s32 $0x0  }
0x3c4: {  	v7 =	vsel vm0, $0xFFFFFFFF, v7  }
0x3c5: {  	[tilespmem:$0x1FF40] =	vst v7;
	v7 =	vld [tilespmem:$0x1FE00];
	_ =	sdelay $0x4  }
0x3c6: {  	v5 =	vsel vm0, v13, v2;
	vm6 =	vnez.u8 v7  }
0x3c7: {  	v34 =	vsel vm6, v39, v5;
	v39 =	vld [tilespmem:$0x1FE10];
	_ =	sdelay $0x1  }
0x3c8: {  	vm14 =	vgt.f32 v29, v1;
	v5 =	vimm.s32 $0x0  }
0x3c9: {  	v5 =	vsel vm14, $0xFFFFFFFF, v5  }
0x3ca: {  	[tilespmem:$0x1FF50] =	vst v5;
	v5 =	vsel vm5, $0x22, v32  }
0x3cb: {  	vm1 =	vgt.f32 v14, v34;
	v5 =	vsel vm11, v39, v5;
	v39 =	vld [tilespmem:$0x1FE20];
	[tilespmem:$0x1FE30] =	vst v0;
	v0 =	vimm.s32 $0x0  }
0x3cc: {  	v0 =	vsel vm1, $0xFFFFFFFF, v0  }
0x3cd: {  	[tilespmem:$0x1FF60] =	vst v0  }
0x3ce: {  	vm2 =	vgt.f32 v15, v33;
	v0 =	vld [tilespmem:$0x1FE30]  }
0x3cf: {  	v15 =	vsel vm2, v15, v33;
	v33 =	vld [tilespmem:$0x1FE40];
	_ =	sdelay $0x3  }
0x3d0: {  	v7 =	vsel vm14, $0x2F, v4;
	vm15 =	vnez.u8 v39  }
0x3d1: {  	v39 =	vsel vm15, v9, v7;
	v9 =	vsel vm1, v14, v34;
	vm11 =	vnez.u8 v33  }
0x3d2: {  	v33 =	vsel vm11, v35, v9;
	v9 =	vld [tilespmem:$0x1FE50];
	_ =	sdelay $0x3  }
0x3d3: {  	s7 =	simm.s32 $0x40  }
0x3d4: {  	s4 =	sand.u32 $0xFFFFFE00, s7;
	v9 =	vsel vm2, $0x1D, v9  }
0x3d5: {  	s8 =	sor.u32 s11, s4;
	vm5 =	vgt.f32 v16, v33;
	v9 =	vsel vm7, v52, v9;
	v52 =	vimm.s32 $0x0  }
0x3d6: {  	v15 =	vsel vm7, v37, v15;
	[tilespmem:s8+$0x6800] =	vst v30;
	v37 =	vsel vm5, $0xFFFFFFFF, v52  }
0x3d7: {  	v30 =	vpop (erf);
	[tilespmem:$0x1FF70] =	vst v37  }
0x3d8: {  	v52 =	vld [tilespmem:$0x1FE60];
	[tilespmem:s8+$0x6000] =	vst v30  }
0x3d9: {  	v30 =	vld [tilespmem:$0x1FE70];
	_ =	sdelay $0x2  }
0x3da: {  	v35 =	vsel vm5, v16, v33;
	_ =	sdelay $0x1  }
0x3db: {  	vm4 =	vnez.u8 v30  }
0x3dc: {  	vm2 =	vgt.f32 v12, v15;
	v45 =	vsel vm4, v45, v35;
	v35 =	vpop (erf)  }
0x3dd: {  	v12 =	vsel vm2, v12, v15;
	v9 =	vsel vm2, $0x1E, v9;
	[tilespmem:s8+$0x6400] =	vst v35  }
0x3de: {  	v37 =	vsel vm3, $0x23, v5;
	vm3 =	vgt.f32 v23, v45;
	v35 =	vimm.s32 $0x0;
	v15 =	vld [tilespmem:$0x1FE80]  }
0x3df: {  	v30 =	vsel vm3, $0xFFFFFFFF, v35;
	v35 =	vsel vm8, v27, v9;
	v9 =	vld [tilespmem:$0x1FE90]  }
0x3e0: {  	v7 =	vshll.u32 v39, $0x8  }
0x3e1: {  	v7 =	vadd.s32 v60, v7;
	v0 =	vsel vm8, v0, v12;
	v12 =	vld [tilespmem:$0x1FEA0]  }
0x3e2: {  	v37 =	vsel vm9, v52, v37  }
0x3e3: {  	v52 =	vsel vm0, $0x24, v37  }
0x3e4: {  	v52 =	vsel vm6, v15, v52;
	v15 =	vsel vm3, v23, v45;
	vm0 =	vnez.u8 v9  }
0x3e5: {  	v9 =	vsel vm0, v36, v15;
	v15 =	vsel vm1, $0x25, v52  }
0x3e6: {  	v7 =	vld.idx.msk [tilespmem:v7+s29+$0x0], $0xffff;
	[tilespmem:$0x1FF80] =	vst v30;
	v30 =	vsel vm11, v12, v15;
	v12 =	vsel vm14, v29, v1  }
0x3e7: {  	v8 =	vsel vm15, v8, v12;
	v12 =	vld [tilespmem:$0x1FEB0];
	_ =	sdelay $0x2  }
0x3e8: {  	vm2 =	vgt.f32 v24, v9  }
0x3e9: {  	v15 =	vsel vm2, v24, v9  }
0x3ea: {  	v7 =	vadd.f32 v8, v7;
	v8 =	vsub.f32 $0.0e+00, v8;
	vm1 =	vnez.u8 v12  }
0x3eb: {  	v27 =	vimm.s32 $0x0;
	v42 =	vsel vm1, v42, v15;
	v15 =	vld [tilespmem:$0x1FEC0]  }
0x3ec: {  	v27 =	vsel vm2, $0xFFFFFFFF, v27;
	v8 =	vmul.f32 $1.442695020e+00, v8  }
0x3ed: {  	[tilespmem:$0x1FFA0] =	vst v27;
	v27 =	vsel vm5, $0x26, v30  }
0x3ee: {  	v47 =	vsel vm4, v47, v27;
	(erf) = vpow2.f32 v8;
	v8 =	vld [tilespmem:$0x1FED0]  }
0x3ef: {  	v7 =	vsub.f32 $0.0e+00, v7;
	v12 =	vsel vm3, $0x27, v47;
	vm9 =	vgt.f32 v25, v42  }
0x3f0: {  	v36 =	vsel vm0, v50, v12;
	v12 =	vsel vm9, v25, v42;
	vm0 =	vnez.u8 v15  }
0x3f1: {  	v7 =	vmul.f32 $1.442695020e+00, v7;
	v15 =	vsel vm0, v46, v12;
	v12 =	vsel vm2, $0x28, v36  }
0x3f2: {  	v31 =	vsel vm1, v31, v12  }
0x3f3: {  	(erf) = vpow2.f32 v7;
	vm1 =	vnez.u8 v8;
	v8 =	vld [tilespmem:$0x1FEF0];
	v7 =	vsel vm9, $0x29, v31  }
0x3f4: {  	v50 =	vsel vm0, v44, v7;
	v7 =	vld [tilespmem:$0x1FEE0];
	_ =	sdelay $0x1  }
0x3f5: {  	v27 =	vimm.s32 $0x0;
	vm3 =	vgt.f32 v22, v15  }
0x3f6: {  	vm2 =	vgt.f32 v51, v0;
	v12 =	vsel vm3, v22, v15;
	v27 =	vsel vm3, $0xFFFFFFFF, v27  }
0x3f7: {  	v0 =	vsel vm2, v51, v0;
	[tilespmem:$0x1FFB0] =	vst v27;
	v27 =	vsel vm1, v43, v12  }
0x3f8: {  	vm15 =	vgt.f32 v21, v27;
	vm0 =	vnez.u8 v8;
	vm7 =	vnez.u8 v7  }
0x3f9: {  	v8 =	vsel vm3, $0x2A, v50;
	v7 =	vsel vm7, v58, v0;
	v0 =	vsel vm15, v21, v27  }
0x3fa: {  	v0 =	vsel vm0, v48, v0;
	v48 =	vsel vm1, v61, v8  }
0x3fb: {  	v12 =	vsel vm15, $0x2B, v48  }
0x3fc: {  	v51 =	vsel vm0, v49, v12;
	v12 =	vld [tilespmem:$0x1FF00];
	_ =	sdelay $0x2  }
0x3fd: {  	vm14 =	vgt.f32 v28, v7  }
0x3fe: {  	v7 =	vsel vm14, v28, v7;
	vm8 =	vgt.f32 v19, v0  }
0x3ff: {  	v7 =	vsel vm12, v59, v7;
	v8 =	vsel vm8, v19, v0;
	vm1 =	vnez.u8 v12  }
0x400: {  	vm0 =	vgt.f32 v26, v7;
	v12 =	vsel vm1, v56, v8;
	v8 =	vsel vm8, $0x2C, v51  }
0x401: {  	v7 =	vsel vm0, v26, v7;
	v26 =	vsel vm1, v53, v8;
	v8 =	vld [tilespmem:$0x1FF10];
	_ =	sdelay $0x2  }
0x402: {  	v58 =	vld [tilespmem:$0x1FF20];
	_ =	sdelay $0x1  }
0x403: {  	vm4 =	vmmov vm12;
	vm11 =	vgt.f32 v18, v12;
	vm12 =	vnez.u8 v8  }
0x404: {  	v8 =	vsel vm11, v18, v12;
	v7 =	vsel vm12, v55, v7  }
0x405: {  	v8 =	vsel vm10, v57, v8;
	vm3 =	vgt.f32 v10, v7  }
0x406: {  	v53 =	vpop (erf);
	v57 =	vsel vm2, $0x1F, v35;
	vm2 =	vnez.u8 v58;
	v7 =	vsel vm3, v10, v7  }
0x407: {  	v10 =	vadd.f32 $1.000000000e+00, v53;
	v7 =	vsel vm2, v54, v7  }
0x408: {  	vm1 =	vgt.f32 v11, v7  }
0x409: {  	(erf) = vrcp.f32 v10;
	v10 =	vsel vm1, v11, v7;
	v11 =	vld [tilespmem:$0x1FF30];
	_ =	sdelay $0x3  }
0x40a: {  	v55 =	vsel vm11, $0x2D, v26  }
0x40b: {  	v41 =	vsel vm10, v41, v55;
	vm10 =	vnez.u8 v11  }
0x40c: {  	v3 =	vsel vm10, v3, v10  }
0x40d: {  	vm6 =	vgt.f32 v13, v3  }
0x40e: {  	vm5 =	vgt.f32 v17, v8;
	v3 =	vsel vm6, v13, v3;
	v13 =	vld [tilespmem:$0x1FF40]  }
0x40f: {  	v10 =	vsel vm5, $0x2E, v41  }
0x410: {  	v11 =	vsel vm13, v40, v10;
	v10 =	vsel vm7, v63, v57  }
0x411: {  	v10 =	vsel vm14, $0x20, v10  }
0x412: {  	v7 =	vsel vm5, v17, v8;
	v10 =	vsel vm4, v62, v10  }
0x413: {  	v7 =	vsel vm13, v38, v7;
	vm13 =	vnez.u8 v13;
	v13 =	vsel vm0, $0x21, v10;
	v10 =	vld [tilespmem:$0x1FF50];
	_ =	sdelay $0x3  }
0x414: {  	vm14 =	vgt.f32 v29, v7  }
0x415: {  	v2 =	vsel vm13, v2, v3;
	v3 =	vsel vm14, $0x2F, v11;
	vm7 =	vnez.u8 v10  }
0x416: {  	v56 =	vpop (erf);
	v10 =	vsel vm7, v4, v3;
	v3 =	vsel vm12, v20, v13;
	v13 =	vld [tilespmem:$0x1FF60]  }
0x417: {  	v44 =	vadd.f32 $1.000000000e+00, v56;
	_ =	sdelay $0x1  }
0x418: {  	s9 =	sadd.s32 $0x10, s4;
	(erf) = vrcp.f32 v44  }
0x419: {  	s10 =	sor.u32 $0x80, s9;
	v3 =	vsel vm3, $0x22, v3  }
0x41a: {  	[tilespmem:s10+$0x6800] =	vst v39;
	v3 =	vsel vm2, v32, v3;
	vm12 =	vnez.u8 v13;
	v13 =	vpop (erf)  }
0x41b: {  	v3 =	vsel vm1, $0x23, v3;
	[tilespmem:s10+$0x6000] =	vst v13  }
0x41c: {  	v3 =	vsel vm10, v5, v3;
	v5 =	vld [tilespmem:$0x1FF70];
	_ =	sdelay $0x4  }
0x41d: {  	v4 =	vshll.u32 v10, $0x8;
	vm4 =	vnez.u8 v5;
	v5 =	vpop (erf)  }
0x41e: {  	v4 =	vadd.s32 v60, v4;
	[tilespmem:s10+$0x6400] =	vst v5  }
0x41f: {  	v5 =	vld [tilespmem:$0x1FF80];
	_ =	sdelay $0x3  }
0x420: {  	v4 =	vld.idx.msk [tilespmem:v4+s29+$0x0], $0xffff  }
0x421: {  	vm0 =	vgt.f32 v14, v2;
	vm2 =	vnez.u8 v5;
	v5 =	vld [tilespmem:$0x1FF90]  }
0x422: {  	v2 =	vsel vm0, v14, v2;
	v3 =	vsel vm6, $0x24, v3  }
0x423: {  	v2 =	vsel vm12, v34, v2;
	v3 =	vsel vm13, v37, v3  }
0x424: {  	v13 =	vsel vm14, v29, v7;
	vm3 =	vgt.f32 v16, v2;
	v3 =	vsel vm0, $0x25, v3  }
0x425: {  	v1 =	vsel vm7, v1, v13;
	v2 =	vsel vm3, v16, v2;
	v3 =	vsel vm12, v52, v3  }
0x426: {  	s1 =	simm.s32 $0x20;
	s11 =	simm.s32 $0x100;
	v2 =	vsel vm4, v33, v2;
	v14 =	vld [tilespmem:$0x1FFA0];
	v4 =	vadd.f32 v1, v4;
	v5 =	vsub.f32 $0.0e+00, v5  }
0x427: {  	s4 =	sand.u32 $0x70, s1;
	s7 =	sand.u32 $0x3FFFFC00, s11;
	v3 =	vsel vm3, $0x26, v3;
	vm1 =	vgt.f32 v23, v2;
	v1 =	vsub.f32 $0.0e+00, v1  }
0x428: {  	s7 =	sor.u32 s4, s7;
	v2 =	vsel vm1, v23, v2;
	v4 =	vsub.f32 $0.0e+00, v4;
	v5 =	vmul.f32 $1.442695020e+00, v5  }
0x429: {  	v13 =	vld [tilespmem:s7+$0x180];
	v3 =	vsel vm4, v30, v3;
	v2 =	vsel vm2, v45, v2;
	v1 =	vmul.f32 $1.442695020e+00, v1  }
0x42a: {  	vm0 =	vgt.f32 v24, v2;
	v4 =	vmul.f32 $1.442695020e+00, v4;
	(erf) = vpow2.f32 v5  }
0x42b: {  	vm4 =	vnez.u8 v14;
	v2 =	vsel vm0, v24, v2;
	(erf) = vpow2.f32 v1  }
0x42c: {  	v3 =	vsel vm1, $0x27, v3;
	v2 =	vsel vm4, v9, v2;
	(erf) = vpow2.f32 v4;
	v4 =	vld [tilespmem:$0x1FFB0]  }
0x42d: {  	v3 =	vsel vm2, v47, v3;
	v9 =	vld [tilespmem:s7+$0x80];
	vm3 =	vgt.f32 v25, v2  }
0x42e: {  	vm1 =	vlt.f32 v13, $-Inf;
	v3 =	vsel vm0, $0x28, v3;
	v2 =	vsel vm3, v25, v2;
	v5 =	vld [tilespmem:s7+$0x100]  }
0x42f: {  	vm0 =	vgt.f32 v13, $-Inf;
	v2 =	vsel vm9, v42, v2;
	v1 =	vsel vm4, v36, v3  }
0x430: {  	vm0 =	vmor vm0, vm1;
	vm6 =	vgt.f32 v22, v2;
	v1 =	vsel vm3, $0x29, v1  }
0x431: {  	v2 =	vsel vm6, v22, v2;
	v3 =	vld [tilespmem:s7+$0x0];
	v1 =	vsel vm9, v31, v1;
	vm7 =	vnez.u8 v4  }
0x432: {  	v1 =	vsel vm6, $0x2A, v1;
	vm6 =	vlt.f32 v9, $-Inf;
	v2 =	vsel vm7, v15, v2  }
0x433: {  	vm3 =	vlt.f32 v5, $-Inf;
	vm4 =	vgt.f32 v5, $-Inf;
	vm1 =	vgt.f32 v21, v2  }
0x434: {  	vm3 =	vmor vm4, vm3;
	vm4 =	vgt.f32 v9, $-Inf;
	v2 =	vsel vm1, v21, v2  }
0x435: {  	vm4 =	vmor vm4, vm6;
	v2 =	vsel vm15, v27, v2  }
0x436: {  	v1 =	vsel vm7, v50, v1;
	vm7 =	vgt.f32 v3, $-Inf;
	vm6 =	vgt.f32 v19, v2  }
0x437: {  	v15 =	vimm.s32 $0x0;
	v4 =	vpop (erf);
	v1 =	vsel vm1, $0x2B, v1;
	v2 =	vsel vm6, v19, v2  }
0x438: {  	v3 =	vnsel vm7, $0xFF800000, v3;
	[tilespmem:$0x1FFC0] =	vst v4;
	v4 =	vlaneseq.u32;
	v1 =	vsel vm15, v48, v1  }
0x439: {  	v4 =	vor.u32 s1, v4;
	v1 =	vsel vm6, $0x2C, v1;
	v0 =	vsel vm8, v0, v2  }
0x43a: {  	[tilespmem:$0x1FFD0] =	vst v4;
	v4 =	vsel vm0, $0x3, v15;
	v1 =	vsel vm8, v51, v1;
	vm1 =	vgt.f32 v18, v0;
	v2 =	vpop (erf)  }
0x43b: {  	v0 =	vsel vm1, v18, v0;
	v1 =	vsel vm1, $0x2D, v1;
	v2 =	vadd.f32 $1.000000000e+00, v2;
	v14 =	vpop (erf)  }
0x43c: {  	v0 =	vsel vm11, v12, v0;
	v1 =	vsel vm11, v26, v1;
	v12 =	vadd.f32 $1.000000000e+00, v14  }
0x43d: {  	vm1 =	vgt.f32 v17, v0;
	v14 =	vnsel vm4, $0xFF800000, v9;
	(erf) = vrcp.f32 v2  }
0x43e: {  	v2 =	vsel vm3, $0x2, v15;
	v15 =	vimm.s32 $0x0;
	v0 =	vsel vm1, v17, v0  }
0x43f: {  	v1 =	vsel vm1, $0x2E, v1;
	vm1 =	vgt.f32 v9, v3;
	(erf) = vrcp.f32 v12  }
0x440: {  	v12 =	vnsel vm0, $0xFF800000, v13;
	v0 =	vsel vm5, v8, v0;
	v1 =	vsel vm5, v41, v1  }
0x441: {  	vm2 =	vmneg vm1;
	v8 =	vnsel vm3, $0xFF800000, v5;
	vm0 =	vgt.f32 v29, v0  }
0x442: {  	vm3 =	vmand vm4, vm2;
	v1 =	vsel vm0, $0x2F, v1;
	v0 =	vsel vm0, v29, v0  }
0x443: {  	v21 =	vsel vm14, v11, v1;
	v1 =	vsel vm2, v14, v3;
	v3 =	vsel vm2, v3, v9  }
0x444: {  	v11 =	vsel vm3, $0x1, v15;
	v14 =	vsel vm1, $0x1, v15;
	v7 =	vsel vm14, v7, v0  }
0x445: {  	v9 =	vshll.u32 v21, $0x8;
	vm2 =	vgt.f32 v5, v1;
	vm1 =	vgt.f32 v5, v3  }
0x446: {  	v9 =	vadd.s32 v60, v9;
	v2 =	vsel vm2, v11, v2;
	v8 =	vsel vm2, v1, v8  }
0x447: {  	v17 =	vld [tilespmem:s7+$0x200];
	v11 =	vsel vm2, $0x2, v11;
	v16 =	vsel vm1, $0x2, v14;
	v1 =	vsel vm2, v5, v1  }
0x448: {  	v5 =	vsel vm1, v5, v3;
	v11 =	vsel vm1, v14, v11;
	vm2 =	vgt.f32 v13, v8  }
0x449: {  	v1 =	vsel vm1, v3, v1;
	vm1 =	vgt.f32 v13, v5;
	v3 =	vsel vm2, v8, v12  }
0x44a: {  	v4 =	vsel vm2, v2, v4;
	v2 =	vsel vm2, $0x3, v2;
	vm3 =	vgt.f32 v13, v1  }
0x44b: {  	v8 =	vsel vm2, v13, v8;
	v12 =	vsel vm1, v13, v5;
	v2 =	vsel vm3, v11, v2  }
0x44c: {  	vm4 =	vgt.f32 v17, v3;
	v8 =	vsel vm3, v1, v8;
	v11 =	vsel vm3, $0x3, v11  }
0x44d: {  	v15 =	vpop (erf);
	vm2 =	vgt.f32 v17, v12;
	v1 =	vsel vm3, v13, v1;
	v4 =	vsel vm4, $0x4, v4  }
0x44e: {  	[tilespmem:s8+$0x6900] =	vst v10;
	v10 =	vpop (erf);
	v3 =	vsel vm4, v17, v3;
	v0 =	vsel vm1, v16, v11;
	vm0 =	vgt.f32 v17, v8  }
0x44f: {  	v13 =	vld [tilespmem:s7+$0x280];
	v1 =	vsel vm1, v5, v1;
	v5 =	vsel vm2, v17, v12;
	[tilespmem:s8+$0x6500] =	vst v10;
	v10 =	vsel vm1, $0x3, v16  }
0x450: {  	[tilespmem:s8+$0x6100] =	vst v15;
	v4 =	vsel vm0, v2, v4;
	v2 =	vsel vm0, $0x4, v2;
	vm1 =	vgt.f32 v17, v1  }
0x451: {  	v3 =	vsel vm0, v8, v3;
	v8 =	vsel vm0, v17, v8;
	v9 =	vld.idx.msk [tilespmem:v9+s29+$0x0], $0xffff;
	v2 =	vsel vm1, v0, v2  }
0x452: {  	v8 =	vsel vm1, v1, v8;
	v0 =	vsel vm1, $0x4, v0;
	v1 =	vsel vm1, v17, v1  }
0x453: {  	v14 =	vsel vm2, $0x4, v10;
	v0 =	vsel vm2, v10, v0;
	v1 =	vsel vm2, v12, v1  }
0x454: {  	vm0 =	vgt.f32 v13, v5;
	vm3 =	vgt.f32 v13, v3;
	vm1 =	vgt.f32 v13, v8  }
0x455: {  	[tilespmem:$0x1FFE0] =	vst v7;
	v11 =	vsel vm0, $0x5, v14;
	v15 =	vsel vm0, v13, v5;
	v3 =	vsel vm3, v13, v3  }
0x456: {  	v4 =	vsel vm3, $0x5, v4;
	vm3 =	vgt.f32 v13, v1;
	v7 =	vadd.f32 v7, v9;
	v9 =	vld [tilespmem:s7+$0x300]  }
0x457: {  	v3 =	vsel vm1, v8, v3;
	v4 =	vsel vm1, v2, v4;
	v2 =	vsel vm1, $0x5, v2  }
0x458: {  	v8 =	vsel vm1, v13, v8;
	v2 =	vsel vm3, v0, v2;
	v7 =	vsub.f32 $0.0e+00, v7  }
0x459: {  	v8 =	vsel vm3, v1, v8;
	v0 =	vsel vm3, $0x5, v0;
	v1 =	vsel vm3, v13, v1  }
0x45a: {  	v0 =	vsel vm0, v14, v0;
	v1 =	vsel vm0, v5, v1;
	v7 =	vmul.f32 $1.442695020e+00, v7  }
0x45b: {  	vm2 =	vgt.f32 v9, v15;
	vm4 =	vgt.f32 v9, v3;
	vm3 =	vgt.f32 v9, v8  }
0x45c: {  	(erf) = vpow2.f32 v7;
	v7 =	vld [tilespmem:s7+$0x380];
	v10 =	vsel vm2, $0x6, v11;
	v12 =	vsel vm2, v9, v15  }
0x45d: {  	v3 =	vsel vm4, v9, v3;
	v4 =	vsel vm4, $0x6, v4;
	vm4 =	vgt.f32 v9, v1  }
0x45e: {  	v4 =	vsel vm3, v2, v4;
	v3 =	vsel vm3, v8, v3;
	v2 =	vsel vm3, $0x6, v2  }
0x45f: {  	v16 =	vld [tilespmem:s7+$0x800];
	v8 =	vsel vm3, v9, v8;
	v2 =	vsel vm4, v0, v2;
	v0 =	vsel vm4, $0x6, v0  }
0x460: {  	v8 =	vsel vm4, v1, v8;
	v1 =	vsel vm4, v9, v1;
	v0 =	vsel vm2, v11, v0  }
0x461: {  	v1 =	vsel vm2, v15, v1;
	vm1 =	vgt.f32 v7, v12;
	vm3 =	vgt.f32 v7, v3  }
0x462: {  	v17 =	vld [tilespmem:s7+$0x880];
	vm4 =	vgt.f32 v7, v8;
	vm2 =	vgt.f32 v7, v1;
	v13 =	vsel vm1, $0x7, v10  }
0x463: {  	v5 =	vsel vm1, v7, v12;
	v4 =	vsel vm3, $0x7, v4;
	v3 =	vsel vm3, v7, v3  }
0x464: {  	vm0 =	vgt.f32 v16, v5;
	v4 =	vsel vm4, v2, v4;
	v3 =	vsel vm4, v8, v3  }
0x465: {  	v2 =	vsel vm4, $0x7, v2;
	v8 =	vsel vm4, v7, v8;
	v9 =	vsel vm0, v16, v5  }
0x466: {  	v2 =	vsel vm2, v0, v2;
	v0 =	vsel vm2, $0x7, v0;
	vm4 =	vgt.f32 v16, v3  }
0x467: {  	v11 =	vld [tilespmem:s7+$0x900];
	v8 =	vsel vm2, v1, v8;
	v1 =	vsel vm2, v7, v1;
	vm3 =	vgt.f32 v17, v9  }
0x468: {  	v14 =	vpop (erf);
	v3 =	vsel vm4, v16, v3;
	v4 =	vsel vm4, $0x8, v4;
	v0 =	vsel vm1, v10, v0  }
0x469: {  	vm4 =	vgt.f32 v16, v8;
	v1 =	vsel vm1, v12, v1;
	v14 =	vadd.f32 $1.000000000e+00, v14  }
0x46a: {  	v27 =	vsel vm3, v17, v9;
	v4 =	vsel vm4, v2, v4;
	v2 =	vsel vm4, $0x8, v2  }
0x46b: {  	vm5 =	vgt.f32 v16, v1;
	v3 =	vsel vm4, v8, v3;
	v8 =	vsel vm4, v16, v8  }
0x46c: {  	v7 =	vld [tilespmem:s7+$0x980];
	vm2 =	vgt.f32 v11, v27;
	v2 =	vsel vm5, v0, v2;
	vm4 =	vgt.f32 v17, v3  }
0x46d: {  	v8 =	vsel vm5, v1, v8;
	v0 =	vsel vm5, $0x8, v0;
	v1 =	vsel vm5, v16, v1  }
0x46e: {  	(erf) = vrcp.f32 v14;
	v14 =	vsel vm0, $0x8, v13;
	v10 =	vsel vm2, v11, v27  }
0x46f: {  	v4 =	vsel vm4, $0x9, v4;
	v0 =	vsel vm0, v13, v0;
	vm5 =	vgt.f32 v17, v8  }
0x470: {  	v60 =	vld [tilespmem:s7+$0xA00];
	v3 =	vsel vm4, v17, v3;
	v1 =	vsel vm0, v5, v1;
	v15 =	vsel vm3, $0x9, v14  }
0x471: {  	vm1 =	vgt.f32 v7, v10;
	v4 =	vsel vm5, v2, v4;
	v3 =	vsel vm5, v8, v3  }
0x472: {  	v2 =	vsel vm5, $0x9, v2;
	vm4 =	vgt.f32 v17, v1;
	v5 =	vsel vm5, v17, v8  }
0x473: {  	v59 =	vsel vm2, $0xA, v15;
	v62 =	vsel vm1, v7, v10;
	v2 =	vsel vm4, v0, v2  }
0x474: {  	v0 =	vsel vm4, $0x9, v0;
	vm5 =	vgt.f32 v11, v3;
	v5 =	vsel vm4, v1, v5  }
0x475: {  	v63 =	vld [tilespmem:s7+$0xA80];
	v1 =	vsel vm4, v17, v1;
	v61 =	vsel vm1, $0xB, v59;
	vm0 =	vgt.f32 v60, v62  }
0x476: {  	v3 =	vsel vm5, v11, v3;
	v4 =	vsel vm5, $0xA, v4;
	v0 =	vsel vm3, v14, v0  }
0x477: {  	vm4 =	vgt.f32 v11, v5;
	v1 =	vsel vm3, v9, v1;
	v25 =	vsel vm0, $0xC, v61  }
0x478: {  	v26 =	vsel vm0, v60, v62;
	v4 =	vsel vm4, v2, v4;
	v2 =	vsel vm4, $0xA, v2  }
0x479: {  	v23 =	vld [tilespmem:s7+$0xB00];
	vm3 =	vgt.f32 v11, v1;
	v3 =	vsel vm4, v5, v3;
	v5 =	vsel vm4, v11, v5  }
0x47a: {  	vm6 =	vgt.f32 v63, v26;
	v2 =	vsel vm3, v0, v2;
	vm4 =	vgt.f32 v7, v3  }
0x47b: {  	v5 =	vsel vm3, v1, v5;
	v0 =	vsel vm3, $0xA, v0;
	v1 =	vsel vm3, v11, v1  }
0x47c: {  	v24 =	vsel vm6, $0xD, v25;
	v22 =	vsel vm6, v63, v26;
	v4 =	vsel vm4, $0xB, v4  }
0x47d: {  	v20 =	vld [tilespmem:s7+$0xB80];
	v0 =	vsel vm2, v15, v0;
	vm3 =	vgt.f32 v7, v5;
	v3 =	vsel vm4, v7, v3  }
0x47e: {  	v1 =	vsel vm2, v27, v1;
	vm5 =	vgt.f32 v23, v22;
	v4 =	vsel vm3, v2, v4  }
0x47f: {  	v3 =	vsel vm3, v5, v3;
	v2 =	vsel vm3, $0xB, v2;
	vm2 =	vgt.f32 v7, v1  }
0x480: {  	v5 =	vsel vm3, v7, v5;
	v18 =	vsel vm5, $0xE, v24;
	v19 =	vsel vm5, v23, v22  }
0x481: {  	v5 =	vsel vm2, v1, v5;
	v2 =	vsel vm2, v0, v2;
	vm7 =	vgt.f32 v60, v3  }
0x482: {  	v15 =	vld [tilespmem:s7+$0x1000];
	v1 =	vsel vm2, v7, v1;
	v0 =	vsel vm2, $0xB, v0;
	vm4 =	vgt.f32 v20, v19  }
0x483: {  	v3 =	vsel vm7, v60, v3;
	v4 =	vsel vm7, $0xC, v4;
	v0 =	vsel vm1, v59, v0  }
0x484: {  	vm2 =	vgt.f32 v60, v5;
	v1 =	vsel vm1, v10, v1;
	v17 =	vsel vm4, $0xF, v18  }
0x485: {  	v16 =	vsel vm4, v20, v19;
	v3 =	vsel vm2, v5, v3;
	v4 =	vsel vm2, v2, v4  }
0x486: {  	v14 =	vld [tilespmem:s7+$0x1080];
	vm1 =	vgt.f32 v60, v1;
	v5 =	vsel vm2, v60, v5;
	v2 =	vsel vm2, $0xC, v2  }
0x487: {  	vm3 =	vgt.f32 v15, v16;
	v8 =	vsel vm1, v0, v2;
	vm7 =	vgt.f32 v63, v3  }
0x488: {  	s3 =	sor.u32 $0x180, s3;
	v5 =	vsel vm1, v1, v5;
	v0 =	vsel vm1, $0xC, v0;
	v1 =	vsel vm1, v60, v1  }
0x489: {  	[tilespmem:s3+$0x6400] =	vst v6;
	v9 =	vld [tilespmem:s7+$0x1100];
	v12 =	vsel vm3, $0x10, v17;
	v13 =	vsel vm3, v15, v16;
	v2 =	vsel vm7, $0xD, v4  }
0x48a: {  	v27 =	vsel vm0, v61, v0;
	vm8 =	vgt.f32 v63, v5;
	v4 =	vsel vm0, v62, v1;
	v1 =	vld [tilespmem:$0x1FFF0]  }
0x48b: {  	v7 =	vld [tilespmem:s7+$0x1180];
	v3 =	vsel vm7, v63, v3;
	vm2 =	vgt.f32 v14, v13;
	v0 =	vsel vm8, v8, v2  }
0x48c: {  	v2 =	vsel vm8, v5, v3;
	v3 =	vsel vm8, $0xD, v8;
	vm0 =	vgt.f32 v63, v4  }
0x48d: {  	s6 =	sor.u32 $0x180, s9;
	v5 =	vsel vm8, v63, v5;
	v11 =	vsel vm2, $0x11, v12;
	v10 =	vsel vm2, v14, v13  }
0x48e: {  	[tilespmem:s6+$0x6800] =	vst v21;
	v3 =	vsel vm0, v27, v3;
	vm7 =	vgt.f32 v23, v2;
	vm1 =	vgt.f32 v9, v10  }
0x48f: {  	v21 =	vsel vm0, $0xD, v27;
	v6 =	vsel vm1, $0x12, v11;
	v8 =	vsel vm1, v9, v10;
	[tilespmem:s3+$0x6800] =	vst v1;
	v1 =	vpop (erf)  }
0x490: {  	s5 =	simm.s32 $0x2;
	s8 =	simm.s32 $0x3;
	[tilespmem:s6+$0x6400] =	vst v1;
	v1 =	vsel vm0, v4, v5;
	v4 =	vsel vm0, v63, v4;
	vm0 =	vgt.f32 v7, v8;
	v5 =	vld [tilespmem:s7+$0x1200]  }
.LBB2_2:
0x491: {  	v2 =	vsel vm7, v23, v2  }
0x492: {  	v0 =	vsel vm7, $0xE, v0;
	v41 =	vsel vm0, $0x13, v6;
	v21 =	vsel vm6, v25, v21  }
0x493: {  	vm7 =	vgt.f32 v23, v1;
	v25 =	vsel vm0, v7, v8;
	v4 =	vsel vm6, v26, v4  }
0x494: {  	v0 =	vsel vm7, v3, v0;
	vm6 =	vgt.f32 v23, v4;
	v3 =	vsel vm7, $0xE, v3  }
0x495: {  	v2 =	vsel vm7, v1, v2;
	v1 =	vsel vm7, v23, v1;
	v3 =	vsel vm6, v21, v3  }
0x496: {  	vm7 =	vgt.f32 v20, v2;
	v1 =	vsel vm6, v4, v1;
	v21 =	vsel vm6, $0xE, v21  }
0x497: {  	v4 =	vsel vm6, v23, v4;
	v0 =	vsel vm7, $0xF, v0;
	v21 =	vsel vm5, v24, v21  }
0x498: {  	v43 =	vld [tilespmem:s7+$0x1280];
	vm8 =	vgt.f32 v20, v1;
	v2 =	vsel vm7, v20, v2;
	v4 =	vsel vm5, v22, v4  }
0x499: {  	vm12 =	vgt.f32 v5, v25;
	v0 =	vsel vm8, v3, v0;
	v2 =	vsel vm8, v1, v2  }
0x49a: {  	v3 =	vsel vm8, $0xF, v3;
	vm5 =	vgt.f32 v20, v4;
	v1 =	vsel vm8, v20, v1  }
0x49b: {  	v26 =	vsel vm12, $0x14, v41;
	v27 =	vsel vm12, v5, v25;
	v1 =	vsel vm5, v4, v1  }
0x49c: {  	v28 =	vld [tilespmem:s7+$0x1300];
	v3 =	vsel vm5, v21, v3;
	vm7 =	vgt.f32 v15, v2;
	v4 =	vsel vm5, v20, v4  }
0x49d: {  	v20 =	vsel vm5, $0xF, v21;
	vm6 =	vgt.f32 v43, v27;
	vm8 =	vgt.f32 v15, v1  }
0x49e: {  	v2 =	vsel vm7, v15, v2;
	v0 =	vsel vm7, $0x10, v0;
	v18 =	vsel vm4, v18, v20  }
0x49f: {  	v4 =	vsel vm4, v19, v4;
	v45 =	vsel vm6, $0x15, v26;
	v44 =	vsel vm6, v43, v27  }
0x4a0: {  	v2 =	vsel vm8, v1, v2;
	v0 =	vsel vm8, v3, v0;
	vm4 =	vgt.f32 v15, v4  }
0x4a1: {  	v42 =	vld [tilespmem:s7+$0x1380];
	v1 =	vsel vm8, v15, v1;
	v3 =	vsel vm8, $0x10, v3;
	vm5 =	vgt.f32 v28, v44  }
0x4a2: {  	v3 =	vsel vm4, v18, v3;
	vm7 =	vgt.f32 v14, v2;
	v1 =	vsel vm4, v4, v1  }
0x4a3: {  	v18 =	vsel vm4, $0x10, v18;
	v4 =	vsel vm4, v15, v4;
	v34 =	vsel vm5, v28, v44  }
0x4a4: {  	v29 =	vsel vm5, $0x16, v45;
	v0 =	vsel vm7, $0x11, v0;
	v15 =	vsel vm3, v17, v18  }
0x4a5: {  	v38 =	vld [tilespmem:s7+$0x1800];
	vm4 =	vgt.f32 v14, v1;
	v2 =	vsel vm7, v14, v2;
	v4 =	vsel vm3, v16, v4  }
0x4a6: {  	vm8 =	vgt.f32 v42, v34;
	v0 =	vsel vm4, v3, v0;
	v2 =	vsel vm4, v1, v2  }
0x4a7: {  	v1 =	vsel vm4, v14, v1;
	v3 =	vsel vm4, $0x11, v3;
	vm3 =	vgt.f32 v14, v4  }
0x4a8: {  	v40 =	vsel vm8, $0x17, v29;
	v39 =	vsel vm8, v42, v34;
	v1 =	vsel vm3, v4, v1  }
0x4a9: {  	v33 =	vld [tilespmem:s7+$0x1880];
	v3 =	vsel vm3, v15, v3;
	vm4 =	vgt.f32 v9, v2;
	v4 =	vsel vm3, v14, v4  }
0x4aa: {  	v14 =	vsel vm3, $0x11, v15;
	vm11 =	vgt.f32 v38, v39;
	vm3 =	vgt.f32 v9, v1  }
0x4ab: {  	v2 =	vsel vm4, v9, v2;
	v0 =	vsel vm4, $0x12, v0;
	v12 =	vsel vm2, v12, v14  }
0x4ac: {  	v4 =	vsel vm2, v13, v4;
	v31 =	vsel vm11, v38, v39;
	v36 =	vsel vm11, $0x18, v40  }
0x4ad: {  	v2 =	vsel vm3, v1, v2;
	v0 =	vsel vm3, v3, v0;
	vm2 =	vgt.f32 v9, v4  }
0x4ae: {  	v21 =	vld [tilespmem:s7+$0x1900];
	v1 =	vsel vm3, v9, v1;
	v3 =	vsel vm3, $0x12, v3;
	vm10 =	vgt.f32 v33, v31  }
0x4af: {  	v3 =	vsel vm2, v12, v3;
	vm3 =	vgt.f32 v7, v2;
	v1 =	vsel vm2, v4, v1  }
0x4b0: {  	v12 =	vsel vm2, $0x12, v12;
	v4 =	vsel vm2, v9, v4;
	v14 =	vsel vm10, v33, v31  }
0x4b1: {  	v30 =	vsel vm10, $0x19, v36;
	v0 =	vsel vm3, $0x13, v0;
	v9 =	vsel vm1, v11, v12  }
0x4b2: {  	v18 =	vld [tilespmem:s7+$0x1980];
	vm2 =	vgt.f32 v7, v1;
	v2 =	vsel vm3, v7, v2;
	v4 =	vsel vm1, v10, v4  }
0x4b3: {  	vm9 =	vgt.f32 v21, v14;
	v0 =	vsel vm2, v3, v0;
	v2 =	vsel vm2, v1, v2  }
0x4b4: {  	v1 =	vsel vm2, v7, v1;
	v3 =	vsel vm2, $0x13, v3;
	vm2 =	vgt.f32 v7, v4  }
0x4b5: {  	v20 =	vsel vm9, $0x1A, v30;
	v32 =	vsel vm9, v21, v14;
	v1 =	vsel vm2, v4, v1  }
0x4b6: {  	v19 =	vld [tilespmem:s7+$0x1A00];
	v3 =	vsel vm2, v9, v3;
	vm3 =	vgt.f32 v5, v2;
	v4 =	vsel vm2, v7, v4  }
0x4b7: {  	v7 =	vsel vm2, $0x13, v9;
	vm1 =	vgt.f32 v18, v32;
	vm2 =	vgt.f32 v5, v1  }
0x4b8: {  	v2 =	vsel vm3, v5, v2;
	v0 =	vsel vm3, $0x14, v0;
	v6 =	vsel vm0, v6, v7  }
0x4b9: {  	v4 =	vsel vm0, v8, v4;
	v35 =	vsel vm1, v18, v32;
	v17 =	vsel vm1, $0x1B, v20  }
0x4ba: {  	v2 =	vsel vm2, v1, v2;
	v0 =	vsel vm2, v3, v0;
	vm0 =	vgt.f32 v5, v4  }
0x4bb: {  	v15 =	vld [tilespmem:s7+$0x1A80];
	v1 =	vsel vm2, v5, v1;
	v3 =	vsel vm2, $0x14, v3;
	vm14 =	vgt.f32 v19, v35  }
0x4bc: {  	v3 =	vsel vm0, v6, v3;
	vm2 =	vgt.f32 v43, v2;
	v1 =	vsel vm0, v4, v1  }
0x4bd: {  	v6 =	vsel vm0, $0x14, v6;
	v4 =	vsel vm0, v5, v4;
	v37 =	vsel vm14, v19, v35  }
0x4be: {  	v24 =	vsel vm14, $0x1C, v17;
	v0 =	vsel vm2, $0x15, v0;
	v6 =	vsel vm12, v41, v6  }
0x4bf: {  	v22 =	vld [tilespmem:s7+$0x1B00];
	vm0 =	vgt.f32 v43, v1;
	v2 =	vsel vm2, v43, v2;
	v4 =	vsel vm12, v25, v4  }
0x4c0: {  	vm7 =	vgt.f32 v15, v37;
	v0 =	vsel vm0, v3, v0;
	v2 =	vsel vm0, v1, v2  }
0x4c1: {  	v1 =	vsel vm0, v43, v1;
	v3 =	vsel vm0, $0x15, v3;
	vm0 =	vgt.f32 v43, v4  }
0x4c2: {  	v52 =	vsel vm7, $0x1D, v24;
	v5 =	vsel vm7, v15, v37;
	v1 =	vsel vm0, v4, v1  }
0x4c3: {  	v3 =	vsel vm0, v6, v3;
	vm2 =	vgt.f32 v28, v2;
	v4 =	vsel vm0, v43, v4  }
0x4c4: {  	v16 =	vld [tilespmem:s7+$0x1B80];
	v7 =	vsel vm0, $0x15, v6;
	v6 =	vimm.s32 $0x0;
	vm12 =	vgt.f32 v22, v5  }
0x4c5: {  	vm0 =	vgt.f32 v28, v1;
	v2 =	vsel vm2, v28, v2;
	v0 =	vsel vm2, $0x16, v0  }
0x4c6: {  	v7 =	vsel vm6, v26, v7;
	v4 =	vsel vm6, v27, v4;
	v41 =	vsel vm12, v22, v5  }
0x4c7: {  	v49 =	vsel vm12, $0x1E, v52;
	v2 =	vsel vm0, v1, v2;
	v0 =	vsel vm0, v3, v0  }
0x4c8: {  	v54 =	vld [tilespmem:s7+$0x2000];
	vm2 =	vgt.f32 v28, v4;
	v1 =	vsel vm0, v28, v1;
	v3 =	vsel vm0, $0x16, v3  }
0x4c9: {  	vm15 =	vgt.f32 v16, v41;
	v3 =	vsel vm2, v7, v3;
	vm0 =	vgt.f32 v42, v2  }
0x4ca: {  	v1 =	vsel vm2, v4, v1;
	v7 =	vsel vm2, $0x16, v7;
	v4 =	vsel vm2, v28, v4  }
0x4cb: {  	v55 =	vsel vm15, v16, v41;
	v50 =	vsel vm15, $0x1F, v49;
	v0 =	vsel vm0, $0x17, v0  }
0x4cc: {  	v9 =	vld [tilespmem:s7+$0x2080];
	v7 =	vsel vm5, v45, v7;
	vm2 =	vgt.f32 v42, v1;
	v2 =	vsel vm0, v42, v2  }
0x4cd: {  	v4 =	vsel vm5, v44, v4;
	vm6 =	vgt.f32 v54, v55;
	v0 =	vsel vm2, v3, v0  }
0x4ce: {  	v2 =	vsel vm2, v1, v2;
	v1 =	vsel vm2, v42, v1;
	v3 =	vsel vm2, $0x17, v3  }
0x4cf: {  	vm0 =	vgt.f32 v42, v4;
	v48 =	vsel vm6, $0x20, v50;
	v46 =	vsel vm6, v54, v55  }
0x4d0: {  	v8 =	vsel vm0, v4, v1;
	v3 =	vsel vm0, v7, v3;
	vm2 =	vgt.f32 v38, v2  }
0x4d1: {  	v12 =	vld [tilespmem:s7+$0x2100];
	v4 =	vsel vm0, v42, v4;
	v1 =	vsel vm0, $0x17, v7;
	vm4 =	vgt.f32 v9, v46  }
0x4d2: {  	vm0 =	vgt.f32 v38, v8;
	v2 =	vsel vm2, v38, v2;
	v0 =	vsel vm2, $0x18, v0  }
0x4d3: {  	v11 =	vsel vm8, v29, v1;
	v1 =	vimm.s32 $0x0;
	v4 =	vsel vm8, v34, v4  }
0x4d4: {  	v44 =	vsel vm4, v9, v46;
	v28 =	vsel vm4, $0x21, v48;
	v2 =	vsel vm0, v8, v2  }
0x4d5: {  	v0 =	vsel vm0, v3, v0;
	vm2 =	vgt.f32 v38, v4;
	v3 =	vsel vm0, $0x18, v3  }
0x4d6: {  	v8 =	vsel vm0, v38, v8;
	vm3 =	vgt.f32 v12, v44;
	v3 =	vsel vm2, v11, v3  }
0x4d7: {  	v7 =	vld [tilespmem:s7+$0x2180];
	vm0 =	vgt.f32 v33, v2;
	v13 =	vsel vm2, v4, v8;
	v8 =	vsel vm2, $0x18, v11  }
0x4d8: {  	v4 =	vsel vm2, v38, v4;
	v1 =	vsel vm3, $0xFFFFFFFF, v1;
	v57 =	vsel vm3, $0x22, v28  }
0x4d9: {  	v0 =	vsel vm0, $0x19, v0;
	v11 =	vsel vm11, v40, v8;
	vm2 =	vgt.f32 v33, v13  }
0x4da: {  	v2 =	vsel vm0, v33, v2;
	v4 =	vsel vm11, v39, v4;
	[tilespmem:$0x1F7A0] =	vst v1;
	v1 =	vsel vm3, v12, v44  }
0x4db: {  	v0 =	vsel vm2, v3, v0;
	v2 =	vsel vm2, v13, v2;
	v13 =	vsel vm2, v33, v13  }
0x4dc: {  	v10 =	vld [tilespmem:s7+$0x2200];
	v3 =	vsel vm2, $0x19, v3;
	vm0 =	vgt.f32 v33, v4;
	vm3 =	vgt.f32 v7, v1  }
0x4dd: {  	v13 =	vsel vm0, v4, v13;
	v3 =	vsel vm0, v11, v3;
	vm2 =	vgt.f32 v21, v2  }
0x4de: {  	v4 =	vsel vm0, v33, v4;
	v23 =	vsel vm0, $0x19, v11;
	v6 =	vsel vm3, $0xFFFFFFFF, v6  }
0x4df: {  	v58 =	vsel vm3, $0x23, v57;
	v45 =	vsel vm3, v7, v1;
	vm0 =	vgt.f32 v21, v13  }
0x4e0: {  	v2 =	vsel vm2, v21, v2;
	v0 =	vsel vm2, $0x1A, v0;
	v23 =	vsel vm10, v36, v23  }
0x4e1: {  	v8 =	vld [tilespmem:s7+$0x2280];
	v4 =	vsel vm10, v31, v4;
	[tilespmem:$0x1F7B0] =	vst v6;
	vm3 =	vgt.f32 v10, v45;
	v6 =	vimm.s32 $0x0  }
0x4e2: {  	v2 =	vsel vm0, v13, v2;
	v0 =	vsel vm0, v3, v0;
	vm2 =	vgt.f32 v21, v4  }
0x4e3: {  	v26 =	vsel vm0, v21, v13;
	v3 =	vsel vm0, $0x1A, v3;
	v6 =	vsel vm3, $0xFFFFFFFF, v6  }
0x4e4: {  	v39 =	vsel vm3, v10, v45;
	v38 =	vsel vm3, $0x24, v58;
	v3 =	vsel vm2, v23, v3  }
0x4e5: {  	vm0 =	vgt.f32 v18, v2;
	v26 =	vsel vm2, v4, v26;
	v23 =	vsel vm2, $0x1A, v23  }
0x4e6: {  	v11 =	vld [tilespmem:s7+$0x2300];
	v4 =	vsel vm2, v21, v4;
	[tilespmem:$0x1F7C0] =	vst v6;
	vm3 =	vgt.f32 v8, v39;
	v6 =	vimm.s32 $0x0  }
0x4e7: {  	v0 =	vsel vm0, $0x1B, v0;
	v21 =	vsel vm9, v30, v23;
	vm2 =	vgt.f32 v18, v26  }
0x4e8: {  	v2 =	vsel vm0, v18, v2;
	v4 =	vsel vm9, v14, v4;
	v6 =	vsel vm3, $0xFFFFFFFF, v6  }
0x4e9: {  	v13 =	vld [tilespmem:s7+$0x2380];
	v40 =	vsel vm3, v8, v39;
	v59 =	vsel vm3, $0x25, v38;
	v0 =	vsel vm2, v3, v0  }
0x4ea: {  	v2 =	vsel vm2, v26, v2;
	v3 =	vsel vm2, $0x1B, v3;
	v23 =	vsel vm2, v18, v26  }
0x4eb: {  	[tilespmem:$0x1F7D0] =	vst v6;
	vm3 =	vgt.f32 v11, v40;
	v6 =	vimm.s32 $0x0;
	vm2 =	vgt.f32 v19, v2  }
0x4ec: {  	v6 =	vsel vm3, $0xFFFFFFFF, v6;
	v31 =	vsel vm3, $0x26, v59;
	v47 =	vsel vm3, v11, v40  }
0x4ed: {  	v14 =	vld [tilespmem:s7+$0x2800];
	vm3 =	vgt.f32 v18, v4;
	v2 =	vsel vm2, v19, v2;
	v0 =	vsel vm2, $0x1C, v0  }
0x4ee: {  	vm2 =	vmmov vm7;
	[tilespmem:$0x1F7E0] =	vst v6;
	vm0 =	vgt.f32 v13, v47;
	v6 =	vimm.s32 $0x0  }
0x4ef: {  	v18 =	vsel vm3, v18, v4;
	v4 =	vsel vm3, v4, v23;
	v3 =	vsel vm3, v21, v3  }
0x4f0: {  	v21 =	vsel vm3, $0x1B, v21;
	v6 =	vsel vm0, $0xFFFFFFFF, v6;
	v61 =	vsel vm0, $0x27, v31  }
0x4f1: {  	v26 =	vsel vm1, v32, v18;
	v51 =	vsel vm0, v13, v47;
	v21 =	vsel vm1, v20, v21  }
0x4f2: {  	vm1 =	vgt.f32 v19, v4;
	vm0 =	vgt.f32 v19, v26;
	vm3 =	vgt.f32 v14, v51  }
0x4f3: {  	[tilespmem:$0x1F7F0] =	vst v6;
	v6 =	vimm.s32 $0x0;
	v2 =	vsel vm1, v4, v2;
	v18 =	vsel vm0, v19, v26  }
0x4f4: {  	v0 =	vsel vm1, v3, v0;
	v4 =	vsel vm1, v19, v4;
	v33 =	vsel vm14, v35, v18;
	v18 =	vld [tilespmem:s7+$0x2880]  }
0x4f5: {  	v3 =	vsel vm1, $0x1C, v3;
	v6 =	vsel vm3, $0xFFFFFFFF, v6;
	vm9 =	vgt.f32 v15, v33  }
0x4f6: {  	v60 =	vsel vm3, v14, v51;
	vm1 =	vgt.f32 v15, v2;
	v20 =	vsel vm9, v15, v33  }
0x4f7: {  	v4 =	vsel vm0, v26, v4;
	v3 =	vsel vm0, v21, v3;
	v37 =	vsel vm7, v37, v20  }
0x4f8: {  	[tilespmem:$0x1F800] =	vst v6;
	v35 =	vsel vm3, $0x28, v61;
	v6 =	vimm.s32 $0x0;
	vm13 =	vgt.f32 v22, v37  }
0x4f9: {  	v0 =	vsel vm1, $0x1D, v0;
	v20 =	vld [tilespmem:s7+$0x2900];
	v19 =	vsel vm13, v22, v37;
	vm3 =	vgt.f32 v18, v60  }
0x4fa: {  	v2 =	vsel vm1, v15, v2;
	v6 =	vsel vm3, $0xFFFFFFFF, v6;
	v25 =	vsel vm12, v5, v19  }
0x4fb: {  	v5 =	vsel vm0, $0x1C, v21;
	v30 =	vsel vm3, $0x29, v35;
	v62 =	vsel vm3, v18, v60  }
0x4fc: {  	[tilespmem:$0x1F810] =	vst v6;
	vm0 =	vgt.f32 v16, v25;
	v6 =	vimm.s32 $0x0;
	v5 =	vsel vm14, v17, v5  }
0x4fd: {  	v21 =	vld [tilespmem:s7+$0x2980];
	v6 =	vsel vm0, $0xFFFFFFFF, v6;
	v19 =	vsel vm0, v16, v25;
	vm0 =	vgt.f32 v15, v4  }
0x4fe: {  	vm3 =	vgt.f32 v20, v62;
	v41 =	vsel vm15, v41, v19;
	v2 =	vsel vm0, v4, v2  }
0x4ff: {  	v0 =	vsel vm0, v3, v0;
	v36 =	vsel vm0, $0x1D, v3;
	v42 =	vsel vm3, v20, v62  }
0x500: {  	v19 =	vld [tilespmem:s7+$0x2A00];
	v43 =	vsel vm0, v15, v4;
	v3 =	vimm.s32 $0x0;
	vm11 =	vgt.f32 v54, v41;
	[tilespmem:$0x1F8C0] =	vst v2  }
0x501: {  	[tilespmem:$0x1F880] =	vst v0;
	vm0 =	vgt.f32 v22, v2;
	v2 =	vimm.s32 $0x0;
	v0 =	vsel vm11, v54, v41  }
0x502: {  	v17 =	vld [tilespmem:s7+$0x2A80];
	vm5 =	vgt.f32 v21, v42;
	v2 =	vsel vm0, $0xFFFFFFFF, v2;
	v26 =	vsel vm6, v55, v0  }
0x503: {  	v0 =	vimm.s32 $0x0;
	v55 =	vsel vm5, v21, v42;
	v3 =	vsel vm5, $0xFFFFFFFF, v3;
	[tilespmem:$0x1F870] =	vst v2  }
0x504: {  	v2 =	vsel vm9, $0x1D, v5;
	v0 =	vsel vm3, $0xFFFFFFFF, v0;
	vm8 =	vgt.f32 v9, v26;
	[tilespmem:$0x1F830] =	vst v3  }
0x505: {  	v3 =	vimm.s32 $0x0;
	[tilespmem:$0x1F820] =	vst v0;
	v0 =	vsel vm8, v9, v26;
	vm1 =	vgt.f32 v19, v55  }
0x506: {  	v0 =	vsel vm4, v46, v0;
	v46 =	vsel vm1, v19, v55;
	v3 =	vsel vm1, $0xFFFFFFFF, v3  }
0x507: {  	v32 =	vsel vm2, v24, v2;
	[tilespmem:$0x1F840] =	vst v3;
	vm2 =	vgt.f32 v17, v46;
	v3 =	vimm.s32 $0x0  }
0x508: {  	v3 =	vsel vm2, $0xFFFFFFFF, v3  }
0x509: {  	[tilespmem:$0x1F850] =	vst v3;
	v3 =	vld [tilespmem:$0x1F7A0];
	_ =	sdelay $0x1  }
0x50a: {  	v56 =	vimm.s32 $0x0;
	v15 =	vld [tilespmem:s7+$0x2B00]  }
0x50b: {  	vm10 =	vmmov vm12;
	v53 =	vld [tilespmem:$0x1F7B0];
	v34 =	vsel vm13, $0xFFFFFFFF, v56  }
0x50c: {  	v56 =	vimm.s32 $0x0;
	v63 =	vsel vm3, $0x2A, v30;
	vm12 =	vgt.f32 v12, v0  }
0x50d: {  	v24 =	vimm.s32 $0x0;
	v2 =	vsel vm12, v12, v0;
	vm3 =	vnez.u8 v3  }
0x50e: {  	v23 =	vsel vm2, v17, v46;
	v3 =	vsel vm5, $0x2B, v63;
	v2 =	vsel vm3, v44, v2  }
0x50f: {  	[tilespmem:$0x1F8D0] =	vst v6;
	v6 =	vsel vm1, $0x2C, v3;
	vm1 =	vgt.f32 v15, v23;
	vm5 =	vgt.f32 v7, v2  }
0x510: {  	v29 =	vsel vm2, $0x2D, v6;
	vm2 =	vnez.u8 v53;
	v27 =	vsel vm5, v7, v2  }
0x511: {  	v44 =	vsel vm13, $0x1E, v32;
	v24 =	vsel vm1, $0xFFFFFFFF, v24;
	v1 =	vsel vm2, v1, v27  }
0x512: {  	[tilespmem:$0x1F860] =	vst v24;
	v24 =	vsel vm1, v15, v23;
	v27 =	vsel vm1, $0x2E, v29;
	vm1 =	vgt.f32 v10, v1  }
0x513: {  	[tilespmem:$0x1F8A0] =	vst v34;
	v34 =	vsel vm10, v52, v44;
	v52 =	vsel vm1, $0xFFFFFFFF, v56  }
0x514: {  	[tilespmem:$0x1F8B0] =	vst v52;
	v52 =	vld [tilespmem:$0x1F7C0];
	_ =	sdelay $0x2  }
0x515: {  	v4 =	vld [tilespmem:s7+$0x2B80]  }
0x516: {  	v56 =	vld [tilespmem:$0x1F8D0]  }
0x517: {  	vm7 =	vmmov vm4;
	v44 =	vsel vm1, v10, v1;
	vm4 =	vnez.u8 v52  }
0x518: {  	v52 =	vsel vm4, v45, v44;
	v44 =	vld [tilespmem:$0x1FFD0];
	_ =	sdelay $0x1  }
0x519: {  	vm14 =	vmmov vm6;
	vm6 =	vgt.f32 v4, v24  }
0x51a: {  	v53 =	vsel vm6, $0x2F, v27;
	vm0 =	vnez.u8 v56  }
0x51b: {  	[tilespmem:$0x1F8F0] =	vst v53;
	v53 =	vshll.u32 v53, $0x8;
	v56 =	vsel vm0, $0x1F, v34  }
0x51c: {  	vm10 =	vgt.f32 v8, v52;
	[tilespmem:$0x1FFD0] =	vst v44;
	v44 =	vadd.s32 v44, v53;
	v53 =	vimm.s32 $0x0  }
0x51d: {  	v36 =	vsel vm9, v5, v36;
	v5 =	vsel vm15, v49, v56;
	v49 =	vsel vm10, $0xFFFFFFFF, v53;
	v53 =	vld [tilespmem:$0x1F7D0]  }
0x51e: {  	v33 =	vsel vm9, v33, v43  }
0x51f: {  	vm9 =	vgt.f32 v22, v33  }
0x520: {  	vm15 =	vmmov vm11;
	v56 =	vimm.s32 $0x0;
	v43 =	vsel vm11, $0x20, v5  }
0x521: {  	vm11 =	vmmov vm8;
	v45 =	vsel vm10, v8, v52;
	[tilespmem:$0x1F900] =	vst v49;
	v49 =	vsel vm9, $0xFFFFFFFF, v56  }
0x522: {  	v56 =	vsel vm14, v50, v43;
	[tilespmem:$0x1F890] =	vst v49;
	v49 =	vsel vm9, v22, v33;
	vm14 =	vnez.u8 v53  }
0x523: {  	v50 =	vsel vm8, $0x21, v56;
	v53 =	vsel vm13, v37, v49;
	v39 =	vsel vm14, v39, v45  }
0x524: {  	v49 =	vsel vm7, v48, v50;
	v48 =	vimm.s32 $0x0;
	vm8 =	vgt.f32 v11, v39  }
0x525: {  	v43 =	vsel vm8, $0xFFFFFFFF, v48  }
0x526: {  	v50 =	vimm.s32 $0x0;
	vm7 =	vgt.f32 v16, v53;
	[tilespmem:$0x1F920] =	vst v43;
	v43 =	vld.idx.msk [tilespmem:v44+s29+$0x0], $0xffff  }
0x527: {  	v44 =	vsel vm7, $0xFFFFFFFF, v50;
	v50 =	vld [tilespmem:$0x1F7E0];
	_ =	sdelay $0x2  }
0x528: {  	v48 =	vimm.s32 $0x0  }
0x529: {  	vm13 =	vmmov vm12;
	[tilespmem:$0x1F9D0] =	vst v44;
	v44 =	vsel vm12, $0xFFFFFFFF, v48  }
0x52a: {  	v37 =	vsel vm8, v11, v39;
	[tilespmem:$0x1F930] =	vst v44;
	v44 =	vsel vm12, $0x22, v49;
	vm12 =	vnez.u8 v50  }
0x52b: {  	v50 =	vsel vm12, v40, v37  }
0x52c: {  	v45 =	vimm.s32 $0x0;
	v48 =	vsel vm3, v28, v44;
	vm3 =	vgt.f32 v13, v50  }
0x52d: {  	v37 =	vsel vm3, $0xFFFFFFFF, v45;
	v45 =	vld [tilespmem:$0x1F7F0]  }
0x52e: {  	v40 =	vsel vm7, v16, v53  }
0x52f: {  	v25 =	vsel vm0, v25, v40  }
0x530: {  	v44 =	vimm.s32 $0x0;
	vm0 =	vgt.f32 v54, v25  }
0x531: {  	v28 =	vsel vm5, $0x23, v48;
	[tilespmem:$0x1F940] =	vst v37;
	v37 =	vsel vm0, $0xFFFFFFFF, v44  }
0x532: {  	v40 =	vsel vm3, v13, v50;
	[tilespmem:$0x1F8E0] =	vst v37;
	v37 =	vsel vm2, v57, v28;
	vm9 =	vnez.u8 v45  }
0x533: {  	v57 =	vsel vm1, $0x24, v37;
	v28 =	vsel vm9, v47, v40  }
0x534: {  	v57 =	vsel vm4, v58, v57;
	v58 =	vimm.s32 $0x0;
	vm7 =	vgt.f32 v14, v28  }
0x535: {  	v45 =	vsel vm7, $0xFFFFFFFF, v58;
	v58 =	vld [tilespmem:$0x1F800];
	_ =	sdelay $0x4  }
0x536: {  	v44 =	vsel vm6, v4, v24;
	v40 =	vsel vm7, v14, v28;
	vm2 =	vnez.u8 v58  }
0x537: {  	[tilespmem:$0x1F950] =	vst v45;
	v45 =	vadd.f32 v44, v43;
	v43 =	vsel vm2, v51, v40  }
0x538: {  	v47 =	vsel vm10, $0x25, v57;
	v51 =	vimm.s32 $0x0;
	vm4 =	vgt.f32 v18, v43  }
0x539: {  	v58 =	vsel vm14, v38, v47;
	v47 =	vsel vm4, $0xFFFFFFFF, v51;
	v51 =	vld [tilespmem:$0x1F810];
	_ =	sdelay $0x3  }
0x53a: {  	v38 =	vsub.f32 $0.0e+00, v45;
	v40 =	vsub.f32 $0.0e+00, v44;
	v44 =	vsel vm8, $0x26, v58  }
0x53b: {  	v59 =	vsel vm12, v59, v44;
	v45 =	vsel vm4, v18, v43;
	vm12 =	vnez.u8 v51  }
0x53c: {  	v38 =	vmul.f32 $1.442695020e+00, v38;
	[tilespmem:$0x1F960] =	vst v47;
	v47 =	vmul.f32 $1.442695020e+00, v40;
	v40 =	vsel vm12, v60, v45  }
0x53d: {  	v44 =	vsel vm3, $0x27, v59;
	v60 =	vimm.s32 $0x0;
	vm1 =	vgt.f32 v20, v40  }
0x53e: {  	(erf) = vpow2.f32 v47;
	v47 =	vsel vm9, v31, v44;
	v44 =	vsel vm1, $0xFFFFFFFF, v60;
	v60 =	vld [tilespmem:$0x1F820];
	_ =	sdelay $0x1  }
0x53f: {  	(erf) = vpow2.f32 v38;
	v38 =	vsel vm0, v54, v25  }
0x540: {  	v41 =	vsel vm15, v41, v38  }
0x541: {  	v51 =	vsel vm7, $0x28, v47;
	vm0 =	vgt.f32 v9, v41;
	v31 =	vsel vm1, v20, v40  }
0x542: {  	vm7 =	vnez.u8 v60;
	v60 =	vsel vm2, v61, v51;
	v61 =	vimm.s32 $0x0  }
0x543: {  	[tilespmem:$0x1F970] =	vst v44;
	v44 =	vsel vm7, v62, v31;
	v31 =	vsel vm0, $0xFFFFFFFF, v61  }
0x544: {  	v62 =	vsel vm4, $0x29, v60;
	v61 =	vimm.s32 $0x0;
	vm2 =	vgt.f32 v21, v44  }
0x545: {  	v45 =	vsel vm2, $0xFFFFFFFF, v61;
	v61 =	vsel vm12, v35, v62;
	v62 =	vld [tilespmem:$0x1F830];
	_ =	sdelay $0x4  }
0x546: {  	v51 =	vsel vm0, v9, v41;
	v38 =	vsel vm2, v21, v44;
	vm4 =	vnez.u8 v62  }
0x547: {  	[tilespmem:$0x1F980] =	vst v45;
	v45 =	vsel vm4, v42, v38;
	v42 =	vsel vm11, v26, v51;
	v51 =	vld [tilespmem:$0x1F840];
	_ =	sdelay $0x1  }
0x548: {  	v35 =	vimm.s32 $0x0;
	v26 =	vsel vm1, $0x2A, v61  }
0x549: {  	vm1 =	vgt.f32 v19, v45;
	vm10 =	vgt.f32 v12, v42;
	v62 =	vsel vm7, v30, v26  }
0x54a: {  	v26 =	vsel vm1, v19, v45;
	v30 =	vsel vm1, $0xFFFFFFFF, v35;
	v38 =	vsel vm2, $0x2B, v62  }
0x54b: {  	[tilespmem:$0x1F990] =	vst v30;
	v30 =	vsel vm10, v12, v42;
	v63 =	vsel vm4, v63, v38;
	vm2 =	vnez.u8 v51  }
0x54c: {  	[tilespmem:$0x1F910] =	vst v31;
	v31 =	vsel vm2, v55, v26;
	v26 =	vsel vm13, v0, v30;
	v30 =	vsel vm1, $0x2C, v63  }
0x54d: {  	[tilespmem:$0x1F9A0] =	vst v63;
	v63 =	vsel vm2, v3, v30;
	v3 =	vld [tilespmem:$0x1F850];
	_ =	sdelay $0x2  }
0x54e: {  	v0 =	vpop (erf)  }
0x54f: {  	v0 =	vadd.f32 $1.000000000e+00, v0;
	v55 =	vpop (erf)  }
0x550: {  	vm1 =	vnez.u8 v3;
	v3 =	vadd.f32 $1.000000000e+00, v55  }
0x551: {  	(erf) = vrcp.f32 v0  }
0x552: {  	(erf) = vrcp.f32 v3;
	v3 =	vld [tilespmem:$0x1F860]  }
0x553: {  	vm0 =	vgt.f32 v17, v31  }
0x554: {  	vm3 =	vmmov vm15;
	v51 =	vsel vm0, v17, v31  }
0x555: {  	v35 =	vimm.s32 $0x0;
	vm12 =	vgt.f32 v7, v26;
	v46 =	vsel vm1, v46, v51  }
0x556: {  	v38 =	vsel vm0, $0xFFFFFFFF, v35;
	v30 =	vsel vm0, $0x2D, v63;
	vm15 =	vgt.f32 v15, v46  }
0x557: {  	v51 =	vsel vm1, v6, v30;
	v0 =	vsel vm15, v15, v46;
	vm1 =	vnez.u8 v3  }
0x558: {  	v3 =	vsel vm12, v7, v26;
	v23 =	vsel vm1, v23, v0;
	v0 =	vsel vm15, $0x2E, v51  }
0x559: {  	[tilespmem:$0x1F9B0] =	vst v38;
	v38 =	vsel vm5, v2, v3;
	v3 =	vimm.s32 $0x0;
	vm9 =	vgt.f32 v4, v23  }
0x55a: {  	v55 =	vsel vm1, v29, v0;
	v3 =	vsel vm9, $0xFFFFFFFF, v3  }
0x55b: {  	v2 =	vsel vm9, $0x2F, v55;
	[tilespmem:$0x1F9F0] =	vst v3;
	v3 =	vld [tilespmem:$0x1F890]  }
0x55c: {  	v6 =	vmov v4;
	v4 =	vsel vm6, v27, v2;
	v27 =	vld [tilespmem:$0x1F8B0]  }
0x55d: {  	v2 =	vld [tilespmem:$0x1F8A0];
	_ =	sdelay $0x3  }
0x55e: {  	vm8 =	vmmov vm5;
	vm5 =	vnez.u8 v3;
	vm4 =	vnez.u8 v27;
	v27 =	vld [tilespmem:$0x1FFD0]  }
0x55f: {  	vm1 =	vnez.u8 v2;
	v3 =	vsel vm5, $0x1E, v36  }
0x560: {  	vm7 =	vgt.f32 v10, v38;
	v32 =	vsel vm1, v32, v3;
	v3 =	vimm.s32 $0x0  }
0x561: {  	[tilespmem:$0x1FA10] =	vst v4;
	v3 =	vsel vm7, $0xFFFFFFFF, v3  }
0x562: {  	v2 =	vsel vm7, v10, v38;
	[tilespmem:$0x1FA00] =	vst v3;
	v3 =	vshll.u32 v4, $0x8;
	v4 =	vld [tilespmem:$0x1F9D0]  }
0x563: {  	v29 =	vsel vm4, v1, v2;
	v1 =	vadd.s32 v27, v3;
	v3 =	vld [tilespmem:$0x1F8D0];
	_ =	sdelay $0x3  }
0x564: {  	v30 =	vimm.s32 $0x0;
	vm1 =	vnez.u8 v4  }
0x565: {  	v35 =	vsel vm12, $0xFFFFFFFF, v30;
	v4 =	vsel vm1, $0x1F, v32;
	vm0 =	vnez.u8 v3  }
0x566: {  	[tilespmem:$0x1F9E0] =	vst v35;
	v3 =	vld [tilespmem:$0x1F8E0];
	v35 =	vsel vm0, v34, v4;
	vm0 =	vgt.f32 v8, v29;
	v4 =	vimm.s32 $0x0  }
0x567: {  	v4 =	vsel vm0, $0xFFFFFFFF, v4  }
0x568: {  	[tilespmem:$0x1FA20] =	vst v4;
	v4 =	vld [tilespmem:$0x1F8F0];
	_ =	sdelay $0x1  }
0x569: {  	s11 =	sshll.u32 s5, $0x6  }
0x56a: {  	s7 =	sand.u32 $0xFFFFFE00, s11;
	vm14 =	vmmov vm6;
	v0 =	vld [tilespmem:$0x1F870];
	vm6 =	vnez.u8 v3  }
0x56b: {  	s10 =	sor.u32 s4, s7;
	v2 =	vld [tilespmem:$0x1F8C0];
	v3 =	vsel vm6, $0x20, v35  }
0x56c: {  	[tilespmem:s10+$0x6800] =	vst v4;
	v4 =	vsel vm3, v5, v3;
	v5 =	vld [tilespmem:$0x1F910]  }
0x56d: {  	v3 =	vld [tilespmem:$0x1F900];
	_ =	sdelay $0x1  }
0x56e: {  	vm2 =	vnez.u8 v0;
	v0 =	vld [tilespmem:$0x1F880];
	_ =	sdelay $0x1  }
0x56f: {  	v2 =	vsel vm2, v22, v2;
	vm13 =	vnez.u8 v5  }
0x570: {  	v22 =	vsel vm0, v8, v29;
	vm3 =	vnez.u8 v3;
	v5 =	vsel vm13, $0x21, v4  }
0x571: {  	v30 =	vsel vm3, v52, v22;
	v52 =	vsel vm11, v56, v5;
	v5 =	vld [tilespmem:$0x1F920]  }
0x572: {  	v0 =	vsel vm2, $0x1E, v0;
	vm2 =	vmmov vm5  }
0x573: {  	v2 =	vsel vm2, v33, v2  }
0x574: {  	v0 =	vsel vm5, v36, v0;
	vm5 =	vmmov vm0;
	vm0 =	vgt.f32 v16, v2  }
0x575: {  	v0 =	vsel vm0, $0x1F, v0;
	vm2 =	vgt.f32 v11, v30  }
0x576: {  	[tilespmem:$0x1F9C0] =	vst v0;
	v0 =	vsel vm2, v11, v30;
	vm11 =	vmmov vm2;
	vm2 =	vnez.u8 v5  }
0x577: {  	v34 =	vsel vm2, v39, v0;
	v0 =	vld [tilespmem:$0x1F930]  }
0x578: {  	v36 =	vpop (erf)  }
0x579: {  	[tilespmem:s10+$0x6000] =	vst v36;
	v3 =	vpop (erf)  }
0x57a: {  	[tilespmem:s10+$0x6400] =	vst v3  }
0x57b: {  	v3 =	vld.idx.msk [tilespmem:v1+s29+$0x0], $0xffff;
	v1 =	vsel vm0, v16, v2  }
0x57c: {  	v2 =	vsel vm10, $0x22, v52;
	v5 =	vsel vm1, v53, v1;
	vm0 =	vnez.u8 v0  }
0x57d: {  	v1 =	vimm.s32 $0x0;
	v49 =	vsel vm0, v49, v2;
	vm0 =	vgt.f32 v13, v34  }
0x57e: {  	v0 =	vsel vm12, $0x23, v49;
	v1 =	vsel vm0, $0xFFFFFFFF, v1  }
0x57f: {  	[tilespmem:$0x1FA30] =	vst v1;
	v1 =	vsel vm8, v48, v0;
	v0 =	vld [tilespmem:$0x1F940];
	_ =	sdelay $0x4  }
0x580: {  	v2 =	vsel vm0, v13, v34;
	vm8 =	vnez.u8 v0  }
0x581: {  	vm12 =	vmmov vm0;
	v33 =	vsel vm8, v50, v2  }
0x582: {  	v48 =	vmovc v6;
	v0 =	vsel vm9, v6, v23;
	v6 =	vimm.s32 $0x0;
	vm0 =	vgt.f32 v14, v33  }
0x583: {  	v6 =	vsel vm0, $0xFFFFFFFF, v6  }
0x584: {  	[tilespmem:$0x1FA40] =	vst v6;
	v6 =	vld [tilespmem:$0x1F950];
	_ =	sdelay $0x4  }
0x585: {  	v2 =	vsel vm7, $0x24, v1;
	v16 =	vsel vm0, v14, v33;
	vm7 =	vnez.u8 v6  }
0x586: {  	v28 =	vsel vm7, v28, v16  }
0x587: {  	v0 =	vsel vm14, v24, v0;
	v6 =	vimm.s32 $0x0;
	vm14 =	vgt.f32 v18, v28  }
0x588: {  	v6 =	vsel vm14, $0xFFFFFFFF, v6  }
0x589: {  	[tilespmem:$0x1FA50] =	vst v6;
	v6 =	vld [tilespmem:$0x1F960];
	_ =	sdelay $0x2  }
0x58a: {  	v2 =	vsel vm4, v37, v2;
	v3 =	vadd.f32 v0, v3  }
0x58b: {  	vm4 =	vmmov vm0;
	v22 =	vsel vm5, $0x25, v2;
	v16 =	vsub.f32 $0.0e+00, v0  }
0x58c: {  	v0 =	vsel vm3, v57, v22;
	v24 =	vsel vm14, v18, v28;
	vm3 =	vnez.u8 v6  }
0x58d: {  	v3 =	vsub.f32 $0.0e+00, v3;
	v57 =	vmul.f32 $1.442695020e+00, v16;
	v16 =	vsel vm3, v43, v24  }
0x58e: {  	v22 =	vsel vm11, $0x26, v0;
	v6 =	vimm.s32 $0x0;
	vm0 =	vgt.f32 v20, v16  }
0x58f: {  	v50 =	vsel vm2, v58, v22;
	v6 =	vsel vm0, $0xFFFFFFFF, v6  }
0x590: {  	v3 =	vmul.f32 $1.442695020e+00, v3;
	v22 =	vsel vm12, $0x27, v50;
	[tilespmem:$0x1FA60] =	vst v6;
	v6 =	vld [tilespmem:$0x1F970]  }
0x591: {  	vm1 =	vgt.f32 v54, v5;
	(erf) = vpow2.f32 v57;
	v36 =	vsel vm8, v59, v22  }
0x592: {  	(erf) = vpow2.f32 v3;
	v3 =	vsel vm1, v54, v5;
	v5 =	vsel vm4, $0x28, v36  }
0x593: {  	v39 =	vsel vm7, v47, v5  }
0x594: {  	v3 =	vsel vm6, v25, v3;
	v5 =	vsel vm14, $0x29, v39  }
0x595: {  	v22 =	vsel vm0, v20, v16;
	vm8 =	vmmov vm0;
	vm5 =	vnez.u8 v6  }
0x596: {  	vm0 =	vgt.f32 v9, v3;
	v22 =	vsel vm5, v40, v22;
	v40 =	vsel vm3, v60, v5;
	v5 =	vld [tilespmem:$0x1F980]  }
0x597: {  	v3 =	vsel vm0, v9, v3  }
0x598: {  	v3 =	vsel vm13, v41, v3  }
0x599: {  	v9 =	vld [tilespmem:$0x1F990];
	vm3 =	vmmov vm13;
	vm13 =	vgt.f32 v12, v3;
	vm4 =	vgt.f32 v21, v22  }
0x59a: {  	v24 =	vimm.s32 $0x0;
	v25 =	vsel vm13, v12, v3;
	v6 =	vsel vm4, v21, v22  }
0x59b: {  	v3 =	vpop (erf);
	v24 =	vsel vm4, $0xFFFFFFFF, v24;
	vm9 =	vnez.u8 v5;
	v5 =	vsel vm8, $0x2A, v40  }
0x59c: {  	[tilespmem:$0x1FA70] =	vst v24;
	v24 =	vsel vm9, v44, v6;
	v41 =	vsel vm5, v61, v5;
	v61 =	vadd.f32 $1.000000000e+00, v3;
	v3 =	vld [tilespmem:$0x1F9A0]  }
0x59d: {  	vm2 =	vmmov vm6;
	vm7 =	vgt.f32 v19, v24  }
0x59e: {  	vm6 =	vnez.u8 v9;
	v6 =	vsel vm4, $0x2B, v41;
	v5 =	vsel vm7, v19, v24  }
0x59f: {  	v12 =	vsel vm6, v45, v5;
	v5 =	vsel vm9, v62, v6  }
0x5a0: {  	v6 =	vsel vm7, $0x2C, v5  }
0x5a1: {  	v3 =	vsel vm6, v3, v6;
	v6 =	vld [tilespmem:$0x1F9B0];
	_ =	sdelay $0x3  }
0x5a2: {  	vm12 =	vgt.f32 v17, v12  }
0x5a3: {  	v9 =	vsel vm10, v42, v25;
	v25 =	vsel vm12, v17, v12;
	vm6 =	vnez.u8 v6  }
0x5a4: {  	v62 =	vpop (erf);
	v25 =	vsel vm6, v31, v25  }
0x5a5: {  	v6 =	vadd.f32 $1.000000000e+00, v62;
	vm5 =	vgt.f32 v15, v25  }
0x5a6: {  	(erf) = vrcp.f32 v61;
	v43 =	vsel vm5, v15, v25  }
0x5a7: {  	(erf) = vrcp.f32 v6;
	v6 =	vsel vm15, v46, v43;
	v46 =	vld [tilespmem:$0x1F9D0]  }
0x5a8: {  	v45 =	vld [tilespmem:$0x1F9C0];
	_ =	sdelay $0x3  }
0x5a9: {  	vm8 =	vnez.u8 v46  }
0x5aa: {  	v32 =	vsel vm8, v32, v45  }
0x5ab: {  	v32 =	vsel vm1, $0x20, v32  }
0x5ac: {  	v32 =	vsel vm2, v35, v32  }
0x5ad: {  	v47 =	vld [tilespmem:$0x1F9E0];
	v32 =	vsel vm0, $0x21, v32  }
0x5ae: {  	v42 =	vsel vm12, $0x2D, v3;
	v4 =	vsel vm3, v4, v32  }
0x5af: {  	v31 =	vsel vm6, v63, v42;
	v57 =	vsel vm13, $0x22, v4;
	v4 =	vld [tilespmem:$0x1FA10]  }
0x5b0: {  	vm6 =	vgt.f32 v7, v9;
	v44 =	vsel vm5, $0x2E, v31  }
0x5b1: {  	v9 =	vsel vm6, v7, v9;
	v7 =	vsel vm15, v51, v44;
	v51 =	vld [tilespmem:$0x1F9F0]  }
0x5b2: {  	s11 =	sshll.u32 s8, $0x7;
	s9 =	sadd.s32 s7, s1;
	v53 =	vld [tilespmem:$0x1FA00];
	vm9 =	vnez.u8 v47  }
0x5b3: {  	s7 =	sand.u32 $0x3FFFFC00, s11;
	s11 =	sor.u32 $0x80, s9;
	v26 =	vsel vm9, v26, v9  }
0x5b4: {  	vm1 =	vgt.f32 v10, v26;
	[tilespmem:s11+$0x6800] =	vst v4;
	v4 =	vld [tilespmem:$0x1FFC0]  }
0x5b5: {  	vm14 =	vgt.f32 v48, v6;
	v10 =	vsel vm1, v10, v26  }
0x5b6: {  	s1 =	sadd.s32 $0x10, s1;
	v9 =	vsel vm14, $0x2F, v7;
	vm15 =	vnez.u8 v51  }
0x5b7: {  	s4 =	sand.u32 $0x70, s1;
	v56 =	vld [tilespmem:$0x1FFE0];
	v9 =	vsel vm15, v55, v9;
	v55 =	vmov v27;
	vm0 =	vnez.u8 v53  }
0x5b8: {  	s7 =	sor.u32 s4, s7;
	v58 =	vld [tilespmem:$0x1FA20];
	v26 =	vshll.u32 v9, $0x8;
	v54 =	vsel vm0, v38, v10;
	v10 =	vpop (erf);
	v35 =	vsel vm10, v52, v57  }
0x5b9: {  	v26 =	vadd.s32 v27, v26;
	v60 =	vsel vm6, $0x23, v35;
	v27 =	vadd.f32 $1.000000000e+00, v4;
	v4 =	vld [tilespmem:s7+$0x180];
	[tilespmem:s11+$0x6000] =	vst v10;
	v10 =	vpop (erf)  }
0x5ba: {  	[tilespmem:s11+$0x6400] =	vst v10;
	v10 =	vsel vm9, v49, v60  }
0x5bb: {  	v10 =	vsel vm1, $0x24, v10  }
0x5bc: {  	v32 =	vsub.f32 $0.0e+00, v56;
	vm8 =	vgt.f32 v8, v54;
	v1 =	vsel vm0, v1, v10  }
0x5bd: {  	vm2 =	vnez.u8 v58;
	v8 =	vsel vm8, v8, v54;
	v10 =	vsel vm8, $0x25, v1  }
0x5be: {  	v59 =	vmul.f32 $1.442695020e+00, v32;
	v8 =	vsel vm2, v29, v8;
	v2 =	vsel vm2, v2, v10;
	v10 =	vld [tilespmem:$0x1FA30]  }
0x5bf: {  	vm6 =	vgt.f32 v11, v8;
	(erf) = vrcp.f32 v27  }
0x5c0: {  	v8 =	vsel vm6, v11, v8;
	v11 =	vld.idx.msk [tilespmem:v26+s29+$0x0], $0xffff;
	(erf) = vpow2.f32 v59;
	_ =	sdelay $0x2  }
0x5c1: {  	vm4 =	vnez.u8 v10;
	v10 =	vsel vm14, v48, v6  }
0x5c2: {  	vm3 =	vmmov vm11;
	v8 =	vsel vm11, v30, v8;
	v10 =	vsel vm15, v23, v10  }
0x5c3: {  	vm11 =	vgt.f32 v13, v8;
	v23 =	vsub.f32 $0.0e+00, v10;
	v10 =	vadd.f32 v10, v11  }
0x5c4: {  	v8 =	vsel vm11, v13, v8;
	v2 =	vsel vm6, $0x26, v2  }
0x5c5: {  	v0 =	vsel vm3, v0, v2;
	v2 =	vld [tilespmem:$0x1FA40];
	v8 =	vsel vm4, v34, v8;
	v10 =	vsub.f32 $0.0e+00, v10  }
0x5c6: {  	v13 =	vpop (erf);
	vm6 =	vgt.f32 v14, v8;
	v11 =	vmul.f32 $1.442695020e+00, v23  }
0x5c7: {  	v1 =	vld [tilespmem:s7+$0x100];
	v8 =	vsel vm6, v14, v8;
	v14 =	vpop (erf);
	v10 =	vmul.f32 $1.442695020e+00, v10  }
0x5c8: {  	v26 =	vlaneseq.u32;
	[tilespmem:$0x1FFC0] =	vst v14;
	v14 =	vld [tilespmem:$0x1FA50];
	(erf) = vpow2.f32 v11  }
0x5c9: {  	v26 =	vor.u32 s1, v26;
	(erf) = vpow2.f32 v10;
	v10 =	vld [tilespmem:$0x1FA60]  }
0x5ca: {  	vm0 =	vlt.f32 v4, $-Inf;
	vm1 =	vgt.f32 v4, $-Inf;
	vm15 =	vnez.u8 v2  }
0x5cb: {  	vm0 =	vmor vm1, vm0;
	v0 =	vsel vm11, $0x27, v0;
	v2 =	vsel vm15, v33, v8;
	v8 =	vld [tilespmem:s7+$0x80]  }
0x5cc: {  	vm2 =	vlt.f32 v1, $-Inf;
	vm10 =	vgt.f32 v1, $-Inf;
	[tilespmem:s3+$0x6000] =	vst v13;
	vm8 =	vgt.f32 v18, v2  }
0x5cd: {  	v0 =	vsel vm4, v50, v0;
	v13 =	vld [tilespmem:s7+$0x0];
	v2 =	vsel vm8, v18, v2;
	vm3 =	vnez.u8 v14  }
0x5ce: {  	v0 =	vsel vm6, $0x28, v0;
	v2 =	vsel vm3, v28, v2;
	vm4 =	vnez.u8 v10;
	v10 =	vld [tilespmem:$0x1FA70]  }
0x5cf: {  	vm2 =	vmor vm10, vm2;
	v0 =	vsel vm15, v36, v0;
	vm11 =	vgt.f32 v20, v2  }
0x5d0: {  	v0 =	vsel vm8, $0x29, v0;
	vm6 =	vlt.f32 v8, $-Inf;
	v2 =	vsel vm11, v20, v2  }
0x5d1: {  	vm13 =	vgt.f32 v8, $-Inf;
	v14 =	vimm.s32 $0x0;
	v2 =	vsel vm4, v16, v2  }
0x5d2: {  	vm15 =	vgt.f32 v13, $-Inf;
	v0 =	vsel vm3, v39, v0;
	vm8 =	vgt.f32 v21, v2  }
0x5d3: {  	v0 =	vsel vm11, $0x2A, v0;
	v2 =	vsel vm8, v21, v2;
	vm9 =	vnez.u8 v10  }
0x5d4: {  	vm1 =	vmor vm13, vm6;
	v0 =	vsel vm4, v40, v0;
	v11 =	vpop (erf);
	v2 =	vsel vm9, v22, v2  }
0x5d5: {  	v0 =	vsel vm8, $0x2B, v0;
	v11 =	vadd.f32 $1.000000000e+00, v11;
	vm3 =	vgt.f32 v19, v2  }
0x5d6: {  	v10 =	vnsel vm15, $0xFF800000, v13;
	v0 =	vsel vm9, v41, v0;
	v2 =	vsel vm3, v19, v2  }
0x5d7: {  	v13 =	vsel vm0, $0x3, v14;
	v0 =	vsel vm3, $0x2C, v0;
	v2 =	vsel vm7, v24, v2  }
0x5d8: {  	v0 =	vsel vm7, v5, v0;
	v5 =	vpop (erf);
	(erf) = vrcp.f32 v11;
	vm3 =	vgt.f32 v17, v2  }
0x5d9: {  	v5 =	vadd.f32 $1.000000000e+00, v5;
	v2 =	vsel vm3, v17, v2;
	v0 =	vsel vm3, $0x2D, v0  }
0x5da: {  	v11 =	vsel vm2, $0x2, v14;
	v2 =	vsel vm12, v12, v2;
	v0 =	vsel vm12, v3, v0  }
0x5db: {  	(erf) = vrcp.f32 v5;
	v3 =	vnsel vm0, $0xFF800000, v4;
	vm3 =	vgt.f32 v15, v2  }
0x5dc: {  	v5 =	vnsel vm2, $0xFF800000, v1;
	v12 =	vnsel vm1, $0xFF800000, v8;
	v2 =	vsel vm3, v15, v2  }
0x5dd: {  	v0 =	vsel vm3, $0x2E, v0;
	vm3 =	vgt.f32 v8, v10;
	v2 =	vsel vm5, v25, v2  }
0x5de: {  	v0 =	vsel vm5, v31, v0;
	vm5 =	vmneg vm3;
	vm0 =	vgt.f32 v48, v2  }
0x5df: {  	vm1 =	vmand vm1, vm5;
	v8 =	vsel vm5, v10, v8;
	v0 =	vsel vm0, $0x2F, v0  }
0x5e0: {  	vm2 =	vgt.f32 v1, v8;
	v2 =	vsel vm0, v48, v2;
	v7 =	vsel vm14, v7, v0  }
0x5e1: {  	v0 =	vsel vm5, v12, v10;
	v12 =	vsel vm1, $0x1, v14;
	v14 =	vsel vm3, $0x1, v14  }
0x5e2: {  	v16 =	vmovc v26;
	v6 =	vsel vm14, v6, v2;
	v10 =	vshll.u32 v7, $0x8;
	vm1 =	vgt.f32 v1, v0  }
0x5e3: {  	[tilespmem:$0x1FFD0] =	vst v16;
	v16 =	vsel vm2, $0x2, v14;
	v10 =	vadd.s32 v55, v10;
	v11 =	vsel vm1, v12, v11  }
0x5e4: {  	v17 =	vld [tilespmem:s7+$0x200];
	v5 =	vsel vm1, v0, v5;
	v12 =	vsel vm1, $0x2, v12;
	v0 =	vsel vm1, v1, v0  }
0x5e5: {  	v15 =	vpop (erf);
	v1 =	vsel vm2, v1, v8;
	v12 =	vsel vm2, v14, v12;
	vm1 =	vgt.f32 v4, v5  }
0x5e6: {  	[tilespmem:s10+$0x6900] =	vst v9;
	v9 =	vpop (erf);
	v0 =	vsel vm2, v8, v0;
	vm2 =	vgt.f32 v4, v1;
	v3 =	vsel vm1, v5, v3  }
0x5e7: {  	[tilespmem:s10+$0x6500] =	vst v9;
	v8 =	vsel vm1, v11, v13;
	v9 =	vsel vm1, $0x3, v11;
	vm3 =	vgt.f32 v4, v0  }
0x5e8: {  	v5 =	vsel vm1, v4, v5;
	v11 =	vsel vm2, $0x3, v16;
	v13 =	vsel vm2, v4, v1  }
0x5e9: {  	v9 =	vsel vm3, v12, v9;
	vm5 =	vgt.f32 v17, v3;
	v5 =	vsel vm3, v0, v5  }
0x5ea: {  	v12 =	vsel vm3, $0x3, v12;
	vm1 =	vgt.f32 v17, v13;
	v0 =	vsel vm3, v4, v0  }
0x5eb: {  	[tilespmem:s10+$0x6100] =	vst v15;
	v4 =	vsel vm5, $0x4, v8;
	v3 =	vsel vm5, v17, v3;
	v14 =	vsel vm1, $0x4, v11  }
0x5ec: {  	v8 =	vld [tilespmem:s7+$0x280];
	v2 =	vsel vm2, v16, v12;
	vm0 =	vgt.f32 v17, v5;
	v0 =	vsel vm2, v1, v0  }
0x5ed: {  	v10 =	vld.idx.msk [tilespmem:v10+s29+$0x0], $0xffff;
	v1 =	vsel vm0, v9, v4;
	v9 =	vsel vm0, $0x4, v9;
	vm2 =	vgt.f32 v17, v0  }
0x5ee: {  	v3 =	vsel vm0, v5, v3;
	v5 =	vsel vm0, v17, v5;
	v9 =	vsel vm2, v2, v9  }
0x5ef: {  	v5 =	vsel vm2, v0, v5;
	v2 =	vsel vm2, $0x4, v2;
	v0 =	vsel vm2, v17, v0  }
0x5f0: {  	v4 =	vsel vm1, v17, v13;
	v2 =	vsel vm1, v11, v2;
	v0 =	vsel vm1, v13, v0  }
0x5f1: {  	vm0 =	vgt.f32 v8, v4;
	vm3 =	vgt.f32 v8, v3;
	vm1 =	vgt.f32 v8, v5  }
0x5f2: {  	[tilespmem:$0x1FFE0] =	vst v6;
	v6 =	vadd.f32 v6, v10;
	v12 =	vsel vm0, $0x5, v14;
	v15 =	vsel vm0, v8, v4  }
0x5f3: {  	v10 =	vld [tilespmem:s7+$0x300];
	v3 =	vsel vm3, v8, v3;
	v1 =	vsel vm3, $0x5, v1;
	vm3 =	vgt.f32 v8, v0  }
0x5f4: {  	v3 =	vsel vm1, v5, v3;
	v1 =	vsel vm1, v9, v1;
	v9 =	vsel vm1, $0x5, v9  }
0x5f5: {  	v5 =	vsel vm1, v8, v5;
	v6 =	vsub.f32 $0.0e+00, v6;
	v9 =	vsel vm3, v2, v9  }
0x5f6: {  	v5 =	vsel vm3, v0, v5;
	v2 =	vsel vm3, $0x5, v2;
	v0 =	vsel vm3, v8, v0  }
0x5f7: {  	v2 =	vsel vm0, v14, v2;
	v0 =	vsel vm0, v4, v0;
	v6 =	vmul.f32 $1.442695020e+00, v6  }
0x5f8: {  	vm2 =	vgt.f32 v10, v15;
	vm4 =	vgt.f32 v10, v3;
	vm3 =	vgt.f32 v10, v5  }
0x5f9: {  	(erf) = vpow2.f32 v6;
	v6 =	vld [tilespmem:s7+$0x380];
	v11 =	vsel vm2, $0x6, v12;
	v13 =	vsel vm2, v10, v15  }
0x5fa: {  	v3 =	vsel vm4, v10, v3;
	v1 =	vsel vm4, $0x6, v1;
	vm4 =	vgt.f32 v10, v0  }
0x5fb: {  	v1 =	vsel vm3, v9, v1;
	v3 =	vsel vm3, v5, v3;
	v9 =	vsel vm3, $0x6, v9  }
0x5fc: {  	v16 =	vld [tilespmem:s7+$0x800];
	v5 =	vsel vm3, v10, v5;
	v9 =	vsel vm4, v2, v9;
	v2 =	vsel vm4, $0x6, v2  }
0x5fd: {  	v5 =	vsel vm4, v0, v5;
	v0 =	vsel vm4, v10, v0;
	v2 =	vsel vm2, v12, v2  }
0x5fe: {  	v0 =	vsel vm2, v15, v0;
	vm1 =	vgt.f32 v6, v13;
	vm3 =	vgt.f32 v6, v3  }
0x5ff: {  	v17 =	vld [tilespmem:s7+$0x880];
	vm4 =	vgt.f32 v6, v5;
	vm2 =	vgt.f32 v6, v0;
	v8 =	vsel vm1, $0x7, v11  }
0x600: {  	v4 =	vsel vm1, v6, v13;
	v1 =	vsel vm3, $0x7, v1;
	v3 =	vsel vm3, v6, v3  }
0x601: {  	vm0 =	vgt.f32 v16, v4;
	v1 =	vsel vm4, v9, v1;
	v3 =	vsel vm4, v5, v3  }
0x602: {  	v9 =	vsel vm4, $0x7, v9;
	v5 =	vsel vm4, v6, v5;
	v10 =	vsel vm0, v16, v4  }
0x603: {  	v9 =	vsel vm2, v2, v9;
	v2 =	vsel vm2, $0x7, v2;
	vm4 =	vgt.f32 v16, v3  }
0x604: {  	v12 =	vld [tilespmem:s7+$0x900];
	v5 =	vsel vm2, v0, v5;
	v0 =	vsel vm2, v6, v0;
	vm3 =	vgt.f32 v17, v10  }
0x605: {  	v14 =	vpop (erf);
	v3 =	vsel vm4, v16, v3;
	v1 =	vsel vm4, $0x8, v1;
	v2 =	vsel vm1, v11, v2  }
0x606: {  	vm4 =	vgt.f32 v16, v5;
	v0 =	vsel vm1, v13, v0;
	v14 =	vadd.f32 $1.000000000e+00, v14  }
0x607: {  	v21 =	vsel vm3, v17, v10;
	v1 =	vsel vm4, v9, v1;
	v9 =	vsel vm4, $0x8, v9  }
0x608: {  	vm5 =	vgt.f32 v16, v0;
	v3 =	vsel vm4, v5, v3;
	v5 =	vsel vm4, v16, v5  }
0x609: {  	v6 =	vld [tilespmem:s7+$0x980];
	vm2 =	vgt.f32 v12, v21;
	v9 =	vsel vm5, v2, v9;
	vm4 =	vgt.f32 v17, v3  }
0x60a: {  	v5 =	vsel vm5, v0, v5;
	v2 =	vsel vm5, $0x8, v2;
	v0 =	vsel vm5, v16, v0  }
0x60b: {  	(erf) = vrcp.f32 v14;
	v14 =	vsel vm0, $0x8, v8;
	v11 =	vsel vm2, v12, v21  }
0x60c: {  	v1 =	vsel vm4, $0x9, v1;
	v2 =	vsel vm0, v8, v2;
	vm5 =	vgt.f32 v17, v5  }
0x60d: {  	v3 =	vsel vm4, v17, v3;
	v0 =	vsel vm0, v4, v0;
	v15 =	vsel vm3, $0x9, v14  }
0x60e: {  	vm1 =	vgt.f32 v6, v11;
	v1 =	vsel vm5, v9, v1;
	v3 =	vsel vm5, v5, v3  }
0x60f: {  	v4 =	vsel vm5, $0x9, v9;
	vm4 =	vgt.f32 v17, v0;
	v5 =	vsel vm5, v17, v5  }
0x610: {  	v27 =	vsel vm2, $0xA, v15;
	v62 =	vsel vm1, v6, v11;
	v4 =	vsel vm4, v2, v4  }
0x611: {  	v2 =	vsel vm4, $0x9, v2;
	vm5 =	vgt.f32 v12, v3;
	v5 =	vsel vm4, v0, v5  }
0x612: {  	v0 =	vsel vm4, v17, v0;
	v3 =	vsel vm5, v12, v3;
	v1 =	vsel vm5, $0xA, v1  }
0x613: {  	v2 =	vsel vm3, v14, v2;
	vm4 =	vgt.f32 v12, v5;
	v0 =	vsel vm3, v10, v0  }
0x614: {  	v1 =	vsel vm4, v4, v1;
	v4 =	vsel vm4, $0xA, v4;
	vm3 =	vgt.f32 v12, v0  }
0x615: {  	s3 =	smov.u32 s6;
	s6 =	sor.u32 $0x180, s9;
	v3 =	vsel vm4, v5, v3;
	v5 =	vsel vm4, v12, v5;
	v4 =	vsel vm3, v2, v4  }
0x616: {  	[tilespmem:s6+$0x6800] =	vst v7;
	vm4 =	vgt.f32 v6, v3;
	v5 =	vsel vm3, v0, v5;
	v2 =	vsel vm3, $0xA, v2;
	v18 =	vpop (erf)  }
0x617: {  	v0 =	vsel vm3, v12, v0;
	v1 =	vsel vm4, $0xB, v1;
	v2 =	vsel vm2, v15, v2;
	[tilespmem:s6+$0x6400] =	vst v18  }
0x618: {  	vm3 =	vgt.f32 v6, v5;
	v3 =	vsel vm4, v6, v3;
	v0 =	vsel vm2, v21, v0;
	v7 =	vld [tilespmem:s7+$0xA00]  }
0x619: {  	v3 =	vsel vm3, v5, v3;
	vm2 =	vgt.f32 v6, v0;
	v5 =	vsel vm3, v6, v5  }
0x61a: {  	v1 =	vsel vm3, v4, v1;
	v4 =	vsel vm3, $0xB, v4;
	v5 =	vsel vm2, v0, v5;
	v63 =	vld [tilespmem:s7+$0xA80]  }
0x61b: {  	v4 =	vsel vm2, v2, v4;
	v0 =	vsel vm2, v6, v0;
	v2 =	vsel vm2, $0xB, v2  }
0x61c: {  	v61 =	vsel vm1, $0xB, v27;
	v2 =	vsel vm1, v27, v2;
	v0 =	vsel vm1, v11, v0  }
0x61d: {  	vm0 =	vgt.f32 v7, v62;
	vm7 =	vgt.f32 v7, v3;
	vm2 =	vgt.f32 v7, v5  }
0x61e: {  	v23 =	vld [tilespmem:s7+$0xB00];
	vm1 =	vgt.f32 v7, v0;
	v25 =	vsel vm0, $0xC, v61;
	v26 =	vsel vm0, v7, v62  }
0x61f: {  	v3 =	vsel vm7, v7, v3;
	v1 =	vsel vm7, $0xC, v1;
	vm6 =	vgt.f32 v63, v26  }
0x620: {  	v20 =	vld [tilespmem:s7+$0xB80];
	v3 =	vsel vm2, v5, v3;
	v1 =	vsel vm2, v4, v1;
	v5 =	vsel vm2, v7, v5  }
0x621: {  	v4 =	vsel vm2, $0xC, v4;
	v24 =	vsel vm6, $0xD, v25;
	v22 =	vsel vm6, v63, v26  }
0x622: {  	v15 =	vld [tilespmem:s7+$0x1000];
	v4 =	vsel vm1, v2, v4;
	vm7 =	vgt.f32 v63, v3;
	v5 =	vsel vm1, v0, v5  }
0x623: {  	v2 =	vsel vm1, $0xC, v2;
	v0 =	vsel vm1, v7, v0;
	vm5 =	vgt.f32 v23, v22  }
0x624: {  	v14 =	vld [tilespmem:s7+$0x1080];
	v1 =	vsel vm7, $0xD, v1;
	v21 =	vsel vm0, v61, v2;
	v19 =	vsel vm5, v23, v22  }
0x625: {  	vm8 =	vgt.f32 v63, v5;
	v2 =	vsel vm7, v63, v3;
	vm4 =	vgt.f32 v20, v19  }
0x626: {  	v9 =	vld [tilespmem:s7+$0x1100];
	v27 =	vsel vm0, v62, v0;
	v18 =	vsel vm5, $0xE, v24;
	v16 =	vsel vm4, v20, v19  }
0x627: {  	v0 =	vsel vm8, v4, v1;
	v2 =	vsel vm8, v5, v2;
	vm3 =	vgt.f32 v15, v16  }
0x628: {  	p0 =	sne.s32 s8, $0xF;
	v7 =	vld [tilespmem:s7+$0x1180];
	vm0 =	vgt.f32 v63, v27;
	v1 =	vsel vm8, v63, v5;
	v13 =	vsel vm3, v15, v16  }
.Ltmp0:
0x629: {  	v3 =	vsel vm8, $0xD, v4;
	v1 =	vsel vm0, v27, v1;
	vm2 =	vgt.f32 v14, v13;
	(pc) =	sbr.rel @p0 .LBB2_2-.Ltmp0, $4  }
0x62a: {  	v3 =	vsel vm0, v21, v3;
	v17 =	vsel vm4, $0xF, v18;
	v10 =	vsel vm2, v14, v13  }
0x62b: {  	vm7 =	vgt.f32 v23, v2;
	v12 =	vsel vm3, $0x10, v17;
	vm1 =	vgt.f32 v9, v10  }
0x62c: {  	v4 =	vsel vm0, v63, v27;
	v11 =	vsel vm2, $0x11, v12;
	v8 =	vsel vm1, v9, v10  }
0x62d: {  	s5 =	smov.u32 s8;
	s8 =	sadd.s32 $0x1, s8;
	v5 =	vld [tilespmem:s7+$0x1200];
	v21 =	vsel vm0, $0xD, v21;
	v6 =	vsel vm1, $0x12, v11;
	vm0 =	vgt.f32 v7, v8  }
0x62e: {  	v27 =	vsel vm7, v23, v2;
	v0 =	vsel vm7, $0xE, v0;
	v37 =	vsel vm0, $0x13, v6  }
0x62f: {  	v21 =	vsel vm6, v25, v21;
	vm12 =	vgt.f32 v23, v1;
	v2 =	vsel vm0, v7, v8  }
0x630: {  	v40 =	vsel vm6, v26, v4;
	v41 =	vsel vm12, v1, v27;
	v0 =	vsel vm12, v3, v0  }
0x631: {  	vm6 =	vgt.f32 v23, v40;
	v42 =	vsel vm12, v23, v1;
	v43 =	vsel vm12, $0xE, v3  }
0x632: {  	v3 =	vsel vm6, v21, v43;
	vm13 =	vgt.f32 v20, v41;
	v1 =	vsel vm6, v40, v42  }
0x633: {  	v21 =	vsel vm6, $0xE, v21;
	v44 =	vsel vm6, v23, v40;
	v0 =	vsel vm13, $0xF, v0  }
0x634: {  	v36 =	vld [tilespmem:s7+$0x1280];
	v21 =	vsel vm5, v24, v21;
	vm14 =	vgt.f32 v20, v1;
	v45 =	vsel vm13, v20, v41  }
0x635: {  	v22 =	vsel vm5, v22, v44;
	vm8 =	vgt.f32 v5, v2;
	v46 =	vsel vm14, v3, v0  }
0x636: {  	v24 =	vsel vm14, v1, v45;
	v3 =	vsel vm14, $0xF, v3;
	vm5 =	vgt.f32 v20, v22  }
0x637: {  	v1 =	vsel vm14, v20, v1;
	v4 =	vsel vm8, $0x14, v37;
	v35 =	vsel vm8, v5, v2  }
0x638: {  	v1 =	vsel vm5, v22, v1;
	v3 =	vsel vm5, v21, v3;
	vm15 =	vgt.f32 v15, v24  }
0x639: {  	v31 =	vld [tilespmem:s7+$0x1300];
	v47 =	vsel vm5, v20, v22;
	v21 =	vsel vm5, $0xF, v21;
	vm10 =	vgt.f32 v36, v35  }
0x63a: {  	vm9 =	vgt.f32 v15, v1;
	v48 =	vsel vm15, v15, v24;
	v23 =	vsel vm15, $0x10, v46  }
0x63b: {  	v18 =	vsel vm4, v18, v21;
	v19 =	vsel vm4, v19, v47;
	v47 =	vimm.s32 $0x0  }
0x63c: {  	v0 =	vsel vm10, $0x15, v4;
	v34 =	vsel vm10, v36, v35;
	v49 =	vsel vm9, v1, v48  }
0x63d: {  	v50 =	vsel vm9, v3, v23;
	vm4 =	vgt.f32 v15, v19;
	v3 =	vsel vm9, $0x10, v3  }
0x63e: {  	v29 =	vld [tilespmem:s7+$0x1380];
	v1 =	vsel vm9, v15, v1;
	vm7 =	vgt.f32 v31, v34;
	v3 =	vsel vm4, v18, v3  }
0x63f: {  	vm11 =	vgt.f32 v14, v49;
	v1 =	vsel vm4, v19, v1;
	v18 =	vsel vm4, $0x10, v18  }
0x640: {  	v51 =	vsel vm4, v15, v19;
	v27 =	vsel vm7, v31, v34;
	v28 =	vsel vm7, $0x16, v0  }
0x641: {  	v52 =	vsel vm11, $0x11, v50;
	v17 =	vsel vm3, v17, v18;
	vm12 =	vgt.f32 v14, v1  }
0x642: {  	v21 =	vld [tilespmem:s7+$0x1800];
	v53 =	vsel vm11, v14, v49;
	v15 =	vsel vm3, v16, v51;
	v49 =	vimm.s32 $0x0  }
0x643: {  	vm6 =	vgt.f32 v29, v27;
	v54 =	vsel vm12, v3, v52;
	v55 =	vsel vm12, v1, v53  }
0x644: {  	v1 =	vsel vm12, v14, v1;
	v3 =	vsel vm12, $0x11, v3;
	vm3 =	vgt.f32 v14, v15  }
0x645: {  	v25 =	vsel vm6, $0x17, v28;
	v22 =	vsel vm6, v29, v27;
	v1 =	vsel vm3, v15, v1  }
0x646: {  	v20 =	vld [tilespmem:s7+$0x1880];
	v3 =	vsel vm3, v17, v3;
	vm4 =	vgt.f32 v9, v55;
	v56 =	vsel vm3, v14, v15  }
0x647: {  	v57 =	vsel vm3, $0x11, v17;
	vm5 =	vgt.f32 v21, v22;
	vm9 =	vgt.f32 v9, v1  }
0x648: {  	v19 =	vsel vm4, v9, v55;
	v16 =	vsel vm4, $0x12, v54;
	v12 =	vsel vm2, v12, v57  }
0x649: {  	v13 =	vsel vm2, v13, v56;
	v26 =	vsel vm5, v21, v22;
	v18 =	vsel vm5, $0x18, v25  }
0x64a: {  	v58 =	vsel vm9, v1, v19;
	v59 =	vsel vm9, v3, v16;
	vm13 =	vgt.f32 v9, v13  }
0x64b: {  	v17 =	vld [tilespmem:s7+$0x1900];
	v1 =	vsel vm9, v9, v1;
	v3 =	vsel vm9, $0x12, v3;
	vm15 =	vgt.f32 v20, v26  }
0x64c: {  	v3 =	vsel vm13, v12, v3;
	vm14 =	vgt.f32 v7, v58;
	v1 =	vsel vm13, v13, v1  }
0x64d: {  	v12 =	vsel vm13, $0x12, v12;
	v60 =	vsel vm13, v9, v13;
	v14 =	vsel vm15, v20, v26  }
0x64e: {  	v15 =	vsel vm15, $0x19, v18;
	v61 =	vsel vm14, $0x13, v59;
	v11 =	vsel vm1, v11, v12  }
0x64f: {  	v16 =	vld [tilespmem:s7+$0x1980];
	vm11 =	vgt.f32 v7, v1;
	v62 =	vsel vm14, v7, v58;
	v9 =	vsel vm1, v10, v60  }
0x650: {  	vm2 =	vgt.f32 v17, v14;
	v63 =	vsel vm11, v3, v61;
	v12 =	vsel vm11, v1, v62  }
0x651: {  	v39 =	vsel vm11, v7, v1;
	v3 =	vsel vm11, $0x13, v3;
	vm12 =	vgt.f32 v7, v9  }
0x652: {  	v19 =	vsel vm2, $0x1A, v15;
	v33 =	vsel vm2, v17, v14;
	v32 =	vsel vm12, v9, v39  }
0x653: {  	v24 =	vld [tilespmem:s7+$0x1A00];
	v38 =	vsel vm12, v11, v3;
	vm13 =	vgt.f32 v5, v12;
	v7 =	vsel vm12, v7, v9  }
0x654: {  	v40 =	vsel vm12, $0x13, v11;
	vm1 =	vgt.f32 v16, v33;
	vm11 =	vgt.f32 v5, v32  }
0x655: {  	v41 =	vsel vm13, v5, v12;
	v10 =	vsel vm13, $0x14, v63;
	v42 =	vsel vm0, v6, v40  }
0x656: {  	v7 =	vsel vm0, v8, v7;
	v1 =	vsel vm1, v16, v33;
	v23 =	vsel vm1, $0x1B, v19  }
0x657: {  	v43 =	vsel vm11, v32, v41;
	v44 =	vsel vm11, v38, v10;
	vm14 =	vgt.f32 v5, v7  }
0x658: {  	v13 =	vld [tilespmem:s7+$0x1A80];
	v45 =	vsel vm11, v5, v32;
	v46 =	vsel vm11, $0x14, v38;
	vm3 =	vgt.f32 v24, v1  }
0x659: {  	v11 =	vsel vm14, v42, v46;
	vm0 =	vgt.f32 v36, v43;
	v10 =	vsel vm14, v7, v45  }
0x65a: {  	v6 =	vsel vm14, $0x14, v42;
	v7 =	vsel vm14, v5, v7;
	v3 =	vsel vm3, v24, v1  }
0x65b: {  	v30 =	vsel vm3, $0x1C, v23;
	v9 =	vsel vm0, $0x15, v44;
	v6 =	vsel vm8, v37, v6  }
0x65c: {  	v12 =	vld [tilespmem:s7+$0x1B00];
	vm12 =	vgt.f32 v36, v10;
	v8 =	vsel vm0, v36, v43;
	v7 =	vsel vm8, v2, v7  }
0x65d: {  	vm4 =	vgt.f32 v13, v3;
	v9 =	vsel vm12, v11, v9;
	v8 =	vsel vm12, v10, v8  }
0x65e: {  	v10 =	vsel vm12, v36, v10;
	v11 =	vsel vm12, $0x15, v11;
	vm14 =	vgt.f32 v36, v7  }
0x65f: {  	v32 =	vsel vm4, $0x1D, v30;
	v38 =	vsel vm4, v13, v3;
	v10 =	vsel vm14, v7, v10  }
0x660: {  	v11 =	vsel vm14, v6, v11;
	vm11 =	vgt.f32 v31, v8;
	v7 =	vsel vm14, v36, v7  }
0x661: {  	v5 =	vld [tilespmem:s7+$0x1B80];
	v48 =	vsel vm14, $0x15, v6;
	vm13 =	vgt.f32 v12, v38;
	vm12 =	vgt.f32 v31, v10  }
0x662: {  	v8 =	vsel vm11, v31, v8;
	v9 =	vsel vm11, $0x16, v9;
	v4 =	vsel vm10, v4, v48  }
0x663: {  	v40 =	vsel vm10, v35, v7;
	v2 =	vsel vm13, $0xFFFFFFFF, v47;
	v37 =	vsel vm13, v12, v38  }
0x664: {  	v8 =	vsel vm12, v10, v8;
	v9 =	vsel vm12, v11, v9;
	vm11 =	vgt.f32 v31, v40  }
0x665: {  	v10 =	vsel vm12, v31, v10;
	v11 =	vsel vm12, $0x16, v11;
	[tilespmem:$0x1F540] =	vst v2;
	v2 =	vsel vm13, $0x1E, v32  }
0x666: {  	vm9 =	vgt.f32 v5, v37;
	v11 =	vsel vm11, v4, v11;
	vm0 =	vgt.f32 v29, v8  }
0x667: {  	v10 =	vsel vm11, v40, v10;
	v4 =	vsel vm11, $0x16, v4;
	v31 =	vsel vm11, v31, v40  }
0x668: {  	v36 =	vsel vm9, $0xFFFFFFFF, v49;
	v39 =	vsel vm9, v5, v37;
	v9 =	vsel vm0, $0x17, v9  }
0x669: {  	v0 =	vsel vm7, v0, v4;
	vm13 =	vgt.f32 v29, v10;
	v50 =	vsel vm0, v29, v8  }
0x66a: {  	v6 =	vld [tilespmem:s7+$0x2000];
	v34 =	vsel vm7, v34, v31;
	[tilespmem:$0x1F550] =	vst v36;
	v36 =	vsel vm9, $0x1F, v2;
	v41 =	vsel vm13, v11, v9  }
0x66b: {  	v51 =	vsel vm13, v29, v10;
	v52 =	vsel vm13, $0x17, v11;
	vm7 =	vgt.f32 v29, v34  }
0x66c: {  	v4 =	vsel vm13, v10, v50;
	v53 =	vsel vm7, v34, v51;
	v10 =	vsel vm7, v0, v52  }
0x66d: {  	vm9 =	vgt.f32 v21, v4;
	v29 =	vsel vm7, v29, v34;
	v0 =	vsel vm7, $0x17, v0  }
0x66e: {  	v34 =	vimm.s32 $0x0;
	vm10 =	vgt.f32 v21, v53;
	v4 =	vsel vm9, v21, v4  }
0x66f: {  	v54 =	vsel vm9, $0x18, v41;
	v0 =	vsel vm6, v28, v0;
	v27 =	vsel vm6, v27, v29  }
0x670: {  	v4 =	vsel vm10, v53, v4;
	v55 =	vsel vm10, v10, v54;
	vm13 =	vgt.f32 v21, v27  }
0x671: {  	v7 =	vld [tilespmem:s7+$0x2080];
	v11 =	vsel vm10, v21, v53;
	v56 =	vsel vm10, $0x18, v10;
	vm8 =	vgt.f32 v6, v39  }
0x672: {  	v57 =	vsel vm13, v0, v56;
	vm0 =	vgt.f32 v20, v4;
	v58 =	vsel vm13, v27, v11  }
0x673: {  	v0 =	vsel vm13, $0x18, v0;
	v21 =	vsel vm13, v21, v27;
	v35 =	vsel vm8, $0x20, v36  }
0x674: {  	v40 =	vsel vm8, v6, v39;
	v59 =	vsel vm0, $0x19, v55;
	v0 =	vsel vm5, v25, v0  }
0x675: {  	vm14 =	vgt.f32 v20, v58;
	v4 =	vsel vm0, v20, v4;
	v21 =	vsel vm5, v22, v21  }
0x676: {  	v8 =	vld [tilespmem:s7+$0x2100];
	vm0 =	vmmov vm15;
	vm11 =	vgt.f32 v7, v40;
	v60 =	vsel vm14, v57, v59  }
0x677: {  	v4 =	vsel vm14, v58, v4;
	v61 =	vsel vm14, v20, v58;
	vm5 =	vgt.f32 v20, v21  }
0x678: {  	v62 =	vsel vm14, $0x19, v57;
	v58 =	vimm.s32 $0x0;
	v42 =	vsel vm11, v7, v40  }
0x679: {  	v31 =	vsel vm11, $0x21, v35;
	v20 =	vsel vm5, v20, v21;
	v21 =	vsel vm5, v21, v61  }
0x67a: {  	v9 =	vld [tilespmem:s7+$0x2180];
	v63 =	vsel vm5, v0, v62;
	vm14 =	vgt.f32 v17, v4;
	v0 =	vsel vm5, $0x19, v0  }
0x67b: {  	v62 =	vimm.s32 $0x0;
	vm12 =	vgt.f32 v8, v42;
	v20 =	vsel vm15, v26, v20  }
0x67c: {  	v10 =	vld [tilespmem:s7+$0x2200];
	vm9 =	vgt.f32 v17, v21;
	v4 =	vsel vm14, v17, v4;
	v22 =	vsel vm14, $0x1A, v60  }
0x67d: {  	v0 =	vsel vm0, v18, v0;
	v46 =	vsel vm12, v8, v42;
	v45 =	vsel vm12, $0x22, v31  }
0x67e: {  	v11 =	vld [tilespmem:s7+$0x2280];
	vm15 =	vgt.f32 v17, v20;
	v4 =	vsel vm9, v21, v4;
	v22 =	vsel vm9, v63, v22  }
0x67f: {  	v43 =	vsel vm9, $0x1A, v63;
	vm10 =	vgt.f32 v9, v46;
	v26 =	vsel vm15, v17, v20  }
0x680: {  	v17 =	vsel vm9, v17, v21;
	vm5 =	vgt.f32 v16, v4;
	v49 =	vsel vm10, v9, v46  }
0x681: {  	v28 =	vsel vm10, $0x23, v45;
	v26 =	vsel vm2, v14, v26;
	vm13 =	vgt.f32 v10, v49  }
0x682: {  	v20 =	vsel vm15, v20, v17;
	vm6 =	vgt.f32 v16, v26;
	v47 =	vsel vm13, v10, v49  }
0x683: {  	v50 =	vsel vm5, $0x1B, v22;
	v41 =	vsel vm6, v16, v26;
	vm7 =	vgt.f32 v11, v47  }
0x684: {  	v29 =	vsel vm13, $0x24, v28;
	v33 =	vsel vm1, v33, v41;
	v18 =	vsel vm7, $0xFFFFFFFF, v34  }
0x685: {  	v14 =	vld [tilespmem:s7+$0x2300];
	v51 =	vsel vm7, v11, v47;
	v48 =	vsel vm7, $0x25, v29;
	vm7 =	vgt.f32 v24, v33  }
0x686: {  	v59 =	vsel vm5, v16, v4;
	vm14 =	vgt.f32 v16, v20;
	v44 =	vsel vm7, v24, v33  }
0x687: {  	v25 =	vld [tilespmem:$0x1F540];
	[tilespmem:$0x1F560] =	vst v18;
	v18 =	vsel vm15, v0, v43;
	v0 =	vsel vm15, $0x1A, v0;
	v52 =	vsel vm3, v1, v44  }
0x688: {  	v16 =	vsel vm14, v16, v20;
	v0 =	vsel vm2, v15, v0;
	vm9 =	vgt.f32 v13, v52  }
0x689: {  	v34 =	vimm.s32 $0x0;
	v57 =	vsel vm6, $0x1B, v0;
	v21 =	vsel vm9, v13, v52  }
0x68a: {  	vm15 =	vgt.f32 v14, v51;
	v54 =	vsel vm1, v19, v57;
	v43 =	vsel vm4, v3, v21  }
0x68b: {  	v53 =	vsel vm15, v14, v51;
	v60 =	vsel vm7, $0x1C, v54;
	vm5 =	vgt.f32 v12, v43  }
0x68c: {  	v15 =	vld [tilespmem:s7+$0x2380];
	v55 =	vsel vm3, v23, v60;
	vm3 =	vnez.u8 v25;
	v61 =	vsel vm5, v12, v43  }
0x68d: {  	v63 =	vsel vm14, v18, v50;
	v18 =	vsel vm14, $0x1B, v18;
	v41 =	vsel vm3, v38, v61;
	v38 =	vld [tilespmem:$0x1F550]  }
0x68e: {  	v56 =	vsel vm6, v0, v18;
	v22 =	vsel vm9, $0xFFFFFFFF, v58;
	v58 =	vimm.s32 $0x0  }
0x68f: {  	v3 =	vsel vm14, v20, v59;
	v60 =	vimm.s32 $0x0;
	v27 =	vsel vm9, $0x1D, v55  }
0x690: {  	[tilespmem:$0x1F590] =	vst v5;
	v25 =	vimm.s32 $0x0;
	v19 =	vsel vm5, $0xFFFFFFFF, v62;
	v1 =	vsel vm4, v30, v27  }
0x691: {  	[tilespmem:$0x1F570] =	vst v22;
	vm9 =	vgt.f32 v15, v53;
	vm1 =	vgt.f32 v5, v41;
	v44 =	vsel vm5, $0x1E, v1  }
0x692: {  	[tilespmem:$0x1F580] =	vst v19;
	vm5 =	vgt.f32 v24, v3;
	v30 =	vsel vm1, v5, v41;
	vm14 =	vnez.u8 v38  }
0x693: {  	[tilespmem:$0x1F5D0] =	vst v1;
	v5 =	vsel vm1, $0xFFFFFFFF, v34;
	v27 =	vsel vm3, v32, v44;
	v37 =	vsel vm14, v37, v30  }
0x694: {  	v17 =	vld [tilespmem:s7+$0x2800];
	v32 =	vsel vm9, v15, v53;
	v57 =	vsel vm5, $0x1C, v63;
	vm2 =	vgt.f32 v6, v37  }
0x695: {  	v63 =	vimm.s32 $0x0;
	v59 =	vsel vm1, $0x1F, v27;
	v50 =	vsel vm2, v6, v37  }
0x696: {  	[tilespmem:$0x1F5A0] =	vst v5;
	v5 =	vimm.s32 $0x0;
	v1 =	vsel vm2, $0xFFFFFFFF, v58;
	v44 =	vsel vm8, v39, v50  }
0x697: {  	v30 =	vsel vm6, v26, v16;
	v0 =	vsel vm14, v2, v59;
	[tilespmem:$0x1F5B0] =	vst v1;
	vm14 =	vgt.f32 v7, v44  }
0x698: {  	v62 =	vsel vm2, $0x20, v0;
	v20 =	vld [tilespmem:s7+$0x2880];
	[tilespmem:$0x1F600] =	vst v0;
	v1 =	vsel vm14, $0xFFFFFFFF, v60;
	v61 =	vsel vm14, v7, v44  }
0x699: {  	vm0 =	vgt.f32 v17, v32;
	v0 =	vsel vm8, v36, v62;
	[tilespmem:$0x1F5C0] =	vst v1;
	v34 =	vsel vm11, v40, v61  }
0x69a: {  	v39 =	vsel vm5, v24, v3;
	v3 =	vsel vm14, $0x21, v0;
	v21 =	vld [tilespmem:s7+$0x2900];
	vm5 =	vgt.f32 v8, v34  }
0x69b: {  	v36 =	vsel vm0, v17, v32;
	[tilespmem:$0x1F620] =	vst v0;
	v0 =	vsel vm11, v35, v3;
	v4 =	vsel vm5, v8, v34  }
0x69c: {  	v22 =	vld [tilespmem:s7+$0x2980];
	v1 =	vsel vm5, $0xFFFFFFFF, v63;
	[tilespmem:$0x1F650] =	vst v0;
	v3 =	vsel vm5, $0x22, v0;
	v38 =	vsel vm12, v42, v4  }
0x69d: {  	[tilespmem:$0x1F5E0] =	vst v1;
	vm8 =	vgt.f32 v20, v36;
	v0 =	vsel vm12, v31, v3;
	vm6 =	vgt.f32 v9, v38  }
0x69e: {  	v31 =	vsel vm15, $0x26, v48;
	v35 =	vsel vm8, v20, v36;
	v23 =	vld [tilespmem:s7+$0x2A00];
	[tilespmem:$0x1F670] =	vst v0;
	v1 =	vsel vm6, $0xFFFFFFFF, v5  }
0x69f: {  	v16 =	vsel vm6, v9, v38;
	v19 =	vsel vm6, $0x23, v0;
	vm3 =	vgt.f32 v21, v35;
	[tilespmem:$0x1F5F0] =	vst v1  }
0x6a0: {  	v42 =	vsel vm10, v46, v16;
	v1 =	vsel vm10, v45, v19;
	v40 =	vsel vm3, v21, v35;
	v18 =	vld [tilespmem:s7+$0x2A80]  }
0x6a1: {  	v46 =	vsel vm9, $0x27, v31;
	[tilespmem:$0x1F690] =	vst v1;
	vm10 =	vgt.f32 v10, v42;
	vm12 =	vgt.f32 v22, v40  }
0x6a2: {  	v59 =	vsel vm0, $0x28, v46;
	v19 =	vld [tilespmem:s7+$0x2B00];
	v0 =	vsel vm10, $0xFFFFFFFF, v25;
	v58 =	vsel vm12, v22, v40  }
0x6a3: {  	v60 =	vsel vm8, $0x29, v59;
	[tilespmem:$0x1F610] =	vst v0;
	vm11 =	vgt.f32 v23, v58  }
0x6a4: {  	v26 =	vsel vm10, v10, v42;
	v45 =	vsel vm10, $0x24, v1;
	v16 =	vld [tilespmem:s7+$0x2B80];
	v61 =	vsel vm11, v23, v58  }
0x6a5: {  	v25 =	vimm.s32 $0x0;
	v49 =	vsel vm13, v49, v26;
	v26 =	vld [tilespmem:$0x1F560];
	vm1 =	vgt.f32 v18, v61  }
0x6a6: {  	v62 =	vsel vm3, $0x2A, v60;
	v28 =	vsel vm13, v28, v45;
	v0 =	vsel vm1, v18, v61  }
0x6a7: {  	v45 =	vimm.s32 $0x0;
	vm13 =	vgt.f32 v24, v30;
	vm14 =	vgt.f32 v19, v0  }
0x6a8: {  	v63 =	vsel vm12, $0x2B, v62;
	vm4 =	vgt.f32 v11, v49;
	v3 =	vsel vm14, v19, v0  }
0x6a9: {  	v1 =	vsel vm11, $0x2C, v63;
	v5 =	vsel vm4, $0xFFFFFFFF, v25;
	vm10 =	vgt.f32 v16, v3  }
0x6aa: {  	v50 =	vsel vm4, v11, v49;
	[tilespmem:$0x1F640] =	vst v5;
	vm5 =	vnez.u8 v26;
	v5 =	vsel vm10, $0xFFFFFFFF, v45;
	v45 =	vld [tilespmem:$0x1FFD0]  }
0x6ab: {  	v24 =	vsel vm13, v24, v30;
	v2 =	vsel vm1, $0x2D, v1;
	v50 =	vsel vm5, v47, v50  }
0x6ac: {  	v4 =	vsel vm14, $0x2E, v2;
	v47 =	vimm.s32 $0x0;
	vm2 =	vgt.f32 v14, v50  }
0x6ad: {  	v57 =	vsel vm13, v56, v57;
	v25 =	vsel vm10, $0x2F, v4;
	v26 =	vsel vm2, $0xFFFFFFFF, v47  }
0x6ae: {  	v47 =	vsel vm2, v14, v50;
	[tilespmem:$0x1F630] =	vst v5;
	v5 =	vsel vm13, v30, v39;
	v39 =	vshll.u32 v25, $0x8  }
0x6af: {  	[tilespmem:$0x1F660] =	vst v26;
	v26 =	vsel vm4, $0x25, v28;
	v39 =	vadd.s32 v45, v39;
	v45 =	vsel vm15, v51, v47  }
0x6b0: {  	v30 =	vimm.s32 $0x0;
	v51 =	vsel vm13, $0x1C, v56;
	vm13 =	vgt.f32 v15, v45  }
0x6b1: {  	v29 =	vsel vm5, v29, v26;
	v56 =	vsel vm7, v33, v24;
	v33 =	vsel vm13, v15, v45  }
0x6b2: {  	v26 =	vsel vm13, $0xFFFFFFFF, v30;
	v30 =	vsel vm2, $0x26, v29;
	v47 =	vsel vm9, v53, v33;
	v53 =	vld [tilespmem:$0x1F570]  }
0x6b3: {  	v54 =	vsel vm7, v54, v51;
	vm7 =	vgt.f32 v13, v56;
	[tilespmem:$0x1F680] =	vst v26;
	v30 =	vsel vm15, v48, v30  }
0x6b4: {  	v48 =	vimm.s32 $0x0;
	v24 =	vld.idx.msk [tilespmem:v39+s29+$0x0], $0xffff;
	v39 =	vsel vm13, $0x27, v30;
	vm13 =	vgt.f32 v17, v47  }
0x6b5: {  	v51 =	vsel vm7, $0x1D, v54;
	v26 =	vsel vm13, $0xFFFFFFFF, v48;
	v48 =	vsel vm13, v17, v47  }
0x6b6: {  	v31 =	vsel vm9, v31, v39;
	[tilespmem:$0x1F6A0] =	vst v26;
	v48 =	vsel vm0, v32, v48;
	v26 =	vsel vm7, v13, v56  }
0x6b7: {  	v39 =	vsel vm13, $0x28, v31;
	vm15 =	vnez.u8 v53;
	vm6 =	vgt.f32 v20, v48  }
0x6b8: {  	v32 =	vsel vm0, v46, v39;
	v53 =	vsel vm15, v55, v51;
	v51 =	vimm.s32 $0x0  }
0x6b9: {  	v55 =	vsel vm15, v52, v26;
	v26 =	vsel vm6, $0xFFFFFFFF, v51;
	v51 =	vsel vm6, $0x29, v32  }
0x6ba: {  	v33 =	vsel vm8, v59, v51;
	v51 =	vld [tilespmem:$0x1F580];
	_ =	sdelay $0x3  }
0x6bb: {  	v46 =	vsel vm6, v20, v48;
	vm15 =	vgt.f32 v12, v55  }
0x6bc: {  	v46 =	vsel vm8, v36, v46;
	v59 =	vsel vm15, v12, v55;
	vm13 =	vnez.u8 v51  }
0x6bd: {  	vm9 =	vgt.f32 v21, v46;
	v39 =	vsel vm13, v43, v59;
	v59 =	vimm.s32 $0x0  }
0x6be: {  	v52 =	vsel vm10, v16, v3;
	[tilespmem:$0x1F6B0] =	vst v26;
	v26 =	vsel vm9, $0xFFFFFFFF, v59  }
0x6bf: {  	v24 =	vadd.f32 v52, v24;
	v52 =	vsub.f32 $0.0e+00, v52;
	[tilespmem:$0x1F6C0] =	vst v26;
	v26 =	vld [tilespmem:$0x1F590];
	_ =	sdelay $0x1  }
0x6c0: {  	v36 =	vmul.f32 $1.442695020e+00, v52;
	_ =	sdelay $0x1  }
0x6c1: {  	v52 =	vsel vm9, v21, v46;
	(erf) = vpow2.f32 v36;
	v59 =	vld [tilespmem:$0x1F5A0]  }
0x6c2: {  	v51 =	vsel vm3, v35, v52;
	v43 =	vimm.s32 $0x0;
	vm0 =	vgt.f32 v26, v39  }
0x6c3: {  	v52 =	vimm.s32 $0x0;
	vm2 =	vgt.f32 v22, v51;
	v36 =	vsel vm0, $0xFFFFFFFF, v43  }
0x6c4: {  	[tilespmem:$0x1F6E0] =	vst v36;
	v36 =	vsel vm2, $0xFFFFFFFF, v52  }
0x6c5: {  	[tilespmem:$0x1F6D0] =	vst v36;
	v36 =	vsel vm9, $0x2A, v33  }
0x6c6: {  	vm4 =	vnez.u8 v59;
	v59 =	vsel vm3, v60, v36;
	v36 =	vld [tilespmem:$0x1F5B0]  }
0x6c7: {  	v35 =	vsel vm0, v26, v39  }
0x6c8: {  	v41 =	vsel vm4, v41, v35;
	v35 =	vsel vm2, v22, v51  }
0x6c9: {  	v52 =	vimm.s32 $0x0;
	v43 =	vsel vm12, v40, v35;
	vm6 =	vgt.f32 v6, v41  }
0x6ca: {  	v35 =	vsel vm6, $0xFFFFFFFF, v52;
	vm8 =	vgt.f32 v23, v43;
	v60 =	vimm.s32 $0x0  }
0x6cb: {  	v40 =	vsel vm6, v6, v41;
	[tilespmem:$0x1F700] =	vst v35;
	v35 =	vsel vm8, $0xFFFFFFFF, v60;
	vm5 =	vnez.u8 v36  }
0x6cc: {  	v52 =	vsel vm2, $0x2B, v59;
	[tilespmem:$0x1F6F0] =	vst v35;
	v35 =	vsel vm5, v37, v40;
	v40 =	vsel vm8, v23, v43  }
0x6cd: {  	v24 =	vsub.f32 $0.0e+00, v24;
	v60 =	vsel vm12, v62, v52;
	v52 =	vsel vm11, v58, v40;
	v40 =	vld [tilespmem:$0x1F5C0];
	_ =	sdelay $0x1  }
0x6ce: {  	v24 =	vmul.f32 $1.442695020e+00, v24;
	_ =	sdelay $0x1  }
0x6cf: {  	(erf) = vpow2.f32 v24;
	vm10 =	vgt.f32 v7, v35;
	v58 =	vimm.s32 $0x0  }
0x6d0: {  	v24 =	vsel vm10, v7, v35;
	vm12 =	vgt.f32 v18, v52;
	vm2 =	vnez.u8 v40  }
0x6d1: {  	v36 =	vsel vm10, $0xFFFFFFFF, v58;
	v40 =	vsel vm2, v44, v24;
	v44 =	vsel vm12, v18, v52  }
0x6d2: {  	v62 =	vsel vm8, $0x2C, v60;
	[tilespmem:$0x1F710] =	vst v36;
	v36 =	vsel vm1, v61, v44;
	v61 =	vld [tilespmem:$0x1F5D0]  }
0x6d3: {  	v58 =	vsel vm11, v63, v62  }
0x6d4: {  	v62 =	vsel vm12, $0x2D, v58;
	_ =	sdelay $0x1  }
0x6d5: {  	v63 =	vsel vm15, $0x1E, v53  }
0x6d6: {  	v37 =	vsel vm1, v1, v62;
	v62 =	vpop (erf);
	v1 =	vsel vm13, v61, v63  }
0x6d7: {  	v24 =	vadd.f32 $1.000000000e+00, v62;
	v62 =	vsel vm0, $0x1F, v1  }
0x6d8: {  	v27 =	vsel vm4, v27, v62;
	v62 =	vld [tilespmem:$0x1F5E0];
	_ =	sdelay $0x3  }
0x6d9: {  	vm13 =	vgt.f32 v8, v40  }
0x6da: {  	v44 =	vsel vm13, v8, v40;
	vm4 =	vnez.u8 v62  }
0x6db: {  	v61 =	vpop (erf);
	v34 =	vsel vm4, v34, v44  }
0x6dc: {  	v63 =	vadd.f32 $1.000000000e+00, v61;
	v61 =	vimm.s32 $0x0;
	vm0 =	vgt.f32 v9, v34  }
0x6dd: {  	v61 =	vsel vm0, $0xFFFFFFFF, v61  }
0x6de: {  	[tilespmem:$0x1F720] =	vst v61;
	v61 =	vld [tilespmem:$0x1F5F0];
	_ =	sdelay $0x4  }
0x6df: {  	vm9 =	vnez.u8 v61;
	v61 =	vld [tilespmem:$0x1F600];
	_ =	sdelay $0x2  }
0x6e0: {  	(erf) = vrcp.f32 v24  }
0x6e1: {  	(erf) = vrcp.f32 v63;
	v63 =	vsel vm6, $0x20, v27  }
0x6e2: {  	v61 =	vsel vm5, v61, v63;
	v63 =	vld [tilespmem:$0x1F610]  }
0x6e3: {  	vm11 =	vgt.f32 v19, v36;
	v44 =	vsel vm0, v9, v34  }
0x6e4: {  	v24 =	vsel vm11, v19, v36;
	v62 =	vsel vm11, $0x2E, v37;
	v38 =	vsel vm9, v38, v44  }
0x6e5: {  	v24 =	vsel vm14, v0, v24;
	v44 =	vsel vm14, v2, v62;
	vm14 =	vgt.f32 v10, v38  }
0x6e6: {  	vm8 =	vgt.f32 v16, v24;
	v62 =	vimm.s32 $0x0;
	v0 =	vsel vm14, v10, v38  }
0x6e7: {  	v2 =	vsel vm14, $0xFFFFFFFF, v62;
	v62 =	vimm.s32 $0x0;
	vm3 =	vnez.u8 v63;
	v63 =	vld [tilespmem:$0x1F630]  }
0x6e8: {  	v0 =	vsel vm3, v42, v0;
	v42 =	vsel vm8, $0xFFFFFFFF, v62;
	v62 =	vld [tilespmem:$0x1F620];
	_ =	sdelay $0x3  }
0x6e9: {  	[tilespmem:$0x1F730] =	vst v42;
	v42 =	vsel vm10, $0x21, v61;
	vm6 =	vgt.f32 v11, v0  }
0x6ea: {  	v62 =	vsel vm2, v62, v42;
	vm2 =	vnez.u8 v63;
	v63 =	vimm.s32 $0x0  }
0x6eb: {  	v63 =	vsel vm6, $0xFFFFFFFF, v63  }
0x6ec: {  	[tilespmem:$0x1F750] =	vst v63;
	v63 =	vld [tilespmem:$0x1F640];
	_ =	sdelay $0x3  }
0x6ed: {  	[tilespmem:$0x1F740] =	vst v2;
	v2 =	vsel vm8, $0x2F, v44;
	vm10 =	vgt.f32 v13, v5  }
0x6ee: {  	s5 =	sshll.u32 s5, $0x6;
	v42 =	vsel vm2, v4, v2;
	v2 =	vsel vm6, v11, v0;
	vm5 =	vnez.u8 v63  }
0x6ef: {  	s5 =	sand.u32 $0xFFFFFE00, s5;
	v5 =	vsel vm10, v13, v5;
	v2 =	vsel vm5, v49, v2  }
0x6f0: {  	s4 =	sor.u32 s4, s5;
	v49 =	vsel vm10, $0x1D, v57;
	v57 =	vimm.s32 $0x0;
	vm10 =	vgt.f32 v14, v2  }
0x6f1: {  	v63 =	vld [tilespmem:$0x1FFD0];
	[tilespmem:s4+$0x6800] =	vst v25;
	v49 =	vsel vm7, v54, v49;
	v54 =	vsel vm10, $0xFFFFFFFF, v57  }
0x6f2: {  	v13 =	vpop (erf);
	[tilespmem:$0x1F760] =	vst v54  }
0x6f3: {  	v5 =	vsel vm7, v56, v5;
	v56 =	vld [tilespmem:$0x1F650];
	[tilespmem:s4+$0x6000] =	vst v13  }
0x6f4: {  	v13 =	vld [tilespmem:$0x1F660];
	_ =	sdelay $0x2  }
0x6f5: {  	v54 =	vsel vm13, $0x22, v62  }
0x6f6: {  	v54 =	vsel vm4, v56, v54;
	v56 =	vpop (erf)  }
0x6f7: {  	v25 =	vsel vm10, v14, v2;
	[tilespmem:s4+$0x6400] =	vst v56;
	vm7 =	vnez.u8 v13  }
0x6f8: {  	v13 =	vsel vm7, v50, v25;
	v50 =	vld [tilespmem:$0x1F670];
	_ =	sdelay $0x3  }
0x6f9: {  	vm1 =	vgt.f32 v12, v5;
	v57 =	vsel vm0, $0x23, v54  }
0x6fa: {  	v5 =	vsel vm1, v12, v5;
	v12 =	vsel vm9, v50, v57;
	v57 =	vld [tilespmem:$0x1F680]  }
0x6fb: {  	v56 =	vimm.s32 $0x0;
	vm4 =	vgt.f32 v15, v13  }
0x6fc: {  	v50 =	vsel vm4, $0xFFFFFFFF, v56;
	v56 =	vld [tilespmem:$0x1F690];
	_ =	sdelay $0x1  }
0x6fd: {  	v5 =	vsel vm15, v55, v5;
	v4 =	vshll.u32 v42, $0x8  }
0x6fe: {  	v25 =	vsel vm1, $0x1E, v49;
	v49 =	vsel vm4, v15, v13;
	vm0 =	vnez.u8 v57  }
0x6ff: {  	v25 =	vsel vm15, v53, v25;
	v53 =	vsel vm14, $0x24, v12;
	v45 =	vsel vm0, v45, v49  }
0x700: {  	v57 =	vimm.s32 $0x0;
	v49 =	vsel vm3, v56, v53;
	vm14 =	vgt.f32 v17, v45  }
0x701: {  	v4 =	vadd.s32 v63, v4;
	v55 =	vsel vm14, $0xFFFFFFFF, v57;
	v57 =	vsel vm6, $0x25, v49  }
0x702: {  	v28 =	vsel vm5, v28, v57;
	v57 =	vld [tilespmem:$0x1F6A0];
	_ =	sdelay $0x3  }
0x703: {  	v4 =	vld.idx.msk [tilespmem:v4+s29+$0x0], $0xffff  }
0x704: {  	[tilespmem:$0x1F770] =	vst v50;
	v53 =	vsel vm14, v17, v45;
	vm9 =	vnez.u8 v57;
	v57 =	vld [tilespmem:$0x1F6B0]  }
0x705: {  	v50 =	vsel vm8, v16, v24;
	[tilespmem:$0x1F780] =	vst v55;
	v55 =	vsel vm10, $0x26, v28;
	v47 =	vsel vm9, v47, v53  }
0x706: {  	v56 =	vimm.s32 $0x0;
	v29 =	vsel vm7, v29, v55;
	vm10 =	vgt.f32 v20, v47  }
0x707: {  	v3 =	vsel vm2, v3, v50;
	v55 =	vsel vm4, $0x27, v29;
	v53 =	vsel vm10, $0xFFFFFFFF, v56  }
0x708: {  	v4 =	vadd.f32 v3, v4;
	vm15 =	vmmov vm14;
	v30 =	vsel vm0, v30, v55;
	[tilespmem:$0x1F790] =	vst v53;
	v53 =	vld [tilespmem:$0x1F6D0]  }
0x709: {  	v3 =	vsub.f32 $0.0e+00, v3;
	v56 =	vsel vm15, $0x28, v30;
	vm14 =	vnez.u8 v57;
	v57 =	vld [tilespmem:$0x1F6C0]  }
0x70a: {  	v4 =	vsub.f32 $0.0e+00, v4;
	v31 =	vsel vm9, v31, v56;
	v56 =	vld [tilespmem:$0x1F6E0]  }
0x70b: {  	v3 =	vmul.f32 $1.442695020e+00, v3;
	vm4 =	vgt.f32 v26, v5;
	v50 =	vsel vm10, v20, v47  }
0x70c: {  	v4 =	vmul.f32 $1.442695020e+00, v4;
	v5 =	vsel vm4, v26, v5;
	v26 =	vld [tilespmem:$0x1F6F0];
	v48 =	vsel vm14, v48, v50  }
0x70d: {  	(erf) = vpow2.f32 v3;
	vm5 =	vgt.f32 v21, v48  }
0x70e: {  	(erf) = vpow2.f32 v4;
	v50 =	vsel vm5, v21, v48;
	vm15 =	vnez.u8 v57  }
0x70f: {  	vm7 =	vnez.u8 v53;
	vm0 =	vnez.u8 v56;
	v53 =	vld [tilespmem:$0x1F710];
	v3 =	vsel vm15, v46, v50  }
0x710: {  	v5 =	vsel vm0, v39, v5;
	v39 =	vld [tilespmem:$0x1F700];
	v46 =	vsel vm10, $0x29, v31;
	vm10 =	vgt.f32 v22, v3  }
0x711: {  	vm3 =	vnez.u8 v26;
	v4 =	vsel vm14, v32, v46;
	v50 =	vsel vm10, v22, v3  }
0x712: {  	vm14 =	vgt.f32 v6, v5;
	v55 =	vsel vm5, $0x2A, v4;
	v32 =	vsel vm7, v51, v50  }
0x713: {  	v5 =	vsel vm14, v6, v5;
	v33 =	vsel vm15, v33, v55;
	vm9 =	vgt.f32 v23, v32  }
0x714: {  	vm1 =	vnez.u8 v53;
	v46 =	vsel vm10, $0x2B, v33;
	v57 =	vsel vm9, v23, v32  }
0x715: {  	vm15 =	vnez.u8 v39;
	v46 =	vsel vm7, v59, v46;
	v6 =	vsel vm3, v43, v57  }
0x716: {  	v5 =	vsel vm15, v41, v5;
	v43 =	vsel vm9, $0x2C, v46;
	vm7 =	vgt.f32 v18, v6  }
0x717: {  	vm6 =	vgt.f32 v7, v5;
	v39 =	vsel vm3, v60, v43;
	v50 =	vsel vm7, v18, v6  }
0x718: {  	v5 =	vsel vm6, v7, v5;
	v41 =	vsel vm12, v52, v50;
	v52 =	vsel vm7, $0x2D, v39  }
0x719: {  	v51 =	vpop (erf);
	v5 =	vsel vm1, v35, v5;
	v43 =	vsel vm12, v58, v52;
	v58 =	vld [tilespmem:$0x1F720]  }
0x71a: {  	v55 =	vpop (erf);
	v7 =	vadd.f32 $1.000000000e+00, v51;
	vm8 =	vgt.f32 v8, v5  }
0x71b: {  	v35 =	vadd.f32 $1.000000000e+00, v55;
	v5 =	vsel vm8, v8, v5  }
0x71c: {  	v25 =	vsel vm4, $0x1F, v25;
	(erf) = vrcp.f32 v7;
	v5 =	vsel vm13, v40, v5  }
0x71d: {  	v1 =	vsel vm0, v1, v25;
	(erf) = vrcp.f32 v35;
	vm12 =	vgt.f32 v9, v5  }
0x71e: {  	v1 =	vsel vm14, $0x20, v1;
	v60 =	vld [tilespmem:$0x1F730];
	v5 =	vsel vm12, v9, v5;
	vm0 =	vnez.u8 v58  }
0x71f: {  	s1 =	sadd.s32 s5, s1;
	v1 =	vsel vm15, v27, v1;
	v5 =	vsel vm0, v34, v5;
	v34 =	vld [tilespmem:$0x1F740]  }
0x720: {  	s5 =	sor.u32 $0x80, s1;
	v1 =	vsel vm6, $0x21, v1;
	vm4 =	vgt.f32 v19, v41  }
0x721: {  	v1 =	vsel vm1, v61, v1;
	v56 =	vsel vm4, v19, v41;
	v57 =	vsel vm4, $0x2E, v43;
	[tilespmem:s5+$0x6800] =	vst v42  }
0x722: {  	v1 =	vsel vm8, $0x22, v1;
	v7 =	vsel vm11, v36, v56;
	v8 =	vsel vm11, v37, v57;
	v36 =	vld [tilespmem:$0x1F750]  }
0x723: {  	vm2 =	vnez.u8 v60;
	vm11 =	vgt.f32 v16, v7;
	vm14 =	vgt.f32 v10, v5  }
0x724: {  	v59 =	vsel vm11, $0x2F, v8;
	v5 =	vsel vm14, v10, v5;
	vm15 =	vnez.u8 v34  }
0x725: {  	v1 =	vsel vm13, v62, v1;
	v9 =	vsel vm2, v44, v59;
	v37 =	vpop (erf);
	v5 =	vsel vm15, v38, v5  }
0x726: {  	v1 =	vsel vm12, $0x23, v1;
	v35 =	vshll.u32 v9, $0x8;
	[tilespmem:s5+$0x6000] =	vst v37;
	v38 =	vpop (erf);
	vm6 =	vgt.f32 v11, v5  }
0x727: {  	v1 =	vsel vm0, v54, v1;
	vm1 =	vnez.u8 v36;
	[tilespmem:s5+$0x6400] =	vst v38;
	v5 =	vsel vm6, v11, v5  }
0x728: {  	v10 =	vadd.s32 v63, v35;
	v1 =	vsel vm14, $0x24, v1;
	v0 =	vsel vm1, v0, v5;
	v5 =	vld [tilespmem:$0x1F760]  }
0x729: {  	v1 =	vsel vm15, v12, v1  }
0x72a: {  	v42 =	vld [tilespmem:$0x1FFC0];
	v1 =	vsel vm6, $0x25, v1  }
0x72b: {  	v1 =	vsel vm1, v49, v1;
	v49 =	vld [tilespmem:$0x1F770]  }
0x72c: {  	v51 =	vld [tilespmem:$0x1F780];
	vm12 =	vgt.f32 v14, v0  }
0x72d: {  	v40 =	vld.idx.msk [tilespmem:v10+s29+$0x0], $0xffff;
	v0 =	vsel vm12, v14, v0;
	vm13 =	vnez.u8 v5  }
0x72e: {  	v44 =	vsel vm11, v16, v7;
	v50 =	vld [tilespmem:$0x1FFE0];
	v0 =	vsel vm13, v2, v0  }
0x72f: {  	v10 =	vsel vm2, v24, v44;
	vm14 =	vgt.f32 v15, v0  }
0x730: {  	v1 =	vsel vm12, $0x26, v1;
	vm15 =	vnez.u8 v49;
	v0 =	vsel vm14, v15, v0  }
0x731: {  	v52 =	vld [tilespmem:$0x1F790];
	vm12 =	vnez.u8 v51;
	v5 =	vadd.f32 $1.000000000e+00, v42;
	v0 =	vsel vm15, v13, v0  }
0x732: {  	v2 =	vadd.f32 v10, v40;
	v10 =	vsub.f32 $0.0e+00, v10;
	vm2 =	vgt.f32 v17, v0  }
0x733: {  	(erf) = vrcp.f32 v5;
	v5 =	vsub.f32 $0.0e+00, v50;
	v0 =	vsel vm2, v17, v0  }
0x734: {  	v1 =	vsel vm13, v28, v1;
	v10 =	vmul.f32 $1.442695020e+00, v10;
	v0 =	vsel vm12, v45, v0  }
0x735: {  	v2 =	vsub.f32 $0.0e+00, v2;
	v5 =	vmul.f32 $1.442695020e+00, v5;
	vm13 =	vgt.f32 v20, v0  }
0x736: {  	v1 =	vsel vm14, $0x27, v1;
	vm14 =	vnez.u8 v52;
	v0 =	vsel vm13, v20, v0  }
0x737: {  	v2 =	vmul.f32 $1.442695020e+00, v2;
	(erf) = vpow2.f32 v5;
	v0 =	vsel vm14, v47, v0  }
0x738: {  	v1 =	vsel vm15, v29, v1;
	(erf) = vpow2.f32 v10;
	vm15 =	vgt.f32 v21, v0  }
0x739: {  	(erf) = vpow2.f32 v2;
	v0 =	vsel vm15, v21, v0  }
0x73a: {  	v1 =	vsel vm2, $0x28, v1;
	v0 =	vsel vm5, v48, v0  }
0x73b: {  	v1 =	vsel vm12, v30, v1;
	vm8 =	vgt.f32 v22, v0  }
0x73c: {  	v1 =	vsel vm13, $0x29, v1;
	v0 =	vsel vm8, v22, v0  }
0x73d: {  	v1 =	vsel vm14, v31, v1;
	v0 =	vsel vm10, v3, v0  }
0x73e: {  	v1 =	vsel vm15, $0x2A, v1;
	vm12 =	vgt.f32 v23, v0  }
0x73f: {  	v53 =	vpop (erf);
	v1 =	vsel vm5, v4, v1;
	v0 =	vsel vm12, v23, v0  }
0x740: {  	v1 =	vsel vm8, $0x2B, v1;
	v54 =	vpop (erf);
	v0 =	vsel vm9, v32, v0  }
0x741: {  	v1 =	vsel vm10, v33, v1;
	v55 =	vpop (erf);
	vm13 =	vgt.f32 v18, v0  }
0x742: {  	v4 =	vadd.f32 $1.000000000e+00, v55;
	v56 =	vpop (erf);
	v1 =	vsel vm12, $0x2C, v1;
	v0 =	vsel vm13, v18, v0  }
0x743: {  	v57 =	vadd.f32 $1.000000000e+00, v56;
	v1 =	vsel vm9, v46, v1;
	v0 =	vsel vm7, v6, v0  }
0x744: {  	(erf) = vrcp.f32 v4;
	v1 =	vsel vm13, $0x2D, v1;
	vm14 =	vgt.f32 v19, v0  }
0x745: {  	(erf) = vrcp.f32 v57;
	v1 =	vsel vm7, v39, v1;
	v0 =	vsel vm14, v19, v0  }
0x746: {  	v1 =	vsel vm14, $0x2E, v1;
	v0 =	vsel vm4, v41, v0  }
0x747: {  	v1 =	vsel vm4, v43, v1;
	vm15 =	vgt.f32 v16, v0  }
0x748: {  	v1 =	vsel vm15, $0x2F, v1  }
0x749: {  	v1 =	vsel vm11, v8, v1  }
0x74a: {  	v58 =	vshll.u32 v1, $0x8  }
0x74b: {  	v4 =	vadd.s32 v63, v58;
	_ =	sdelay $0x1  }
0x74c: {  	[tilespmem:s4+$0x6900] =	vst v9;
	v59 =	vpop (erf)  }
0x74d: {  	[tilespmem:s4+$0x6100] =	vst v59;
	v60 =	vpop (erf)  }
0x74e: {  	[tilespmem:s4+$0x6500] =	vst v60  }
0x74f: {  	v4 =	vld.idx.msk [tilespmem:v4+s29+$0x0], $0xffff;
	_ =	sdelay $0x2  }
0x750: {  	v0 =	vsel vm15, v16, v0  }
0x751: {  	v0 =	vsel vm11, v7, v0  }
0x752: {  	v4 =	vadd.f32 v0, v4;
	_ =	sdelay $0x1  }
0x753: {  	v4 =	vsub.f32 $0.0e+00, v4;
	_ =	sdelay $0x1  }
0x754: {  	v4 =	vmul.f32 $1.442695020e+00, v4;
	_ =	sdelay $0x1  }
0x755: {  	(erf) = vpow2.f32 v4;
	_ =	sdelay $0x8  }
0x756: {  	v4 =	vpop (erf)  }
0x757: {  	v0 =	vsub.f32 $0.0e+00, v0;
	v4 =	vadd.f32 $1.000000000e+00, v4  }
0x758: {  	v3 =	vadd.f32 $1.000000000e+00, v54  }
0x759: {  	v0 =	vmul.f32 $1.442695020e+00, v0;
	(erf) = vrcp.f32 v4  }
0x75a: {  	(erf) = vrcp.f32 v3  }
0x75b: {  	(erf) = vpow2.f32 v0;
	_ =	sdelay $0x6  }
0x75c: {  	v61 =	vpop (erf)  }
0x75d: {  	v3 =	vpop (erf)  }
0x75e: {  	v62 =	vpop (erf)  }
0x75f: {  	v4 =	vadd.f32 $1.000000000e+00, v62;
	_ =	sdelay $0x1  }
0x760: {  	(erf) = vrcp.f32 v4;
	_ =	sdelay $0x5  }
0x761: {  	s1 =	sor.u32 $0x180, s1;
	[tilespmem:s3+$0x6000] =	vst v53  }
0x762: {  	[tilespmem:s1+$0x6800] =	vst v1  }
0x763: {  	[tilespmem:s1+$0x6400] =	vst v61  }
0x764: {  	[tilespmem:s6+$0x6000] =	vst v3;
	v63 =	vpop (erf)  }
0x765: {  	[tilespmem:s1+$0x6000] =	vst v63  }
0x766: {  	s7 =	simm.s32 $0x6000;
	s1 =	rddreg [dreg:$0x16]  }
0x767: {  	[hbm4b:s1+s2] =	stream.linear.scatter [tilespmem:s7], [sflag:$0x2], $0x400, $0x38;
	[tilespmem:$0x6C00] =	vst v63  }
0x768: {  	_ =	swait.ge [sflag:s30], $0x400  }
0x769: {  	[sflag:s30] =	ssyncset.done $0x0  }
0x76a: {  	s9 =	simm.s32 $0x6400;
	s8 =	rddreg [dreg:$0x17];
	[sflag:s30] =	ssyncadd.s32 $0xFFFFFC00  }
0x76b: {  	[hbm4b:s8+s2] =	stream.linear.scatter [tilespmem:s9], [sflag:$0x2], $0x400, $0x38;
	[tilespmem:$0x6C00] =	vst v63  }
0x76c: {  	s0 =	sadd.s32 $0x1, s0;
	_ =	swait.ge [sflag:s30], $0x400  }
0x76d: {  	s11 =	simm.s32 $0x6800;
	p0 =	sne.s32 s0, s25;
	[sflag:s30] =	ssyncset.done $0x0  }
.Ltmp1:
0x76e: {  	s10 =	rddreg [dreg:$0x18];
	[sflag:s30] =	ssyncadd.s32 $0xFFFFFC00;
	(pc) =	sbr.rel @p0 .LBB2_1-.Ltmp1, $4  }
0x76f: {  	[hbm4b:s10+s2] =	stream.linear.scatter [tilespmem:s11], [sflag:$0x2], $0x400, $0x38;
	[tilespmem:$0x6C00] =	vst v63  }
0x770: {  	_ =	swait.ge [sflag:s30], $0x400  }
0x771: {  	[sflag:s30] =	ssyncset.done $0x0  }
0x772: {  	[sflag:s30] =	ssyncadd.s32 $0xFFFFFC00  }
0x773: {  	_ =	sfence.sel $0x180000  }
0x774: {  	[bflag:$0x0] =	sbarrier.arrive $0xFFFF  }
0x775: {  	_ =	strace $0x90000047  }
0x776: {  	s0 =	stileid.u32;
	[bflag:$0x2] =	sbarrier.arrive $0xFFFF  }
0x777: {  	p0 =	sne.s32 s0, $0x0;
	s0 =	rddreg [dreg:$0x4]  }
0x778: {  	s0 =	sadd.s32 @!p0 $0x100000, s0  }
0x779: {  	[sflag:s0] =	ssyncadd.tile.s32 @!p0 $0x1;
	_ =	shalt  }
.Lfunc_end2:
_tile_overlayer_lowered:
.L_overlay_start_2:
0x77a: {  	(tag) =	ssettag $0x2  }
0x77b: {  	s0 =	rddreg [dreg:$0x0];
	s2 =	stileid.u32  }
0x77c: {  	s1 =	rddreg [dreg:$0x1];
	p0 =	sne.s32 s2, $0x0  }
0x77d: {  	s3 =	rddreg [dreg:$0x2];
	[bflag:$0x3] =	sbarrier.arrive $0xFFFF;
	s2 =	simm.s32 @!p0 $0x1C02  }
0x77e: {  	[timem:s3], [sflag:s2] =	dma.local @!p0 [hbm:s0], s1  }
0x77f: {  	s0 =	simm.s32 @!p0 $0x2  }
0x780: {  	_ =	swait.ge @!p0 [sflag:s0], s1  }
0x781: {  	s1 =	ssub.s32 @!p0 $0x0, s1;
	[sflag:s0] =	ssyncset.done @!p0 $0x0  }
0x782: {  	[sflag:s0] =	ssyncadd.s32 @!p0 s1  }
0x783: {  	[bflag:$0x3] =	sbarrier.arrive $0xFFFF  }
0x784: {  	_ =	shalt  }

</sc_bundles>
